<compile_context>
chip_gen: v7x
topology: tpu7x:2x2x1
jax: 0.10.2.dev20260603
libtpu: 0.0.44.dev20260713+nightly
codegen_flags: <defaults>
</compile_context>

<pallas_src>
import functools

import jax
import jax.numpy as jnp
from jax import lax
from jax.experimental import pallas as pl
from jax.experimental.pallas import tpu as pltpu
from jax.experimental.pallas import tpu_sc as plsc

N_NODES = 100000
N_EDGES = 1600000
EMB = 32

C = 400
SUB = 100
NSUB = C // SUB
NGROUP = C // 16
NW = 32
NCHUNKS = N_EDGES // C
NPW = NCHUNKS // NW

_MAGIC = 0x5F3759DF


def _sqrt16(d2):
    xc = jnp.maximum(d2, jnp.float32(1e-30))
    ii = plsc.bitcast(xc, jnp.int32)
    ii = jnp.int32(_MAGIC) - lax.shift_right_logical(ii, 1)
    y = plsc.bitcast(ii, jnp.float32)
    xh = xc * jnp.float32(0.5)
    y = y * (jnp.float32(1.5) - xh * y * y)
    y = y * (jnp.float32(1.5) - xh * y * y)
    y = y * (jnp.float32(1.5) - xh * y * y)
    return jnp.where(d2 > jnp.float32(1e-30), xc * y, jnp.float32(0.0))


def _make_edge_loss():
    mesh = plsc.VectorSubcoreMesh(core_axis_name="c", subcore_axis_name="s")

    @functools.partial(
        pl.kernel,
        mesh=mesh,
        compiler_params=pltpu.CompilerParams(
            needs_layout_passes=False, use_tc_tiling_on_sc=False),
        out_type=jax.ShapeDtypeStruct((NW, 16), jnp.float32),
        scratch_types=[
            pltpu.VMEM((2, NSUB, SUB), jnp.int32),
            pltpu.VMEM((2, NSUB, SUB), jnp.int32),
            pltpu.VMEM((2, C), jnp.float32),
            pltpu.VMEM((2, C, EMB), jnp.float32),
            pltpu.VMEM((2, C, EMB), jnp.float32),
            pltpu.VMEM((16,), jnp.float32),
            pltpu.SemaphoreType.DMA((2,)),
            pltpu.SemaphoreType.DMA((2,)),
        ],
    )
    def edge_loss(y_hbm, row_hbm, col_hbm, w_hbm, out_hbm,
                  ridx, cidx, wv, va, vb, accv, sem_i, sem_g):
        cid = lax.axis_index("c")
        sid = lax.axis_index("s")
        wid = sid * 2 + cid
        base = wid * NPW

        def idx_copies(c, b):
            return [
                pltpu.make_async_copy(
                    row_hbm.at[pl.ds(c * NSUB, NSUB)], ridx.at[b], sem_i.at[b]),
                pltpu.make_async_copy(
                    col_hbm.at[pl.ds(c * NSUB, NSUB)], cidx.at[b], sem_i.at[b]),
            ]

        def gather_copies(c, b):
            cps = []
            for j in range(NSUB):
                cps.append(pltpu.make_async_copy(
                    y_hbm.at[ridx.at[b, j]],
                    va.at[b, pl.ds(j * SUB, SUB)], sem_g.at[b]))
                cps.append(pltpu.make_async_copy(
                    y_hbm.at[cidx.at[b, j]],
                    vb.at[b, pl.ds(j * SUB, SUB)], sem_g.at[b]))
            cps.append(pltpu.make_async_copy(
                w_hbm.at[pl.ds(c * C, C)], wv.at[b], sem_g.at[b]))
            return cps

        def start(cps):
            for cp in cps:
                cp.start()

        def wait(cps):
            for cp in cps:
                cp.wait()

        def compute(b, acc):
            bfull = jnp.full((16,), 0, jnp.int32) + b
            lane = lax.iota(jnp.int32, 16)

            def group_body(g, acc2):
                eids = g * 16 + lane
                d2 = jnp.zeros((16,), jnp.float32)
                for k in range(EMB):
                    ck = (lane + k) & (EMB - 1)
                    a = plsc.load_gather(va, [bfull, eids, ck])
                    bk = plsc.load_gather(vb, [bfull, eids, ck])
                    d = a - bk
                    d2 = d2 + d * d
                dist = _sqrt16(d2)
                return acc2 + dist * wv[b, pl.ds(g * 16, 16)]

            return lax.fori_loop(0, NGROUP, group_body, acc)

        start(idx_copies(base, 0))
        wait(idx_copies(base, 0))
        start(gather_copies(base, 0))
        start(idx_copies(base + 1, 1))

        def chunk_body(i, acc):
            c = base + i
            b = lax.rem(i, 2)
            nb = 1 - b
            wait(gather_copies(c, b))
            wait(idx_copies(c + 1, nb))
            start(gather_copies(c + 1, nb))
            start(idx_copies(c + 2, b))
            return compute(b, acc)

        acc = lax.fori_loop(0, NPW - 2, chunk_body,
                            jnp.zeros((16,), jnp.float32))

        b2 = (NPW - 2) % 2
        b1 = (NPW - 1) % 2
        c2 = base + NPW - 2
        c1 = base + NPW - 1
        wait(gather_copies(c2, b2))
        wait(idx_copies(c1, b1))
        start(gather_copies(c1, b1))
        acc = compute(b2, acc)
        wait(gather_copies(c1, b1))
        acc = compute(b1, acc)

        accv[...] = acc
        pltpu.sync_copy(accv, out_hbm.at[wid])

    return edge_loss


_edge_loss = _make_edge_loss()


def kernel(Y, edge_index, edge_weight):
    row = edge_index[0].astype(jnp.int32).reshape(NCHUNKS * NSUB, SUB)
    col = edge_index[1].astype(jnp.int32).reshape(NCHUNKS * NSUB, SUB)
    partial = _edge_loss(Y, row, col, edge_weight)
    return jnp.sum(partial) / jnp.float32(N_EDGES)

# --- scband reference (transcript-rebuilt; emitter-appended) ---
"""Pipeline reference for scband-miso-27754078666908 (READ-ONLY COPY).

The authoritative reference and input builder live on the scoring server;
editing this copy changes nothing except your own understanding.
"""

import jax, jax.numpy as jnp
import numpy as np

N_NODES = 100000
N_EDGES = 1600000
EMB_DIM = 32


def setup_inputs(seed: int = 0) -> dict:
    key = jax.random.key(seed)
    k1, k2, k3 = jax.random.split(key, 3)
    Y = jax.random.normal(k1, (N_NODES, EMB_DIM), dtype=jnp.float32)
    edge_index = jax.random.randint(k2, (2, N_EDGES), 0, N_NODES, dtype=jnp.int64)
    edge_weight = jax.random.uniform(k3, (N_EDGES,), dtype=jnp.float32)
    return {"Y": Y, "edge_index": edge_index, "edge_weight": edge_weight}


def reference(Y, edge_index, edge_weight):
    # Faithful translation of Miso's sc_loss (spectral/graph smoothness loss):
    #   row = A.indices()[0]; col = A.indices()[1]
    #   dist = ||Y[row] - Y[col]||_2 per edge
    #   loss = mean(dist * A.values())
    row = edge_index[0]
    col = edge_index[1]
    rows1 = jnp.take(Y, row, axis=0)
    rows2 = jnp.take(Y, col, axis=0)
    dist = jnp.linalg.norm(rows1 - rows2, axis=1)
    return (dist * edge_weight).mean()

if __name__ == "__main__":
    import jax
    _d = setup_inputs()
    print(jax.jit(kernel)(*tuple(_d.values())))

</pallas_src>

<mosaic_0001>
#map = affine_map<(d0, d1) -> (0, 0)>
#map1 = affine_map<(d0, d1) -> (0)>
module attributes {stable_mosaic.version = 14 : i64} {
  func.func @edge_loss(%arg0: i32, %arg1: i32, %arg2: memref<100000x32xf32, #tpu.memory_space<hbm>>, %arg3: memref<16000x100xi32, #tpu.memory_space<hbm>>, %arg4: memref<16000x100xi32, #tpu.memory_space<hbm>>, %arg5: memref<1600000xf32, #tpu.memory_space<hbm>>, %arg6: memref<32x16xf32, #tpu.memory_space<hbm>>, %arg7: memref<2x4x100xi32, #tpu.memory_space<vmem>>, %arg8: memref<2x4x100xi32, #tpu.memory_space<vmem>>, %arg9: memref<2x400xf32, #tpu.memory_space<vmem>>, %arg10: memref<2x400x32xf32, #tpu.memory_space<vmem>>, %arg11: memref<2x400x32xf32, #tpu.memory_space<vmem>>, %arg12: memref<16xf32, #tpu.memory_space<vmem>>, %arg13: memref<2x!tpu.dma_semaphore, #tpu.memory_space<semaphore_mem>>, %arg14: memref<2x!tpu.dma_semaphore, #tpu.memory_space<semaphore_mem>>) attributes {dimension_semantics = [#tpu.dimension_semantics<core_parallel>, #tpu.dimension_semantics<subcore_parallel>], iteration_bounds = array<i64: 2, 16>, scalar_prefetch = 0 : i64, scratch_operands = 8 : i64, tpu.core_type = #tpu.core_type<sc_vector_subcore>, window_params = [{transform_indices = #map}, {transform_indices = #map}, {transform_indices = #map}, {transform_indices = #map1}, {transform_indices = #map}]} {
    %mul3A = arith.constant 2 : i32
    %mul3A_0 = arith.muli %arg1, %mul3A : i32
    %add3A = arith.addi %mul3A_0, %arg0 : i32
    %mul3A_1 = arith.constant 125 : i32
    %mul3A_2 = arith.muli %add3A, %mul3A_1 : i32
    %mul3A_3 = arith.constant 4 : i32
    %mul3A_4 = arith.muli %mul3A_2, %mul3A_3 : i32
    %mul3A_5 = arith.constant 4 : i32
    %mul3A_6 = arith.muli %mul3A_2, %mul3A_5 : i32
    %dma_start3A = arith.constant 0 : i32
    %dma_start3A_7 = arith.constant 0 : i32
    %dma_start3A_8 = arith.constant 0 : i32
    %dma_start3A_9 = arith.constant 0 : i32
    %dma_start3A_10 = tpu.memref_slice %arg7[%dma_start3A, %dma_start3A_8, %dma_start3A_9] : memref<2x4x100xi32, #tpu.memory_space<vmem>> -> memref<1x4x100xi32, #tpu.memory_space<vmem>>
    %dma_start3A_11 = tpu.memref_squeeze %dma_start3A_10 : memref<1x4x100xi32, #tpu.memory_space<vmem>> -> memref<4x100xi32, #tpu.memory_space<vmem>>
    %dma_start3A_12 = arith.constant 0 : i32
    %dma_start3A_13 = tpu.memref_slice %arg3[%mul3A_4, %dma_start3A_12] : memref<16000x100xi32, #tpu.memory_space<hbm>> -> memref<4x100xi32, #tpu.memory_space<hbm>>
    %dma_start3A_14 = tpu.memref_slice %arg13[%dma_start3A_7] : memref<2x!tpu.dma_semaphore, #tpu.memory_space<semaphore_mem>> -> memref<1x!tpu.dma_semaphore, #tpu.memory_space<semaphore_mem>>
    %dma_start3A_15 = tpu.memref_squeeze %dma_start3A_14 : memref<1x!tpu.dma_semaphore, #tpu.memory_space<semaphore_mem>> -> memref<!tpu.dma_semaphore, #tpu.memory_space<semaphore_mem>>
    %dma_start3A_16 = arith.constant 0 : i32
    %dma_start3A_17 = arith.constant 0 : i32
    %dma_start3A_18 = tpu.memref_slice %arg7[%dma_start3A, %dma_start3A_16, %dma_start3A_17] : memref<2x4x100xi32, #tpu.memory_space<vmem>> -> memref<1x4x100xi32, #tpu.memory_space<vmem>>
    %dma_start3A_19 = tpu.memref_squeeze %dma_start3A_18 : memref<1x4x100xi32, #tpu.memory_space<vmem>> -> memref<4x100xi32, #tpu.memory_space<vmem>>
    %dma_start3A_20 = arith.constant 0 : i32
    %dma_start3A_21 = tpu.memref_slice %arg3[%mul3A_4, %dma_start3A_20] : memref<16000x100xi32, #tpu.memory_space<hbm>> -> memref<4x100xi32, #tpu.memory_space<hbm>>
    tpu.enqueue_dma source(%dma_start3A_21 : memref<4x100xi32, #tpu.memory_space<hbm>>) target(%dma_start3A_19 : memref<4x100xi32, #tpu.memory_space<vmem>>) target_semaphore(%dma_start3A_15 : memref<!tpu.dma_semaphore, #tpu.memory_space<semaphore_mem>>)
    %dma_start3A_22 = arith.constant 0 : i32
    %dma_start3A_23 = arith.constant 0 : i32
    %dma_start3A_24 = arith.constant 0 : i32
    %dma_start3A_25 = arith.constant 0 : i32
    %dma_start3A_26 = tpu.memref_slice %arg8[%dma_start3A_22, %dma_start3A_24, %dma_start3A_25] : memref<2x4x100xi32, #tpu.memory_space<vmem>> -> memref<1x4x100xi32, #tpu.memory_space<vmem>>
    %dma_start3A_27 = tpu.memref_squeeze %dma_start3A_26 : memref<1x4x100xi32, #tpu.memory_space<vmem>> -> memref<4x100xi32, #tpu.memory_space<vmem>>
    %dma_start3A_28 = arith.constant 0 : i32
    %dma_start3A_29 = tpu.memref_slice %arg4[%mul3A_6, %dma_start3A_28] : memref<16000x100xi32, #tpu.memory_space<hbm>> -> memref<4x100xi32, #tpu.memory_space<hbm>>
    %dma_start3A_30 = tpu.memref_slice %arg13[%dma_start3A_23] : memref<2x!tpu.dma_semaphore, #tpu.memory_space<semaphore_mem>> -> memref<1x!tpu.dma_semaphore, #tpu.memory_space<semaphore_mem>>
    %dma_start3A_31 = tpu.memref_squeeze %dma_start3A_30 : memref<1x!tpu.dma_semaphore, #tpu.memory_space<semaphore_mem>> -> memref<!tpu.dma_semaphore, #tpu.memory_space<semaphore_mem>>
    %dma_start3A_32 = arith.constant 0 : i32
    %dma_start3A_33 = arith.constant 0 : i32
    %dma_start3A_34 = tpu.memref_slice %arg8[%dma_start3A_22, %dma_start3A_32, %dma_start3A_33] : memref<2x4x100xi32, #tpu.memory_space<vmem>> -> memref<1x4x100xi32, #tpu.memory_space<vmem>>
    %dma_start3A_35 = tpu.memref_squeeze %dma_start3A_34 : memref<1x4x100xi32, #tpu.memory_space<vmem>> -> memref<4x100xi32, #tpu.memory_space<vmem>>
    %dma_start3A_36 = arith.constant 0 : i32
    %dma_start3A_37 = tpu.memref_slice %arg4[%mul3A_6, %dma_start3A_36] : memref<16000x100xi32, #tpu.memory_space<hbm>> -> memref<4x100xi32, #tpu.memory_space<hbm>>
    tpu.enqueue_dma source(%dma_start3A_37 : memref<4x100xi32, #tpu.memory_space<hbm>>) target(%dma_start3A_35 : memref<4x100xi32, #tpu.memory_space<vmem>>) target_semaphore(%dma_start3A_31 : memref<!tpu.dma_semaphore, #tpu.memory_space<semaphore_mem>>)
    %mul3A_38 = arith.constant 4 : i32
    %mul3A_39 = arith.muli %mul3A_2, %mul3A_38 : i32
    %mul3A_40 = arith.constant 4 : i32
    %mul3A_41 = arith.muli %mul3A_2, %mul3A_40 : i32
    %dma_wait3A = arith.constant 0 : i32
    %dma_wait3A_42 = arith.constant 0 : i32
    %dma_wait3A_43 = arith.constant 0 : i32
    %dma_wait3A_44 = arith.constant 0 : i32
    %dma_wait3A_45 = tpu.memref_slice %arg7[%dma_wait3A, %dma_wait3A_43, %dma_wait3A_44] : memref<2x4x100xi32, #tpu.memory_space<vmem>> -> memref<1x4x100xi32, #tpu.memory_space<vmem>>
    %dma_wait3A_46 = tpu.memref_squeeze %dma_wait3A_45 : memref<1x4x100xi32, #tpu.memory_space<vmem>> -> memref<4x100xi32, #tpu.memory_space<vmem>>
    %dma_wait3A_47 = arith.constant 0 : i32
    %dma_wait3A_48 = tpu.memref_slice %arg3[%mul3A_39, %dma_wait3A_47] : memref<16000x100xi32, #tpu.memory_space<hbm>> -> memref<4x100xi32, #tpu.memory_space<hbm>>
    %dma_wait3A_49 = tpu.memref_slice %arg13[%dma_wait3A_42] : memref<2x!tpu.dma_semaphore, #tpu.memory_space<semaphore_mem>> -> memref<1x!tpu.dma_semaphore, #tpu.memory_space<semaphore_mem>>
    %dma_wait3A_50 = tpu.memref_squeeze %dma_wait3A_49 : memref<1x!tpu.dma_semaphore, #tpu.memory_space<semaphore_mem>> -> memref<!tpu.dma_semaphore, #tpu.memory_space<semaphore_mem>>
    %dma_wait3A_51 = arith.constant 0 : i32
    %dma_wait3A_52 = arith.constant 0 : i32
    %dma_wait3A_53 = tpu.memref_slice %arg7[%dma_wait3A, %dma_wait3A_51, %dma_wait3A_52] : memref<2x4x100xi32, #tpu.memory_space<vmem>> -> memref<1x4x100xi32, #tpu.memory_space<vmem>>
    %dma_wait3A_54 = tpu.memref_squeeze %dma_wait3A_53 : memref<1x4x100xi32, #tpu.memory_space<vmem>> -> memref<4x100xi32, #tpu.memory_space<vmem>>
    %dma_wait3A_55 = arith.constant 0 : i32
    %dma_wait3A_56 = tpu.memref_slice %arg3[%mul3A_39, %dma_wait3A_55] : memref<16000x100xi32, #tpu.memory_space<hbm>> -> memref<4x100xi32, #tpu.memory_space<hbm>>
    tpu.wait_dma2 semaphore(%dma_wait3A_50 : memref<!tpu.dma_semaphore, #tpu.memory_space<semaphore_mem>>) src(%dma_wait3A_56 : memref<4x100xi32, #tpu.memory_space<hbm>>) dst(%dma_wait3A_54 : memref<4x100xi32, #tpu.memory_space<vmem>>)
    %dma_wait3A_57 = arith.constant 0 : i32
    %dma_wait3A_58 = arith.constant 0 : i32
    %dma_wait3A_59 = arith.constant 0 : i32
    %dma_wait3A_60 = arith.constant 0 : i32
    %dma_wait3A_61 = tpu.memref_slice %arg8[%dma_wait3A_57, %dma_wait3A_59, %dma_wait3A_60] : memref<2x4x100xi32, #tpu.memory_space<vmem>> -> memref<1x4x100xi32, #tpu.memory_space<vmem>>
    %dma_wait3A_62 = tpu.memref_squeeze %dma_wait3A_61 : memref<1x4x100xi32, #tpu.memory_space<vmem>> -> memref<4x100xi32, #tpu.memory_space<vmem>>
    %dma_wait3A_63 = arith.constant 0 : i32
    %dma_wait3A_64 = tpu.memref_slice %arg4[%mul3A_41, %dma_wait3A_63] : memref<16000x100xi32, #tpu.memory_space<hbm>> -> memref<4x100xi32, #tpu.memory_space<hbm>>
    %dma_wait3A_65 = tpu.memref_slice %arg13[%dma_wait3A_58] : memref<2x!tpu.dma_semaphore, #tpu.memory_space<semaphore_mem>> -> memref<1x!tpu.dma_semaphore, #tpu.memory_space<semaphore_mem>>
    %dma_wait3A_66 = tpu.memref_squeeze %dma_wait3A_65 : memref<1x!tpu.dma_semaphore, #tpu.memory_space<semaphore_mem>> -> memref<!tpu.dma_semaphore, #tpu.memory_space<semaphore_mem>>
    %dma_wait3A_67 = arith.constant 0 : i32
    %dma_wait3A_68 = arith.constant 0 : i32
    %dma_wait3A_69 = tpu.memref_slice %arg8[%dma_wait3A_57, %dma_wait3A_67, %dma_wait3A_68] : memref<2x4x100xi32, #tpu.memory_space<vmem>> -> memref<1x4x100xi32, #tpu.memory_space<vmem>>
    %dma_wait3A_70 = tpu.memref_squeeze %dma_wait3A_69 : memref<1x4x100xi32, #tpu.memory_space<vmem>> -> memref<4x100xi32, #tpu.memory_space<vmem>>
    %dma_wait3A_71 = arith.constant 0 : i32
    %dma_wait3A_72 = tpu.memref_slice %arg4[%mul3A_41, %dma_wait3A_71] : memref<16000x100xi32, #tpu.memory_space<hbm>> -> memref<4x100xi32, #tpu.memory_space<hbm>>
    tpu.wait_dma2 semaphore(%dma_wait3A_66 : memref<!tpu.dma_semaphore, #tpu.memory_space<semaphore_mem>>) src(%dma_wait3A_72 : memref<4x100xi32, #tpu.memory_space<hbm>>) dst(%dma_wait3A_70 : memref<4x100xi32, #tpu.memory_space<vmem>>)
    %mul3A_73 = arith.constant 400 : i32
    %mul3A_74 = arith.muli %mul3A_2, %mul3A_73 : i32
    %dma_start3A_75 = arith.constant 0 : i32
    %dma_start3A_76 = arith.constant 0 : i32
    %dma_start3A_77 = arith.constant 0 : i32
    %dma_start3A_78 = arith.constant 0 : i32
    %dma_start3A_79 = arith.constant 0 : i32
    %dma_start3A_80 = arith.constant 0 : i32
    %dma_start3A_81 = tpu.memref_slice %arg10[%dma_start3A_77, %dma_start3A_79, %dma_start3A_80] : memref<2x400x32xf32, #tpu.memory_space<vmem>> -> memref<1x100x32xf32, #tpu.memory_space<vmem>>
    %dma_start3A_82 = tpu.memref_squeeze %dma_start3A_81 : memref<1x100x32xf32, #tpu.memory_space<vmem>> -> memref<100x32xf32, #tpu.memory_space<vmem>>
    %dma_start3A_83 = arith.constant 0 : i32
    %dma_start3A_84 = tpu.memref_slice %arg7[%dma_start3A_75, %dma_start3A_76, %dma_start3A_83] : memref<2x4x100xi32, #tpu.memory_space<vmem>> -> memref<1x1x100xi32, #tpu.memory_space<vmem>>
    %dma_start3A_85 = tpu.memref_squeeze %dma_start3A_84 : memref<1x1x100xi32, #tpu.memory_space<vmem>> -> memref<100xi32, #tpu.memory_space<vmem>>
    %dma_start3A_86 = arith.constant 0 : i32
    %dma_start3A_87 = arith.constant 0 : i32
    %dma_start3A_88 = tpu.memref_slice %arg2[%dma_start3A_86, %dma_start3A_87] : memref<100000x32xf32, #tpu.memory_space<hbm>> -> memref<100000x32xf32, #tpu.memory_space<hbm>>
    %dma_start3A_89 = tpu.memref_slice %arg14[%dma_start3A_78] : memref<2x!tpu.dma_semaphore, #tpu.memory_space<semaphore_mem>> -> memref<1x!tpu.dma_semaphore, #tpu.memory_space<semaphore_mem>>
    %dma_start3A_90 = tpu.memref_squeeze %dma_start3A_89 : memref<1x!tpu.dma_semaphore, #tpu.memory_space<semaphore_mem>> -> memref<!tpu.dma_semaphore, #tpu.memory_space<semaphore_mem>>
    tpu.enqueue_indirect_dma source(%dma_start3A_88 : memref<100000x32xf32, #tpu.memory_space<hbm>>) target(%dma_start3A_82 : memref<100x32xf32, #tpu.memory_space<vmem>>) offsets(%dma_start3A_85 : memref<100xi32, #tpu.memory_space<vmem>>) semaphore(%dma_start3A_90 : memref<!tpu.dma_semaphore, #tpu.memory_space<semaphore_mem>>)
    %dma_start3A_91 = arith.constant 0 : i32
    %dma_start3A_92 = arith.constant 0 : i32
    %dma_start3A_93 = arith.constant 0 : i32
    %dma_start3A_94 = arith.constant 0 : i32
    %dma_start3A_95 = arith.constant 0 : i32
    %dma_start3A_96 = arith.constant 0 : i32
    %dma_start3A_97 = tpu.memref_slice %arg11[%dma_start3A_93, %dma_start3A_95, %dma_start3A_96] : memref<2x400x32xf32, #tpu.memory_space<vmem>> -> memref<1x100x32xf32, #tpu.memory_space<vmem>>
    %dma_start3A_98 = tpu.memref_squeeze %dma_start3A_97 : memref<1x100x32xf32, #tpu.memory_space<vmem>> -> memref<100x32xf32, #tpu.memory_space<vmem>>
    %dma_start3A_99 = arith.constant 0 : i32
    %dma_start3A_100 = tpu.memref_slice %arg8[%dma_start3A_91, %dma_start3A_92, %dma_start3A_99] : memref<2x4x100xi32, #tpu.memory_space<vmem>> -> memref<1x1x100xi32, #tpu.memory_space<vmem>>
    %dma_start3A_101 = tpu.memref_squeeze %dma_start3A_100 : memref<1x1x100xi32, #tpu.memory_space<vmem>> -> memref<100xi32, #tpu.memory_space<vmem>>
    %dma_start3A_102 = arith.constant 0 : i32
    %dma_start3A_103 = arith.constant 0 : i32
    %dma_start3A_104 = tpu.memref_slice %arg2[%dma_start3A_102, %dma_start3A_103] : memref<100000x32xf32, #tpu.memory_space<hbm>> -> memref<100000x32xf32, #tpu.memory_space<hbm>>
    %dma_start3A_105 = tpu.memref_slice %arg14[%dma_start3A_94] : memref<2x!tpu.dma_semaphore, #tpu.memory_space<semaphore_mem>> -> memref<1x!tpu.dma_semaphore, #tpu.memory_space<semaphore_mem>>
    %dma_start3A_106 = tpu.memref_squeeze %dma_start3A_105 : memref<1x!tpu.dma_semaphore, #tpu.memory_space<semaphore_mem>> -> memref<!tpu.dma_semaphore, #tpu.memory_space<semaphore_mem>>
    tpu.enqueue_indirect_dma source(%dma_start3A_104 : memref<100000x32xf32, #tpu.memory_space<hbm>>) target(%dma_start3A_98 : memref<100x32xf32, #tpu.memory_space<vmem>>) offsets(%dma_start3A_101 : memref<100xi32, #tpu.memory_space<vmem>>) semaphore(%dma_start3A_106 : memref<!tpu.dma_semaphore, #tpu.memory_space<semaphore_mem>>)
    %dma_start3A_107 = arith.constant 0 : i32
    %dma_start3A_108 = arith.constant 1 : i32
    %dma_start3A_109 = arith.constant 0 : i32
    %dma_start3A_110 = arith.constant 0 : i32
    %dma_start3A_111 = arith.constant 100 : i32
    %dma_start3A_112 = arith.constant 0 : i32
    %dma_start3A_113 = tpu.memref_slice %arg10[%dma_start3A_109, %dma_start3A_111, %dma_start3A_112] : memref<2x400x32xf32, #tpu.memory_space<vmem>> -> memref<1x100x32xf32, #tpu.memory_space<vmem>>
    %dma_start3A_114 = tpu.memref_squeeze %dma_start3A_113 : memref<1x100x32xf32, #tpu.memory_space<vmem>> -> memref<100x32xf32, #tpu.memory_space<vmem>>
    %dma_start3A_115 = arith.constant 0 : i32
    %dma_start3A_116 = tpu.memref_slice %arg7[%dma_start3A_107, %dma_start3A_108, %dma_start3A_115] : memref<2x4x100xi32, #tpu.memory_space<vmem>> -> memref<1x1x100xi32, #tpu.memory_space<vmem>>
    %dma_start3A_117 = tpu.memref_squeeze %dma_start3A_116 : memref<1x1x100xi32, #tpu.memory_space<vmem>> -> memref<100xi32, #tpu.memory_space<vmem>>
    %dma_start3A_118 = arith.constant 0 : i32
    %dma_start3A_119 = arith.constant 0 : i32
    %dma_start3A_120 = tpu.memref_slice %arg2[%dma_start3A_118, %dma_start3A_119] : memref<100000x32xf32, #tpu.memory_space<hbm>> -> memref<100000x32xf32, #tpu.memory_space<hbm>>
    %dma_start3A_121 = tpu.memref_slice %arg14[%dma_start3A_110] : memref<2x!tpu.dma_semaphore, #tpu.memory_space<semaphore_mem>> -> memref<1x!tpu.dma_semaphore, #tpu.memory_space<semaphore_mem>>
    %dma_start3A_122 = tpu.memref_squeeze %dma_start3A_121 : memref<1x!tpu.dma_semaphore, #tpu.memory_space<semaphore_mem>> -> memref<!tpu.dma_semaphore, #tpu.memory_space<semaphore_mem>>
    tpu.enqueue_indirect_dma source(%dma_start3A_120 : memref<100000x32xf32, #tpu.memory_space<hbm>>) target(%dma_start3A_114 : memref<100x32xf32, #tpu.memory_space<vmem>>) offsets(%dma_start3A_117 : memref<100xi32, #tpu.memory_space<vmem>>) semaphore(%dma_start3A_122 : memref<!tpu.dma_semaphore, #tpu.memory_space<semaphore_mem>>)
    %dma_start3A_123 = arith.constant 0 : i32
    %dma_start3A_124 = arith.constant 1 : i32
    %dma_start3A_125 = arith.constant 0 : i32
    %dma_start3A_126 = arith.constant 0 : i32
    %dma_start3A_127 = arith.constant 100 : i32
    %dma_start3A_128 = arith.constant 0 : i32
    %dma_start3A_129 = tpu.memref_slice %arg11[%dma_start3A_125, %dma_start3A_127, %dma_start3A_128] : memref<2x400x32xf32, #tpu.memory_space<vmem>> -> memref<1x100x32xf32, #tpu.memory_space<vmem>>
    %dma_start3A_130 = tpu.memref_squeeze %dma_start3A_129 : memref<1x100x32xf32, #tpu.memory_space<vmem>> -> memref<100x32xf32, #tpu.memory_space<vmem>>
    %dma_start3A_131 = arith.constant 0 : i32
    %dma_start3A_132 = tpu.memref_slice %arg8[%dma_start3A_123, %dma_start3A_124, %dma_start3A_131] : memref<2x4x100xi32, #tpu.memory_space<vmem>> -> memref<1x1x100xi32, #tpu.memory_space<vmem>>
    %dma_start3A_133 = tpu.memref_squeeze %dma_start3A_132 : memref<1x1x100xi32, #tpu.memory_space<vmem>> -> memref<100xi32, #tpu.memory_space<vmem>>
    %dma_start3A_134 = arith.constant 0 : i32
    %dma_start3A_135 = arith.constant 0 : i32
    %dma_start3A_136 = tpu.memref_slice %arg2[%dma_start3A_134, %dma_start3A_135] : memref<100000x32xf32, #tpu.memory_space<hbm>> -> memref<100000x32xf32, #tpu.memory_space<hbm>>
    %dma_start3A_137 = tpu.memref_slice %arg14[%dma_start3A_126] : memref<2x!tpu.dma_semaphore, #tpu.memory_space<semaphore_mem>> -> memref<1x!tpu.dma_semaphore, #tpu.memory_space<semaphore_mem>>
    %dma_start3A_138 = tpu.memref_squeeze %dma_start3A_137 : memref<1x!tpu.dma_semaphore, #tpu.memory_space<semaphore_mem>> -> memref<!tpu.dma_semaphore, #tpu.memory_space<semaphore_mem>>
    tpu.enqueue_indirect_dma source(%dma_start3A_136 : memref<100000x32xf32, #tpu.memory_space<hbm>>) target(%dma_start3A_130 : memref<100x32xf32, #tpu.memory_space<vmem>>) offsets(%dma_start3A_133 : memref<100xi32, #tpu.memory_space<vmem>>) semaphore(%dma_start3A_138 : memref<!tpu.dma_semaphore, #tpu.memory_space<semaphore_mem>>)
    %dma_start3A_139 = arith.constant 0 : i32
    %dma_start3A_140 = arith.constant 2 : i32
    %dma_start3A_141 = arith.constant 0 : i32
    %dma_start3A_142 = arith.constant 0 : i32
    %dma_start3A_143 = arith.constant 200 : i32
    %dma_start3A_144 = arith.constant 0 : i32
    %dma_start3A_145 = tpu.memref_slice %arg10[%dma_start3A_141, %dma_start3A_143, %dma_start3A_144] : memref<2x400x32xf32, #tpu.memory_space<vmem>> -> memref<1x100x32xf32, #tpu.memory_space<vmem>>
    %dma_start3A_146 = tpu.memref_squeeze %dma_start3A_145 : memref<1x100x32xf32, #tpu.memory_space<vmem>> -> memref<100x32xf32, #tpu.memory_space<vmem>>
    %dma_start3A_147 = arith.constant 0 : i32
    %dma_start3A_148 = tpu.memref_slice %arg7[%dma_start3A_139, %dma_start3A_140, %dma_start3A_147] : memref<2x4x100xi32, #tpu.memory_space<vmem>> -> memref<1x1x100xi32, #tpu.memory_space<vmem>>
    %dma_start3A_149 = tpu.memref_squeeze %dma_start3A_148 : memref<1x1x100xi32, #tpu.memory_space<vmem>> -> memref<100xi32, #tpu.memory_space<vmem>>
    %dma_start3A_150 = arith.constant 0 : i32
    %dma_start3A_151 = arith.constant 0 : i32
    %dma_start3A_152 = tpu.memref_slice %arg2[%dma_start3A_150, %dma_start3A_151] : memref<100000x32xf32, #tpu.memory_space<hbm>> -> memref<100000x32xf32, #tpu.memory_space<hbm>>
    %dma_start3A_153 = tpu.memref_slice %arg14[%dma_start3A_142] : memref<2x!tpu.dma_semaphore, #tpu.memory_space<semaphore_mem>> -> memref<1x!tpu.dma_semaphore, #tpu.memory_space<semaphore_mem>>
    %dma_start3A_154 = tpu.memref_squeeze %dma_start3A_153 : memref<1x!tpu.dma_semaphore, #tpu.memory_space<semaphore_mem>> -> memref<!tpu.dma_semaphore, #tpu.memory_space<semaphore_mem>>
    tpu.enqueue_indirect_dma source(%dma_start3A_152 : memref<100000x32xf32, #tpu.memory_space<hbm>>) target(%dma_start3A_146 : memref<100x32xf32, #tpu.memory_space<vmem>>) offsets(%dma_start3A_149 : memref<100xi32, #tpu.memory_space<vmem>>) semaphore(%dma_start3A_154 : memref<!tpu.dma_semaphore, #tpu.memory_space<semaphore_mem>>)
    %dma_start3A_155 = arith.constant 0 : i32
    %dma_start3A_156 = arith.constant 2 : i32
    %dma_start3A_157 = arith.constant 0 : i32
    %dma_start3A_158 = arith.constant 0 : i32
    %dma_start3A_159 = arith.constant 200 : i32
    %dma_start3A_160 = arith.constant 0 : i32
    %dma_start3A_161 = tpu.memref_slice %arg11[%dma_start3A_157, %dma_start3A_159, %dma_start3A_160] : memref<2x400x32xf32, #tpu.memory_space<vmem>> -> memref<1x100x32xf32, #tpu.memory_space<vmem>>
    %dma_start3A_162 = tpu.memref_squeeze %dma_start3A_161 : memref<1x100x32xf32, #tpu.memory_space<vmem>> -> memref<100x32xf32, #tpu.memory_space<vmem>>
    %dma_start3A_163 = arith.constant 0 : i32
    %dma_start3A_164 = tpu.memref_slice %arg8[%dma_start3A_155, %dma_start3A_156, %dma_start3A_163] : memref<2x4x100xi32, #tpu.memory_space<vmem>> -> memref<1x1x100xi32, #tpu.memory_space<vmem>>
    %dma_start3A_165 = tpu.memref_squeeze %dma_start3A_164 : memref<1x1x100xi32, #tpu.memory_space<vmem>> -> memref<100xi32, #tpu.memory_space<vmem>>
    %dma_start3A_166 = arith.constant 0 : i32
    %dma_start3A_167 = arith.constant 0 : i32
    %dma_start3A_168 = tpu.memref_slice %arg2[%dma_start3A_166, %dma_start3A_167] : memref<100000x32xf32, #tpu.memory_space<hbm>> -> memref<100000x32xf32, #tpu.memory_space<hbm>>
    %dma_start3A_169 = tpu.memref_slice %arg14[%dma_start3A_158] : memref<2x!tpu.dma_semaphore, #tpu.memory_space<semaphore_mem>> -> memref<1x!tpu.dma_semaphore, #tpu.memory_space<semaphore_mem>>
    %dma_start3A_170 = tpu.memref_squeeze %dma_start3A_169 : memref<1x!tpu.dma_semaphore, #tpu.memory_space<semaphore_mem>> -> memref<!tpu.dma_semaphore, #tpu.memory_space<semaphore_mem>>
    tpu.enqueue_indirect_dma source(%dma_start3A_168 : memref<100000x32xf32, #tpu.memory_space<hbm>>) target(%dma_start3A_162 : memref<100x32xf32, #tpu.memory_space<vmem>>) offsets(%dma_start3A_165 : memref<100xi32, #tpu.memory_space<vmem>>) semaphore(%dma_start3A_170 : memref<!tpu.dma_semaphore, #tpu.memory_space<semaphore_mem>>)
    %dma_start3A_171 = arith.constant 0 : i32
    %dma_start3A_172 = arith.constant 3 : i32
    %dma_start3A_173 = arith.constant 0 : i32
    %dma_start3A_174 = arith.constant 0 : i32
    %dma_start3A_175 = arith.constant 300 : i32
    %dma_start3A_176 = arith.constant 0 : i32
    %dma_start3A_177 = tpu.memref_slice %arg10[%dma_start3A_173, %dma_start3A_175, %dma_start3A_176] : memref<2x400x32xf32, #tpu.memory_space<vmem>> -> memref<1x100x32xf32, #tpu.memory_space<vmem>>
    %dma_start3A_178 = tpu.memref_squeeze %dma_start3A_177 : memref<1x100x32xf32, #tpu.memory_space<vmem>> -> memref<100x32xf32, #tpu.memory_space<vmem>>
    %dma_start3A_179 = arith.constant 0 : i32
    %dma_start3A_180 = tpu.memref_slice %arg7[%dma_start3A_171, %dma_start3A_172, %dma_start3A_179] : memref<2x4x100xi32, #tpu.memory_space<vmem>> -> memref<1x1x100xi32, #tpu.memory_space<vmem>>
    %dma_start3A_181 = tpu.memref_squeeze %dma_start3A_180 : memref<1x1x100xi32, #tpu.memory_space<vmem>> -> memref<100xi32, #tpu.memory_space<vmem>>
    %dma_start3A_182 = arith.constant 0 : i32
    %dma_start3A_183 = arith.constant 0 : i32
    %dma_start3A_184 = tpu.memref_slice %arg2[%dma_start3A_182, %dma_start3A_183] : memref<100000x32xf32, #tpu.memory_space<hbm>> -> memref<100000x32xf32, #tpu.memory_space<hbm>>
    %dma_start3A_185 = tpu.memref_slice %arg14[%dma_start3A_174] : memref<2x!tpu.dma_semaphore, #tpu.memory_space<semaphore_mem>> -> memref<1x!tpu.dma_semaphore, #tpu.memory_space<semaphore_mem>>
    %dma_start3A_186 = tpu.memref_squeeze %dma_start3A_185 : memref<1x!tpu.dma_semaphore, #tpu.memory_space<semaphore_mem>> -> memref<!tpu.dma_semaphore, #tpu.memory_space<semaphore_mem>>
    tpu.enqueue_indirect_dma source(%dma_start3A_184 : memref<100000x32xf32, #tpu.memory_space<hbm>>) target(%dma_start3A_178 : memref<100x32xf32, #tpu.memory_space<vmem>>) offsets(%dma_start3A_181 : memref<100xi32, #tpu.memory_space<vmem>>) semaphore(%dma_start3A_186 : memref<!tpu.dma_semaphore, #tpu.memory_space<semaphore_mem>>)
    %dma_start3A_187 = arith.constant 0 : i32
    %dma_start3A_188 = arith.constant 3 : i32
    %dma_start3A_189 = arith.constant 0 : i32
    %dma_start3A_190 = arith.constant 0 : i32
    %dma_start3A_191 = arith.constant 300 : i32
    %dma_start3A_192 = arith.constant 0 : i32
    %dma_start3A_193 = tpu.memref_slice %arg11[%dma_start3A_189, %dma_start3A_191, %dma_start3A_192] : memref<2x400x32xf32, #tpu.memory_space<vmem>> -> memref<1x100x32xf32, #tpu.memory_space<vmem>>
    %dma_start3A_194 = tpu.memref_squeeze %dma_start3A_193 : memref<1x100x32xf32, #tpu.memory_space<vmem>> -> memref<100x32xf32, #tpu.memory_space<vmem>>
    %dma_start3A_195 = arith.constant 0 : i32
    %dma_start3A_196 = tpu.memref_slice %arg8[%dma_start3A_187, %dma_start3A_188, %dma_start3A_195] : memref<2x4x100xi32, #tpu.memory_space<vmem>> -> memref<1x1x100xi32, #tpu.memory_space<vmem>>
    %dma_start3A_197 = tpu.memref_squeeze %dma_start3A_196 : memref<1x1x100xi32, #tpu.memory_space<vmem>> -> memref<100xi32, #tpu.memory_space<vmem>>
    %dma_start3A_198 = arith.constant 0 : i32
    %dma_start3A_199 = arith.constant 0 : i32
    %dma_start3A_200 = tpu.memref_slice %arg2[%dma_start3A_198, %dma_start3A_199] : memref<100000x32xf32, #tpu.memory_space<hbm>> -> memref<100000x32xf32, #tpu.memory_space<hbm>>
    %dma_start3A_201 = tpu.memref_slice %arg14[%dma_start3A_190] : memref<2x!tpu.dma_semaphore, #tpu.memory_space<semaphore_mem>> -> memref<1x!tpu.dma_semaphore, #tpu.memory_space<semaphore_mem>>
    %dma_start3A_202 = tpu.memref_squeeze %dma_start3A_201 : memref<1x!tpu.dma_semaphore, #tpu.memory_space<semaphore_mem>> -> memref<!tpu.dma_semaphore, #tpu.memory_space<semaphore_mem>>
    tpu.enqueue_indirect_dma source(%dma_start3A_200 : memref<100000x32xf32, #tpu.memory_space<hbm>>) target(%dma_start3A_194 : memref<100x32xf32, #tpu.memory_space<vmem>>) offsets(%dma_start3A_197 : memref<100xi32, #tpu.memory_space<vmem>>) semaphore(%dma_start3A_202 : memref<!tpu.dma_semaphore, #tpu.memory_space<semaphore_mem>>)
    %dma_start3A_203 = arith.constant 0 : i32
    %dma_start3A_204 = arith.constant 0 : i32
    %dma_start3A_205 = arith.constant 0 : i32
    %dma_start3A_206 = tpu.memref_slice %arg9[%dma_start3A_203, %dma_start3A_205] : memref<2x400xf32, #tpu.memory_space<vmem>> -> memref<1x400xf32, #tpu.memory_space<vmem>>
    %dma_start3A_207 = tpu.memref_squeeze %dma_start3A_206 : memref<1x400xf32, #tpu.memory_space<vmem>> -> memref<400xf32, #tpu.memory_space<vmem>>
    %dma_start3A_208 = tpu.memref_slice %arg5[%mul3A_74] : memref<1600000xf32, #tpu.memory_space<hbm>> -> memref<400xf32, #tpu.memory_space<hbm>>
    %dma_start3A_209 = tpu.memref_slice %arg14[%dma_start3A_204] : memref<2x!tpu.dma_semaphore, #tpu.memory_space<semaphore_mem>> -> memref<1x!tpu.dma_semaphore, #tpu.memory_space<semaphore_mem>>
    %dma_start3A_210 = tpu.memref_squeeze %dma_start3A_209 : memref<1x!tpu.dma_semaphore, #tpu.memory_space<semaphore_mem>> -> memref<!tpu.dma_semaphore, #tpu.memory_space<semaphore_mem>>
    %dma_start3A_211 = arith.constant 0 : i32
    %dma_start3A_212 = tpu.memref_slice %arg9[%dma_start3A_203, %dma_start3A_211] : memref<2x400xf32, #tpu.memory_space<vmem>> -> memref<1x400xf32, #tpu.memory_space<vmem>>
    %dma_start3A_213 = tpu.memref_squeeze %dma_start3A_212 : memref<1x400xf32, #tpu.memory_space<vmem>> -> memref<400xf32, #tpu.memory_space<vmem>>
    %dma_start3A_214 = tpu.memref_slice %arg5[%mul3A_74] : memref<1600000xf32, #tpu.memory_space<hbm>> -> memref<400xf32, #tpu.memory_space<hbm>>
    tpu.enqueue_dma source(%dma_start3A_214 : memref<400xf32, #tpu.memory_space<hbm>>) target(%dma_start3A_213 : memref<400xf32, #tpu.memory_space<vmem>>) target_semaphore(%dma_start3A_210 : memref<!tpu.dma_semaphore, #tpu.memory_space<semaphore_mem>>)
    %add3A_215 = arith.constant 1 : i32
    %add3A_216 = arith.addi %mul3A_2, %add3A_215 : i32
    %mul3A_217 = arith.constant 4 : i32
    %mul3A_218 = arith.muli %add3A_216, %mul3A_217 : i32
    %mul3A_219 = arith.constant 4 : i32
    %mul3A_220 = arith.muli %add3A_216, %mul3A_219 : i32
    %dma_start3A_221 = arith.constant 1 : i32
    %dma_start3A_222 = arith.constant 1 : i32
    %dma_start3A_223 = arith.constant 0 : i32
    %dma_start3A_224 = arith.constant 0 : i32
    %dma_start3A_225 = tpu.memref_slice %arg7[%dma_start3A_221, %dma_start3A_223, %dma_start3A_224] : memref<2x4x100xi32, #tpu.memory_space<vmem>> -> memref<1x4x100xi32, #tpu.memory_space<vmem>>
    %dma_start3A_226 = tpu.memref_squeeze %dma_start3A_225 : memref<1x4x100xi32, #tpu.memory_space<vmem>> -> memref<4x100xi32, #tpu.memory_space<vmem>>
    %dma_start3A_227 = arith.constant 0 : i32
    %dma_start3A_228 = tpu.memref_slice %arg3[%mul3A_218, %dma_start3A_227] : memref<16000x100xi32, #tpu.memory_space<hbm>> -> memref<4x100xi32, #tpu.memory_space<hbm>>
    %dma_start3A_229 = tpu.memref_slice %arg13[%dma_start3A_222] : memref<2x!tpu.dma_semaphore, #tpu.memory_space<semaphore_mem>> -> memref<1x!tpu.dma_semaphore, #tpu.memory_space<semaphore_mem>>
    %dma_start3A_230 = tpu.memref_squeeze %dma_start3A_229 : memref<1x!tpu.dma_semaphore, #tpu.memory_space<semaphore_mem>> -> memref<!tpu.dma_semaphore, #tpu.memory_space<semaphore_mem>>
    %dma_start3A_231 = arith.constant 0 : i32
    %dma_start3A_232 = arith.constant 0 : i32
    %dma_start3A_233 = tpu.memref_slice %arg7[%dma_start3A_221, %dma_start3A_231, %dma_start3A_232] : memref<2x4x100xi32, #tpu.memory_space<vmem>> -> memref<1x4x100xi32, #tpu.memory_space<vmem>>
    %dma_start3A_234 = tpu.memref_squeeze %dma_start3A_233 : memref<1x4x100xi32, #tpu.memory_space<vmem>> -> memref<4x100xi32, #tpu.memory_space<vmem>>
    %dma_start3A_235 = arith.constant 0 : i32
    %dma_start3A_236 = tpu.memref_slice %arg3[%mul3A_218, %dma_start3A_235] : memref<16000x100xi32, #tpu.memory_space<hbm>> -> memref<4x100xi32, #tpu.memory_space<hbm>>
    tpu.enqueue_dma source(%dma_start3A_236 : memref<4x100xi32, #tpu.memory_space<hbm>>) target(%dma_start3A_234 : memref<4x100xi32, #tpu.memory_space<vmem>>) target_semaphore(%dma_start3A_230 : memref<!tpu.dma_semaphore, #tpu.memory_space<semaphore_mem>>)
    %dma_start3A_237 = arith.constant 1 : i32
    %dma_start3A_238 = arith.constant 1 : i32
    %dma_start3A_239 = arith.constant 0 : i32
    %dma_start3A_240 = arith.constant 0 : i32
    %dma_start3A_241 = tpu.memref_slice %arg8[%dma_start3A_237, %dma_start3A_239, %dma_start3A_240] : memref<2x4x100xi32, #tpu.memory_space<vmem>> -> memref<1x4x100xi32, #tpu.memory_space<vmem>>
    %dma_start3A_242 = tpu.memref_squeeze %dma_start3A_241 : memref<1x4x100xi32, #tpu.memory_space<vmem>> -> memref<4x100xi32, #tpu.memory_space<vmem>>
    %dma_start3A_243 = arith.constant 0 : i32
    %dma_start3A_244 = tpu.memref_slice %arg4[%mul3A_220, %dma_start3A_243] : memref<16000x100xi32, #tpu.memory_space<hbm>> -> memref<4x100xi32, #tpu.memory_space<hbm>>
    %dma_start3A_245 = tpu.memref_slice %arg13[%dma_start3A_238] : memref<2x!tpu.dma_semaphore, #tpu.memory_space<semaphore_mem>> -> memref<1x!tpu.dma_semaphore, #tpu.memory_space<semaphore_mem>>
    %dma_start3A_246 = tpu.memref_squeeze %dma_start3A_245 : memref<1x!tpu.dma_semaphore, #tpu.memory_space<semaphore_mem>> -> memref<!tpu.dma_semaphore, #tpu.memory_space<semaphore_mem>>
    %dma_start3A_247 = arith.constant 0 : i32
    %dma_start3A_248 = arith.constant 0 : i32
    %dma_start3A_249 = tpu.memref_slice %arg8[%dma_start3A_237, %dma_start3A_247, %dma_start3A_248] : memref<2x4x100xi32, #tpu.memory_space<vmem>> -> memref<1x4x100xi32, #tpu.memory_space<vmem>>
    %dma_start3A_250 = tpu.memref_squeeze %dma_start3A_249 : memref<1x4x100xi32, #tpu.memory_space<vmem>> -> memref<4x100xi32, #tpu.memory_space<vmem>>
    %dma_start3A_251 = arith.constant 0 : i32
    %dma_start3A_252 = tpu.memref_slice %arg4[%mul3A_220, %dma_start3A_251] : memref<16000x100xi32, #tpu.memory_space<hbm>> -> memref<4x100xi32, #tpu.memory_space<hbm>>
    tpu.enqueue_dma source(%dma_start3A_252 : memref<4x100xi32, #tpu.memory_space<hbm>>) target(%dma_start3A_250 : memref<4x100xi32, #tpu.memory_space<vmem>>) target_semaphore(%dma_start3A_246 : memref<!tpu.dma_semaphore, #tpu.memory_space<semaphore_mem>>)
    %broadcast_in_dim3A = arith.constant 0.000000e+00 : f32
    %broadcast_in_dim3A_253 = vector.broadcast %broadcast_in_dim3A : f32 to vector<16xf32>
    %scan3A = arith.constant 0 : i32
    %scan3A_254 = arith.constant 123 : i32
    %scan3A_255 = arith.addi %scan3A, %scan3A_254 : i32
    %scan3A_256 = arith.constant 1 : i32
    %scan3A_257 = scf.for %scan3A_752 = %scan3A to %scan3A_255 step %scan3A_256 iter_args(%scan3A_753 = %broadcast_in_dim3A_253) -> (vector<16xf32>)  : i32 {
      %add3A_754 = arith.addi %mul3A_2, %scan3A_752 : i32
      %rem3A = arith.constant 2 : i32
      %rem3A_755 = arith.remsi %scan3A_752, %rem3A : i32
      %sub3A_756 = arith.constant 1 : i32
      %sub3A_757 = arith.subi %sub3A_756, %rem3A_755 : i32
      %mul3A_758 = arith.constant 400 : i32
      %mul3A_759 = arith.muli %add3A_754, %mul3A_758 : i32
      %dma_wait3A_760 = arith.constant 0 : i32
      %dma_wait3A_761 = arith.constant 0 : i32
      %dma_wait3A_762 = arith.constant 0 : i32
      %dma_wait3A_763 = tpu.memref_slice %arg10[%rem3A_755, %dma_wait3A_761, %dma_wait3A_762] : memref<2x400x32xf32, #tpu.memory_space<vmem>> -> memref<1x100x32xf32, #tpu.memory_space<vmem>>
      %dma_wait3A_764 = tpu.memref_squeeze %dma_wait3A_763 : memref<1x100x32xf32, #tpu.memory_space<vmem>> -> memref<100x32xf32, #tpu.memory_space<vmem>>
      %dma_wait3A_765 = arith.constant 0 : i32
      %dma_wait3A_766 = tpu.memref_slice %arg7[%rem3A_755, %dma_wait3A_760, %dma_wait3A_765] : memref<2x4x100xi32, #tpu.memory_space<vmem>> -> memref<1x1x100xi32, #tpu.memory_space<vmem>>
      %dma_wait3A_767 = tpu.memref_squeeze %dma_wait3A_766 : memref<1x1x100xi32, #tpu.memory_space<vmem>> -> memref<100xi32, #tpu.memory_space<vmem>>
      %dma_wait3A_768 = arith.constant 0 : i32
      %dma_wait3A_769 = arith.constant 0 : i32
      %dma_wait3A_770 = tpu.memref_slice %arg2[%dma_wait3A_768, %dma_wait3A_769] : memref<100000x32xf32, #tpu.memory_space<hbm>> -> memref<100000x32xf32, #tpu.memory_space<hbm>>
      %dma_wait3A_771 = tpu.memref_slice %arg14[%rem3A_755] : memref<2x!tpu.dma_semaphore, #tpu.memory_space<semaphore_mem>> -> memref<1x!tpu.dma_semaphore, #tpu.memory_space<semaphore_mem>>
      %dma_wait3A_772 = tpu.memref_squeeze %dma_wait3A_771 : memref<1x!tpu.dma_semaphore, #tpu.memory_space<semaphore_mem>> -> memref<!tpu.dma_semaphore, #tpu.memory_space<semaphore_mem>>
      tpu.wait_indirect_dma semaphore(%dma_wait3A_772 : memref<!tpu.dma_semaphore, #tpu.memory_space<semaphore_mem>>) src(%dma_wait3A_770 : memref<100000x32xf32, #tpu.memory_space<hbm>>) dst(%dma_wait3A_764 : memref<100x32xf32, #tpu.memory_space<vmem>>)
      %dma_wait3A_773 = arith.constant 0 : i32
      %dma_wait3A_774 = arith.constant 0 : i32
      %dma_wait3A_775 = arith.constant 0 : i32
      %dma_wait3A_776 = tpu.memref_slice %arg11[%rem3A_755, %dma_wait3A_774, %dma_wait3A_775] : memref<2x400x32xf32, #tpu.memory_space<vmem>> -> memref<1x100x32xf32, #tpu.memory_space<vmem>>
      %dma_wait3A_777 = tpu.memref_squeeze %dma_wait3A_776 : memref<1x100x32xf32, #tpu.memory_space<vmem>> -> memref<100x32xf32, #tpu.memory_space<vmem>>
      %dma_wait3A_778 = arith.constant 0 : i32
      %dma_wait3A_779 = tpu.memref_slice %arg8[%rem3A_755, %dma_wait3A_773, %dma_wait3A_778] : memref<2x4x100xi32, #tpu.memory_space<vmem>> -> memref<1x1x100xi32, #tpu.memory_space<vmem>>
      %dma_wait3A_780 = tpu.memref_squeeze %dma_wait3A_779 : memref<1x1x100xi32, #tpu.memory_space<vmem>> -> memref<100xi32, #tpu.memory_space<vmem>>
      %dma_wait3A_781 = arith.constant 0 : i32
      %dma_wait3A_782 = arith.constant 0 : i32
      %dma_wait3A_783 = tpu.memref_slice %arg2[%dma_wait3A_781, %dma_wait3A_782] : memref<100000x32xf32, #tpu.memory_space<hbm>> -> memref<100000x32xf32, #tpu.memory_space<hbm>>
      %dma_wait3A_784 = tpu.memref_slice %arg14[%rem3A_755] : memref<2x!tpu.dma_semaphore, #tpu.memory_space<semaphore_mem>> -> memref<1x!tpu.dma_semaphore, #tpu.memory_space<semaphore_mem>>
      %dma_wait3A_785 = tpu.memref_squeeze %dma_wait3A_784 : memref<1x!tpu.dma_semaphore, #tpu.memory_space<semaphore_mem>> -> memref<!tpu.dma_semaphore, #tpu.memory_space<semaphore_mem>>
      tpu.wait_indirect_dma semaphore(%dma_wait3A_785 : memref<!tpu.dma_semaphore, #tpu.memory_space<semaphore_mem>>) src(%dma_wait3A_783 : memref<100000x32xf32, #tpu.memory_space<hbm>>) dst(%dma_wait3A_777 : memref<100x32xf32, #tpu.memory_space<vmem>>)
      %dma_wait3A_786 = arith.constant 1 : i32
      %dma_wait3A_787 = arith.constant 100 : i32
      %dma_wait3A_788 = arith.constant 0 : i32
      %dma_wait3A_789 = tpu.memref_slice %arg10[%rem3A_755, %dma_wait3A_787, %dma_wait3A_788] : memref<2x400x32xf32, #tpu.memory_space<vmem>> -> memref<1x100x32xf32, #tpu.memory_space<vmem>>
      %dma_wait3A_790 = tpu.memref_squeeze %dma_wait3A_789 : memref<1x100x32xf32, #tpu.memory_space<vmem>> -> memref<100x32xf32, #tpu.memory_space<vmem>>
      %dma_wait3A_791 = arith.constant 0 : i32
      %dma_wait3A_792 = tpu.memref_slice %arg7[%rem3A_755, %dma_wait3A_786, %dma_wait3A_791] : memref<2x4x100xi32, #tpu.memory_space<vmem>> -> memref<1x1x100xi32, #tpu.memory_space<vmem>>
      %dma_wait3A_793 = tpu.memref_squeeze %dma_wait3A_792 : memref<1x1x100xi32, #tpu.memory_space<vmem>> -> memref<100xi32, #tpu.memory_space<vmem>>
      %dma_wait3A_794 = arith.constant 0 : i32
      %dma_wait3A_795 = arith.constant 0 : i32
      %dma_wait3A_796 = tpu.memref_slice %arg2[%dma_wait3A_794, %dma_wait3A_795] : memref<100000x32xf32, #tpu.memory_space<hbm>> -> memref<100000x32xf32, #tpu.memory_space<hbm>>
      %dma_wait3A_797 = tpu.memref_slice %arg14[%rem3A_755] : memref<2x!tpu.dma_semaphore, #tpu.memory_space<semaphore_mem>> -> memref<1x!tpu.dma_semaphore, #tpu.memory_space<semaphore_mem>>
      %dma_wait3A_798 = tpu.memref_squeeze %dma_wait3A_797 : memref<1x!tpu.dma_semaphore, #tpu.memory_space<semaphore_mem>> -> memref<!tpu.dma_semaphore, #tpu.memory_space<semaphore_mem>>
      tpu.wait_indirect_dma semaphore(%dma_wait3A_798 : memref<!tpu.dma_semaphore, #tpu.memory_space<semaphore_mem>>) src(%dma_wait3A_796 : memref<100000x32xf32, #tpu.memory_space<hbm>>) dst(%dma_wait3A_790 : memref<100x32xf32, #tpu.memory_space<vmem>>)
      %dma_wait3A_799 = arith.constant 1 : i32
      %dma_wait3A_800 = arith.constant 100 : i32
      %dma_wait3A_801 = arith.constant 0 : i32
      %dma_wait3A_802 = tpu.memref_slice %arg11[%rem3A_755, %dma_wait3A_800, %dma_wait3A_801] : memref<2x400x32xf32, #tpu.memory_space<vmem>> -> memref<1x100x32xf32, #tpu.memory_space<vmem>>
      %dma_wait3A_803 = tpu.memref_squeeze %dma_wait3A_802 : memref<1x100x32xf32, #tpu.memory_space<vmem>> -> memref<100x32xf32, #tpu.memory_space<vmem>>
      %dma_wait3A_804 = arith.constant 0 : i32
      %dma_wait3A_805 = tpu.memref_slice %arg8[%rem3A_755, %dma_wait3A_799, %dma_wait3A_804] : memref<2x4x100xi32, #tpu.memory_space<vmem>> -> memref<1x1x100xi32, #tpu.memory_space<vmem>>
      %dma_wait3A_806 = tpu.memref_squeeze %dma_wait3A_805 : memref<1x1x100xi32, #tpu.memory_space<vmem>> -> memref<100xi32, #tpu.memory_space<vmem>>
      %dma_wait3A_807 = arith.constant 0 : i32
      %dma_wait3A_808 = arith.constant 0 : i32
      %dma_wait3A_809 = tpu.memref_slice %arg2[%dma_wait3A_807, %dma_wait3A_808] : memref<100000x32xf32, #tpu.memory_space<hbm>> -> memref<100000x32xf32, #tpu.memory_space<hbm>>
      %dma_wait3A_810 = tpu.memref_slice %arg14[%rem3A_755] : memref<2x!tpu.dma_semaphore, #tpu.memory_space<semaphore_mem>> -> memref<1x!tpu.dma_semaphore, #tpu.memory_space<semaphore_mem>>
      %dma_wait3A_811 = tpu.memref_squeeze %dma_wait3A_810 : memref<1x!tpu.dma_semaphore, #tpu.memory_space<semaphore_mem>> -> memref<!tpu.dma_semaphore, #tpu.memory_space<semaphore_mem>>
      tpu.wait_indirect_dma semaphore(%dma_wait3A_811 : memref<!tpu.dma_semaphore, #tpu.memory_space<semaphore_mem>>) src(%dma_wait3A_809 : memref<100000x32xf32, #tpu.memory_space<hbm>>) dst(%dma_wait3A_803 : memref<100x32xf32, #tpu.memory_space<vmem>>)
      %dma_wait3A_812 = arith.constant 2 : i32
      %dma_wait3A_813 = arith.constant 200 : i32
      %dma_wait3A_814 = arith.constant 0 : i32
      %dma_wait3A_815 = tpu.memref_slice %arg10[%rem3A_755, %dma_wait3A_813, %dma_wait3A_814] : memref<2x400x32xf32, #tpu.memory_space<vmem>> -> memref<1x100x32xf32, #tpu.memory_space<vmem>>
      %dma_wait3A_816 = tpu.memref_squeeze %dma_wait3A_815 : memref<1x100x32xf32, #tpu.memory_space<vmem>> -> memref<100x32xf32, #tpu.memory_space<vmem>>
      %dma_wait3A_817 = arith.constant 0 : i32
      %dma_wait3A_818 = tpu.memref_slice %arg7[%rem3A_755, %dma_wait3A_812, %dma_wait3A_817] : memref<2x4x100xi32, #tpu.memory_space<vmem>> -> memref<1x1x100xi32, #tpu.memory_space<vmem>>
      %dma_wait3A_819 = tpu.memref_squeeze %dma_wait3A_818 : memref<1x1x100xi32, #tpu.memory_space<vmem>> -> memref<100xi32, #tpu.memory_space<vmem>>
      %dma_wait3A_820 = arith.constant 0 : i32
      %dma_wait3A_821 = arith.constant 0 : i32
      %dma_wait3A_822 = tpu.memref_slice %arg2[%dma_wait3A_820, %dma_wait3A_821] : memref<100000x32xf32, #tpu.memory_space<hbm>> -> memref<100000x32xf32, #tpu.memory_space<hbm>>
      %dma_wait3A_823 = tpu.memref_slice %arg14[%rem3A_755] : memref<2x!tpu.dma_semaphore, #tpu.memory_space<semaphore_mem>> -> memref<1x!tpu.dma_semaphore, #tpu.memory_space<semaphore_mem>>
      %dma_wait3A_824 = tpu.memref_squeeze %dma_wait3A_823 : memref<1x!tpu.dma_semaphore, #tpu.memory_space<semaphore_mem>> -> memref<!tpu.dma_semaphore, #tpu.memory_space<semaphore_mem>>
      tpu.wait_indirect_dma semaphore(%dma_wait3A_824 : memref<!tpu.dma_semaphore, #tpu.memory_space<semaphore_mem>>) src(%dma_wait3A_822 : memref<100000x32xf32, #tpu.memory_space<hbm>>) dst(%dma_wait3A_816 : memref<100x32xf32, #tpu.memory_space<vmem>>)
      %dma_wait3A_825 = arith.constant 2 : i32
      %dma_wait3A_826 = arith.constant 200 : i32
      %dma_wait3A_827 = arith.constant 0 : i32
      %dma_wait3A_828 = tpu.memref_slice %arg11[%rem3A_755, %dma_wait3A_826, %dma_wait3A_827] : memref<2x400x32xf32, #tpu.memory_space<vmem>> -> memref<1x100x32xf32, #tpu.memory_space<vmem>>
      %dma_wait3A_829 = tpu.memref_squeeze %dma_wait3A_828 : memref<1x100x32xf32, #tpu.memory_space<vmem>> -> memref<100x32xf32, #tpu.memory_space<vmem>>
      %dma_wait3A_830 = arith.constant 0 : i32
      %dma_wait3A_831 = tpu.memref_slice %arg8[%rem3A_755, %dma_wait3A_825, %dma_wait3A_830] : memref<2x4x100xi32, #tpu.memory_space<vmem>> -> memref<1x1x100xi32, #tpu.memory_space<vmem>>
      %dma_wait3A_832 = tpu.memref_squeeze %dma_wait3A_831 : memref<1x1x100xi32, #tpu.memory_space<vmem>> -> memref<100xi32, #tpu.memory_space<vmem>>
      %dma_wait3A_833 = arith.constant 0 : i32
      %dma_wait3A_834 = arith.constant 0 : i32
      %dma_wait3A_835 = tpu.memref_slice %arg2[%dma_wait3A_833, %dma_wait3A_834] : memref<100000x32xf32, #tpu.memory_space<hbm>> -> memref<100000x32xf32, #tpu.memory_space<hbm>>
      %dma_wait3A_836 = tpu.memref_slice %arg14[%rem3A_755] : memref<2x!tpu.dma_semaphore, #tpu.memory_space<semaphore_mem>> -> memref<1x!tpu.dma_semaphore, #tpu.memory_space<semaphore_mem>>
      %dma_wait3A_837 = tpu.memref_squeeze %dma_wait3A_836 : memref<1x!tpu.dma_semaphore, #tpu.memory_space<semaphore_mem>> -> memref<!tpu.dma_semaphore, #tpu.memory_space<semaphore_mem>>
      tpu.wait_indirect_dma semaphore(%dma_wait3A_837 : memref<!tpu.dma_semaphore, #tpu.memory_space<semaphore_mem>>) src(%dma_wait3A_835 : memref<100000x32xf32, #tpu.memory_space<hbm>>) dst(%dma_wait3A_829 : memref<100x32xf32, #tpu.memory_space<vmem>>)
      %dma_wait3A_838 = arith.constant 3 : i32
      %dma_wait3A_839 = arith.constant 300 : i32
      %dma_wait3A_840 = arith.constant 0 : i32
      %dma_wait3A_841 = tpu.memref_slice %arg10[%rem3A_755, %dma_wait3A_839, %dma_wait3A_840] : memref<2x400x32xf32, #tpu.memory_space<vmem>> -> memref<1x100x32xf32, #tpu.memory_space<vmem>>
      %dma_wait3A_842 = tpu.memref_squeeze %dma_wait3A_841 : memref<1x100x32xf32, #tpu.memory_space<vmem>> -> memref<100x32xf32, #tpu.memory_space<vmem>>
      %dma_wait3A_843 = arith.constant 0 : i32
      %dma_wait3A_844 = tpu.memref_slice %arg7[%rem3A_755, %dma_wait3A_838, %dma_wait3A_843] : memref<2x4x100xi32, #tpu.memory_space<vmem>> -> memref<1x1x100xi32, #tpu.memory_space<vmem>>
      %dma_wait3A_845 = tpu.memref_squeeze %dma_wait3A_844 : memref<1x1x100xi32, #tpu.memory_space<vmem>> -> memref<100xi32, #tpu.memory_space<vmem>>
      %dma_wait3A_846 = arith.constant 0 : i32
      %dma_wait3A_847 = arith.constant 0 : i32
      %dma_wait3A_848 = tpu.memref_slice %arg2[%dma_wait3A_846, %dma_wait3A_847] : memref<100000x32xf32, #tpu.memory_space<hbm>> -> memref<100000x32xf32, #tpu.memory_space<hbm>>
      %dma_wait3A_849 = tpu.memref_slice %arg14[%rem3A_755] : memref<2x!tpu.dma_semaphore, #tpu.memory_space<semaphore_mem>> -> memref<1x!tpu.dma_semaphore, #tpu.memory_space<semaphore_mem>>
      %dma_wait3A_850 = tpu.memref_squeeze %dma_wait3A_849 : memref<1x!tpu.dma_semaphore, #tpu.memory_space<semaphore_mem>> -> memref<!tpu.dma_semaphore, #tpu.memory_space<semaphore_mem>>
      tpu.wait_indirect_dma semaphore(%dma_wait3A_850 : memref<!tpu.dma_semaphore, #tpu.memory_space<semaphore_mem>>) src(%dma_wait3A_848 : memref<100000x32xf32, #tpu.memory_space<hbm>>) dst(%dma_wait3A_842 : memref<100x32xf32, #tpu.memory_space<vmem>>)
      %dma_wait3A_851 = arith.constant 3 : i32
      %dma_wait3A_852 = arith.constant 300 : i32
      %dma_wait3A_853 = arith.constant 0 : i32
      %dma_wait3A_854 = tpu.memref_slice %arg11[%rem3A_755, %dma_wait3A_852, %dma_wait3A_853] : memref<2x400x32xf32, #tpu.memory_space<vmem>> -> memref<1x100x32xf32, #tpu.memory_space<vmem>>
      %dma_wait3A_855 = tpu.memref_squeeze %dma_wait3A_854 : memref<1x100x32xf32, #tpu.memory_space<vmem>> -> memref<100x32xf32, #tpu.memory_space<vmem>>
      %dma_wait3A_856 = arith.constant 0 : i32
      %dma_wait3A_857 = tpu.memref_slice %arg8[%rem3A_755, %dma_wait3A_851, %dma_wait3A_856] : memref<2x4x100xi32, #tpu.memory_space<vmem>> -> memref<1x1x100xi32, #tpu.memory_space<vmem>>
      %dma_wait3A_858 = tpu.memref_squeeze %dma_wait3A_857 : memref<1x1x100xi32, #tpu.memory_space<vmem>> -> memref<100xi32, #tpu.memory_space<vmem>>
      %dma_wait3A_859 = arith.constant 0 : i32
      %dma_wait3A_860 = arith.constant 0 : i32
      %dma_wait3A_861 = tpu.memref_slice %arg2[%dma_wait3A_859, %dma_wait3A_860] : memref<100000x32xf32, #tpu.memory_space<hbm>> -> memref<100000x32xf32, #tpu.memory_space<hbm>>
      %dma_wait3A_862 = tpu.memref_slice %arg14[%rem3A_755] : memref<2x!tpu.dma_semaphore, #tpu.memory_space<semaphore_mem>> -> memref<1x!tpu.dma_semaphore, #tpu.memory_space<semaphore_mem>>
      %dma_wait3A_863 = tpu.memref_squeeze %dma_wait3A_862 : memref<1x!tpu.dma_semaphore, #tpu.memory_space<semaphore_mem>> -> memref<!tpu.dma_semaphore, #tpu.memory_space<semaphore_mem>>
      tpu.wait_indirect_dma semaphore(%dma_wait3A_863 : memref<!tpu.dma_semaphore, #tpu.memory_space<semaphore_mem>>) src(%dma_wait3A_861 : memref<100000x32xf32, #tpu.memory_space<hbm>>) dst(%dma_wait3A_855 : memref<100x32xf32, #tpu.memory_space<vmem>>)
      %dma_wait3A_864 = arith.constant 0 : i32
      %dma_wait3A_865 = tpu.memref_slice %arg9[%rem3A_755, %dma_wait3A_864] : memref<2x400xf32, #tpu.memory_space<vmem>> -> memref<1x400xf32, #tpu.memory_space<vmem>>
      %dma_wait3A_866 = tpu.memref_squeeze %dma_wait3A_865 : memref<1x400xf32, #tpu.memory_space<vmem>> -> memref<400xf32, #tpu.memory_space<vmem>>
      %dma_wait3A_867 = tpu.memref_slice %arg5[%mul3A_759] : memref<1600000xf32, #tpu.memory_space<hbm>> -> memref<400xf32, #tpu.memory_space<hbm>>
      %dma_wait3A_868 = tpu.memref_slice %arg14[%rem3A_755] : memref<2x!tpu.dma_semaphore, #tpu.memory_space<semaphore_mem>> -> memref<1x!tpu.dma_semaphore, #tpu.memory_space<semaphore_mem>>
      %dma_wait3A_869 = tpu.memref_squeeze %dma_wait3A_868 : memref<1x!tpu.dma_semaphore, #tpu.memory_space<semaphore_mem>> -> memref<!tpu.dma_semaphore, #tpu.memory_space<semaphore_mem>>
      %dma_wait3A_870 = arith.constant 0 : i32
      %dma_wait3A_871 = tpu.memref_slice %arg9[%rem3A_755, %dma_wait3A_870] : memref<2x400xf32, #tpu.memory_space<vmem>> -> memref<1x400xf32, #tpu.memory_space<vmem>>
      %dma_wait3A_872 = tpu.memref_squeeze %dma_wait3A_871 : memref<1x400xf32, #tpu.memory_space<vmem>> -> memref<400xf32, #tpu.memory_space<vmem>>
      %dma_wait3A_873 = tpu.memref_slice %arg5[%mul3A_759] : memref<1600000xf32, #tpu.memory_space<hbm>> -> memref<400xf32, #tpu.memory_space<hbm>>
      tpu.wait_dma2 semaphore(%dma_wait3A_869 : memref<!tpu.dma_semaphore, #tpu.memory_space<semaphore_mem>>) src(%dma_wait3A_873 : memref<400xf32, #tpu.memory_space<hbm>>) dst(%dma_wait3A_872 : memref<400xf32, #tpu.memory_space<vmem>>)
      %add3A_874 = arith.constant 1 : i32
      %add3A_875 = arith.addi %add3A_754, %add3A_874 : i32
      %mul3A_876 = arith.constant 4 : i32
      %mul3A_877 = arith.muli %add3A_875, %mul3A_876 : i32
      %mul3A_878 = arith.constant 4 : i32
      %mul3A_879 = arith.muli %add3A_875, %mul3A_878 : i32
      %dma_wait3A_880 = arith.constant 0 : i32
      %dma_wait3A_881 = arith.constant 0 : i32
      %dma_wait3A_882 = tpu.memref_slice %arg7[%sub3A_757, %dma_wait3A_880, %dma_wait3A_881] : memref<2x4x100xi32, #tpu.memory_space<vmem>> -> memref<1x4x100xi32, #tpu.memory_space<vmem>>
      %dma_wait3A_883 = tpu.memref_squeeze %dma_wait3A_882 : memref<1x4x100xi32, #tpu.memory_space<vmem>> -> memref<4x100xi32, #tpu.memory_space<vmem>>
      %dma_wait3A_884 = arith.constant 0 : i32
      %dma_wait3A_885 = tpu.memref_slice %arg3[%mul3A_877, %dma_wait3A_884] : memref<16000x100xi32, #tpu.memory_space<hbm>> -> memref<4x100xi32, #tpu.memory_space<hbm>>
      %dma_wait3A_886 = tpu.memref_slice %arg13[%sub3A_757] : memref<2x!tpu.dma_semaphore, #tpu.memory_space<semaphore_mem>> -> memref<1x!tpu.dma_semaphore, #tpu.memory_space<semaphore_mem>>
      %dma_wait3A_887 = tpu.memref_squeeze %dma_wait3A_886 : memref<1x!tpu.dma_semaphore, #tpu.memory_space<semaphore_mem>> -> memref<!tpu.dma_semaphore, #tpu.memory_space<semaphore_mem>>
      %dma_wait3A_888 = arith.constant 0 : i32
      %dma_wait3A_889 = arith.constant 0 : i32
      %dma_wait3A_890 = tpu.memref_slice %arg7[%sub3A_757, %dma_wait3A_888, %dma_wait3A_889] : memref<2x4x100xi32, #tpu.memory_space<vmem>> -> memref<1x4x100xi32, #tpu.memory_space<vmem>>
      %dma_wait3A_891 = tpu.memref_squeeze %dma_wait3A_890 : memref<1x4x100xi32, #tpu.memory_space<vmem>> -> memref<4x100xi32, #tpu.memory_space<vmem>>
      %dma_wait3A_892 = arith.constant 0 : i32
      %dma_wait3A_893 = tpu.memref_slice %arg3[%mul3A_877, %dma_wait3A_892] : memref<16000x100xi32, #tpu.memory_space<hbm>> -> memref<4x100xi32, #tpu.memory_space<hbm>>
      tpu.wait_dma2 semaphore(%dma_wait3A_887 : memref<!tpu.dma_semaphore, #tpu.memory_space<semaphore_mem>>) src(%dma_wait3A_893 : memref<4x100xi32, #tpu.memory_space<hbm>>) dst(%dma_wait3A_891 : memref<4x100xi32, #tpu.memory_space<vmem>>)
      %dma_wait3A_894 = arith.constant 0 : i32
      %dma_wait3A_895 = arith.constant 0 : i32
      %dma_wait3A_896 = tpu.memref_slice %arg8[%sub3A_757, %dma_wait3A_894, %dma_wait3A_895] : memref<2x4x100xi32, #tpu.memory_space<vmem>> -> memref<1x4x100xi32, #tpu.memory_space<vmem>>
      %dma_wait3A_897 = tpu.memref_squeeze %dma_wait3A_896 : memref<1x4x100xi32, #tpu.memory_space<vmem>> -> memref<4x100xi32, #tpu.memory_space<vmem>>
      %dma_wait3A_898 = arith.constant 0 : i32
      %dma_wait3A_899 = tpu.memref_slice %arg4[%mul3A_879, %dma_wait3A_898] : memref<16000x100xi32, #tpu.memory_space<hbm>> -> memref<4x100xi32, #tpu.memory_space<hbm>>
      %dma_wait3A_900 = tpu.memref_slice %arg13[%sub3A_757] : memref<2x!tpu.dma_semaphore, #tpu.memory_space<semaphore_mem>> -> memref<1x!tpu.dma_semaphore, #tpu.memory_space<semaphore_mem>>
      %dma_wait3A_901 = tpu.memref_squeeze %dma_wait3A_900 : memref<1x!tpu.dma_semaphore, #tpu.memory_space<semaphore_mem>> -> memref<!tpu.dma_semaphore, #tpu.memory_space<semaphore_mem>>
      %dma_wait3A_902 = arith.constant 0 : i32
      %dma_wait3A_903 = arith.constant 0 : i32
      %dma_wait3A_904 = tpu.memref_slice %arg8[%sub3A_757, %dma_wait3A_902, %dma_wait3A_903] : memref<2x4x100xi32, #tpu.memory_space<vmem>> -> memref<1x4x100xi32, #tpu.memory_space<vmem>>
      %dma_wait3A_905 = tpu.memref_squeeze %dma_wait3A_904 : memref<1x4x100xi32, #tpu.memory_space<vmem>> -> memref<4x100xi32, #tpu.memory_space<vmem>>
      %dma_wait3A_906 = arith.constant 0 : i32
      %dma_wait3A_907 = tpu.memref_slice %arg4[%mul3A_879, %dma_wait3A_906] : memref<16000x100xi32, #tpu.memory_space<hbm>> -> memref<4x100xi32, #tpu.memory_space<hbm>>
      tpu.wait_dma2 semaphore(%dma_wait3A_901 : memref<!tpu.dma_semaphore, #tpu.memory_space<semaphore_mem>>) src(%dma_wait3A_907 : memref<4x100xi32, #tpu.memory_space<hbm>>) dst(%dma_wait3A_905 : memref<4x100xi32, #tpu.memory_space<vmem>>)
      %add3A_908 = arith.constant 1 : i32
      %add3A_909 = arith.addi %add3A_754, %add3A_908 : i32
      %mul3A_910 = arith.constant 400 : i32
      %mul3A_911 = arith.muli %add3A_909, %mul3A_910 : i32
      %dma_start3A_912 = arith.constant 0 : i32
      %dma_start3A_913 = arith.constant 0 : i32
      %dma_start3A_914 = arith.constant 0 : i32
      %dma_start3A_915 = tpu.memref_slice %arg10[%sub3A_757, %dma_start3A_913, %dma_start3A_914] : memref<2x400x32xf32, #tpu.memory_space<vmem>> -> memref<1x100x32xf32, #tpu.memory_space<vmem>>
      %dma_start3A_916 = tpu.memref_squeeze %dma_start3A_915 : memref<1x100x32xf32, #tpu.memory_space<vmem>> -> memref<100x32xf32, #tpu.memory_space<vmem>>
      %dma_start3A_917 = arith.constant 0 : i32
      %dma_start3A_918 = tpu.memref_slice %arg7[%sub3A_757, %dma_start3A_912, %dma_start3A_917] : memref<2x4x100xi32, #tpu.memory_space<vmem>> -> memref<1x1x100xi32, #tpu.memory_space<vmem>>
      %dma_start3A_919 = tpu.memref_squeeze %dma_start3A_918 : memref<1x1x100xi32, #tpu.memory_space<vmem>> -> memref<100xi32, #tpu.memory_space<vmem>>
      %dma_start3A_920 = arith.constant 0 : i32
      %dma_start3A_921 = arith.constant 0 : i32
      %dma_start3A_922 = tpu.memref_slice %arg2[%dma_start3A_920, %dma_start3A_921] : memref<100000x32xf32, #tpu.memory_space<hbm>> -> memref<100000x32xf32, #tpu.memory_space<hbm>>
      %dma_start3A_923 = tpu.memref_slice %arg14[%sub3A_757] : memref<2x!tpu.dma_semaphore, #tpu.memory_space<semaphore_mem>> -> memref<1x!tpu.dma_semaphore, #tpu.memory_space<semaphore_mem>>
      %dma_start3A_924 = tpu.memref_squeeze %dma_start3A_923 : memref<1x!tpu.dma_semaphore, #tpu.memory_space<semaphore_mem>> -> memref<!tpu.dma_semaphore, #tpu.memory_space<semaphore_mem>>
      tpu.enqueue_indirect_dma source(%dma_start3A_922 : memref<100000x32xf32, #tpu.memory_space<hbm>>) target(%dma_start3A_916 : memref<100x32xf32, #tpu.memory_space<vmem>>) offsets(%dma_start3A_919 : memref<100xi32, #tpu.memory_space<vmem>>) semaphore(%dma_start3A_924 : memref<!tpu.dma_semaphore, #tpu.memory_space<semaphore_mem>>)
      %dma_start3A_925 = arith.constant 0 : i32
      %dma_start3A_926 = arith.constant 0 : i32
      %dma_start3A_927 = arith.constant 0 : i32
      %dma_start3A_928 = tpu.memref_slice %arg11[%sub3A_757, %dma_start3A_926, %dma_start3A_927] : memref<2x400x32xf32, #tpu.memory_space<vmem>> -> memref<1x100x32xf32, #tpu.memory_space<vmem>>
      %dma_start3A_929 = tpu.memref_squeeze %dma_start3A_928 : memref<1x100x32xf32, #tpu.memory_space<vmem>> -> memref<100x32xf32, #tpu.memory_space<vmem>>
      %dma_start3A_930 = arith.constant 0 : i32
      %dma_start3A_931 = tpu.memref_slice %arg8[%sub3A_757, %dma_start3A_925, %dma_start3A_930] : memref<2x4x100xi32, #tpu.memory_space<vmem>> -> memref<1x1x100xi32, #tpu.memory_space<vmem>>
      %dma_start3A_932 = tpu.memref_squeeze %dma_start3A_931 : memref<1x1x100xi32, #tpu.memory_space<vmem>> -> memref<100xi32, #tpu.memory_space<vmem>>
      %dma_start3A_933 = arith.constant 0 : i32
      %dma_start3A_934 = arith.constant 0 : i32
      %dma_start3A_935 = tpu.memref_slice %arg2[%dma_start3A_933, %dma_start3A_934] : memref<100000x32xf32, #tpu.memory_space<hbm>> -> memref<100000x32xf32, #tpu.memory_space<hbm>>
      %dma_start3A_936 = tpu.memref_slice %arg14[%sub3A_757] : memref<2x!tpu.dma_semaphore, #tpu.memory_space<semaphore_mem>> -> memref<1x!tpu.dma_semaphore, #tpu.memory_space<semaphore_mem>>
      %dma_start3A_937 = tpu.memref_squeeze %dma_start3A_936 : memref<1x!tpu.dma_semaphore, #tpu.memory_space<semaphore_mem>> -> memref<!tpu.dma_semaphore, #tpu.memory_space<semaphore_mem>>
      tpu.enqueue_indirect_dma source(%dma_start3A_935 : memref<100000x32xf32, #tpu.memory_space<hbm>>) target(%dma_start3A_929 : memref<100x32xf32, #tpu.memory_space<vmem>>) offsets(%dma_start3A_932 : memref<100xi32, #tpu.memory_space<vmem>>) semaphore(%dma_start3A_937 : memref<!tpu.dma_semaphore, #tpu.memory_space<semaphore_mem>>)
      %dma_start3A_938 = arith.constant 1 : i32
      %dma_start3A_939 = arith.constant 100 : i32
      %dma_start3A_940 = arith.constant 0 : i32
      %dma_start3A_941 = tpu.memref_slice %arg10[%sub3A_757, %dma_start3A_939, %dma_start3A_940] : memref<2x400x32xf32, #tpu.memory_space<vmem>> -> memref<1x100x32xf32, #tpu.memory_space<vmem>>
      %dma_start3A_942 = tpu.memref_squeeze %dma_start3A_941 : memref<1x100x32xf32, #tpu.memory_space<vmem>> -> memref<100x32xf32, #tpu.memory_space<vmem>>
      %dma_start3A_943 = arith.constant 0 : i32
      %dma_start3A_944 = tpu.memref_slice %arg7[%sub3A_757, %dma_start3A_938, %dma_start3A_943] : memref<2x4x100xi32, #tpu.memory_space<vmem>> -> memref<1x1x100xi32, #tpu.memory_space<vmem>>
      %dma_start3A_945 = tpu.memref_squeeze %dma_start3A_944 : memref<1x1x100xi32, #tpu.memory_space<vmem>> -> memref<100xi32, #tpu.memory_space<vmem>>
      %dma_start3A_946 = arith.constant 0 : i32
      %dma_start3A_947 = arith.constant 0 : i32
      %dma_start3A_948 = tpu.memref_slice %arg2[%dma_start3A_946, %dma_start3A_947] : memref<100000x32xf32, #tpu.memory_space<hbm>> -> memref<100000x32xf32, #tpu.memory_space<hbm>>
      %dma_start3A_949 = tpu.memref_slice %arg14[%sub3A_757] : memref<2x!tpu.dma_semaphore, #tpu.memory_space<semaphore_mem>> -> memref<1x!tpu.dma_semaphore, #tpu.memory_space<semaphore_mem>>
      %dma_start3A_950 = tpu.memref_squeeze %dma_start3A_949 : memref<1x!tpu.dma_semaphore, #tpu.memory_space<semaphore_mem>> -> memref<!tpu.dma_semaphore, #tpu.memory_space<semaphore_mem>>
      tpu.enqueue_indirect_dma source(%dma_start3A_948 : memref<100000x32xf32, #tpu.memory_space<hbm>>) target(%dma_start3A_942 : memref<100x32xf32, #tpu.memory_space<vmem>>) offsets(%dma_start3A_945 : memref<100xi32, #tpu.memory_space<vmem>>) semaphore(%dma_start3A_950 : memref<!tpu.dma_semaphore, #tpu.memory_space<semaphore_mem>>)
      %dma_start3A_951 = arith.constant 1 : i32
      %dma_start3A_952 = arith.constant 100 : i32
      %dma_start3A_953 = arith.constant 0 : i32
      %dma_start3A_954 = tpu.memref_slice %arg11[%sub3A_757, %dma_start3A_952, %dma_start3A_953] : memref<2x400x32xf32, #tpu.memory_space<vmem>> -> memref<1x100x32xf32, #tpu.memory_space<vmem>>
      %dma_start3A_955 = tpu.memref_squeeze %dma_start3A_954 : memref<1x100x32xf32, #tpu.memory_space<vmem>> -> memref<100x32xf32, #tpu.memory_space<vmem>>
      %dma_start3A_956 = arith.constant 0 : i32
      %dma_start3A_957 = tpu.memref_slice %arg8[%sub3A_757, %dma_start3A_951, %dma_start3A_956] : memref<2x4x100xi32, #tpu.memory_space<vmem>> -> memref<1x1x100xi32, #tpu.memory_space<vmem>>
      %dma_start3A_958 = tpu.memref_squeeze %dma_start3A_957 : memref<1x1x100xi32, #tpu.memory_space<vmem>> -> memref<100xi32, #tpu.memory_space<vmem>>
      %dma_start3A_959 = arith.constant 0 : i32
      %dma_start3A_960 = arith.constant 0 : i32
      %dma_start3A_961 = tpu.memref_slice %arg2[%dma_start3A_959, %dma_start3A_960] : memref<100000x32xf32, #tpu.memory_space<hbm>> -> memref<100000x32xf32, #tpu.memory_space<hbm>>
      %dma_start3A_962 = tpu.memref_slice %arg14[%sub3A_757] : memref<2x!tpu.dma_semaphore, #tpu.memory_space<semaphore_mem>> -> memref<1x!tpu.dma_semaphore, #tpu.memory_space<semaphore_mem>>
      %dma_start3A_963 = tpu.memref_squeeze %dma_start3A_962 : memref<1x!tpu.dma_semaphore, #tpu.memory_space<semaphore_mem>> -> memref<!tpu.dma_semaphore, #tpu.memory_space<semaphore_mem>>
      tpu.enqueue_indirect_dma source(%dma_start3A_961 : memref<100000x32xf32, #tpu.memory_space<hbm>>) target(%dma_start3A_955 : memref<100x32xf32, #tpu.memory_space<vmem>>) offsets(%dma_start3A_958 : memref<100xi32, #tpu.memory_space<vmem>>) semaphore(%dma_start3A_963 : memref<!tpu.dma_semaphore, #tpu.memory_space<semaphore_mem>>)
      %dma_start3A_964 = arith.constant 2 : i32
      %dma_start3A_965 = arith.constant 200 : i32
      %dma_start3A_966 = arith.constant 0 : i32
      %dma_start3A_967 = tpu.memref_slice %arg10[%sub3A_757, %dma_start3A_965, %dma_start3A_966] : memref<2x400x32xf32, #tpu.memory_space<vmem>> -> memref<1x100x32xf32, #tpu.memory_space<vmem>>
      %dma_start3A_968 = tpu.memref_squeeze %dma_start3A_967 : memref<1x100x32xf32, #tpu.memory_space<vmem>> -> memref<100x32xf32, #tpu.memory_space<vmem>>
      %dma_start3A_969 = arith.constant 0 : i32
      %dma_start3A_970 = tpu.memref_slice %arg7[%sub3A_757, %dma_start3A_964, %dma_start3A_969] : memref<2x4x100xi32, #tpu.memory_space<vmem>> -> memref<1x1x100xi32, #tpu.memory_space<vmem>>
      %dma_start3A_971 = tpu.memref_squeeze %dma_start3A_970 : memref<1x1x100xi32, #tpu.memory_space<vmem>> -> memref<100xi32, #tpu.memory_space<vmem>>
      %dma_start3A_972 = arith.constant 0 : i32
      %dma_start3A_973 = arith.constant 0 : i32
      %dma_start3A_974 = tpu.memref_slice %arg2[%dma_start3A_972, %dma_start3A_973] : memref<100000x32xf32, #tpu.memory_space<hbm>> -> memref<100000x32xf32, #tpu.memory_space<hbm>>
      %dma_start3A_975 = tpu.memref_slice %arg14[%sub3A_757] : memref<2x!tpu.dma_semaphore, #tpu.memory_space<semaphore_mem>> -> memref<1x!tpu.dma_semaphore, #tpu.memory_space<semaphore_mem>>
      %dma_start3A_976 = tpu.memref_squeeze %dma_start3A_975 : memref<1x!tpu.dma_semaphore, #tpu.memory_space<semaphore_mem>> -> memref<!tpu.dma_semaphore, #tpu.memory_space<semaphore_mem>>
      tpu.enqueue_indirect_dma source(%dma_start3A_974 : memref<100000x32xf32, #tpu.memory_space<hbm>>) target(%dma_start3A_968 : memref<100x32xf32, #tpu.memory_space<vmem>>) offsets(%dma_start3A_971 : memref<100xi32, #tpu.memory_space<vmem>>) semaphore(%dma_start3A_976 : memref<!tpu.dma_semaphore, #tpu.memory_space<semaphore_mem>>)
      %dma_start3A_977 = arith.constant 2 : i32
      %dma_start3A_978 = arith.constant 200 : i32
      %dma_start3A_979 = arith.constant 0 : i32
      %dma_start3A_980 = tpu.memref_slice %arg11[%sub3A_757, %dma_start3A_978, %dma_start3A_979] : memref<2x400x32xf32, #tpu.memory_space<vmem>> -> memref<1x100x32xf32, #tpu.memory_space<vmem>>
      %dma_start3A_981 = tpu.memref_squeeze %dma_start3A_980 : memref<1x100x32xf32, #tpu.memory_space<vmem>> -> memref<100x32xf32, #tpu.memory_space<vmem>>
      %dma_start3A_982 = arith.constant 0 : i32
      %dma_start3A_983 = tpu.memref_slice %arg8[%sub3A_757, %dma_start3A_977, %dma_start3A_982] : memref<2x4x100xi32, #tpu.memory_space<vmem>> -> memref<1x1x100xi32, #tpu.memory_space<vmem>>
      %dma_start3A_984 = tpu.memref_squeeze %dma_start3A_983 : memref<1x1x100xi32, #tpu.memory_space<vmem>> -> memref<100xi32, #tpu.memory_space<vmem>>
      %dma_start3A_985 = arith.constant 0 : i32
      %dma_start3A_986 = arith.constant 0 : i32
      %dma_start3A_987 = tpu.memref_slice %arg2[%dma_start3A_985, %dma_start3A_986] : memref<100000x32xf32, #tpu.memory_space<hbm>> -> memref<100000x32xf32, #tpu.memory_space<hbm>>
      %dma_start3A_988 = tpu.memref_slice %arg14[%sub3A_757] : memref<2x!tpu.dma_semaphore, #tpu.memory_space<semaphore_mem>> -> memref<1x!tpu.dma_semaphore, #tpu.memory_space<semaphore_mem>>
      %dma_start3A_989 = tpu.memref_squeeze %dma_start3A_988 : memref<1x!tpu.dma_semaphore, #tpu.memory_space<semaphore_mem>> -> memref<!tpu.dma_semaphore, #tpu.memory_space<semaphore_mem>>
      tpu.enqueue_indirect_dma source(%dma_start3A_987 : memref<100000x32xf32, #tpu.memory_space<hbm>>) target(%dma_start3A_981 : memref<100x32xf32, #tpu.memory_space<vmem>>) offsets(%dma_start3A_984 : memref<100xi32, #tpu.memory_space<vmem>>) semaphore(%dma_start3A_989 : memref<!tpu.dma_semaphore, #tpu.memory_space<semaphore_mem>>)
      %dma_start3A_990 = arith.constant 3 : i32
      %dma_start3A_991 = arith.constant 300 : i32
      %dma_start3A_992 = arith.constant 0 : i32
      %dma_start3A_993 = tpu.memref_slice %arg10[%sub3A_757, %dma_start3A_991, %dma_start3A_992] : memref<2x400x32xf32, #tpu.memory_space<vmem>> -> memref<1x100x32xf32, #tpu.memory_space<vmem>>
      %dma_start3A_994 = tpu.memref_squeeze %dma_start3A_993 : memref<1x100x32xf32, #tpu.memory_space<vmem>> -> memref<100x32xf32, #tpu.memory_space<vmem>>
      %dma_start3A_995 = arith.constant 0 : i32
      %dma_start3A_996 = tpu.memref_slice %arg7[%sub3A_757, %dma_start3A_990, %dma_start3A_995] : memref<2x4x100xi32, #tpu.memory_space<vmem>> -> memref<1x1x100xi32, #tpu.memory_space<vmem>>
      %dma_start3A_997 = tpu.memref_squeeze %dma_start3A_996 : memref<1x1x100xi32, #tpu.memory_space<vmem>> -> memref<100xi32, #tpu.memory_space<vmem>>
      %dma_start3A_998 = arith.constant 0 : i32
      %dma_start3A_999 = arith.constant 0 : i32
      %dma_start3A_1000 = tpu.memref_slice %arg2[%dma_start3A_998, %dma_start3A_999] : memref<100000x32xf32, #tpu.memory_space<hbm>> -> memref<100000x32xf32, #tpu.memory_space<hbm>>
      %dma_start3A_1001 = tpu.memref_slice %arg14[%sub3A_757] : memref<2x!tpu.dma_semaphore, #tpu.memory_space<semaphore_mem>> -> memref<1x!tpu.dma_semaphore, #tpu.memory_space<semaphore_mem>>
      %dma_start3A_1002 = tpu.memref_squeeze %dma_start3A_1001 : memref<1x!tpu.dma_semaphore, #tpu.memory_space<semaphore_mem>> -> memref<!tpu.dma_semaphore, #tpu.memory_space<semaphore_mem>>
      tpu.enqueue_indirect_dma source(%dma_start3A_1000 : memref<100000x32xf32, #tpu.memory_space<hbm>>) target(%dma_start3A_994 : memref<100x32xf32, #tpu.memory_space<vmem>>) offsets(%dma_start3A_997 : memref<100xi32, #tpu.memory_space<vmem>>) semaphore(%dma_start3A_1002 : memref<!tpu.dma_semaphore, #tpu.memory_space<semaphore_mem>>)
      %dma_start3A_1003 = arith.constant 3 : i32
      %dma_start3A_1004 = arith.constant 300 : i32
      %dma_start3A_1005 = arith.constant 0 : i32
      %dma_start3A_1006 = tpu.memref_slice %arg11[%sub3A_757, %dma_start3A_1004, %dma_start3A_1005] : memref<2x400x32xf32, #tpu.memory_space<vmem>> -> memref<1x100x32xf32, #tpu.memory_space<vmem>>
      %dma_start3A_1007 = tpu.memref_squeeze %dma_start3A_1006 : memref<1x100x32xf32, #tpu.memory_space<vmem>> -> memref<100x32xf32, #tpu.memory_space<vmem>>
      %dma_start3A_1008 = arith.constant 0 : i32
      %dma_start3A_1009 = tpu.memref_slice %arg8[%sub3A_757, %dma_start3A_1003, %dma_start3A_1008] : memref<2x4x100xi32, #tpu.memory_space<vmem>> -> memref<1x1x100xi32, #tpu.memory_space<vmem>>
      %dma_start3A_1010 = tpu.memref_squeeze %dma_start3A_1009 : memref<1x1x100xi32, #tpu.memory_space<vmem>> -> memref<100xi32, #tpu.memory_space<vmem>>
      %dma_start3A_1011 = arith.constant 0 : i32
      %dma_start3A_1012 = arith.constant 0 : i32
      %dma_start3A_1013 = tpu.memref_slice %arg2[%dma_start3A_1011, %dma_start3A_1012] : memref<100000x32xf32, #tpu.memory_space<hbm>> -> memref<100000x32xf32, #tpu.memory_space<hbm>>
      %dma_start3A_1014 = tpu.memref_slice %arg14[%sub3A_757] : memref<2x!tpu.dma_semaphore, #tpu.memory_space<semaphore_mem>> -> memref<1x!tpu.dma_semaphore, #tpu.memory_space<semaphore_mem>>
      %dma_start3A_1015 = tpu.memref_squeeze %dma_start3A_1014 : memref<1x!tpu.dma_semaphore, #tpu.memory_space<semaphore_mem>> -> memref<!tpu.dma_semaphore, #tpu.memory_space<semaphore_mem>>
      tpu.enqueue_indirect_dma source(%dma_start3A_1013 : memref<100000x32xf32, #tpu.memory_space<hbm>>) target(%dma_start3A_1007 : memref<100x32xf32, #tpu.memory_space<vmem>>) offsets(%dma_start3A_1010 : memref<100xi32, #tpu.memory_space<vmem>>) semaphore(%dma_start3A_1015 : memref<!tpu.dma_semaphore, #tpu.memory_space<semaphore_mem>>)
      %dma_start3A_1016 = arith.constant 0 : i32
      %dma_start3A_1017 = tpu.memref_slice %arg9[%sub3A_757, %dma_start3A_1016] : memref<2x400xf32, #tpu.memory_space<vmem>> -> memref<1x400xf32, #tpu.memory_space<vmem>>
      %dma_start3A_1018 = tpu.memref_squeeze %dma_start3A_1017 : memref<1x400xf32, #tpu.memory_space<vmem>> -> memref<400xf32, #tpu.memory_space<vmem>>
      %dma_start3A_1019 = tpu.memref_slice %arg5[%mul3A_911] : memref<1600000xf32, #tpu.memory_space<hbm>> -> memref<400xf32, #tpu.memory_space<hbm>>
      %dma_start3A_1020 = tpu.memref_slice %arg14[%sub3A_757] : memref<2x!tpu.dma_semaphore, #tpu.memory_space<semaphore_mem>> -> memref<1x!tpu.dma_semaphore, #tpu.memory_space<semaphore_mem>>
      %dma_start3A_1021 = tpu.memref_squeeze %dma_start3A_1020 : memref<1x!tpu.dma_semaphore, #tpu.memory_space<semaphore_mem>> -> memref<!tpu.dma_semaphore, #tpu.memory_space<semaphore_mem>>
      %dma_start3A_1022 = arith.constant 0 : i32
      %dma_start3A_1023 = tpu.memref_slice %arg9[%sub3A_757, %dma_start3A_1022] : memref<2x400xf32, #tpu.memory_space<vmem>> -> memref<1x400xf32, #tpu.memory_space<vmem>>
      %dma_start3A_1024 = tpu.memref_squeeze %dma_start3A_1023 : memref<1x400xf32, #tpu.memory_space<vmem>> -> memref<400xf32, #tpu.memory_space<vmem>>
      %dma_start3A_1025 = tpu.memref_slice %arg5[%mul3A_911] : memref<1600000xf32, #tpu.memory_space<hbm>> -> memref<400xf32, #tpu.memory_space<hbm>>
      tpu.enqueue_dma source(%dma_start3A_1025 : memref<400xf32, #tpu.memory_space<hbm>>) target(%dma_start3A_1024 : memref<400xf32, #tpu.memory_space<vmem>>) target_semaphore(%dma_start3A_1021 : memref<!tpu.dma_semaphore, #tpu.memory_space<semaphore_mem>>)
      %add3A_1026 = arith.constant 2 : i32
      %add3A_1027 = arith.addi %add3A_754, %add3A_1026 : i32
      %mul3A_1028 = arith.constant 4 : i32
      %mul3A_1029 = arith.muli %add3A_1027, %mul3A_1028 : i32
      %mul3A_1030 = arith.constant 4 : i32
      %mul3A_1031 = arith.muli %add3A_1027, %mul3A_1030 : i32
      %dma_start3A_1032 = arith.constant 0 : i32
      %dma_start3A_1033 = arith.constant 0 : i32
      %dma_start3A_1034 = tpu.memref_slice %arg7[%rem3A_755, %dma_start3A_1032, %dma_start3A_1033] : memref<2x4x100xi32, #tpu.memory_space<vmem>> -> memref<1x4x100xi32, #tpu.memory_space<vmem>>
      %dma_start3A_1035 = tpu.memref_squeeze %dma_start3A_1034 : memref<1x4x100xi32, #tpu.memory_space<vmem>> -> memref<4x100xi32, #tpu.memory_space<vmem>>
      %dma_start3A_1036 = arith.constant 0 : i32
      %dma_start3A_1037 = tpu.memref_slice %arg3[%mul3A_1029, %dma_start3A_1036] : memref<16000x100xi32, #tpu.memory_space<hbm>> -> memref<4x100xi32, #tpu.memory_space<hbm>>
      %dma_start3A_1038 = tpu.memref_slice %arg13[%rem3A_755] : memref<2x!tpu.dma_semaphore, #tpu.memory_space<semaphore_mem>> -> memref<1x!tpu.dma_semaphore, #tpu.memory_space<semaphore_mem>>
      %dma_start3A_1039 = tpu.memref_squeeze %dma_start3A_1038 : memref<1x!tpu.dma_semaphore, #tpu.memory_space<semaphore_mem>> -> memref<!tpu.dma_semaphore, #tpu.memory_space<semaphore_mem>>
      %dma_start3A_1040 = arith.constant 0 : i32
      %dma_start3A_1041 = arith.constant 0 : i32
      %dma_start3A_1042 = tpu.memref_slice %arg7[%rem3A_755, %dma_start3A_1040, %dma_start3A_1041] : memref<2x4x100xi32, #tpu.memory_space<vmem>> -> memref<1x4x100xi32, #tpu.memory_space<vmem>>
      %dma_start3A_1043 = tpu.memref_squeeze %dma_start3A_1042 : memref<1x4x100xi32, #tpu.memory_space<vmem>> -> memref<4x100xi32, #tpu.memory_space<vmem>>
      %dma_start3A_1044 = arith.constant 0 : i32
      %dma_start3A_1045 = tpu.memref_slice %arg3[%mul3A_1029, %dma_start3A_1044] : memref<16000x100xi32, #tpu.memory_space<hbm>> -> memref<4x100xi32, #tpu.memory_space<hbm>>
      tpu.enqueue_dma source(%dma_start3A_1045 : memref<4x100xi32, #tpu.memory_space<hbm>>) target(%dma_start3A_1043 : memref<4x100xi32, #tpu.memory_space<vmem>>) target_semaphore(%dma_start3A_1039 : memref<!tpu.dma_semaphore, #tpu.memory_space<semaphore_mem>>)
      %dma_start3A_1046 = arith.constant 0 : i32
      %dma_start3A_1047 = arith.constant 0 : i32
      %dma_start3A_1048 = tpu.memref_slice %arg8[%rem3A_755, %dma_start3A_1046, %dma_start3A_1047] : memref<2x4x100xi32, #tpu.memory_space<vmem>> -> memref<1x4x100xi32, #tpu.memory_space<vmem>>
      %dma_start3A_1049 = tpu.memref_squeeze %dma_start3A_1048 : memref<1x4x100xi32, #tpu.memory_space<vmem>> -> memref<4x100xi32, #tpu.memory_space<vmem>>
      %dma_start3A_1050 = arith.constant 0 : i32
      %dma_start3A_1051 = tpu.memref_slice %arg4[%mul3A_1031, %dma_start3A_1050] : memref<16000x100xi32, #tpu.memory_space<hbm>> -> memref<4x100xi32, #tpu.memory_space<hbm>>
      %dma_start3A_1052 = tpu.memref_slice %arg13[%rem3A_755] : memref<2x!tpu.dma_semaphore, #tpu.memory_space<semaphore_mem>> -> memref<1x!tpu.dma_semaphore, #tpu.memory_space<semaphore_mem>>
      %dma_start3A_1053 = tpu.memref_squeeze %dma_start3A_1052 : memref<1x!tpu.dma_semaphore, #tpu.memory_space<semaphore_mem>> -> memref<!tpu.dma_semaphore, #tpu.memory_space<semaphore_mem>>
      %dma_start3A_1054 = arith.constant 0 : i32
      %dma_start3A_1055 = arith.constant 0 : i32
      %dma_start3A_1056 = tpu.memref_slice %arg8[%rem3A_755, %dma_start3A_1054, %dma_start3A_1055] : memref<2x4x100xi32, #tpu.memory_space<vmem>> -> memref<1x4x100xi32, #tpu.memory_space<vmem>>
      %dma_start3A_1057 = tpu.memref_squeeze %dma_start3A_1056 : memref<1x4x100xi32, #tpu.memory_space<vmem>> -> memref<4x100xi32, #tpu.memory_space<vmem>>
      %dma_start3A_1058 = arith.constant 0 : i32
      %dma_start3A_1059 = tpu.memref_slice %arg4[%mul3A_1031, %dma_start3A_1058] : memref<16000x100xi32, #tpu.memory_space<hbm>> -> memref<4x100xi32, #tpu.memory_space<hbm>>
      tpu.enqueue_dma source(%dma_start3A_1059 : memref<4x100xi32, #tpu.memory_space<hbm>>) target(%dma_start3A_1057 : memref<4x100xi32, #tpu.memory_space<vmem>>) target_semaphore(%dma_start3A_1053 : memref<!tpu.dma_semaphore, #tpu.memory_space<semaphore_mem>>)
      %broadcast_in_dim3A_1060 = arith.constant 0 : i32
      %broadcast_in_dim3A_1061 = vector.broadcast %broadcast_in_dim3A_1060 : i32 to vector<16xi32>
      %add3A_1062 = vector.broadcast %rem3A_755 : i32 to vector<16xi32>
      %add3A_1063 = arith.addi %broadcast_in_dim3A_1061, %add3A_1062 : vector<16xi32>
      %iota3A_1064 = tpu.iota {dimensions = array<i32: 0>} : vector<16xi32>
      %scan3A_1065 = arith.constant 0 : i32
      %scan3A_1066 = arith.constant 25 : i32
      %scan3A_1067 = arith.addi %scan3A_1065, %scan3A_1066 : i32
      %scan3A_1068 = arith.constant 1 : i32
      %scan3A_1069 = scf.for %scan3A_1071 = %scan3A_1065 to %scan3A_1067 step %scan3A_1068 iter_args(%scan3A_1072 = %scan3A_753) -> (vector<16xf32>)  : i32 {
        %mul3A_1073 = arith.constant 16 : i32
        %mul3A_1074 = arith.muli %scan3A_1071, %mul3A_1073 : i32
        %add3A_1075 = vector.broadcast %mul3A_1074 : i32 to vector<16xi32>
        %add3A_1076 = arith.addi %add3A_1075, %iota3A_1064 : vector<16xi32>
        %broadcast_in_dim3A_1077 = arith.constant 0.000000e+00 : f32
        %broadcast_in_dim3A_1078 = vector.broadcast %broadcast_in_dim3A_1077 : f32 to vector<16xf32>
        %add3A_1079 = arith.constant 0 : i32
        %add3A_1080 = vector.broadcast %add3A_1079 : i32 to vector<16xi32>
        %add3A_1081 = arith.addi %iota3A_1064, %add3A_1080 : vector<16xi32>
        %and3A = arith.constant 31 : i32
        %and3A_1082 = vector.broadcast %and3A : i32 to vector<16xi32>
        %and3A_1083 = arith.andi %add3A_1081, %and3A_1082 : vector<16xi32>
        %gather3A = tpu.vector_load_idx %arg10[%add3A_1063, %add3A_1076, %and3A_1083] : memref<2x400x32xf32, #tpu.memory_space<vmem>>[vector<16xi32>, vector<16xi32>, vector<16xi32>], vector<16xf32>,
        %gather3A_1084 = tpu.vector_load_idx %arg11[%add3A_1063, %add3A_1076, %and3A_1083] : memref<2x400x32xf32, #tpu.memory_space<vmem>>[vector<16xi32>, vector<16xi32>, vector<16xi32>], vector<16xf32>,
        %sub3A_1085 = arith.subf %gather3A, %gather3A_1084 : vector<16xf32>
        %mul3A_1086 = arith.mulf %sub3A_1085, %sub3A_1085 : vector<16xf32>
        %add3A_1087 = arith.addf %broadcast_in_dim3A_1078, %mul3A_1086 : vector<16xf32>
        %add3A_1088 = arith.constant 1 : i32
        %add3A_1089 = vector.broadcast %add3A_1088 : i32 to vector<16xi32>
        %add3A_1090 = arith.addi %iota3A_1064, %add3A_1089 : vector<16xi32>
        %and3A_1091 = arith.constant 31 : i32
        %and3A_1092 = vector.broadcast %and3A_1091 : i32 to vector<16xi32>
        %and3A_1093 = arith.andi %add3A_1090, %and3A_1092 : vector<16xi32>
        %gather3A_1094 = tpu.vector_load_idx %arg10[%add3A_1063, %add3A_1076, %and3A_1093] : memref<2x400x32xf32, #tpu.memory_space<vmem>>[vector<16xi32>, vector<16xi32>, vector<16xi32>], vector<16xf32>,
        %gather3A_1095 = tpu.vector_load_idx %arg11[%add3A_1063, %add3A_1076, %and3A_1093] : memref<2x400x32xf32, #tpu.memory_space<vmem>>[vector<16xi32>, vector<16xi32>, vector<16xi32>], vector<16xf32>,
        %sub3A_1096 = arith.subf %gather3A_1094, %gather3A_1095 : vector<16xf32>
        %mul3A_1097 = arith.mulf %sub3A_1096, %sub3A_1096 : vector<16xf32>
        %add3A_1098 = arith.addf %add3A_1087, %mul3A_1097 : vector<16xf32>
        %add3A_1099 = arith.constant 2 : i32
        %add3A_1100 = vector.broadcast %add3A_1099 : i32 to vector<16xi32>
        %add3A_1101 = arith.addi %iota3A_1064, %add3A_1100 : vector<16xi32>
        %and3A_1102 = arith.constant 31 : i32
        %and3A_1103 = vector.broadcast %and3A_1102 : i32 to vector<16xi32>
        %and3A_1104 = arith.andi %add3A_1101, %and3A_1103 : vector<16xi32>
        %gather3A_1105 = tpu.vector_load_idx %arg10[%add3A_1063, %add3A_1076, %and3A_1104] : memref<2x400x32xf32, #tpu.memory_space<vmem>>[vector<16xi32>, vector<16xi32>, vector<16xi32>], vector<16xf32>,
        %gather3A_1106 = tpu.vector_load_idx %arg11[%add3A_1063, %add3A_1076, %and3A_1104] : memref<2x400x32xf32, #tpu.memory_space<vmem>>[vector<16xi32>, vector<16xi32>, vector<16xi32>], vector<16xf32>,
        %sub3A_1107 = arith.subf %gather3A_1105, %gather3A_1106 : vector<16xf32>
        %mul3A_1108 = arith.mulf %sub3A_1107, %sub3A_1107 : vector<16xf32>
        %add3A_1109 = arith.addf %add3A_1098, %mul3A_1108 : vector<16xf32>
        %add3A_1110 = arith.constant 3 : i32
        %add3A_1111 = vector.broadcast %add3A_1110 : i32 to vector<16xi32>
        %add3A_1112 = arith.addi %iota3A_1064, %add3A_1111 : vector<16xi32>
        %and3A_1113 = arith.constant 31 : i32
        %and3A_1114 = vector.broadcast %and3A_1113 : i32 to vector<16xi32>
        %and3A_1115 = arith.andi %add3A_1112, %and3A_1114 : vector<16xi32>
        %gather3A_1116 = tpu.vector_load_idx %arg10[%add3A_1063, %add3A_1076, %and3A_1115] : memref<2x400x32xf32, #tpu.memory_space<vmem>>[vector<16xi32>, vector<16xi32>, vector<16xi32>], vector<16xf32>,
        %gather3A_1117 = tpu.vector_load_idx %arg11[%add3A_1063, %add3A_1076, %and3A_1115] : memref<2x400x32xf32, #tpu.memory_space<vmem>>[vector<16xi32>, vector<16xi32>, vector<16xi32>], vector<16xf32>,
        %sub3A_1118 = arith.subf %gather3A_1116, %gather3A_1117 : vector<16xf32>
        %mul3A_1119 = arith.mulf %sub3A_1118, %sub3A_1118 : vector<16xf32>
        %add3A_1120 = arith.addf %add3A_1109, %mul3A_1119 : vector<16xf32>
        %add3A_1121 = arith.constant 4 : i32
        %add3A_1122 = vector.broadcast %add3A_1121 : i32 to vector<16xi32>
        %add3A_1123 = arith.addi %iota3A_1064, %add3A_1122 : vector<16xi32>
        %and3A_1124 = arith.constant 31 : i32
        %and3A_1125 = vector.broadcast %and3A_1124 : i32 to vector<16xi32>
        %and3A_1126 = arith.andi %add3A_1123, %and3A_1125 : vector<16xi32>
        %gather3A_1127 = tpu.vector_load_idx %arg10[%add3A_1063, %add3A_1076, %and3A_1126] : memref<2x400x32xf32, #tpu.memory_space<vmem>>[vector<16xi32>, vector<16xi32>, vector<16xi32>], vector<16xf32>,
        %gather3A_1128 = tpu.vector_load_idx %arg11[%add3A_1063, %add3A_1076, %and3A_1126] : memref<2x400x32xf32, #tpu.memory_space<vmem>>[vector<16xi32>, vector<16xi32>, vector<16xi32>], vector<16xf32>,
        %sub3A_1129 = arith.subf %gather3A_1127, %gather3A_1128 : vector<16xf32>
        %mul3A_1130 = arith.mulf %sub3A_1129, %sub3A_1129 : vector<16xf32>
        %add3A_1131 = arith.addf %add3A_1120, %mul3A_1130 : vector<16xf32>
        %add3A_1132 = arith.constant 5 : i32
        %add3A_1133 = vector.broadcast %add3A_1132 : i32 to vector<16xi32>
        %add3A_1134 = arith.addi %iota3A_1064, %add3A_1133 : vector<16xi32>
        %and3A_1135 = arith.constant 31 : i32
        %and3A_1136 = vector.broadcast %and3A_1135 : i32 to vector<16xi32>
        %and3A_1137 = arith.andi %add3A_1134, %and3A_1136 : vector<16xi32>
        %gather3A_1138 = tpu.vector_load_idx %arg10[%add3A_1063, %add3A_1076, %and3A_1137] : memref<2x400x32xf32, #tpu.memory_space<vmem>>[vector<16xi32>, vector<16xi32>, vector<16xi32>], vector<16xf32>,
        %gather3A_1139 = tpu.vector_load_idx %arg11[%add3A_1063, %add3A_1076, %and3A_1137] : memref<2x400x32xf32, #tpu.memory_space<vmem>>[vector<16xi32>, vector<16xi32>, vector<16xi32>], vector<16xf32>,
        %sub3A_1140 = arith.subf %gather3A_1138, %gather3A_1139 : vector<16xf32>
        %mul3A_1141 = arith.mulf %sub3A_1140, %sub3A_1140 : vector<16xf32>
        %add3A_1142 = arith.addf %add3A_1131, %mul3A_1141 : vector<16xf32>
        %add3A_1143 = arith.constant 6 : i32
        %add3A_1144 = vector.broadcast %add3A_1143 : i32 to vector<16xi32>
        %add3A_1145 = arith.addi %iota3A_1064, %add3A_1144 : vector<16xi32>
        %and3A_1146 = arith.constant 31 : i32
        %and3A_1147 = vector.broadcast %and3A_1146 : i32 to vector<16xi32>
        %and3A_1148 = arith.andi %add3A_1145, %and3A_1147 : vector<16xi32>
        %gather3A_1149 = tpu.vector_load_idx %arg10[%add3A_1063, %add3A_1076, %and3A_1148] : memref<2x400x32xf32, #tpu.memory_space<vmem>>[vector<16xi32>, vector<16xi32>, vector<16xi32>], vector<16xf32>,
        %gather3A_1150 = tpu.vector_load_idx %arg11[%add3A_1063, %add3A_1076, %and3A_1148] : memref<2x400x32xf32, #tpu.memory_space<vmem>>[vector<16xi32>, vector<16xi32>, vector<16xi32>], vector<16xf32>,
        %sub3A_1151 = arith.subf %gather3A_1149, %gather3A_1150 : vector<16xf32>
        %mul3A_1152 = arith.mulf %sub3A_1151, %sub3A_1151 : vector<16xf32>
        %add3A_1153 = arith.addf %add3A_1142, %mul3A_1152 : vector<16xf32>
        %add3A_1154 = arith.constant 7 : i32
        %add3A_1155 = vector.broadcast %add3A_1154 : i32 to vector<16xi32>
        %add3A_1156 = arith.addi %iota3A_1064, %add3A_1155 : vector<16xi32>
        %and3A_1157 = arith.constant 31 : i32
        %and3A_1158 = vector.broadcast %and3A_1157 : i32 to vector<16xi32>
        %and3A_1159 = arith.andi %add3A_1156, %and3A_1158 : vector<16xi32>
        %gather3A_1160 = tpu.vector_load_idx %arg10[%add3A_1063, %add3A_1076, %and3A_1159] : memref<2x400x32xf32, #tpu.memory_space<vmem>>[vector<16xi32>, vector<16xi32>, vector<16xi32>], vector<16xf32>,
        %gather3A_1161 = tpu.vector_load_idx %arg11[%add3A_1063, %add3A_1076, %and3A_1159] : memref<2x400x32xf32, #tpu.memory_space<vmem>>[vector<16xi32>, vector<16xi32>, vector<16xi32>], vector<16xf32>,
        %sub3A_1162 = arith.subf %gather3A_1160, %gather3A_1161 : vector<16xf32>
        %mul3A_1163 = arith.mulf %sub3A_1162, %sub3A_1162 : vector<16xf32>
        %add3A_1164 = arith.addf %add3A_1153, %mul3A_1163 : vector<16xf32>
        %add3A_1165 = arith.constant 8 : i32
        %add3A_1166 = vector.broadcast %add3A_1165 : i32 to vector<16xi32>
        %add3A_1167 = arith.addi %iota3A_1064, %add3A_1166 : vector<16xi32>
        %and3A_1168 = arith.constant 31 : i32
        %and3A_1169 = vector.broadcast %and3A_1168 : i32 to vector<16xi32>
        %and3A_1170 = arith.andi %add3A_1167, %and3A_1169 : vector<16xi32>
        %gather3A_1171 = tpu.vector_load_idx %arg10[%add3A_1063, %add3A_1076, %and3A_1170] : memref<2x400x32xf32, #tpu.memory_space<vmem>>[vector<16xi32>, vector<16xi32>, vector<16xi32>], vector<16xf32>,
        %gather3A_1172 = tpu.vector_load_idx %arg11[%add3A_1063, %add3A_1076, %and3A_1170] : memref<2x400x32xf32, #tpu.memory_space<vmem>>[vector<16xi32>, vector<16xi32>, vector<16xi32>], vector<16xf32>,
        %sub3A_1173 = arith.subf %gather3A_1171, %gather3A_1172 : vector<16xf32>
        %mul3A_1174 = arith.mulf %sub3A_1173, %sub3A_1173 : vector<16xf32>
        %add3A_1175 = arith.addf %add3A_1164, %mul3A_1174 : vector<16xf32>
        %add3A_1176 = arith.constant 9 : i32
        %add3A_1177 = vector.broadcast %add3A_1176 : i32 to vector<16xi32>
        %add3A_1178 = arith.addi %iota3A_1064, %add3A_1177 : vector<16xi32>
        %and3A_1179 = arith.constant 31 : i32
        %and3A_1180 = vector.broadcast %and3A_1179 : i32 to vector<16xi32>
        %and3A_1181 = arith.andi %add3A_1178, %and3A_1180 : vector<16xi32>
        %gather3A_1182 = tpu.vector_load_idx %arg10[%add3A_1063, %add3A_1076, %and3A_1181] : memref<2x400x32xf32, #tpu.memory_space<vmem>>[vector<16xi32>, vector<16xi32>, vector<16xi32>], vector<16xf32>,
        %gather3A_1183 = tpu.vector_load_idx %arg11[%add3A_1063, %add3A_1076, %and3A_1181] : memref<2x400x32xf32, #tpu.memory_space<vmem>>[vector<16xi32>, vector<16xi32>, vector<16xi32>], vector<16xf32>,
        %sub3A_1184 = arith.subf %gather3A_1182, %gather3A_1183 : vector<16xf32>
        %mul3A_1185 = arith.mulf %sub3A_1184, %sub3A_1184 : vector<16xf32>
        %add3A_1186 = arith.addf %add3A_1175, %mul3A_1185 : vector<16xf32>
        %add3A_1187 = arith.constant 10 : i32
        %add3A_1188 = vector.broadcast %add3A_1187 : i32 to vector<16xi32>
        %add3A_1189 = arith.addi %iota3A_1064, %add3A_1188 : vector<16xi32>
        %and3A_1190 = arith.constant 31 : i32
        %and3A_1191 = vector.broadcast %and3A_1190 : i32 to vector<16xi32>
        %and3A_1192 = arith.andi %add3A_1189, %and3A_1191 : vector<16xi32>
        %gather3A_1193 = tpu.vector_load_idx %arg10[%add3A_1063, %add3A_1076, %and3A_1192] : memref<2x400x32xf32, #tpu.memory_space<vmem>>[vector<16xi32>, vector<16xi32>, vector<16xi32>], vector<16xf32>,
        %gather3A_1194 = tpu.vector_load_idx %arg11[%add3A_1063, %add3A_1076, %and3A_1192] : memref<2x400x32xf32, #tpu.memory_space<vmem>>[vector<16xi32>, vector<16xi32>, vector<16xi32>], vector<16xf32>,
        %sub3A_1195 = arith.subf %gather3A_1193, %gather3A_1194 : vector<16xf32>
        %mul3A_1196 = arith.mulf %sub3A_1195, %sub3A_1195 : vector<16xf32>
        %add3A_1197 = arith.addf %add3A_1186, %mul3A_1196 : vector<16xf32>
        %add3A_1198 = arith.constant 11 : i32
        %add3A_1199 = vector.broadcast %add3A_1198 : i32 to vector<16xi32>
        %add3A_1200 = arith.addi %iota3A_1064, %add3A_1199 : vector<16xi32>
        %and3A_1201 = arith.constant 31 : i32
        %and3A_1202 = vector.broadcast %and3A_1201 : i32 to vector<16xi32>
        %and3A_1203 = arith.andi %add3A_1200, %and3A_1202 : vector<16xi32>
        %gather3A_1204 = tpu.vector_load_idx %arg10[%add3A_1063, %add3A_1076, %and3A_1203] : memref<2x400x32xf32, #tpu.memory_space<vmem>>[vector<16xi32>, vector<16xi32>, vector<16xi32>], vector<16xf32>,
        %gather3A_1205 = tpu.vector_load_idx %arg11[%add3A_1063, %add3A_1076, %and3A_1203] : memref<2x400x32xf32, #tpu.memory_space<vmem>>[vector<16xi32>, vector<16xi32>, vector<16xi32>], vector<16xf32>,
        %sub3A_1206 = arith.subf %gather3A_1204, %gather3A_1205 : vector<16xf32>
        %mul3A_1207 = arith.mulf %sub3A_1206, %sub3A_1206 : vector<16xf32>
        %add3A_1208 = arith.addf %add3A_1197, %mul3A_1207 : vector<16xf32>
        %add3A_1209 = arith.constant 12 : i32
        %add3A_1210 = vector.broadcast %add3A_1209 : i32 to vector<16xi32>
        %add3A_1211 = arith.addi %iota3A_1064, %add3A_1210 : vector<16xi32>
        %and3A_1212 = arith.constant 31 : i32
        %and3A_1213 = vector.broadcast %and3A_1212 : i32 to vector<16xi32>
        %and3A_1214 = arith.andi %add3A_1211, %and3A_1213 : vector<16xi32>
        %gather3A_1215 = tpu.vector_load_idx %arg10[%add3A_1063, %add3A_1076, %and3A_1214] : memref<2x400x32xf32, #tpu.memory_space<vmem>>[vector<16xi32>, vector<16xi32>, vector<16xi32>], vector<16xf32>,
        %gather3A_1216 = tpu.vector_load_idx %arg11[%add3A_1063, %add3A_1076, %and3A_1214] : memref<2x400x32xf32, #tpu.memory_space<vmem>>[vector<16xi32>, vector<16xi32>, vector<16xi32>], vector<16xf32>,
        %sub3A_1217 = arith.subf %gather3A_1215, %gather3A_1216 : vector<16xf32>
        %mul3A_1218 = arith.mulf %sub3A_1217, %sub3A_1217 : vector<16xf32>
        %add3A_1219 = arith.addf %add3A_1208, %mul3A_1218 : vector<16xf32>
        %add3A_1220 = arith.constant 13 : i32
        %add3A_1221 = vector.broadcast %add3A_1220 : i32 to vector<16xi32>
        %add3A_1222 = arith.addi %iota3A_1064, %add3A_1221 : vector<16xi32>
        %and3A_1223 = arith.constant 31 : i32
        %and3A_1224 = vector.broadcast %and3A_1223 : i32 to vector<16xi32>
        %and3A_1225 = arith.andi %add3A_1222, %and3A_1224 : vector<16xi32>
        %gather3A_1226 = tpu.vector_load_idx %arg10[%add3A_1063, %add3A_1076, %and3A_1225] : memref<2x400x32xf32, #tpu.memory_space<vmem>>[vector<16xi32>, vector<16xi32>, vector<16xi32>], vector<16xf32>,
        %gather3A_1227 = tpu.vector_load_idx %arg11[%add3A_1063, %add3A_1076, %and3A_1225] : memref<2x400x32xf32, #tpu.memory_space<vmem>>[vector<16xi32>, vector<16xi32>, vector<16xi32>], vector<16xf32>,
        %sub3A_1228 = arith.subf %gather3A_1226, %gather3A_1227 : vector<16xf32>
        %mul3A_1229 = arith.mulf %sub3A_1228, %sub3A_1228 : vector<16xf32>
        %add3A_1230 = arith.addf %add3A_1219, %mul3A_1229 : vector<16xf32>
        %add3A_1231 = arith.constant 14 : i32
        %add3A_1232 = vector.broadcast %add3A_1231 : i32 to vector<16xi32>
        %add3A_1233 = arith.addi %iota3A_1064, %add3A_1232 : vector<16xi32>
        %and3A_1234 = arith.constant 31 : i32
        %and3A_1235 = vector.broadcast %and3A_1234 : i32 to vector<16xi32>
        %and3A_1236 = arith.andi %add3A_1233, %and3A_1235 : vector<16xi32>
        %gather3A_1237 = tpu.vector_load_idx %arg10[%add3A_1063, %add3A_1076, %and3A_1236] : memref<2x400x32xf32, #tpu.memory_space<vmem>>[vector<16xi32>, vector<16xi32>, vector<16xi32>], vector<16xf32>,
        %gather3A_1238 = tpu.vector_load_idx %arg11[%add3A_1063, %add3A_1076, %and3A_1236] : memref<2x400x32xf32, #tpu.memory_space<vmem>>[vector<16xi32>, vector<16xi32>, vector<16xi32>], vector<16xf32>,
        %sub3A_1239 = arith.subf %gather3A_1237, %gather3A_1238 : vector<16xf32>
        %mul3A_1240 = arith.mulf %sub3A_1239, %sub3A_1239 : vector<16xf32>
        %add3A_1241 = arith.addf %add3A_1230, %mul3A_1240 : vector<16xf32>
        %add3A_1242 = arith.constant 15 : i32
        %add3A_1243 = vector.broadcast %add3A_1242 : i32 to vector<16xi32>
        %add3A_1244 = arith.addi %iota3A_1064, %add3A_1243 : vector<16xi32>
        %and3A_1245 = arith.constant 31 : i32
        %and3A_1246 = vector.broadcast %and3A_1245 : i32 to vector<16xi32>
        %and3A_1247 = arith.andi %add3A_1244, %and3A_1246 : vector<16xi32>
        %gather3A_1248 = tpu.vector_load_idx %arg10[%add3A_1063, %add3A_1076, %and3A_1247] : memref<2x400x32xf32, #tpu.memory_space<vmem>>[vector<16xi32>, vector<16xi32>, vector<16xi32>], vector<16xf32>,
        %gather3A_1249 = tpu.vector_load_idx %arg11[%add3A_1063, %add3A_1076, %and3A_1247] : memref<2x400x32xf32, #tpu.memory_space<vmem>>[vector<16xi32>, vector<16xi32>, vector<16xi32>], vector<16xf32>,
        %sub3A_1250 = arith.subf %gather3A_1248, %gather3A_1249 : vector<16xf32>
        %mul3A_1251 = arith.mulf %sub3A_1250, %sub3A_1250 : vector<16xf32>
        %add3A_1252 = arith.addf %add3A_1241, %mul3A_1251 : vector<16xf32>
        %add3A_1253 = arith.constant 16 : i32
        %add3A_1254 = vector.broadcast %add3A_1253 : i32 to vector<16xi32>
        %add3A_1255 = arith.addi %iota3A_1064, %add3A_1254 : vector<16xi32>
        %and3A_1256 = arith.constant 31 : i32
        %and3A_1257 = vector.broadcast %and3A_1256 : i32 to vector<16xi32>
        %and3A_1258 = arith.andi %add3A_1255, %and3A_1257 : vector<16xi32>
        %gather3A_1259 = tpu.vector_load_idx %arg10[%add3A_1063, %add3A_1076, %and3A_1258] : memref<2x400x32xf32, #tpu.memory_space<vmem>>[vector<16xi32>, vector<16xi32>, vector<16xi32>], vector<16xf32>,
        %gather3A_1260 = tpu.vector_load_idx %arg11[%add3A_1063, %add3A_1076, %and3A_1258] : memref<2x400x32xf32, #tpu.memory_space<vmem>>[vector<16xi32>, vector<16xi32>, vector<16xi32>], vector<16xf32>,
        %sub3A_1261 = arith.subf %gather3A_1259, %gather3A_1260 : vector<16xf32>
        %mul3A_1262 = arith.mulf %sub3A_1261, %sub3A_1261 : vector<16xf32>
        %add3A_1263 = arith.addf %add3A_1252, %mul3A_1262 : vector<16xf32>
        %add3A_1264 = arith.constant 17 : i32
        %add3A_1265 = vector.broadcast %add3A_1264 : i32 to vector<16xi32>
        %add3A_1266 = arith.addi %iota3A_1064, %add3A_1265 : vector<16xi32>
        %and3A_1267 = arith.constant 31 : i32
        %and3A_1268 = vector.broadcast %and3A_1267 : i32 to vector<16xi32>
        %and3A_1269 = arith.andi %add3A_1266, %and3A_1268 : vector<16xi32>
        %gather3A_1270 = tpu.vector_load_idx %arg10[%add3A_1063, %add3A_1076, %and3A_1269] : memref<2x400x32xf32, #tpu.memory_space<vmem>>[vector<16xi32>, vector<16xi32>, vector<16xi32>], vector<16xf32>,
        %gather3A_1271 = tpu.vector_load_idx %arg11[%add3A_1063, %add3A_1076, %and3A_1269] : memref<2x400x32xf32, #tpu.memory_space<vmem>>[vector<16xi32>, vector<16xi32>, vector<16xi32>], vector<16xf32>,
        %sub3A_1272 = arith.subf %gather3A_1270, %gather3A_1271 : vector<16xf32>
        %mul3A_1273 = arith.mulf %sub3A_1272, %sub3A_1272 : vector<16xf32>
        %add3A_1274 = arith.addf %add3A_1263, %mul3A_1273 : vector<16xf32>
        %add3A_1275 = arith.constant 18 : i32
        %add3A_1276 = vector.broadcast %add3A_1275 : i32 to vector<16xi32>
        %add3A_1277 = arith.addi %iota3A_1064, %add3A_1276 : vector<16xi32>
        %and3A_1278 = arith.constant 31 : i32
        %and3A_1279 = vector.broadcast %and3A_1278 : i32 to vector<16xi32>
        %and3A_1280 = arith.andi %add3A_1277, %and3A_1279 : vector<16xi32>
        %gather3A_1281 = tpu.vector_load_idx %arg10[%add3A_1063, %add3A_1076, %and3A_1280] : memref<2x400x32xf32, #tpu.memory_space<vmem>>[vector<16xi32>, vector<16xi32>, vector<16xi32>], vector<16xf32>,
        %gather3A_1282 = tpu.vector_load_idx %arg11[%add3A_1063, %add3A_1076, %and3A_1280] : memref<2x400x32xf32, #tpu.memory_space<vmem>>[vector<16xi32>, vector<16xi32>, vector<16xi32>], vector<16xf32>,
        %sub3A_1283 = arith.subf %gather3A_1281, %gather3A_1282 : vector<16xf32>
        %mul3A_1284 = arith.mulf %sub3A_1283, %sub3A_1283 : vector<16xf32>
        %add3A_1285 = arith.addf %add3A_1274, %mul3A_1284 : vector<16xf32>
        %add3A_1286 = arith.constant 19 : i32
        %add3A_1287 = vector.broadcast %add3A_1286 : i32 to vector<16xi32>
        %add3A_1288 = arith.addi %iota3A_1064, %add3A_1287 : vector<16xi32>
        %and3A_1289 = arith.constant 31 : i32
        %and3A_1290 = vector.broadcast %and3A_1289 : i32 to vector<16xi32>
        %and3A_1291 = arith.andi %add3A_1288, %and3A_1290 : vector<16xi32>
        %gather3A_1292 = tpu.vector_load_idx %arg10[%add3A_1063, %add3A_1076, %and3A_1291] : memref<2x400x32xf32, #tpu.memory_space<vmem>>[vector<16xi32>, vector<16xi32>, vector<16xi32>], vector<16xf32>,
        %gather3A_1293 = tpu.vector_load_idx %arg11[%add3A_1063, %add3A_1076, %and3A_1291] : memref<2x400x32xf32, #tpu.memory_space<vmem>>[vector<16xi32>, vector<16xi32>, vector<16xi32>], vector<16xf32>,
        %sub3A_1294 = arith.subf %gather3A_1292, %gather3A_1293 : vector<16xf32>
        %mul3A_1295 = arith.mulf %sub3A_1294, %sub3A_1294 : vector<16xf32>
        %add3A_1296 = arith.addf %add3A_1285, %mul3A_1295 : vector<16xf32>
        %add3A_1297 = arith.constant 20 : i32
        %add3A_1298 = vector.broadcast %add3A_1297 : i32 to vector<16xi32>
        %add3A_1299 = arith.addi %iota3A_1064, %add3A_1298 : vector<16xi32>
        %and3A_1300 = arith.constant 31 : i32
        %and3A_1301 = vector.broadcast %and3A_1300 : i32 to vector<16xi32>
        %and3A_1302 = arith.andi %add3A_1299, %and3A_1301 : vector<16xi32>
        %gather3A_1303 = tpu.vector_load_idx %arg10[%add3A_1063, %add3A_1076, %and3A_1302] : memref<2x400x32xf32, #tpu.memory_space<vmem>>[vector<16xi32>, vector<16xi32>, vector<16xi32>], vector<16xf32>,
        %gather3A_1304 = tpu.vector_load_idx %arg11[%add3A_1063, %add3A_1076, %and3A_1302] : memref<2x400x32xf32, #tpu.memory_space<vmem>>[vector<16xi32>, vector<16xi32>, vector<16xi32>], vector<16xf32>,
        %sub3A_1305 = arith.subf %gather3A_1303, %gather3A_1304 : vector<16xf32>
        %mul3A_1306 = arith.mulf %sub3A_1305, %sub3A_1305 : vector<16xf32>
        %add3A_1307 = arith.addf %add3A_1296, %mul3A_1306 : vector<16xf32>
        %add3A_1308 = arith.constant 21 : i32
        %add3A_1309 = vector.broadcast %add3A_1308 : i32 to vector<16xi32>
        %add3A_1310 = arith.addi %iota3A_1064, %add3A_1309 : vector<16xi32>
        %and3A_1311 = arith.constant 31 : i32
        %and3A_1312 = vector.broadcast %and3A_1311 : i32 to vector<16xi32>
        %and3A_1313 = arith.andi %add3A_1310, %and3A_1312 : vector<16xi32>
        %gather3A_1314 = tpu.vector_load_idx %arg10[%add3A_1063, %add3A_1076, %and3A_1313] : memref<2x400x32xf32, #tpu.memory_space<vmem>>[vector<16xi32>, vector<16xi32>, vector<16xi32>], vector<16xf32>,
        %gather3A_1315 = tpu.vector_load_idx %arg11[%add3A_1063, %add3A_1076, %and3A_1313] : memref<2x400x32xf32, #tpu.memory_space<vmem>>[vector<16xi32>, vector<16xi32>, vector<16xi32>], vector<16xf32>,
        %sub3A_1316 = arith.subf %gather3A_1314, %gather3A_1315 : vector<16xf32>
        %mul3A_1317 = arith.mulf %sub3A_1316, %sub3A_1316 : vector<16xf32>
        %add3A_1318 = arith.addf %add3A_1307, %mul3A_1317 : vector<16xf32>
        %add3A_1319 = arith.constant 22 : i32
        %add3A_1320 = vector.broadcast %add3A_1319 : i32 to vector<16xi32>
        %add3A_1321 = arith.addi %iota3A_1064, %add3A_1320 : vector<16xi32>
        %and3A_1322 = arith.constant 31 : i32
        %and3A_1323 = vector.broadcast %and3A_1322 : i32 to vector<16xi32>
        %and3A_1324 = arith.andi %add3A_1321, %and3A_1323 : vector<16xi32>
        %gather3A_1325 = tpu.vector_load_idx %arg10[%add3A_1063, %add3A_1076, %and3A_1324] : memref<2x400x32xf32, #tpu.memory_space<vmem>>[vector<16xi32>, vector<16xi32>, vector<16xi32>], vector<16xf32>,
        %gather3A_1326 = tpu.vector_load_idx %arg11[%add3A_1063, %add3A_1076, %and3A_1324] : memref<2x400x32xf32, #tpu.memory_space<vmem>>[vector<16xi32>, vector<16xi32>, vector<16xi32>], vector<16xf32>,
        %sub3A_1327 = arith.subf %gather3A_1325, %gather3A_1326 : vector<16xf32>
        %mul3A_1328 = arith.mulf %sub3A_1327, %sub3A_1327 : vector<16xf32>
        %add3A_1329 = arith.addf %add3A_1318, %mul3A_1328 : vector<16xf32>
        %add3A_1330 = arith.constant 23 : i32
        %add3A_1331 = vector.broadcast %add3A_1330 : i32 to vector<16xi32>
        %add3A_1332 = arith.addi %iota3A_1064, %add3A_1331 : vector<16xi32>
        %and3A_1333 = arith.constant 31 : i32
        %and3A_1334 = vector.broadcast %and3A_1333 : i32 to vector<16xi32>
        %and3A_1335 = arith.andi %add3A_1332, %and3A_1334 : vector<16xi32>
        %gather3A_1336 = tpu.vector_load_idx %arg10[%add3A_1063, %add3A_1076, %and3A_1335] : memref<2x400x32xf32, #tpu.memory_space<vmem>>[vector<16xi32>, vector<16xi32>, vector<16xi32>], vector<16xf32>,
        %gather3A_1337 = tpu.vector_load_idx %arg11[%add3A_1063, %add3A_1076, %and3A_1335] : memref<2x400x32xf32, #tpu.memory_space<vmem>>[vector<16xi32>, vector<16xi32>, vector<16xi32>], vector<16xf32>,
        %sub3A_1338 = arith.subf %gather3A_1336, %gather3A_1337 : vector<16xf32>
        %mul3A_1339 = arith.mulf %sub3A_1338, %sub3A_1338 : vector<16xf32>
        %add3A_1340 = arith.addf %add3A_1329, %mul3A_1339 : vector<16xf32>
        %add3A_1341 = arith.constant 24 : i32
        %add3A_1342 = vector.broadcast %add3A_1341 : i32 to vector<16xi32>
        %add3A_1343 = arith.addi %iota3A_1064, %add3A_1342 : vector<16xi32>
        %and3A_1344 = arith.constant 31 : i32
        %and3A_1345 = vector.broadcast %and3A_1344 : i32 to vector<16xi32>
        %and3A_1346 = arith.andi %add3A_1343, %and3A_1345 : vector<16xi32>
        %gather3A_1347 = tpu.vector_load_idx %arg10[%add3A_1063, %add3A_1076, %and3A_1346] : memref<2x400x32xf32, #tpu.memory_space<vmem>>[vector<16xi32>, vector<16xi32>, vector<16xi32>], vector<16xf32>,
        %gather3A_1348 = tpu.vector_load_idx %arg11[%add3A_1063, %add3A_1076, %and3A_1346] : memref<2x400x32xf32, #tpu.memory_space<vmem>>[vector<16xi32>, vector<16xi32>, vector<16xi32>], vector<16xf32>,
        %sub3A_1349 = arith.subf %gather3A_1347, %gather3A_1348 : vector<16xf32>
        %mul3A_1350 = arith.mulf %sub3A_1349, %sub3A_1349 : vector<16xf32>
        %add3A_1351 = arith.addf %add3A_1340, %mul3A_1350 : vector<16xf32>
        %add3A_1352 = arith.constant 25 : i32
        %add3A_1353 = vector.broadcast %add3A_1352 : i32 to vector<16xi32>
        %add3A_1354 = arith.addi %iota3A_1064, %add3A_1353 : vector<16xi32>
        %and3A_1355 = arith.constant 31 : i32
        %and3A_1356 = vector.broadcast %and3A_1355 : i32 to vector<16xi32>
        %and3A_1357 = arith.andi %add3A_1354, %and3A_1356 : vector<16xi32>
        %gather3A_1358 = tpu.vector_load_idx %arg10[%add3A_1063, %add3A_1076, %and3A_1357] : memref<2x400x32xf32, #tpu.memory_space<vmem>>[vector<16xi32>, vector<16xi32>, vector<16xi32>], vector<16xf32>,
        %gather3A_1359 = tpu.vector_load_idx %arg11[%add3A_1063, %add3A_1076, %and3A_1357] : memref<2x400x32xf32, #tpu.memory_space<vmem>>[vector<16xi32>, vector<16xi32>, vector<16xi32>], vector<16xf32>,
        %sub3A_1360 = arith.subf %gather3A_1358, %gather3A_1359 : vector<16xf32>
        %mul3A_1361 = arith.mulf %sub3A_1360, %sub3A_1360 : vector<16xf32>
        %add3A_1362 = arith.addf %add3A_1351, %mul3A_1361 : vector<16xf32>
        %add3A_1363 = arith.constant 26 : i32
        %add3A_1364 = vector.broadcast %add3A_1363 : i32 to vector<16xi32>
        %add3A_1365 = arith.addi %iota3A_1064, %add3A_1364 : vector<16xi32>
        %and3A_1366 = arith.constant 31 : i32
        %and3A_1367 = vector.broadcast %and3A_1366 : i32 to vector<16xi32>
        %and3A_1368 = arith.andi %add3A_1365, %and3A_1367 : vector<16xi32>
        %gather3A_1369 = tpu.vector_load_idx %arg10[%add3A_1063, %add3A_1076, %and3A_1368] : memref<2x400x32xf32, #tpu.memory_space<vmem>>[vector<16xi32>, vector<16xi32>, vector<16xi32>], vector<16xf32>,
        %gather3A_1370 = tpu.vector_load_idx %arg11[%add3A_1063, %add3A_1076, %and3A_1368] : memref<2x400x32xf32, #tpu.memory_space<vmem>>[vector<16xi32>, vector<16xi32>, vector<16xi32>], vector<16xf32>,
        %sub3A_1371 = arith.subf %gather3A_1369, %gather3A_1370 : vector<16xf32>
        %mul3A_1372 = arith.mulf %sub3A_1371, %sub3A_1371 : vector<16xf32>
        %add3A_1373 = arith.addf %add3A_1362, %mul3A_1372 : vector<16xf32>
        %add3A_1374 = arith.constant 27 : i32
        %add3A_1375 = vector.broadcast %add3A_1374 : i32 to vector<16xi32>
        %add3A_1376 = arith.addi %iota3A_1064, %add3A_1375 : vector<16xi32>
        %and3A_1377 = arith.constant 31 : i32
        %and3A_1378 = vector.broadcast %and3A_1377 : i32 to vector<16xi32>
        %and3A_1379 = arith.andi %add3A_1376, %and3A_1378 : vector<16xi32>
        %gather3A_1380 = tpu.vector_load_idx %arg10[%add3A_1063, %add3A_1076, %and3A_1379] : memref<2x400x32xf32, #tpu.memory_space<vmem>>[vector<16xi32>, vector<16xi32>, vector<16xi32>], vector<16xf32>,
        %gather3A_1381 = tpu.vector_load_idx %arg11[%add3A_1063, %add3A_1076, %and3A_1379] : memref<2x400x32xf32, #tpu.memory_space<vmem>>[vector<16xi32>, vector<16xi32>, vector<16xi32>], vector<16xf32>,
        %sub3A_1382 = arith.subf %gather3A_1380, %gather3A_1381 : vector<16xf32>
        %mul3A_1383 = arith.mulf %sub3A_1382, %sub3A_1382 : vector<16xf32>
        %add3A_1384 = arith.addf %add3A_1373, %mul3A_1383 : vector<16xf32>
        %add3A_1385 = arith.constant 28 : i32
        %add3A_1386 = vector.broadcast %add3A_1385 : i32 to vector<16xi32>
        %add3A_1387 = arith.addi %iota3A_1064, %add3A_1386 : vector<16xi32>
        %and3A_1388 = arith.constant 31 : i32
        %and3A_1389 = vector.broadcast %and3A_1388 : i32 to vector<16xi32>
        %and3A_1390 = arith.andi %add3A_1387, %and3A_1389 : vector<16xi32>
        %gather3A_1391 = tpu.vector_load_idx %arg10[%add3A_1063, %add3A_1076, %and3A_1390] : memref<2x400x32xf32, #tpu.memory_space<vmem>>[vector<16xi32>, vector<16xi32>, vector<16xi32>], vector<16xf32>,
        %gather3A_1392 = tpu.vector_load_idx %arg11[%add3A_1063, %add3A_1076, %and3A_1390] : memref<2x400x32xf32, #tpu.memory_space<vmem>>[vector<16xi32>, vector<16xi32>, vector<16xi32>], vector<16xf32>,
        %sub3A_1393 = arith.subf %gather3A_1391, %gather3A_1392 : vector<16xf32>
        %mul3A_1394 = arith.mulf %sub3A_1393, %sub3A_1393 : vector<16xf32>
        %add3A_1395 = arith.addf %add3A_1384, %mul3A_1394 : vector<16xf32>
        %add3A_1396 = arith.constant 29 : i32
        %add3A_1397 = vector.broadcast %add3A_1396 : i32 to vector<16xi32>
        %add3A_1398 = arith.addi %iota3A_1064, %add3A_1397 : vector<16xi32>
        %and3A_1399 = arith.constant 31 : i32
        %and3A_1400 = vector.broadcast %and3A_1399 : i32 to vector<16xi32>
        %and3A_1401 = arith.andi %add3A_1398, %and3A_1400 : vector<16xi32>
        %gather3A_1402 = tpu.vector_load_idx %arg10[%add3A_1063, %add3A_1076, %and3A_1401] : memref<2x400x32xf32, #tpu.memory_space<vmem>>[vector<16xi32>, vector<16xi32>, vector<16xi32>], vector<16xf32>,
        %gather3A_1403 = tpu.vector_load_idx %arg11[%add3A_1063, %add3A_1076, %and3A_1401] : memref<2x400x32xf32, #tpu.memory_space<vmem>>[vector<16xi32>, vector<16xi32>, vector<16xi32>], vector<16xf32>,
        %sub3A_1404 = arith.subf %gather3A_1402, %gather3A_1403 : vector<16xf32>
        %mul3A_1405 = arith.mulf %sub3A_1404, %sub3A_1404 : vector<16xf32>
        %add3A_1406 = arith.addf %add3A_1395, %mul3A_1405 : vector<16xf32>
        %add3A_1407 = arith.constant 30 : i32
        %add3A_1408 = vector.broadcast %add3A_1407 : i32 to vector<16xi32>
        %add3A_1409 = arith.addi %iota3A_1064, %add3A_1408 : vector<16xi32>
        %and3A_1410 = arith.constant 31 : i32
        %and3A_1411 = vector.broadcast %and3A_1410 : i32 to vector<16xi32>
        %and3A_1412 = arith.andi %add3A_1409, %and3A_1411 : vector<16xi32>
        %gather3A_1413 = tpu.vector_load_idx %arg10[%add3A_1063, %add3A_1076, %and3A_1412] : memref<2x400x32xf32, #tpu.memory_space<vmem>>[vector<16xi32>, vector<16xi32>, vector<16xi32>], vector<16xf32>,
        %gather3A_1414 = tpu.vector_load_idx %arg11[%add3A_1063, %add3A_1076, %and3A_1412] : memref<2x400x32xf32, #tpu.memory_space<vmem>>[vector<16xi32>, vector<16xi32>, vector<16xi32>], vector<16xf32>,
        %sub3A_1415 = arith.subf %gather3A_1413, %gather3A_1414 : vector<16xf32>
        %mul3A_1416 = arith.mulf %sub3A_1415, %sub3A_1415 : vector<16xf32>
        %add3A_1417 = arith.addf %add3A_1406, %mul3A_1416 : vector<16xf32>
        %add3A_1418 = arith.constant 31 : i32
        %add3A_1419 = vector.broadcast %add3A_1418 : i32 to vector<16xi32>
        %add3A_1420 = arith.addi %iota3A_1064, %add3A_1419 : vector<16xi32>
        %and3A_1421 = arith.constant 31 : i32
        %and3A_1422 = vector.broadcast %and3A_1421 : i32 to vector<16xi32>
        %and3A_1423 = arith.andi %add3A_1420, %and3A_1422 : vector<16xi32>
        %gather3A_1424 = tpu.vector_load_idx %arg10[%add3A_1063, %add3A_1076, %and3A_1423] : memref<2x400x32xf32, #tpu.memory_space<vmem>>[vector<16xi32>, vector<16xi32>, vector<16xi32>], vector<16xf32>,
        %gather3A_1425 = tpu.vector_load_idx %arg11[%add3A_1063, %add3A_1076, %and3A_1423] : memref<2x400x32xf32, #tpu.memory_space<vmem>>[vector<16xi32>, vector<16xi32>, vector<16xi32>], vector<16xf32>,
        %sub3A_1426 = arith.subf %gather3A_1424, %gather3A_1425 : vector<16xf32>
        %mul3A_1427 = arith.mulf %sub3A_1426, %sub3A_1426 : vector<16xf32>
        %add3A_1428 = arith.addf %add3A_1417, %mul3A_1427 : vector<16xf32>
        %max3A = arith.constant 1.000000e-30 : f32
        %max3A_1429 = vector.broadcast %max3A : f32 to vector<16xf32>
        %max3A_1430 = arith.maximumf %add3A_1428, %max3A_1429 : vector<16xf32>
        %bitcast3A = vector.bitcast %max3A_1430 : vector<16xf32> to vector<16xi32>
        %shift_right_logical3A = arith.constant 1 : i32
        %shift_right_logical3A_1431 = vector.broadcast %shift_right_logical3A : i32 to vector<16xi32>
        %shift_right_logical3A_1432 = arith.shrui %bitcast3A, %shift_right_logical3A_1431 : vector<16xi32>
        %sub3A_1433 = arith.constant 1597463007 : i32
        %sub3A_1434 = vector.broadcast %sub3A_1433 : i32 to vector<16xi32>
        %sub3A_1435 = arith.subi %sub3A_1434, %shift_right_logical3A_1432 : vector<16xi32>
        %bitcast3A_1436 = vector.bitcast %sub3A_1435 : vector<16xi32> to vector<16xf32>
        %mul3A_1437 = arith.constant 5.000000e-01 : f32
        %mul3A_1438 = vector.broadcast %mul3A_1437 : f32 to vector<16xf32>
        %mul3A_1439 = arith.mulf %max3A_1430, %mul3A_1438 : vector<16xf32>
        %mul3A_1440 = arith.mulf %mul3A_1439, %bitcast3A_1436 : vector<16xf32>
        %mul3A_1441 = arith.mulf %mul3A_1440, %bitcast3A_1436 : vector<16xf32>
        %sub3A_1442 = arith.constant 1.500000e+00 : f32
        %sub3A_1443 = vector.broadcast %sub3A_1442 : f32 to vector<16xf32>
        %sub3A_1444 = arith.subf %sub3A_1443, %mul3A_1441 : vector<16xf32>
        %mul3A_1445 = arith.mulf %bitcast3A_1436, %sub3A_1444 : vector<16xf32>
        %mul3A_1446 = arith.mulf %mul3A_1439, %mul3A_1445 : vector<16xf32>
        %mul3A_1447 = arith.mulf %mul3A_1446, %mul3A_1445 : vector<16xf32>
        %sub3A_1448 = arith.constant 1.500000e+00 : f32
        %sub3A_1449 = vector.broadcast %sub3A_1448 : f32 to vector<16xf32>
        %sub3A_1450 = arith.subf %sub3A_1449, %mul3A_1447 : vector<16xf32>
        %mul3A_1451 = arith.mulf %mul3A_1445, %sub3A_1450 : vector<16xf32>
        %mul3A_1452 = arith.mulf %mul3A_1439, %mul3A_1451 : vector<16xf32>
        %mul3A_1453 = arith.mulf %mul3A_1452, %mul3A_1451 : vector<16xf32>
        %sub3A_1454 = arith.constant 1.500000e+00 : f32
        %sub3A_1455 = vector.broadcast %sub3A_1454 : f32 to vector<16xf32>
        %sub3A_1456 = arith.subf %sub3A_1455, %mul3A_1453 : vector<16xf32>
        %mul3A_1457 = arith.mulf %mul3A_1451, %sub3A_1456 : vector<16xf32>
        %gt3A = arith.constant 1.000000e-30 : f32
        %gt3A_1458 = vector.broadcast %gt3A : f32 to vector<16xf32>
        %gt3A_1459 = arith.cmpf ogt, %add3A_1428, %gt3A_1458 : vector<16xf32>
        %mul3A_1460 = arith.mulf %max3A_1430, %mul3A_1457 : vector<16xf32>
        %jit3A = arith.constant 0.000000e+00 : f32
        %broadcast_in_dim3A_1461 = vector.broadcast %jit3A : f32 to vector<16xf32>
        %select_n3A = arith.select %gt3A_1459, %mul3A_1460, %broadcast_in_dim3A_1461 : vector<16xi1>, vector<16xf32>
        %mul3A_1462 = arith.constant 16 : i32
        %mul3A_1463 = arith.muli %scan3A_1071, %mul3A_1462 : i32
        %get3A = arith.index_cast %rem3A_755 : i32 to index
        %get3A_1464 = arith.index_cast %mul3A_1463 : i32 to index
        %get3A_1465 = tpu.vector_load %arg9[%get3A, %get3A_1464] {strides = array<i32>} : memref<2x400xf32, #tpu.memory_space<vmem>>, vector<16xf32>,
        %mul3A_1466 = arith.mulf %select_n3A, %get3A_1465 : vector<16xf32>
        %add3A_1467 = arith.addf %scan3A_1072, %mul3A_1466 : vector<16xf32>
        scf.yield %add3A_1467 : vector<16xf32>
      }
      %scan3A_1070 = arith.constant 25 : i32
      scf.yield %scan3A_1069 : vector<16xf32>
    }
    %scan3A_258 = arith.constant 123 : i32
    %add3A_259 = arith.constant 125 : i32
    %add3A_260 = arith.addi %mul3A_2, %add3A_259 : i32
    %sub3A = arith.constant 2 : i32
    %sub3A_261 = arith.subi %add3A_260, %sub3A : i32
    %add3A_262 = arith.constant 125 : i32
    %add3A_263 = arith.addi %mul3A_2, %add3A_262 : i32
    %sub3A_264 = arith.constant 1 : i32
    %sub3A_265 = arith.subi %add3A_263, %sub3A_264 : i32
    %mul3A_266 = arith.constant 400 : i32
    %mul3A_267 = arith.muli %sub3A_261, %mul3A_266 : i32
    %dma_wait3A_268 = arith.constant 1 : i32
    %dma_wait3A_269 = arith.constant 0 : i32
    %dma_wait3A_270 = arith.constant 1 : i32
    %dma_wait3A_271 = arith.constant 1 : i32
    %dma_wait3A_272 = arith.constant 0 : i32
    %dma_wait3A_273 = arith.constant 0 : i32
    %dma_wait3A_274 = tpu.memref_slice %arg10[%dma_wait3A_270, %dma_wait3A_272, %dma_wait3A_273] : memref<2x400x32xf32, #tpu.memory_space<vmem>> -> memref<1x100x32xf32, #tpu.memory_space<vmem>>
    %dma_wait3A_275 = tpu.memref_squeeze %dma_wait3A_274 : memref<1x100x32xf32, #tpu.memory_space<vmem>> -> memref<100x32xf32, #tpu.memory_space<vmem>>
    %dma_wait3A_276 = arith.constant 0 : i32
    %dma_wait3A_277 = tpu.memref_slice %arg7[%dma_wait3A_268, %dma_wait3A_269, %dma_wait3A_276] : memref<2x4x100xi32, #tpu.memory_space<vmem>> -> memref<1x1x100xi32, #tpu.memory_space<vmem>>
    %dma_wait3A_278 = tpu.memref_squeeze %dma_wait3A_277 : memref<1x1x100xi32, #tpu.memory_space<vmem>> -> memref<100xi32, #tpu.memory_space<vmem>>
    %dma_wait3A_279 = arith.constant 0 : i32
    %dma_wait3A_280 = arith.constant 0 : i32
    %dma_wait3A_281 = tpu.memref_slice %arg2[%dma_wait3A_279, %dma_wait3A_280] : memref<100000x32xf32, #tpu.memory_space<hbm>> -> memref<100000x32xf32, #tpu.memory_space<hbm>>
    %dma_wait3A_282 = tpu.memref_slice %arg14[%dma_wait3A_271] : memref<2x!tpu.dma_semaphore, #tpu.memory_space<semaphore_mem>> -> memref<1x!tpu.dma_semaphore, #tpu.memory_space<semaphore_mem>>
    %dma_wait3A_283 = tpu.memref_squeeze %dma_wait3A_282 : memref<1x!tpu.dma_semaphore, #tpu.memory_space<semaphore_mem>> -> memref<!tpu.dma_semaphore, #tpu.memory_space<semaphore_mem>>
    tpu.wait_indirect_dma semaphore(%dma_wait3A_283 : memref<!tpu.dma_semaphore, #tpu.memory_space<semaphore_mem>>) src(%dma_wait3A_281 : memref<100000x32xf32, #tpu.memory_space<hbm>>) dst(%dma_wait3A_275 : memref<100x32xf32, #tpu.memory_space<vmem>>)
    %dma_wait3A_284 = arith.constant 1 : i32
    %dma_wait3A_285 = arith.constant 0 : i32
    %dma_wait3A_286 = arith.constant 1 : i32
    %dma_wait3A_287 = arith.constant 1 : i32
    %dma_wait3A_288 = arith.constant 0 : i32
    %dma_wait3A_289 = arith.constant 0 : i32
    %dma_wait3A_290 = tpu.memref_slice %arg11[%dma_wait3A_286, %dma_wait3A_288, %dma_wait3A_289] : memref<2x400x32xf32, #tpu.memory_space<vmem>> -> memref<1x100x32xf32, #tpu.memory_space<vmem>>
    %dma_wait3A_291 = tpu.memref_squeeze %dma_wait3A_290 : memref<1x100x32xf32, #tpu.memory_space<vmem>> -> memref<100x32xf32, #tpu.memory_space<vmem>>
    %dma_wait3A_292 = arith.constant 0 : i32
    %dma_wait3A_293 = tpu.memref_slice %arg8[%dma_wait3A_284, %dma_wait3A_285, %dma_wait3A_292] : memref<2x4x100xi32, #tpu.memory_space<vmem>> -> memref<1x1x100xi32, #tpu.memory_space<vmem>>
    %dma_wait3A_294 = tpu.memref_squeeze %dma_wait3A_293 : memref<1x1x100xi32, #tpu.memory_space<vmem>> -> memref<100xi32, #tpu.memory_space<vmem>>
    %dma_wait3A_295 = arith.constant 0 : i32
    %dma_wait3A_296 = arith.constant 0 : i32
    %dma_wait3A_297 = tpu.memref_slice %arg2[%dma_wait3A_295, %dma_wait3A_296] : memref<100000x32xf32, #tpu.memory_space<hbm>> -> memref<100000x32xf32, #tpu.memory_space<hbm>>
    %dma_wait3A_298 = tpu.memref_slice %arg14[%dma_wait3A_287] : memref<2x!tpu.dma_semaphore, #tpu.memory_space<semaphore_mem>> -> memref<1x!tpu.dma_semaphore, #tpu.memory_space<semaphore_mem>>
    %dma_wait3A_299 = tpu.memref_squeeze %dma_wait3A_298 : memref<1x!tpu.dma_semaphore, #tpu.memory_space<semaphore_mem>> -> memref<!tpu.dma_semaphore, #tpu.memory_space<semaphore_mem>>
    tpu.wait_indirect_dma semaphore(%dma_wait3A_299 : memref<!tpu.dma_semaphore, #tpu.memory_space<semaphore_mem>>) src(%dma_wait3A_297 : memref<100000x32xf32, #tpu.memory_space<hbm>>) dst(%dma_wait3A_291 : memref<100x32xf32, #tpu.memory_space<vmem>>)
    %dma_wait3A_300 = arith.constant 1 : i32
    %dma_wait3A_301 = arith.constant 1 : i32
    %dma_wait3A_302 = arith.constant 1 : i32
    %dma_wait3A_303 = arith.constant 1 : i32
    %dma_wait3A_304 = arith.constant 100 : i32
    %dma_wait3A_305 = arith.constant 0 : i32
    %dma_wait3A_306 = tpu.memref_slice %arg10[%dma_wait3A_302, %dma_wait3A_304, %dma_wait3A_305] : memref<2x400x32xf32, #tpu.memory_space<vmem>> -> memref<1x100x32xf32, #tpu.memory_space<vmem>>
    %dma_wait3A_307 = tpu.memref_squeeze %dma_wait3A_306 : memref<1x100x32xf32, #tpu.memory_space<vmem>> -> memref<100x32xf32, #tpu.memory_space<vmem>>
    %dma_wait3A_308 = arith.constant 0 : i32
    %dma_wait3A_309 = tpu.memref_slice %arg7[%dma_wait3A_300, %dma_wait3A_301, %dma_wait3A_308] : memref<2x4x100xi32, #tpu.memory_space<vmem>> -> memref<1x1x100xi32, #tpu.memory_space<vmem>>
    %dma_wait3A_310 = tpu.memref_squeeze %dma_wait3A_309 : memref<1x1x100xi32, #tpu.memory_space<vmem>> -> memref<100xi32, #tpu.memory_space<vmem>>
    %dma_wait3A_311 = arith.constant 0 : i32
    %dma_wait3A_312 = arith.constant 0 : i32
    %dma_wait3A_313 = tpu.memref_slice %arg2[%dma_wait3A_311, %dma_wait3A_312] : memref<100000x32xf32, #tpu.memory_space<hbm>> -> memref<100000x32xf32, #tpu.memory_space<hbm>>
    %dma_wait3A_314 = tpu.memref_slice %arg14[%dma_wait3A_303] : memref<2x!tpu.dma_semaphore, #tpu.memory_space<semaphore_mem>> -> memref<1x!tpu.dma_semaphore, #tpu.memory_space<semaphore_mem>>
    %dma_wait3A_315 = tpu.memref_squeeze %dma_wait3A_314 : memref<1x!tpu.dma_semaphore, #tpu.memory_space<semaphore_mem>> -> memref<!tpu.dma_semaphore, #tpu.memory_space<semaphore_mem>>
    tpu.wait_indirect_dma semaphore(%dma_wait3A_315 : memref<!tpu.dma_semaphore, #tpu.memory_space<semaphore_mem>>) src(%dma_wait3A_313 : memref<100000x32xf32, #tpu.memory_space<hbm>>) dst(%dma_wait3A_307 : memref<100x32xf32, #tpu.memory_space<vmem>>)
    %dma_wait3A_316 = arith.constant 1 : i32
    %dma_wait3A_317 = arith.constant 1 : i32
    %dma_wait3A_318 = arith.constant 1 : i32
    %dma_wait3A_319 = arith.constant 1 : i32
    %dma_wait3A_320 = arith.constant 100 : i32
    %dma_wait3A_321 = arith.constant 0 : i32
    %dma_wait3A_322 = tpu.memref_slice %arg11[%dma_wait3A_318, %dma_wait3A_320, %dma_wait3A_321] : memref<2x400x32xf32, #tpu.memory_space<vmem>> -> memref<1x100x32xf32, #tpu.memory_space<vmem>>
    %dma_wait3A_323 = tpu.memref_squeeze %dma_wait3A_322 : memref<1x100x32xf32, #tpu.memory_space<vmem>> -> memref<100x32xf32, #tpu.memory_space<vmem>>
    %dma_wait3A_324 = arith.constant 0 : i32
    %dma_wait3A_325 = tpu.memref_slice %arg8[%dma_wait3A_316, %dma_wait3A_317, %dma_wait3A_324] : memref<2x4x100xi32, #tpu.memory_space<vmem>> -> memref<1x1x100xi32, #tpu.memory_space<vmem>>
    %dma_wait3A_326 = tpu.memref_squeeze %dma_wait3A_325 : memref<1x1x100xi32, #tpu.memory_space<vmem>> -> memref<100xi32, #tpu.memory_space<vmem>>
    %dma_wait3A_327 = arith.constant 0 : i32
    %dma_wait3A_328 = arith.constant 0 : i32
    %dma_wait3A_329 = tpu.memref_slice %arg2[%dma_wait3A_327, %dma_wait3A_328] : memref<100000x32xf32, #tpu.memory_space<hbm>> -> memref<100000x32xf32, #tpu.memory_space<hbm>>
    %dma_wait3A_330 = tpu.memref_slice %arg14[%dma_wait3A_319] : memref<2x!tpu.dma_semaphore, #tpu.memory_space<semaphore_mem>> -> memref<1x!tpu.dma_semaphore, #tpu.memory_space<semaphore_mem>>
    %dma_wait3A_331 = tpu.memref_squeeze %dma_wait3A_330 : memref<1x!tpu.dma_semaphore, #tpu.memory_space<semaphore_mem>> -> memref<!tpu.dma_semaphore, #tpu.memory_space<semaphore_mem>>
    tpu.wait_indirect_dma semaphore(%dma_wait3A_331 : memref<!tpu.dma_semaphore, #tpu.memory_space<semaphore_mem>>) src(%dma_wait3A_329 : memref<100000x32xf32, #tpu.memory_space<hbm>>) dst(%dma_wait3A_323 : memref<100x32xf32, #tpu.memory_space<vmem>>)
    %dma_wait3A_332 = arith.constant 1 : i32
    %dma_wait3A_333 = arith.constant 2 : i32
    %dma_wait3A_334 = arith.constant 1 : i32
    %dma_wait3A_335 = arith.constant 1 : i32
    %dma_wait3A_336 = arith.constant 200 : i32
    %dma_wait3A_337 = arith.constant 0 : i32
    %dma_wait3A_338 = tpu.memref_slice %arg10[%dma_wait3A_334, %dma_wait3A_336, %dma_wait3A_337] : memref<2x400x32xf32, #tpu.memory_space<vmem>> -> memref<1x100x32xf32, #tpu.memory_space<vmem>>
    %dma_wait3A_339 = tpu.memref_squeeze %dma_wait3A_338 : memref<1x100x32xf32, #tpu.memory_space<vmem>> -> memref<100x32xf32, #tpu.memory_space<vmem>>
    %dma_wait3A_340 = arith.constant 0 : i32
    %dma_wait3A_341 = tpu.memref_slice %arg7[%dma_wait3A_332, %dma_wait3A_333, %dma_wait3A_340] : memref<2x4x100xi32, #tpu.memory_space<vmem>> -> memref<1x1x100xi32, #tpu.memory_space<vmem>>
    %dma_wait3A_342 = tpu.memref_squeeze %dma_wait3A_341 : memref<1x1x100xi32, #tpu.memory_space<vmem>> -> memref<100xi32, #tpu.memory_space<vmem>>
    %dma_wait3A_343 = arith.constant 0 : i32
    %dma_wait3A_344 = arith.constant 0 : i32
    %dma_wait3A_345 = tpu.memref_slice %arg2[%dma_wait3A_343, %dma_wait3A_344] : memref<100000x32xf32, #tpu.memory_space<hbm>> -> memref<100000x32xf32, #tpu.memory_space<hbm>>
    %dma_wait3A_346 = tpu.memref_slice %arg14[%dma_wait3A_335] : memref<2x!tpu.dma_semaphore, #tpu.memory_space<semaphore_mem>> -> memref<1x!tpu.dma_semaphore, #tpu.memory_space<semaphore_mem>>
    %dma_wait3A_347 = tpu.memref_squeeze %dma_wait3A_346 : memref<1x!tpu.dma_semaphore, #tpu.memory_space<semaphore_mem>> -> memref<!tpu.dma_semaphore, #tpu.memory_space<semaphore_mem>>
    tpu.wait_indirect_dma semaphore(%dma_wait3A_347 : memref<!tpu.dma_semaphore, #tpu.memory_space<semaphore_mem>>) src(%dma_wait3A_345 : memref<100000x32xf32, #tpu.memory_space<hbm>>) dst(%dma_wait3A_339 : memref<100x32xf32, #tpu.memory_space<vmem>>)
    %dma_wait3A_348 = arith.constant 1 : i32
    %dma_wait3A_349 = arith.constant 2 : i32
    %dma_wait3A_350 = arith.constant 1 : i32
    %dma_wait3A_351 = arith.constant 1 : i32
    %dma_wait3A_352 = arith.constant 200 : i32
    %dma_wait3A_353 = arith.constant 0 : i32
    %dma_wait3A_354 = tpu.memref_slice %arg11[%dma_wait3A_350, %dma_wait3A_352, %dma_wait3A_353] : memref<2x400x32xf32, #tpu.memory_space<vmem>> -> memref<1x100x32xf32, #tpu.memory_space<vmem>>
    %dma_wait3A_355 = tpu.memref_squeeze %dma_wait3A_354 : memref<1x100x32xf32, #tpu.memory_space<vmem>> -> memref<100x32xf32, #tpu.memory_space<vmem>>
    %dma_wait3A_356 = arith.constant 0 : i32
    %dma_wait3A_357 = tpu.memref_slice %arg8[%dma_wait3A_348, %dma_wait3A_349, %dma_wait3A_356] : memref<2x4x100xi32, #tpu.memory_space<vmem>> -> memref<1x1x100xi32, #tpu.memory_space<vmem>>
    %dma_wait3A_358 = tpu.memref_squeeze %dma_wait3A_357 : memref<1x1x100xi32, #tpu.memory_space<vmem>> -> memref<100xi32, #tpu.memory_space<vmem>>
    %dma_wait3A_359 = arith.constant 0 : i32
    %dma_wait3A_360 = arith.constant 0 : i32
    %dma_wait3A_361 = tpu.memref_slice %arg2[%dma_wait3A_359, %dma_wait3A_360] : memref<100000x32xf32, #tpu.memory_space<hbm>> -> memref<100000x32xf32, #tpu.memory_space<hbm>>
    %dma_wait3A_362 = tpu.memref_slice %arg14[%dma_wait3A_351] : memref<2x!tpu.dma_semaphore, #tpu.memory_space<semaphore_mem>> -> memref<1x!tpu.dma_semaphore, #tpu.memory_space<semaphore_mem>>
    %dma_wait3A_363 = tpu.memref_squeeze %dma_wait3A_362 : memref<1x!tpu.dma_semaphore, #tpu.memory_space<semaphore_mem>> -> memref<!tpu.dma_semaphore, #tpu.memory_space<semaphore_mem>>
    tpu.wait_indirect_dma semaphore(%dma_wait3A_363 : memref<!tpu.dma_semaphore, #tpu.memory_space<semaphore_mem>>) src(%dma_wait3A_361 : memref<100000x32xf32, #tpu.memory_space<hbm>>) dst(%dma_wait3A_355 : memref<100x32xf32, #tpu.memory_space<vmem>>)
    %dma_wait3A_364 = arith.constant 1 : i32
    %dma_wait3A_365 = arith.constant 3 : i32
    %dma_wait3A_366 = arith.constant 1 : i32
    %dma_wait3A_367 = arith.constant 1 : i32
    %dma_wait3A_368 = arith.constant 300 : i32
    %dma_wait3A_369 = arith.constant 0 : i32
    %dma_wait3A_370 = tpu.memref_slice %arg10[%dma_wait3A_366, %dma_wait3A_368, %dma_wait3A_369] : memref<2x400x32xf32, #tpu.memory_space<vmem>> -> memref<1x100x32xf32, #tpu.memory_space<vmem>>
    %dma_wait3A_371 = tpu.memref_squeeze %dma_wait3A_370 : memref<1x100x32xf32, #tpu.memory_space<vmem>> -> memref<100x32xf32, #tpu.memory_space<vmem>>
    %dma_wait3A_372 = arith.constant 0 : i32
    %dma_wait3A_373 = tpu.memref_slice %arg7[%dma_wait3A_364, %dma_wait3A_365, %dma_wait3A_372] : memref<2x4x100xi32, #tpu.memory_space<vmem>> -> memref<1x1x100xi32, #tpu.memory_space<vmem>>
    %dma_wait3A_374 = tpu.memref_squeeze %dma_wait3A_373 : memref<1x1x100xi32, #tpu.memory_space<vmem>> -> memref<100xi32, #tpu.memory_space<vmem>>
    %dma_wait3A_375 = arith.constant 0 : i32
    %dma_wait3A_376 = arith.constant 0 : i32
    %dma_wait3A_377 = tpu.memref_slice %arg2[%dma_wait3A_375, %dma_wait3A_376] : memref<100000x32xf32, #tpu.memory_space<hbm>> -> memref<100000x32xf32, #tpu.memory_space<hbm>>
    %dma_wait3A_378 = tpu.memref_slice %arg14[%dma_wait3A_367] : memref<2x!tpu.dma_semaphore, #tpu.memory_space<semaphore_mem>> -> memref<1x!tpu.dma_semaphore, #tpu.memory_space<semaphore_mem>>
    %dma_wait3A_379 = tpu.memref_squeeze %dma_wait3A_378 : memref<1x!tpu.dma_semaphore, #tpu.memory_space<semaphore_mem>> -> memref<!tpu.dma_semaphore, #tpu.memory_space<semaphore_mem>>
    tpu.wait_indirect_dma semaphore(%dma_wait3A_379 : memref<!tpu.dma_semaphore, #tpu.memory_space<semaphore_mem>>) src(%dma_wait3A_377 : memref<100000x32xf32, #tpu.memory_space<hbm>>) dst(%dma_wait3A_371 : memref<100x32xf32, #tpu.memory_space<vmem>>)
    %dma_wait3A_380 = arith.constant 1 : i32
    %dma_wait3A_381 = arith.constant 3 : i32
    %dma_wait3A_382 = arith.constant 1 : i32
    %dma_wait3A_383 = arith.constant 1 : i32
    %dma_wait3A_384 = arith.constant 300 : i32
    %dma_wait3A_385 = arith.constant 0 : i32
    %dma_wait3A_386 = tpu.memref_slice %arg11[%dma_wait3A_382, %dma_wait3A_384, %dma_wait3A_385] : memref<2x400x32xf32, #tpu.memory_space<vmem>> -> memref<1x100x32xf32, #tpu.memory_space<vmem>>
    %dma_wait3A_387 = tpu.memref_squeeze %dma_wait3A_386 : memref<1x100x32xf32, #tpu.memory_space<vmem>> -> memref<100x32xf32, #tpu.memory_space<vmem>>
    %dma_wait3A_388 = arith.constant 0 : i32
    %dma_wait3A_389 = tpu.memref_slice %arg8[%dma_wait3A_380, %dma_wait3A_381, %dma_wait3A_388] : memref<2x4x100xi32, #tpu.memory_space<vmem>> -> memref<1x1x100xi32, #tpu.memory_space<vmem>>
    %dma_wait3A_390 = tpu.memref_squeeze %dma_wait3A_389 : memref<1x1x100xi32, #tpu.memory_space<vmem>> -> memref<100xi32, #tpu.memory_space<vmem>>
    %dma_wait3A_391 = arith.constant 0 : i32
    %dma_wait3A_392 = arith.constant 0 : i32
    %dma_wait3A_393 = tpu.memref_slice %arg2[%dma_wait3A_391, %dma_wait3A_392] : memref<100000x32xf32, #tpu.memory_space<hbm>> -> memref<100000x32xf32, #tpu.memory_space<hbm>>
    %dma_wait3A_394 = tpu.memref_slice %arg14[%dma_wait3A_383] : memref<2x!tpu.dma_semaphore, #tpu.memory_space<semaphore_mem>> -> memref<1x!tpu.dma_semaphore, #tpu.memory_space<semaphore_mem>>
    %dma_wait3A_395 = tpu.memref_squeeze %dma_wait3A_394 : memref<1x!tpu.dma_semaphore, #tpu.memory_space<semaphore_mem>> -> memref<!tpu.dma_semaphore, #tpu.memory_space<semaphore_mem>>
    tpu.wait_indirect_dma semaphore(%dma_wait3A_395 : memref<!tpu.dma_semaphore, #tpu.memory_space<semaphore_mem>>) src(%dma_wait3A_393 : memref<100000x32xf32, #tpu.memory_space<hbm>>) dst(%dma_wait3A_387 : memref<100x32xf32, #tpu.memory_space<vmem>>)
    %dma_wait3A_396 = arith.constant 1 : i32
    %dma_wait3A_397 = arith.constant 1 : i32
    %dma_wait3A_398 = arith.constant 0 : i32
    %dma_wait3A_399 = tpu.memref_slice %arg9[%dma_wait3A_396, %dma_wait3A_398] : memref<2x400xf32, #tpu.memory_space<vmem>> -> memref<1x400xf32, #tpu.memory_space<vmem>>
    %dma_wait3A_400 = tpu.memref_squeeze %dma_wait3A_399 : memref<1x400xf32, #tpu.memory_space<vmem>> -> memref<400xf32, #tpu.memory_space<vmem>>
    %dma_wait3A_401 = tpu.memref_slice %arg5[%mul3A_267] : memref<1600000xf32, #tpu.memory_space<hbm>> -> memref<400xf32, #tpu.memory_space<hbm>>
    %dma_wait3A_402 = tpu.memref_slice %arg14[%dma_wait3A_397] : memref<2x!tpu.dma_semaphore, #tpu.memory_space<semaphore_mem>> -> memref<1x!tpu.dma_semaphore, #tpu.memory_space<semaphore_mem>>
    %dma_wait3A_403 = tpu.memref_squeeze %dma_wait3A_402 : memref<1x!tpu.dma_semaphore, #tpu.memory_space<semaphore_mem>> -> memref<!tpu.dma_semaphore, #tpu.memory_space<semaphore_mem>>
    %dma_wait3A_404 = arith.constant 0 : i32
    %dma_wait3A_405 = tpu.memref_slice %arg9[%dma_wait3A_396, %dma_wait3A_404] : memref<2x400xf32, #tpu.memory_space<vmem>> -> memref<1x400xf32, #tpu.memory_space<vmem>>
    %dma_wait3A_406 = tpu.memref_squeeze %dma_wait3A_405 : memref<1x400xf32, #tpu.memory_space<vmem>> -> memref<400xf32, #tpu.memory_space<vmem>>
    %dma_wait3A_407 = tpu.memref_slice %arg5[%mul3A_267] : memref<1600000xf32, #tpu.memory_space<hbm>> -> memref<400xf32, #tpu.memory_space<hbm>>
    tpu.wait_dma2 semaphore(%dma_wait3A_403 : memref<!tpu.dma_semaphore, #tpu.memory_space<semaphore_mem>>) src(%dma_wait3A_407 : memref<400xf32, #tpu.memory_space<hbm>>) dst(%dma_wait3A_406 : memref<400xf32, #tpu.memory_space<vmem>>)
    %mul3A_408 = arith.constant 4 : i32
    %mul3A_409 = arith.muli %sub3A_265, %mul3A_408 : i32
    %mul3A_410 = arith.constant 4 : i32
    %mul3A_411 = arith.muli %sub3A_265, %mul3A_410 : i32
    %dma_wait3A_412 = arith.constant 0 : i32
    %dma_wait3A_413 = arith.constant 0 : i32
    %dma_wait3A_414 = arith.constant 0 : i32
    %dma_wait3A_415 = arith.constant 0 : i32
    %dma_wait3A_416 = tpu.memref_slice %arg7[%dma_wait3A_412, %dma_wait3A_414, %dma_wait3A_415] : memref<2x4x100xi32, #tpu.memory_space<vmem>> -> memref<1x4x100xi32, #tpu.memory_space<vmem>>
    %dma_wait3A_417 = tpu.memref_squeeze %dma_wait3A_416 : memref<1x4x100xi32, #tpu.memory_space<vmem>> -> memref<4x100xi32, #tpu.memory_space<vmem>>
    %dma_wait3A_418 = arith.constant 0 : i32
    %dma_wait3A_419 = tpu.memref_slice %arg3[%mul3A_409, %dma_wait3A_418] : memref<16000x100xi32, #tpu.memory_space<hbm>> -> memref<4x100xi32, #tpu.memory_space<hbm>>
    %dma_wait3A_420 = tpu.memref_slice %arg13[%dma_wait3A_413] : memref<2x!tpu.dma_semaphore, #tpu.memory_space<semaphore_mem>> -> memref<1x!tpu.dma_semaphore, #tpu.memory_space<semaphore_mem>>
    %dma_wait3A_421 = tpu.memref_squeeze %dma_wait3A_420 : memref<1x!tpu.dma_semaphore, #tpu.memory_space<semaphore_mem>> -> memref<!tpu.dma_semaphore, #tpu.memory_space<semaphore_mem>>
    %dma_wait3A_422 = arith.constant 0 : i32
    %dma_wait3A_423 = arith.constant 0 : i32
    %dma_wait3A_424 = tpu.memref_slice %arg7[%dma_wait3A_412, %dma_wait3A_422, %dma_wait3A_423] : memref<2x4x100xi32, #tpu.memory_space<vmem>> -> memref<1x4x100xi32, #tpu.memory_space<vmem>>
    %dma_wait3A_425 = tpu.memref_squeeze %dma_wait3A_424 : memref<1x4x100xi32, #tpu.memory_space<vmem>> -> memref<4x100xi32, #tpu.memory_space<vmem>>
    %dma_wait3A_426 = arith.constant 0 : i32
    %dma_wait3A_427 = tpu.memref_slice %arg3[%mul3A_409, %dma_wait3A_426] : memref<16000x100xi32, #tpu.memory_space<hbm>> -> memref<4x100xi32, #tpu.memory_space<hbm>>
    tpu.wait_dma2 semaphore(%dma_wait3A_421 : memref<!tpu.dma_semaphore, #tpu.memory_space<semaphore_mem>>) src(%dma_wait3A_427 : memref<4x100xi32, #tpu.memory_space<hbm>>) dst(%dma_wait3A_425 : memref<4x100xi32, #tpu.memory_space<vmem>>)
    %dma_wait3A_428 = arith.constant 0 : i32
    %dma_wait3A_429 = arith.constant 0 : i32
    %dma_wait3A_430 = arith.constant 0 : i32
    %dma_wait3A_431 = arith.constant 0 : i32
    %dma_wait3A_432 = tpu.memref_slice %arg8[%dma_wait3A_428, %dma_wait3A_430, %dma_wait3A_431] : memref<2x4x100xi32, #tpu.memory_space<vmem>> -> memref<1x4x100xi32, #tpu.memory_space<vmem>>
    %dma_wait3A_433 = tpu.memref_squeeze %dma_wait3A_432 : memref<1x4x100xi32, #tpu.memory_space<vmem>> -> memref<4x100xi32, #tpu.memory_space<vmem>>
    %dma_wait3A_434 = arith.constant 0 : i32
    %dma_wait3A_435 = tpu.memref_slice %arg4[%mul3A_411, %dma_wait3A_434] : memref<16000x100xi32, #tpu.memory_space<hbm>> -> memref<4x100xi32, #tpu.memory_space<hbm>>
    %dma_wait3A_436 = tpu.memref_slice %arg13[%dma_wait3A_429] : memref<2x!tpu.dma_semaphore, #tpu.memory_space<semaphore_mem>> -> memref<1x!tpu.dma_semaphore, #tpu.memory_space<semaphore_mem>>
    %dma_wait3A_437 = tpu.memref_squeeze %dma_wait3A_436 : memref<1x!tpu.dma_semaphore, #tpu.memory_space<semaphore_mem>> -> memref<!tpu.dma_semaphore, #tpu.memory_space<semaphore_mem>>
    %dma_wait3A_438 = arith.constant 0 : i32
    %dma_wait3A_439 = arith.constant 0 : i32
    %dma_wait3A_440 = tpu.memref_slice %arg8[%dma_wait3A_428, %dma_wait3A_438, %dma_wait3A_439] : memref<2x4x100xi32, #tpu.memory_space<vmem>> -> memref<1x4x100xi32, #tpu.memory_space<vmem>>
    %dma_wait3A_441 = tpu.memref_squeeze %dma_wait3A_440 : memref<1x4x100xi32, #tpu.memory_space<vmem>> -> memref<4x100xi32, #tpu.memory_space<vmem>>
    %dma_wait3A_442 = arith.constant 0 : i32
    %dma_wait3A_443 = tpu.memref_slice %arg4[%mul3A_411, %dma_wait3A_442] : memref<16000x100xi32, #tpu.memory_space<hbm>> -> memref<4x100xi32, #tpu.memory_space<hbm>>
    tpu.wait_dma2 semaphore(%dma_wait3A_437 : memref<!tpu.dma_semaphore, #tpu.memory_space<semaphore_mem>>) src(%dma_wait3A_443 : memref<4x100xi32, #tpu.memory_space<hbm>>) dst(%dma_wait3A_441 : memref<4x100xi32, #tpu.memory_space<vmem>>)
    %mul3A_444 = arith.constant 400 : i32
    %mul3A_445 = arith.muli %sub3A_265, %mul3A_444 : i32
    %dma_start3A_446 = arith.constant 0 : i32
    %dma_start3A_447 = arith.constant 0 : i32
    %dma_start3A_448 = arith.constant 0 : i32
    %dma_start3A_449 = arith.constant 0 : i32
    %dma_start3A_450 = arith.constant 0 : i32
    %dma_start3A_451 = arith.constant 0 : i32
    %dma_start3A_452 = tpu.memref_slice %arg10[%dma_start3A_448, %dma_start3A_450, %dma_start3A_451] : memref<2x400x32xf32, #tpu.memory_space<vmem>> -> memref<1x100x32xf32, #tpu.memory_space<vmem>>
    %dma_start3A_453 = tpu.memref_squeeze %dma_start3A_452 : memref<1x100x32xf32, #tpu.memory_space<vmem>> -> memref<100x32xf32, #tpu.memory_space<vmem>>
    %dma_start3A_454 = arith.constant 0 : i32
    %dma_start3A_455 = tpu.memref_slice %arg7[%dma_start3A_446, %dma_start3A_447, %dma_start3A_454] : memref<2x4x100xi32, #tpu.memory_space<vmem>> -> memref<1x1x100xi32, #tpu.memory_space<vmem>>
    %dma_start3A_456 = tpu.memref_squeeze %dma_start3A_455 : memref<1x1x100xi32, #tpu.memory_space<vmem>> -> memref<100xi32, #tpu.memory_space<vmem>>
    %dma_start3A_457 = arith.constant 0 : i32
    %dma_start3A_458 = arith.constant 0 : i32
    %dma_start3A_459 = tpu.memref_slice %arg2[%dma_start3A_457, %dma_start3A_458] : memref<100000x32xf32, #tpu.memory_space<hbm>> -> memref<100000x32xf32, #tpu.memory_space<hbm>>
    %dma_start3A_460 = tpu.memref_slice %arg14[%dma_start3A_449] : memref<2x!tpu.dma_semaphore, #tpu.memory_space<semaphore_mem>> -> memref<1x!tpu.dma_semaphore, #tpu.memory_space<semaphore_mem>>
    %dma_start3A_461 = tpu.memref_squeeze %dma_start3A_460 : memref<1x!tpu.dma_semaphore, #tpu.memory_space<semaphore_mem>> -> memref<!tpu.dma_semaphore, #tpu.memory_space<semaphore_mem>>
    tpu.enqueue_indirect_dma source(%dma_start3A_459 : memref<100000x32xf32, #tpu.memory_space<hbm>>) target(%dma_start3A_453 : memref<100x32xf32, #tpu.memory_space<vmem>>) offsets(%dma_start3A_456 : memref<100xi32, #tpu.memory_space<vmem>>) semaphore(%dma_start3A_461 : memref<!tpu.dma_semaphore, #tpu.memory_space<semaphore_mem>>)
    %dma_start3A_462 = arith.constant 0 : i32
    %dma_start3A_463 = arith.constant 0 : i32
    %dma_start3A_464 = arith.constant 0 : i32
    %dma_start3A_465 = arith.constant 0 : i32
    %dma_start3A_466 = arith.constant 0 : i32
    %dma_start3A_467 = arith.constant 0 : i32
    %dma_start3A_468 = tpu.memref_slice %arg11[%dma_start3A_464, %dma_start3A_466, %dma_start3A_467] : memref<2x400x32xf32, #tpu.memory_space<vmem>> -> memref<1x100x32xf32, #tpu.memory_space<vmem>>
    %dma_start3A_469 = tpu.memref_squeeze %dma_start3A_468 : memref<1x100x32xf32, #tpu.memory_space<vmem>> -> memref<100x32xf32, #tpu.memory_space<vmem>>
    %dma_start3A_470 = arith.constant 0 : i32
    %dma_start3A_471 = tpu.memref_slice %arg8[%dma_start3A_462, %dma_start3A_463, %dma_start3A_470] : memref<2x4x100xi32, #tpu.memory_space<vmem>> -> memref<1x1x100xi32, #tpu.memory_space<vmem>>
    %dma_start3A_472 = tpu.memref_squeeze %dma_start3A_471 : memref<1x1x100xi32, #tpu.memory_space<vmem>> -> memref<100xi32, #tpu.memory_space<vmem>>
    %dma_start3A_473 = arith.constant 0 : i32
    %dma_start3A_474 = arith.constant 0 : i32
    %dma_start3A_475 = tpu.memref_slice %arg2[%dma_start3A_473, %dma_start3A_474] : memref<100000x32xf32, #tpu.memory_space<hbm>> -> memref<100000x32xf32, #tpu.memory_space<hbm>>
    %dma_start3A_476 = tpu.memref_slice %arg14[%dma_start3A_465] : memref<2x!tpu.dma_semaphore, #tpu.memory_space<semaphore_mem>> -> memref<1x!tpu.dma_semaphore, #tpu.memory_space<semaphore_mem>>
    %dma_start3A_477 = tpu.memref_squeeze %dma_start3A_476 : memref<1x!tpu.dma_semaphore, #tpu.memory_space<semaphore_mem>> -> memref<!tpu.dma_semaphore, #tpu.memory_space<semaphore_mem>>
    tpu.enqueue_indirect_dma source(%dma_start3A_475 : memref<100000x32xf32, #tpu.memory_space<hbm>>) target(%dma_start3A_469 : memref<100x32xf32, #tpu.memory_space<vmem>>) offsets(%dma_start3A_472 : memref<100xi32, #tpu.memory_space<vmem>>) semaphore(%dma_start3A_477 : memref<!tpu.dma_semaphore, #tpu.memory_space<semaphore_mem>>)
    %dma_start3A_478 = arith.constant 0 : i32
    %dma_start3A_479 = arith.constant 1 : i32
    %dma_start3A_480 = arith.constant 0 : i32
    %dma_start3A_481 = arith.constant 0 : i32
    %dma_start3A_482 = arith.constant 100 : i32
    %dma_start3A_483 = arith.constant 0 : i32
    %dma_start3A_484 = tpu.memref_slice %arg10[%dma_start3A_480, %dma_start3A_482, %dma_start3A_483] : memref<2x400x32xf32, #tpu.memory_space<vmem>> -> memref<1x100x32xf32, #tpu.memory_space<vmem>>
    %dma_start3A_485 = tpu.memref_squeeze %dma_start3A_484 : memref<1x100x32xf32, #tpu.memory_space<vmem>> -> memref<100x32xf32, #tpu.memory_space<vmem>>
    %dma_start3A_486 = arith.constant 0 : i32
    %dma_start3A_487 = tpu.memref_slice %arg7[%dma_start3A_478, %dma_start3A_479, %dma_start3A_486] : memref<2x4x100xi32, #tpu.memory_space<vmem>> -> memref<1x1x100xi32, #tpu.memory_space<vmem>>
    %dma_start3A_488 = tpu.memref_squeeze %dma_start3A_487 : memref<1x1x100xi32, #tpu.memory_space<vmem>> -> memref<100xi32, #tpu.memory_space<vmem>>
    %dma_start3A_489 = arith.constant 0 : i32
    %dma_start3A_490 = arith.constant 0 : i32
    %dma_start3A_491 = tpu.memref_slice %arg2[%dma_start3A_489, %dma_start3A_490] : memref<100000x32xf32, #tpu.memory_space<hbm>> -> memref<100000x32xf32, #tpu.memory_space<hbm>>
    %dma_start3A_492 = tpu.memref_slice %arg14[%dma_start3A_481] : memref<2x!tpu.dma_semaphore, #tpu.memory_space<semaphore_mem>> -> memref<1x!tpu.dma_semaphore, #tpu.memory_space<semaphore_mem>>
    %dma_start3A_493 = tpu.memref_squeeze %dma_start3A_492 : memref<1x!tpu.dma_semaphore, #tpu.memory_space<semaphore_mem>> -> memref<!tpu.dma_semaphore, #tpu.memory_space<semaphore_mem>>
    tpu.enqueue_indirect_dma source(%dma_start3A_491 : memref<100000x32xf32, #tpu.memory_space<hbm>>) target(%dma_start3A_485 : memref<100x32xf32, #tpu.memory_space<vmem>>) offsets(%dma_start3A_488 : memref<100xi32, #tpu.memory_space<vmem>>) semaphore(%dma_start3A_493 : memref<!tpu.dma_semaphore, #tpu.memory_space<semaphore_mem>>)
    %dma_start3A_494 = arith.constant 0 : i32
    %dma_start3A_495 = arith.constant 1 : i32
    %dma_start3A_496 = arith.constant 0 : i32
    %dma_start3A_497 = arith.constant 0 : i32
    %dma_start3A_498 = arith.constant 100 : i32
    %dma_start3A_499 = arith.constant 0 : i32
    %dma_start3A_500 = tpu.memref_slice %arg11[%dma_start3A_496, %dma_start3A_498, %dma_start3A_499] : memref<2x400x32xf32, #tpu.memory_space<vmem>> -> memref<1x100x32xf32, #tpu.memory_space<vmem>>
    %dma_start3A_501 = tpu.memref_squeeze %dma_start3A_500 : memref<1x100x32xf32, #tpu.memory_space<vmem>> -> memref<100x32xf32, #tpu.memory_space<vmem>>
    %dma_start3A_502 = arith.constant 0 : i32
    %dma_start3A_503 = tpu.memref_slice %arg8[%dma_start3A_494, %dma_start3A_495, %dma_start3A_502] : memref<2x4x100xi32, #tpu.memory_space<vmem>> -> memref<1x1x100xi32, #tpu.memory_space<vmem>>
    %dma_start3A_504 = tpu.memref_squeeze %dma_start3A_503 : memref<1x1x100xi32, #tpu.memory_space<vmem>> -> memref<100xi32, #tpu.memory_space<vmem>>
    %dma_start3A_505 = arith.constant 0 : i32
    %dma_start3A_506 = arith.constant 0 : i32
    %dma_start3A_507 = tpu.memref_slice %arg2[%dma_start3A_505, %dma_start3A_506] : memref<100000x32xf32, #tpu.memory_space<hbm>> -> memref<100000x32xf32, #tpu.memory_space<hbm>>
    %dma_start3A_508 = tpu.memref_slice %arg14[%dma_start3A_497] : memref<2x!tpu.dma_semaphore, #tpu.memory_space<semaphore_mem>> -> memref<1x!tpu.dma_semaphore, #tpu.memory_space<semaphore_mem>>
    %dma_start3A_509 = tpu.memref_squeeze %dma_start3A_508 : memref<1x!tpu.dma_semaphore, #tpu.memory_space<semaphore_mem>> -> memref<!tpu.dma_semaphore, #tpu.memory_space<semaphore_mem>>
    tpu.enqueue_indirect_dma source(%dma_start3A_507 : memref<100000x32xf32, #tpu.memory_space<hbm>>) target(%dma_start3A_501 : memref<100x32xf32, #tpu.memory_space<vmem>>) offsets(%dma_start3A_504 : memref<100xi32, #tpu.memory_space<vmem>>) semaphore(%dma_start3A_509 : memref<!tpu.dma_semaphore, #tpu.memory_space<semaphore_mem>>)
    %dma_start3A_510 = arith.constant 0 : i32
    %dma_start3A_511 = arith.constant 2 : i32
    %dma_start3A_512 = arith.constant 0 : i32
    %dma_start3A_513 = arith.constant 0 : i32
    %dma_start3A_514 = arith.constant 200 : i32
    %dma_start3A_515 = arith.constant 0 : i32
    %dma_start3A_516 = tpu.memref_slice %arg10[%dma_start3A_512, %dma_start3A_514, %dma_start3A_515] : memref<2x400x32xf32, #tpu.memory_space<vmem>> -> memref<1x100x32xf32, #tpu.memory_space<vmem>>
    %dma_start3A_517 = tpu.memref_squeeze %dma_start3A_516 : memref<1x100x32xf32, #tpu.memory_space<vmem>> -> memref<100x32xf32, #tpu.memory_space<vmem>>
    %dma_start3A_518 = arith.constant 0 : i32
    %dma_start3A_519 = tpu.memref_slice %arg7[%dma_start3A_510, %dma_start3A_511, %dma_start3A_518] : memref<2x4x100xi32, #tpu.memory_space<vmem>> -> memref<1x1x100xi32, #tpu.memory_space<vmem>>
    %dma_start3A_520 = tpu.memref_squeeze %dma_start3A_519 : memref<1x1x100xi32, #tpu.memory_space<vmem>> -> memref<100xi32, #tpu.memory_space<vmem>>
    %dma_start3A_521 = arith.constant 0 : i32
    %dma_start3A_522 = arith.constant 0 : i32
    %dma_start3A_523 = tpu.memref_slice %arg2[%dma_start3A_521, %dma_start3A_522] : memref<100000x32xf32, #tpu.memory_space<hbm>> -> memref<100000x32xf32, #tpu.memory_space<hbm>>
    %dma_start3A_524 = tpu.memref_slice %arg14[%dma_start3A_513] : memref<2x!tpu.dma_semaphore, #tpu.memory_space<semaphore_mem>> -> memref<1x!tpu.dma_semaphore, #tpu.memory_space<semaphore_mem>>
    %dma_start3A_525 = tpu.memref_squeeze %dma_start3A_524 : memref<1x!tpu.dma_semaphore, #tpu.memory_space<semaphore_mem>> -> memref<!tpu.dma_semaphore, #tpu.memory_space<semaphore_mem>>
    tpu.enqueue_indirect_dma source(%dma_start3A_523 : memref<100000x32xf32, #tpu.memory_space<hbm>>) target(%dma_start3A_517 : memref<100x32xf32, #tpu.memory_space<vmem>>) offsets(%dma_start3A_520 : memref<100xi32, #tpu.memory_space<vmem>>) semaphore(%dma_start3A_525 : memref<!tpu.dma_semaphore, #tpu.memory_space<semaphore_mem>>)
    %dma_start3A_526 = arith.constant 0 : i32
    %dma_start3A_527 = arith.constant 2 : i32
    %dma_start3A_528 = arith.constant 0 : i32
    %dma_start3A_529 = arith.constant 0 : i32
    %dma_start3A_530 = arith.constant 200 : i32
    %dma_start3A_531 = arith.constant 0 : i32
    %dma_start3A_532 = tpu.memref_slice %arg11[%dma_start3A_528, %dma_start3A_530, %dma_start3A_531] : memref<2x400x32xf32, #tpu.memory_space<vmem>> -> memref<1x100x32xf32, #tpu.memory_space<vmem>>
    %dma_start3A_533 = tpu.memref_squeeze %dma_start3A_532 : memref<1x100x32xf32, #tpu.memory_space<vmem>> -> memref<100x32xf32, #tpu.memory_space<vmem>>
    %dma_start3A_534 = arith.constant 0 : i32
    %dma_start3A_535 = tpu.memref_slice %arg8[%dma_start3A_526, %dma_start3A_527, %dma_start3A_534] : memref<2x4x100xi32, #tpu.memory_space<vmem>> -> memref<1x1x100xi32, #tpu.memory_space<vmem>>
    %dma_start3A_536 = tpu.memref_squeeze %dma_start3A_535 : memref<1x1x100xi32, #tpu.memory_space<vmem>> -> memref<100xi32, #tpu.memory_space<vmem>>
    %dma_start3A_537 = arith.constant 0 : i32
    %dma_start3A_538 = arith.constant 0 : i32
    %dma_start3A_539 = tpu.memref_slice %arg2[%dma_start3A_537, %dma_start3A_538] : memref<100000x32xf32, #tpu.memory_space<hbm>> -> memref<100000x32xf32, #tpu.memory_space<hbm>>
    %dma_start3A_540 = tpu.memref_slice %arg14[%dma_start3A_529] : memref<2x!tpu.dma_semaphore, #tpu.memory_space<semaphore_mem>> -> memref<1x!tpu.dma_semaphore, #tpu.memory_space<semaphore_mem>>
    %dma_start3A_541 = tpu.memref_squeeze %dma_start3A_540 : memref<1x!tpu.dma_semaphore, #tpu.memory_space<semaphore_mem>> -> memref<!tpu.dma_semaphore, #tpu.memory_space<semaphore_mem>>
    tpu.enqueue_indirect_dma source(%dma_start3A_539 : memref<100000x32xf32, #tpu.memory_space<hbm>>) target(%dma_start3A_533 : memref<100x32xf32, #tpu.memory_space<vmem>>) offsets(%dma_start3A_536 : memref<100xi32, #tpu.memory_space<vmem>>) semaphore(%dma_start3A_541 : memref<!tpu.dma_semaphore, #tpu.memory_space<semaphore_mem>>)
    %dma_start3A_542 = arith.constant 0 : i32
    %dma_start3A_543 = arith.constant 3 : i32
    %dma_start3A_544 = arith.constant 0 : i32
    %dma_start3A_545 = arith.constant 0 : i32
    %dma_start3A_546 = arith.constant 300 : i32
    %dma_start3A_547 = arith.constant 0 : i32
    %dma_start3A_548 = tpu.memref_slice %arg10[%dma_start3A_544, %dma_start3A_546, %dma_start3A_547] : memref<2x400x32xf32, #tpu.memory_space<vmem>> -> memref<1x100x32xf32, #tpu.memory_space<vmem>>
    %dma_start3A_549 = tpu.memref_squeeze %dma_start3A_548 : memref<1x100x32xf32, #tpu.memory_space<vmem>> -> memref<100x32xf32, #tpu.memory_space<vmem>>
    %dma_start3A_550 = arith.constant 0 : i32
    %dma_start3A_551 = tpu.memref_slice %arg7[%dma_start3A_542, %dma_start3A_543, %dma_start3A_550] : memref<2x4x100xi32, #tpu.memory_space<vmem>> -> memref<1x1x100xi32, #tpu.memory_space<vmem>>
    %dma_start3A_552 = tpu.memref_squeeze %dma_start3A_551 : memref<1x1x100xi32, #tpu.memory_space<vmem>> -> memref<100xi32, #tpu.memory_space<vmem>>
    %dma_start3A_553 = arith.constant 0 : i32
    %dma_start3A_554 = arith.constant 0 : i32
    %dma_start3A_555 = tpu.memref_slice %arg2[%dma_start3A_553, %dma_start3A_554] : memref<100000x32xf32, #tpu.memory_space<hbm>> -> memref<100000x32xf32, #tpu.memory_space<hbm>>
    %dma_start3A_556 = tpu.memref_slice %arg14[%dma_start3A_545] : memref<2x!tpu.dma_semaphore, #tpu.memory_space<semaphore_mem>> -> memref<1x!tpu.dma_semaphore, #tpu.memory_space<semaphore_mem>>
    %dma_start3A_557 = tpu.memref_squeeze %dma_start3A_556 : memref<1x!tpu.dma_semaphore, #tpu.memory_space<semaphore_mem>> -> memref<!tpu.dma_semaphore, #tpu.memory_space<semaphore_mem>>
    tpu.enqueue_indirect_dma source(%dma_start3A_555 : memref<100000x32xf32, #tpu.memory_space<hbm>>) target(%dma_start3A_549 : memref<100x32xf32, #tpu.memory_space<vmem>>) offsets(%dma_start3A_552 : memref<100xi32, #tpu.memory_space<vmem>>) semaphore(%dma_start3A_557 : memref<!tpu.dma_semaphore, #tpu.memory_space<semaphore_mem>>)
    %dma_start3A_558 = arith.constant 0 : i32
    %dma_start3A_559 = arith.constant 3 : i32
    %dma_start3A_560 = arith.constant 0 : i32
    %dma_start3A_561 = arith.constant 0 : i32
    %dma_start3A_562 = arith.constant 300 : i32
    %dma_start3A_563 = arith.constant 0 : i32
    %dma_start3A_564 = tpu.memref_slice %arg11[%dma_start3A_560, %dma_start3A_562, %dma_start3A_563] : memref<2x400x32xf32, #tpu.memory_space<vmem>> -> memref<1x100x32xf32, #tpu.memory_space<vmem>>
    %dma_start3A_565 = tpu.memref_squeeze %dma_start3A_564 : memref<1x100x32xf32, #tpu.memory_space<vmem>> -> memref<100x32xf32, #tpu.memory_space<vmem>>
    %dma_start3A_566 = arith.constant 0 : i32
    %dma_start3A_567 = tpu.memref_slice %arg8[%dma_start3A_558, %dma_start3A_559, %dma_start3A_566] : memref<2x4x100xi32, #tpu.memory_space<vmem>> -> memref<1x1x100xi32, #tpu.memory_space<vmem>>
    %dma_start3A_568 = tpu.memref_squeeze %dma_start3A_567 : memref<1x1x100xi32, #tpu.memory_space<vmem>> -> memref<100xi32, #tpu.memory_space<vmem>>
    %dma_start3A_569 = arith.constant 0 : i32
    %dma_start3A_570 = arith.constant 0 : i32
    %dma_start3A_571 = tpu.memref_slice %arg2[%dma_start3A_569, %dma_start3A_570] : memref<100000x32xf32, #tpu.memory_space<hbm>> -> memref<100000x32xf32, #tpu.memory_space<hbm>>
    %dma_start3A_572 = tpu.memref_slice %arg14[%dma_start3A_561] : memref<2x!tpu.dma_semaphore, #tpu.memory_space<semaphore_mem>> -> memref<1x!tpu.dma_semaphore, #tpu.memory_space<semaphore_mem>>
    %dma_start3A_573 = tpu.memref_squeeze %dma_start3A_572 : memref<1x!tpu.dma_semaphore, #tpu.memory_space<semaphore_mem>> -> memref<!tpu.dma_semaphore, #tpu.memory_space<semaphore_mem>>
    tpu.enqueue_indirect_dma source(%dma_start3A_571 : memref<100000x32xf32, #tpu.memory_space<hbm>>) target(%dma_start3A_565 : memref<100x32xf32, #tpu.memory_space<vmem>>) offsets(%dma_start3A_568 : memref<100xi32, #tpu.memory_space<vmem>>) semaphore(%dma_start3A_573 : memref<!tpu.dma_semaphore, #tpu.memory_space<semaphore_mem>>)
    %dma_start3A_574 = arith.constant 0 : i32
    %dma_start3A_575 = arith.constant 0 : i32
    %dma_start3A_576 = arith.constant 0 : i32
    %dma_start3A_577 = tpu.memref_slice %arg9[%dma_start3A_574, %dma_start3A_576] : memref<2x400xf32, #tpu.memory_space<vmem>> -> memref<1x400xf32, #tpu.memory_space<vmem>>
    %dma_start3A_578 = tpu.memref_squeeze %dma_start3A_577 : memref<1x400xf32, #tpu.memory_space<vmem>> -> memref<400xf32, #tpu.memory_space<vmem>>
    %dma_start3A_579 = tpu.memref_slice %arg5[%mul3A_445] : memref<1600000xf32, #tpu.memory_space<hbm>> -> memref<400xf32, #tpu.memory_space<hbm>>
    %dma_start3A_580 = tpu.memref_slice %arg14[%dma_start3A_575] : memref<2x!tpu.dma_semaphore, #tpu.memory_space<semaphore_mem>> -> memref<1x!tpu.dma_semaphore, #tpu.memory_space<semaphore_mem>>
    %dma_start3A_581 = tpu.memref_squeeze %dma_start3A_580 : memref<1x!tpu.dma_semaphore, #tpu.memory_space<semaphore_mem>> -> memref<!tpu.dma_semaphore, #tpu.memory_space<semaphore_mem>>
    %dma_start3A_582 = arith.constant 0 : i32
    %dma_start3A_583 = tpu.memref_slice %arg9[%dma_start3A_574, %dma_start3A_582] : memref<2x400xf32, #tpu.memory_space<vmem>> -> memref<1x400xf32, #tpu.memory_space<vmem>>
    %dma_start3A_584 = tpu.memref_squeeze %dma_start3A_583 : memref<1x400xf32, #tpu.memory_space<vmem>> -> memref<400xf32, #tpu.memory_space<vmem>>
    %dma_start3A_585 = tpu.memref_slice %arg5[%mul3A_445] : memref<1600000xf32, #tpu.memory_space<hbm>> -> memref<400xf32, #tpu.memory_space<hbm>>
    tpu.enqueue_dma source(%dma_start3A_585 : memref<400xf32, #tpu.memory_space<hbm>>) target(%dma_start3A_584 : memref<400xf32, #tpu.memory_space<vmem>>) target_semaphore(%dma_start3A_581 : memref<!tpu.dma_semaphore, #tpu.memory_space<semaphore_mem>>)
    %broadcast_in_dim3A_586 = arith.constant 0 : i32
    %broadcast_in_dim3A_587 = vector.broadcast %broadcast_in_dim3A_586 : i32 to vector<16xi32>
    %add3A_588 = arith.constant 1 : i32
    %add3A_589 = vector.broadcast %add3A_588 : i32 to vector<16xi32>
    %add3A_590 = arith.addi %broadcast_in_dim3A_587, %add3A_589 : vector<16xi32>
    %iota3A = tpu.iota {dimensions = array<i32: 0>} : vector<16xi32>
    %scan3A_591 = arith.constant 0 : i32
    %scan3A_592 = arith.constant 25 : i32
    %scan3A_593 = arith.addi %scan3A_591, %scan3A_592 : i32
    %scan3A_594 = arith.constant 1 : i32
    %scan3A_595 = scf.for %scan3A_752 = %scan3A_591 to %scan3A_593 step %scan3A_594 iter_args(%scan3A_753 = %scan3A_257) -> (vector<16xf32>)  : i32 {
      %mul3A_754 = arith.constant 16 : i32
      %mul3A_755 = arith.muli %scan3A_752, %mul3A_754 : i32
      %add3A_756 = vector.broadcast %mul3A_755 : i32 to vector<16xi32>
      %add3A_757 = arith.addi %add3A_756, %iota3A : vector<16xi32>
      %broadcast_in_dim3A_758 = arith.constant 0.000000e+00 : f32
      %broadcast_in_dim3A_759 = vector.broadcast %broadcast_in_dim3A_758 : f32 to vector<16xf32>
      %add3A_760 = arith.constant 0 : i32
      %add3A_761 = vector.broadcast %add3A_760 : i32 to vector<16xi32>
      %add3A_762 = arith.addi %iota3A, %add3A_761 : vector<16xi32>
      %and3A = arith.constant 31 : i32
      %and3A_763 = vector.broadcast %and3A : i32 to vector<16xi32>
      %and3A_764 = arith.andi %add3A_762, %and3A_763 : vector<16xi32>
      %gather3A = tpu.vector_load_idx %arg10[%add3A_590, %add3A_757, %and3A_764] : memref<2x400x32xf32, #tpu.memory_space<vmem>>[vector<16xi32>, vector<16xi32>, vector<16xi32>], vector<16xf32>,
      %gather3A_765 = tpu.vector_load_idx %arg11[%add3A_590, %add3A_757, %and3A_764] : memref<2x400x32xf32, #tpu.memory_space<vmem>>[vector<16xi32>, vector<16xi32>, vector<16xi32>], vector<16xf32>,
      %sub3A_766 = arith.subf %gather3A, %gather3A_765 : vector<16xf32>
      %mul3A_767 = arith.mulf %sub3A_766, %sub3A_766 : vector<16xf32>
      %add3A_768 = arith.addf %broadcast_in_dim3A_759, %mul3A_767 : vector<16xf32>
      %add3A_769 = arith.constant 1 : i32
      %add3A_770 = vector.broadcast %add3A_769 : i32 to vector<16xi32>
      %add3A_771 = arith.addi %iota3A, %add3A_770 : vector<16xi32>
      %and3A_772 = arith.constant 31 : i32
      %and3A_773 = vector.broadcast %and3A_772 : i32 to vector<16xi32>
      %and3A_774 = arith.andi %add3A_771, %and3A_773 : vector<16xi32>
      %gather3A_775 = tpu.vector_load_idx %arg10[%add3A_590, %add3A_757, %and3A_774] : memref<2x400x32xf32, #tpu.memory_space<vmem>>[vector<16xi32>, vector<16xi32>, vector<16xi32>], vector<16xf32>,
      %gather3A_776 = tpu.vector_load_idx %arg11[%add3A_590, %add3A_757, %and3A_774] : memref<2x400x32xf32, #tpu.memory_space<vmem>>[vector<16xi32>, vector<16xi32>, vector<16xi32>], vector<16xf32>,
      %sub3A_777 = arith.subf %gather3A_775, %gather3A_776 : vector<16xf32>
      %mul3A_778 = arith.mulf %sub3A_777, %sub3A_777 : vector<16xf32>
      %add3A_779 = arith.addf %add3A_768, %mul3A_778 : vector<16xf32>
      %add3A_780 = arith.constant 2 : i32
      %add3A_781 = vector.broadcast %add3A_780 : i32 to vector<16xi32>
      %add3A_782 = arith.addi %iota3A, %add3A_781 : vector<16xi32>
      %and3A_783 = arith.constant 31 : i32
      %and3A_784 = vector.broadcast %and3A_783 : i32 to vector<16xi32>
      %and3A_785 = arith.andi %add3A_782, %and3A_784 : vector<16xi32>
      %gather3A_786 = tpu.vector_load_idx %arg10[%add3A_590, %add3A_757, %and3A_785] : memref<2x400x32xf32, #tpu.memory_space<vmem>>[vector<16xi32>, vector<16xi32>, vector<16xi32>], vector<16xf32>,
      %gather3A_787 = tpu.vector_load_idx %arg11[%add3A_590, %add3A_757, %and3A_785] : memref<2x400x32xf32, #tpu.memory_space<vmem>>[vector<16xi32>, vector<16xi32>, vector<16xi32>], vector<16xf32>,
      %sub3A_788 = arith.subf %gather3A_786, %gather3A_787 : vector<16xf32>
      %mul3A_789 = arith.mulf %sub3A_788, %sub3A_788 : vector<16xf32>
      %add3A_790 = arith.addf %add3A_779, %mul3A_789 : vector<16xf32>
      %add3A_791 = arith.constant 3 : i32
      %add3A_792 = vector.broadcast %add3A_791 : i32 to vector<16xi32>
      %add3A_793 = arith.addi %iota3A, %add3A_792 : vector<16xi32>
      %and3A_794 = arith.constant 31 : i32
      %and3A_795 = vector.broadcast %and3A_794 : i32 to vector<16xi32>
      %and3A_796 = arith.andi %add3A_793, %and3A_795 : vector<16xi32>
      %gather3A_797 = tpu.vector_load_idx %arg10[%add3A_590, %add3A_757, %and3A_796] : memref<2x400x32xf32, #tpu.memory_space<vmem>>[vector<16xi32>, vector<16xi32>, vector<16xi32>], vector<16xf32>,
      %gather3A_798 = tpu.vector_load_idx %arg11[%add3A_590, %add3A_757, %and3A_796] : memref<2x400x32xf32, #tpu.memory_space<vmem>>[vector<16xi32>, vector<16xi32>, vector<16xi32>], vector<16xf32>,
      %sub3A_799 = arith.subf %gather3A_797, %gather3A_798 : vector<16xf32>
      %mul3A_800 = arith.mulf %sub3A_799, %sub3A_799 : vector<16xf32>
      %add3A_801 = arith.addf %add3A_790, %mul3A_800 : vector<16xf32>
      %add3A_802 = arith.constant 4 : i32
      %add3A_803 = vector.broadcast %add3A_802 : i32 to vector<16xi32>
      %add3A_804 = arith.addi %iota3A, %add3A_803 : vector<16xi32>
      %and3A_805 = arith.constant 31 : i32
      %and3A_806 = vector.broadcast %and3A_805 : i32 to vector<16xi32>
      %and3A_807 = arith.andi %add3A_804, %and3A_806 : vector<16xi32>
      %gather3A_808 = tpu.vector_load_idx %arg10[%add3A_590, %add3A_757, %and3A_807] : memref<2x400x32xf32, #tpu.memory_space<vmem>>[vector<16xi32>, vector<16xi32>, vector<16xi32>], vector<16xf32>,
      %gather3A_809 = tpu.vector_load_idx %arg11[%add3A_590, %add3A_757, %and3A_807] : memref<2x400x32xf32, #tpu.memory_space<vmem>>[vector<16xi32>, vector<16xi32>, vector<16xi32>], vector<16xf32>,
      %sub3A_810 = arith.subf %gather3A_808, %gather3A_809 : vector<16xf32>
      %mul3A_811 = arith.mulf %sub3A_810, %sub3A_810 : vector<16xf32>
      %add3A_812 = arith.addf %add3A_801, %mul3A_811 : vector<16xf32>
      %add3A_813 = arith.constant 5 : i32
      %add3A_814 = vector.broadcast %add3A_813 : i32 to vector<16xi32>
      %add3A_815 = arith.addi %iota3A, %add3A_814 : vector<16xi32>
      %and3A_816 = arith.constant 31 : i32
      %and3A_817 = vector.broadcast %and3A_816 : i32 to vector<16xi32>
      %and3A_818 = arith.andi %add3A_815, %and3A_817 : vector<16xi32>
      %gather3A_819 = tpu.vector_load_idx %arg10[%add3A_590, %add3A_757, %and3A_818] : memref<2x400x32xf32, #tpu.memory_space<vmem>>[vector<16xi32>, vector<16xi32>, vector<16xi32>], vector<16xf32>,
      %gather3A_820 = tpu.vector_load_idx %arg11[%add3A_590, %add3A_757, %and3A_818] : memref<2x400x32xf32, #tpu.memory_space<vmem>>[vector<16xi32>, vector<16xi32>, vector<16xi32>], vector<16xf32>,
      %sub3A_821 = arith.subf %gather3A_819, %gather3A_820 : vector<16xf32>
      %mul3A_822 = arith.mulf %sub3A_821, %sub3A_821 : vector<16xf32>
      %add3A_823 = arith.addf %add3A_812, %mul3A_822 : vector<16xf32>
      %add3A_824 = arith.constant 6 : i32
      %add3A_825 = vector.broadcast %add3A_824 : i32 to vector<16xi32>
      %add3A_826 = arith.addi %iota3A, %add3A_825 : vector<16xi32>
      %and3A_827 = arith.constant 31 : i32
      %and3A_828 = vector.broadcast %and3A_827 : i32 to vector<16xi32>
      %and3A_829 = arith.andi %add3A_826, %and3A_828 : vector<16xi32>
      %gather3A_830 = tpu.vector_load_idx %arg10[%add3A_590, %add3A_757, %and3A_829] : memref<2x400x32xf32, #tpu.memory_space<vmem>>[vector<16xi32>, vector<16xi32>, vector<16xi32>], vector<16xf32>,
      %gather3A_831 = tpu.vector_load_idx %arg11[%add3A_590, %add3A_757, %and3A_829] : memref<2x400x32xf32, #tpu.memory_space<vmem>>[vector<16xi32>, vector<16xi32>, vector<16xi32>], vector<16xf32>,
      %sub3A_832 = arith.subf %gather3A_830, %gather3A_831 : vector<16xf32>
      %mul3A_833 = arith.mulf %sub3A_832, %sub3A_832 : vector<16xf32>
      %add3A_834 = arith.addf %add3A_823, %mul3A_833 : vector<16xf32>
      %add3A_835 = arith.constant 7 : i32
      %add3A_836 = vector.broadcast %add3A_835 : i32 to vector<16xi32>
      %add3A_837 = arith.addi %iota3A, %add3A_836 : vector<16xi32>
      %and3A_838 = arith.constant 31 : i32
      %and3A_839 = vector.broadcast %and3A_838 : i32 to vector<16xi32>
      %and3A_840 = arith.andi %add3A_837, %and3A_839 : vector<16xi32>
      %gather3A_841 = tpu.vector_load_idx %arg10[%add3A_590, %add3A_757, %and3A_840] : memref<2x400x32xf32, #tpu.memory_space<vmem>>[vector<16xi32>, vector<16xi32>, vector<16xi32>], vector<16xf32>,
      %gather3A_842 = tpu.vector_load_idx %arg11[%add3A_590, %add3A_757, %and3A_840] : memref<2x400x32xf32, #tpu.memory_space<vmem>>[vector<16xi32>, vector<16xi32>, vector<16xi32>], vector<16xf32>,
      %sub3A_843 = arith.subf %gather3A_841, %gather3A_842 : vector<16xf32>
      %mul3A_844 = arith.mulf %sub3A_843, %sub3A_843 : vector<16xf32>
      %add3A_845 = arith.addf %add3A_834, %mul3A_844 : vector<16xf32>
      %add3A_846 = arith.constant 8 : i32
      %add3A_847 = vector.broadcast %add3A_846 : i32 to vector<16xi32>
      %add3A_848 = arith.addi %iota3A, %add3A_847 : vector<16xi32>
      %and3A_849 = arith.constant 31 : i32
      %and3A_850 = vector.broadcast %and3A_849 : i32 to vector<16xi32>
      %and3A_851 = arith.andi %add3A_848, %and3A_850 : vector<16xi32>
      %gather3A_852 = tpu.vector_load_idx %arg10[%add3A_590, %add3A_757, %and3A_851] : memref<2x400x32xf32, #tpu.memory_space<vmem>>[vector<16xi32>, vector<16xi32>, vector<16xi32>], vector<16xf32>,
      %gather3A_853 = tpu.vector_load_idx %arg11[%add3A_590, %add3A_757, %and3A_851] : memref<2x400x32xf32, #tpu.memory_space<vmem>>[vector<16xi32>, vector<16xi32>, vector<16xi32>], vector<16xf32>,
      %sub3A_854 = arith.subf %gather3A_852, %gather3A_853 : vector<16xf32>
      %mul3A_855 = arith.mulf %sub3A_854, %sub3A_854 : vector<16xf32>
      %add3A_856 = arith.addf %add3A_845, %mul3A_855 : vector<16xf32>
      %add3A_857 = arith.constant 9 : i32
      %add3A_858 = vector.broadcast %add3A_857 : i32 to vector<16xi32>
      %add3A_859 = arith.addi %iota3A, %add3A_858 : vector<16xi32>
      %and3A_860 = arith.constant 31 : i32
      %and3A_861 = vector.broadcast %and3A_860 : i32 to vector<16xi32>
      %and3A_862 = arith.andi %add3A_859, %and3A_861 : vector<16xi32>
      %gather3A_863 = tpu.vector_load_idx %arg10[%add3A_590, %add3A_757, %and3A_862] : memref<2x400x32xf32, #tpu.memory_space<vmem>>[vector<16xi32>, vector<16xi32>, vector<16xi32>], vector<16xf32>,
      %gather3A_864 = tpu.vector_load_idx %arg11[%add3A_590, %add3A_757, %and3A_862] : memref<2x400x32xf32, #tpu.memory_space<vmem>>[vector<16xi32>, vector<16xi32>, vector<16xi32>], vector<16xf32>,
      %sub3A_865 = arith.subf %gather3A_863, %gather3A_864 : vector<16xf32>
      %mul3A_866 = arith.mulf %sub3A_865, %sub3A_865 : vector<16xf32>
      %add3A_867 = arith.addf %add3A_856, %mul3A_866 : vector<16xf32>
      %add3A_868 = arith.constant 10 : i32
      %add3A_869 = vector.broadcast %add3A_868 : i32 to vector<16xi32>
      %add3A_870 = arith.addi %iota3A, %add3A_869 : vector<16xi32>
      %and3A_871 = arith.constant 31 : i32
      %and3A_872 = vector.broadcast %and3A_871 : i32 to vector<16xi32>
      %and3A_873 = arith.andi %add3A_870, %and3A_872 : vector<16xi32>
      %gather3A_874 = tpu.vector_load_idx %arg10[%add3A_590, %add3A_757, %and3A_873] : memref<2x400x32xf32, #tpu.memory_space<vmem>>[vector<16xi32>, vector<16xi32>, vector<16xi32>], vector<16xf32>,
      %gather3A_875 = tpu.vector_load_idx %arg11[%add3A_590, %add3A_757, %and3A_873] : memref<2x400x32xf32, #tpu.memory_space<vmem>>[vector<16xi32>, vector<16xi32>, vector<16xi32>], vector<16xf32>,
      %sub3A_876 = arith.subf %gather3A_874, %gather3A_875 : vector<16xf32>
      %mul3A_877 = arith.mulf %sub3A_876, %sub3A_876 : vector<16xf32>
      %add3A_878 = arith.addf %add3A_867, %mul3A_877 : vector<16xf32>
      %add3A_879 = arith.constant 11 : i32
      %add3A_880 = vector.broadcast %add3A_879 : i32 to vector<16xi32>
      %add3A_881 = arith.addi %iota3A, %add3A_880 : vector<16xi32>
      %and3A_882 = arith.constant 31 : i32
      %and3A_883 = vector.broadcast %and3A_882 : i32 to vector<16xi32>
      %and3A_884 = arith.andi %add3A_881, %and3A_883 : vector<16xi32>
      %gather3A_885 = tpu.vector_load_idx %arg10[%add3A_590, %add3A_757, %and3A_884] : memref<2x400x32xf32, #tpu.memory_space<vmem>>[vector<16xi32>, vector<16xi32>, vector<16xi32>], vector<16xf32>,
      %gather3A_886 = tpu.vector_load_idx %arg11[%add3A_590, %add3A_757, %and3A_884] : memref<2x400x32xf32, #tpu.memory_space<vmem>>[vector<16xi32>, vector<16xi32>, vector<16xi32>], vector<16xf32>,
      %sub3A_887 = arith.subf %gather3A_885, %gather3A_886 : vector<16xf32>
      %mul3A_888 = arith.mulf %sub3A_887, %sub3A_887 : vector<16xf32>
      %add3A_889 = arith.addf %add3A_878, %mul3A_888 : vector<16xf32>
      %add3A_890 = arith.constant 12 : i32
      %add3A_891 = vector.broadcast %add3A_890 : i32 to vector<16xi32>
      %add3A_892 = arith.addi %iota3A, %add3A_891 : vector<16xi32>
      %and3A_893 = arith.constant 31 : i32
      %and3A_894 = vector.broadcast %and3A_893 : i32 to vector<16xi32>
      %and3A_895 = arith.andi %add3A_892, %and3A_894 : vector<16xi32>
      %gather3A_896 = tpu.vector_load_idx %arg10[%add3A_590, %add3A_757, %and3A_895] : memref<2x400x32xf32, #tpu.memory_space<vmem>>[vector<16xi32>, vector<16xi32>, vector<16xi32>], vector<16xf32>,
      %gather3A_897 = tpu.vector_load_idx %arg11[%add3A_590, %add3A_757, %and3A_895] : memref<2x400x32xf32, #tpu.memory_space<vmem>>[vector<16xi32>, vector<16xi32>, vector<16xi32>], vector<16xf32>,
      %sub3A_898 = arith.subf %gather3A_896, %gather3A_897 : vector<16xf32>
      %mul3A_899 = arith.mulf %sub3A_898, %sub3A_898 : vector<16xf32>
      %add3A_900 = arith.addf %add3A_889, %mul3A_899 : vector<16xf32>
      %add3A_901 = arith.constant 13 : i32
      %add3A_902 = vector.broadcast %add3A_901 : i32 to vector<16xi32>
      %add3A_903 = arith.addi %iota3A, %add3A_902 : vector<16xi32>
      %and3A_904 = arith.constant 31 : i32
      %and3A_905 = vector.broadcast %and3A_904 : i32 to vector<16xi32>
      %and3A_906 = arith.andi %add3A_903, %and3A_905 : vector<16xi32>
      %gather3A_907 = tpu.vector_load_idx %arg10[%add3A_590, %add3A_757, %and3A_906] : memref<2x400x32xf32, #tpu.memory_space<vmem>>[vector<16xi32>, vector<16xi32>, vector<16xi32>], vector<16xf32>,
      %gather3A_908 = tpu.vector_load_idx %arg11[%add3A_590, %add3A_757, %and3A_906] : memref<2x400x32xf32, #tpu.memory_space<vmem>>[vector<16xi32>, vector<16xi32>, vector<16xi32>], vector<16xf32>,
      %sub3A_909 = arith.subf %gather3A_907, %gather3A_908 : vector<16xf32>
      %mul3A_910 = arith.mulf %sub3A_909, %sub3A_909 : vector<16xf32>
      %add3A_911 = arith.addf %add3A_900, %mul3A_910 : vector<16xf32>
      %add3A_912 = arith.constant 14 : i32
      %add3A_913 = vector.broadcast %add3A_912 : i32 to vector<16xi32>
      %add3A_914 = arith.addi %iota3A, %add3A_913 : vector<16xi32>
      %and3A_915 = arith.constant 31 : i32
      %and3A_916 = vector.broadcast %and3A_915 : i32 to vector<16xi32>
      %and3A_917 = arith.andi %add3A_914, %and3A_916 : vector<16xi32>
      %gather3A_918 = tpu.vector_load_idx %arg10[%add3A_590, %add3A_757, %and3A_917] : memref<2x400x32xf32, #tpu.memory_space<vmem>>[vector<16xi32>, vector<16xi32>, vector<16xi32>], vector<16xf32>,
      %gather3A_919 = tpu.vector_load_idx %arg11[%add3A_590, %add3A_757, %and3A_917] : memref<2x400x32xf32, #tpu.memory_space<vmem>>[vector<16xi32>, vector<16xi32>, vector<16xi32>], vector<16xf32>,
      %sub3A_920 = arith.subf %gather3A_918, %gather3A_919 : vector<16xf32>
      %mul3A_921 = arith.mulf %sub3A_920, %sub3A_920 : vector<16xf32>
      %add3A_922 = arith.addf %add3A_911, %mul3A_921 : vector<16xf32>
      %add3A_923 = arith.constant 15 : i32
      %add3A_924 = vector.broadcast %add3A_923 : i32 to vector<16xi32>
      %add3A_925 = arith.addi %iota3A, %add3A_924 : vector<16xi32>
      %and3A_926 = arith.constant 31 : i32
      %and3A_927 = vector.broadcast %and3A_926 : i32 to vector<16xi32>
      %and3A_928 = arith.andi %add3A_925, %and3A_927 : vector<16xi32>
      %gather3A_929 = tpu.vector_load_idx %arg10[%add3A_590, %add3A_757, %and3A_928] : memref<2x400x32xf32, #tpu.memory_space<vmem>>[vector<16xi32>, vector<16xi32>, vector<16xi32>], vector<16xf32>,
      %gather3A_930 = tpu.vector_load_idx %arg11[%add3A_590, %add3A_757, %and3A_928] : memref<2x400x32xf32, #tpu.memory_space<vmem>>[vector<16xi32>, vector<16xi32>, vector<16xi32>], vector<16xf32>,
      %sub3A_931 = arith.subf %gather3A_929, %gather3A_930 : vector<16xf32>
      %mul3A_932 = arith.mulf %sub3A_931, %sub3A_931 : vector<16xf32>
      %add3A_933 = arith.addf %add3A_922, %mul3A_932 : vector<16xf32>
      %add3A_934 = arith.constant 16 : i32
      %add3A_935 = vector.broadcast %add3A_934 : i32 to vector<16xi32>
      %add3A_936 = arith.addi %iota3A, %add3A_935 : vector<16xi32>
      %and3A_937 = arith.constant 31 : i32
      %and3A_938 = vector.broadcast %and3A_937 : i32 to vector<16xi32>
      %and3A_939 = arith.andi %add3A_936, %and3A_938 : vector<16xi32>
      %gather3A_940 = tpu.vector_load_idx %arg10[%add3A_590, %add3A_757, %and3A_939] : memref<2x400x32xf32, #tpu.memory_space<vmem>>[vector<16xi32>, vector<16xi32>, vector<16xi32>], vector<16xf32>,
      %gather3A_941 = tpu.vector_load_idx %arg11[%add3A_590, %add3A_757, %and3A_939] : memref<2x400x32xf32, #tpu.memory_space<vmem>>[vector<16xi32>, vector<16xi32>, vector<16xi32>], vector<16xf32>,
      %sub3A_942 = arith.subf %gather3A_940, %gather3A_941 : vector<16xf32>
      %mul3A_943 = arith.mulf %sub3A_942, %sub3A_942 : vector<16xf32>
      %add3A_944 = arith.addf %add3A_933, %mul3A_943 : vector<16xf32>
      %add3A_945 = arith.constant 17 : i32
      %add3A_946 = vector.broadcast %add3A_945 : i32 to vector<16xi32>
      %add3A_947 = arith.addi %iota3A, %add3A_946 : vector<16xi32>
      %and3A_948 = arith.constant 31 : i32
      %and3A_949 = vector.broadcast %and3A_948 : i32 to vector<16xi32>
      %and3A_950 = arith.andi %add3A_947, %and3A_949 : vector<16xi32>
      %gather3A_951 = tpu.vector_load_idx %arg10[%add3A_590, %add3A_757, %and3A_950] : memref<2x400x32xf32, #tpu.memory_space<vmem>>[vector<16xi32>, vector<16xi32>, vector<16xi32>], vector<16xf32>,
      %gather3A_952 = tpu.vector_load_idx %arg11[%add3A_590, %add3A_757, %and3A_950] : memref<2x400x32xf32, #tpu.memory_space<vmem>>[vector<16xi32>, vector<16xi32>, vector<16xi32>], vector<16xf32>,
      %sub3A_953 = arith.subf %gather3A_951, %gather3A_952 : vector<16xf32>
      %mul3A_954 = arith.mulf %sub3A_953, %sub3A_953 : vector<16xf32>
      %add3A_955 = arith.addf %add3A_944, %mul3A_954 : vector<16xf32>
      %add3A_956 = arith.constant 18 : i32
      %add3A_957 = vector.broadcast %add3A_956 : i32 to vector<16xi32>
      %add3A_958 = arith.addi %iota3A, %add3A_957 : vector<16xi32>
      %and3A_959 = arith.constant 31 : i32
      %and3A_960 = vector.broadcast %and3A_959 : i32 to vector<16xi32>
      %and3A_961 = arith.andi %add3A_958, %and3A_960 : vector<16xi32>
      %gather3A_962 = tpu.vector_load_idx %arg10[%add3A_590, %add3A_757, %and3A_961] : memref<2x400x32xf32, #tpu.memory_space<vmem>>[vector<16xi32>, vector<16xi32>, vector<16xi32>], vector<16xf32>,
      %gather3A_963 = tpu.vector_load_idx %arg11[%add3A_590, %add3A_757, %and3A_961] : memref<2x400x32xf32, #tpu.memory_space<vmem>>[vector<16xi32>, vector<16xi32>, vector<16xi32>], vector<16xf32>,
      %sub3A_964 = arith.subf %gather3A_962, %gather3A_963 : vector<16xf32>
      %mul3A_965 = arith.mulf %sub3A_964, %sub3A_964 : vector<16xf32>
      %add3A_966 = arith.addf %add3A_955, %mul3A_965 : vector<16xf32>
      %add3A_967 = arith.constant 19 : i32
      %add3A_968 = vector.broadcast %add3A_967 : i32 to vector<16xi32>
      %add3A_969 = arith.addi %iota3A, %add3A_968 : vector<16xi32>
      %and3A_970 = arith.constant 31 : i32
      %and3A_971 = vector.broadcast %and3A_970 : i32 to vector<16xi32>
      %and3A_972 = arith.andi %add3A_969, %and3A_971 : vector<16xi32>
      %gather3A_973 = tpu.vector_load_idx %arg10[%add3A_590, %add3A_757, %and3A_972] : memref<2x400x32xf32, #tpu.memory_space<vmem>>[vector<16xi32>, vector<16xi32>, vector<16xi32>], vector<16xf32>,
      %gather3A_974 = tpu.vector_load_idx %arg11[%add3A_590, %add3A_757, %and3A_972] : memref<2x400x32xf32, #tpu.memory_space<vmem>>[vector<16xi32>, vector<16xi32>, vector<16xi32>], vector<16xf32>,
      %sub3A_975 = arith.subf %gather3A_973, %gather3A_974 : vector<16xf32>
      %mul3A_976 = arith.mulf %sub3A_975, %sub3A_975 : vector<16xf32>
      %add3A_977 = arith.addf %add3A_966, %mul3A_976 : vector<16xf32>
      %add3A_978 = arith.constant 20 : i32
      %add3A_979 = vector.broadcast %add3A_978 : i32 to vector<16xi32>
      %add3A_980 = arith.addi %iota3A, %add3A_979 : vector<16xi32>
      %and3A_981 = arith.constant 31 : i32
      %and3A_982 = vector.broadcast %and3A_981 : i32 to vector<16xi32>
      %and3A_983 = arith.andi %add3A_980, %and3A_982 : vector<16xi32>
      %gather3A_984 = tpu.vector_load_idx %arg10[%add3A_590, %add3A_757, %and3A_983] : memref<2x400x32xf32, #tpu.memory_space<vmem>>[vector<16xi32>, vector<16xi32>, vector<16xi32>], vector<16xf32>,
      %gather3A_985 = tpu.vector_load_idx %arg11[%add3A_590, %add3A_757, %and3A_983] : memref<2x400x32xf32, #tpu.memory_space<vmem>>[vector<16xi32>, vector<16xi32>, vector<16xi32>], vector<16xf32>,
      %sub3A_986 = arith.subf %gather3A_984, %gather3A_985 : vector<16xf32>
      %mul3A_987 = arith.mulf %sub3A_986, %sub3A_986 : vector<16xf32>
      %add3A_988 = arith.addf %add3A_977, %mul3A_987 : vector<16xf32>
      %add3A_989 = arith.constant 21 : i32
      %add3A_990 = vector.broadcast %add3A_989 : i32 to vector<16xi32>
      %add3A_991 = arith.addi %iota3A, %add3A_990 : vector<16xi32>
      %and3A_992 = arith.constant 31 : i32
      %and3A_993 = vector.broadcast %and3A_992 : i32 to vector<16xi32>
      %and3A_994 = arith.andi %add3A_991, %and3A_993 : vector<16xi32>
      %gather3A_995 = tpu.vector_load_idx %arg10[%add3A_590, %add3A_757, %and3A_994] : memref<2x400x32xf32, #tpu.memory_space<vmem>>[vector<16xi32>, vector<16xi32>, vector<16xi32>], vector<16xf32>,
      %gather3A_996 = tpu.vector_load_idx %arg11[%add3A_590, %add3A_757, %and3A_994] : memref<2x400x32xf32, #tpu.memory_space<vmem>>[vector<16xi32>, vector<16xi32>, vector<16xi32>], vector<16xf32>,
      %sub3A_997 = arith.subf %gather3A_995, %gather3A_996 : vector<16xf32>
      %mul3A_998 = arith.mulf %sub3A_997, %sub3A_997 : vector<16xf32>
      %add3A_999 = arith.addf %add3A_988, %mul3A_998 : vector<16xf32>
      %add3A_1000 = arith.constant 22 : i32
      %add3A_1001 = vector.broadcast %add3A_1000 : i32 to vector<16xi32>
      %add3A_1002 = arith.addi %iota3A, %add3A_1001 : vector<16xi32>
      %and3A_1003 = arith.constant 31 : i32
      %and3A_1004 = vector.broadcast %and3A_1003 : i32 to vector<16xi32>
      %and3A_1005 = arith.andi %add3A_1002, %and3A_1004 : vector<16xi32>
      %gather3A_1006 = tpu.vector_load_idx %arg10[%add3A_590, %add3A_757, %and3A_1005] : memref<2x400x32xf32, #tpu.memory_space<vmem>>[vector<16xi32>, vector<16xi32>, vector<16xi32>], vector<16xf32>,
      %gather3A_1007 = tpu.vector_load_idx %arg11[%add3A_590, %add3A_757, %and3A_1005] : memref<2x400x32xf32, #tpu.memory_space<vmem>>[vector<16xi32>, vector<16xi32>, vector<16xi32>], vector<16xf32>,
      %sub3A_1008 = arith.subf %gather3A_1006, %gather3A_1007 : vector<16xf32>
      %mul3A_1009 = arith.mulf %sub3A_1008, %sub3A_1008 : vector<16xf32>
      %add3A_1010 = arith.addf %add3A_999, %mul3A_1009 : vector<16xf32>
      %add3A_1011 = arith.constant 23 : i32
      %add3A_1012 = vector.broadcast %add3A_1011 : i32 to vector<16xi32>
      %add3A_1013 = arith.addi %iota3A, %add3A_1012 : vector<16xi32>
      %and3A_1014 = arith.constant 31 : i32
      %and3A_1015 = vector.broadcast %and3A_1014 : i32 to vector<16xi32>
      %and3A_1016 = arith.andi %add3A_1013, %and3A_1015 : vector<16xi32>
      %gather3A_1017 = tpu.vector_load_idx %arg10[%add3A_590, %add3A_757, %and3A_1016] : memref<2x400x32xf32, #tpu.memory_space<vmem>>[vector<16xi32>, vector<16xi32>, vector<16xi32>], vector<16xf32>,
      %gather3A_1018 = tpu.vector_load_idx %arg11[%add3A_590, %add3A_757, %and3A_1016] : memref<2x400x32xf32, #tpu.memory_space<vmem>>[vector<16xi32>, vector<16xi32>, vector<16xi32>], vector<16xf32>,
      %sub3A_1019 = arith.subf %gather3A_1017, %gather3A_1018 : vector<16xf32>
      %mul3A_1020 = arith.mulf %sub3A_1019, %sub3A_1019 : vector<16xf32>
      %add3A_1021 = arith.addf %add3A_1010, %mul3A_1020 : vector<16xf32>
      %add3A_1022 = arith.constant 24 : i32
      %add3A_1023 = vector.broadcast %add3A_1022 : i32 to vector<16xi32>
      %add3A_1024 = arith.addi %iota3A, %add3A_1023 : vector<16xi32>
      %and3A_1025 = arith.constant 31 : i32
      %and3A_1026 = vector.broadcast %and3A_1025 : i32 to vector<16xi32>
      %and3A_1027 = arith.andi %add3A_1024, %and3A_1026 : vector<16xi32>
      %gather3A_1028 = tpu.vector_load_idx %arg10[%add3A_590, %add3A_757, %and3A_1027] : memref<2x400x32xf32, #tpu.memory_space<vmem>>[vector<16xi32>, vector<16xi32>, vector<16xi32>], vector<16xf32>,
      %gather3A_1029 = tpu.vector_load_idx %arg11[%add3A_590, %add3A_757, %and3A_1027] : memref<2x400x32xf32, #tpu.memory_space<vmem>>[vector<16xi32>, vector<16xi32>, vector<16xi32>], vector<16xf32>,
      %sub3A_1030 = arith.subf %gather3A_1028, %gather3A_1029 : vector<16xf32>
      %mul3A_1031 = arith.mulf %sub3A_1030, %sub3A_1030 : vector<16xf32>
      %add3A_1032 = arith.addf %add3A_1021, %mul3A_1031 : vector<16xf32>
      %add3A_1033 = arith.constant 25 : i32
      %add3A_1034 = vector.broadcast %add3A_1033 : i32 to vector<16xi32>
      %add3A_1035 = arith.addi %iota3A, %add3A_1034 : vector<16xi32>
      %and3A_1036 = arith.constant 31 : i32
      %and3A_1037 = vector.broadcast %and3A_1036 : i32 to vector<16xi32>
      %and3A_1038 = arith.andi %add3A_1035, %and3A_1037 : vector<16xi32>
      %gather3A_1039 = tpu.vector_load_idx %arg10[%add3A_590, %add3A_757, %and3A_1038] : memref<2x400x32xf32, #tpu.memory_space<vmem>>[vector<16xi32>, vector<16xi32>, vector<16xi32>], vector<16xf32>,
      %gather3A_1040 = tpu.vector_load_idx %arg11[%add3A_590, %add3A_757, %and3A_1038] : memref<2x400x32xf32, #tpu.memory_space<vmem>>[vector<16xi32>, vector<16xi32>, vector<16xi32>], vector<16xf32>,
      %sub3A_1041 = arith.subf %gather3A_1039, %gather3A_1040 : vector<16xf32>
      %mul3A_1042 = arith.mulf %sub3A_1041, %sub3A_1041 : vector<16xf32>
      %add3A_1043 = arith.addf %add3A_1032, %mul3A_1042 : vector<16xf32>
      %add3A_1044 = arith.constant 26 : i32
      %add3A_1045 = vector.broadcast %add3A_1044 : i32 to vector<16xi32>
      %add3A_1046 = arith.addi %iota3A, %add3A_1045 : vector<16xi32>
      %and3A_1047 = arith.constant 31 : i32
      %and3A_1048 = vector.broadcast %and3A_1047 : i32 to vector<16xi32>
      %and3A_1049 = arith.andi %add3A_1046, %and3A_1048 : vector<16xi32>
      %gather3A_1050 = tpu.vector_load_idx %arg10[%add3A_590, %add3A_757, %and3A_1049] : memref<2x400x32xf32, #tpu.memory_space<vmem>>[vector<16xi32>, vector<16xi32>, vector<16xi32>], vector<16xf32>,
      %gather3A_1051 = tpu.vector_load_idx %arg11[%add3A_590, %add3A_757, %and3A_1049] : memref<2x400x32xf32, #tpu.memory_space<vmem>>[vector<16xi32>, vector<16xi32>, vector<16xi32>], vector<16xf32>,
      %sub3A_1052 = arith.subf %gather3A_1050, %gather3A_1051 : vector<16xf32>
      %mul3A_1053 = arith.mulf %sub3A_1052, %sub3A_1052 : vector<16xf32>
      %add3A_1054 = arith.addf %add3A_1043, %mul3A_1053 : vector<16xf32>
      %add3A_1055 = arith.constant 27 : i32
      %add3A_1056 = vector.broadcast %add3A_1055 : i32 to vector<16xi32>
      %add3A_1057 = arith.addi %iota3A, %add3A_1056 : vector<16xi32>
      %and3A_1058 = arith.constant 31 : i32
      %and3A_1059 = vector.broadcast %and3A_1058 : i32 to vector<16xi32>
      %and3A_1060 = arith.andi %add3A_1057, %and3A_1059 : vector<16xi32>
      %gather3A_1061 = tpu.vector_load_idx %arg10[%add3A_590, %add3A_757, %and3A_1060] : memref<2x400x32xf32, #tpu.memory_space<vmem>>[vector<16xi32>, vector<16xi32>, vector<16xi32>], vector<16xf32>,
      %gather3A_1062 = tpu.vector_load_idx %arg11[%add3A_590, %add3A_757, %and3A_1060] : memref<2x400x32xf32, #tpu.memory_space<vmem>>[vector<16xi32>, vector<16xi32>, vector<16xi32>], vector<16xf32>,
      %sub3A_1063 = arith.subf %gather3A_1061, %gather3A_1062 : vector<16xf32>
      %mul3A_1064 = arith.mulf %sub3A_1063, %sub3A_1063 : vector<16xf32>
      %add3A_1065 = arith.addf %add3A_1054, %mul3A_1064 : vector<16xf32>
      %add3A_1066 = arith.constant 28 : i32
      %add3A_1067 = vector.broadcast %add3A_1066 : i32 to vector<16xi32>
      %add3A_1068 = arith.addi %iota3A, %add3A_1067 : vector<16xi32>
      %and3A_1069 = arith.constant 31 : i32
      %and3A_1070 = vector.broadcast %and3A_1069 : i32 to vector<16xi32>
      %and3A_1071 = arith.andi %add3A_1068, %and3A_1070 : vector<16xi32>
      %gather3A_1072 = tpu.vector_load_idx %arg10[%add3A_590, %add3A_757, %and3A_1071] : memref<2x400x32xf32, #tpu.memory_space<vmem>>[vector<16xi32>, vector<16xi32>, vector<16xi32>], vector<16xf32>,
      %gather3A_1073 = tpu.vector_load_idx %arg11[%add3A_590, %add3A_757, %and3A_1071] : memref<2x400x32xf32, #tpu.memory_space<vmem>>[vector<16xi32>, vector<16xi32>, vector<16xi32>], vector<16xf32>,
      %sub3A_1074 = arith.subf %gather3A_1072, %gather3A_1073 : vector<16xf32>
      %mul3A_1075 = arith.mulf %sub3A_1074, %sub3A_1074 : vector<16xf32>
      %add3A_1076 = arith.addf %add3A_1065, %mul3A_1075 : vector<16xf32>
      %add3A_1077 = arith.constant 29 : i32
      %add3A_1078 = vector.broadcast %add3A_1077 : i32 to vector<16xi32>
      %add3A_1079 = arith.addi %iota3A, %add3A_1078 : vector<16xi32>
      %and3A_1080 = arith.constant 31 : i32
      %and3A_1081 = vector.broadcast %and3A_1080 : i32 to vector<16xi32>
      %and3A_1082 = arith.andi %add3A_1079, %and3A_1081 : vector<16xi32>
      %gather3A_1083 = tpu.vector_load_idx %arg10[%add3A_590, %add3A_757, %and3A_1082] : memref<2x400x32xf32, #tpu.memory_space<vmem>>[vector<16xi32>, vector<16xi32>, vector<16xi32>], vector<16xf32>,
      %gather3A_1084 = tpu.vector_load_idx %arg11[%add3A_590, %add3A_757, %and3A_1082] : memref<2x400x32xf32, #tpu.memory_space<vmem>>[vector<16xi32>, vector<16xi32>, vector<16xi32>], vector<16xf32>,
      %sub3A_1085 = arith.subf %gather3A_1083, %gather3A_1084 : vector<16xf32>
      %mul3A_1086 = arith.mulf %sub3A_1085, %sub3A_1085 : vector<16xf32>
      %add3A_1087 = arith.addf %add3A_1076, %mul3A_1086 : vector<16xf32>
      %add3A_1088 = arith.constant 30 : i32
      %add3A_1089 = vector.broadcast %add3A_1088 : i32 to vector<16xi32>
      %add3A_1090 = arith.addi %iota3A, %add3A_1089 : vector<16xi32>
      %and3A_1091 = arith.constant 31 : i32
      %and3A_1092 = vector.broadcast %and3A_1091 : i32 to vector<16xi32>
      %and3A_1093 = arith.andi %add3A_1090, %and3A_1092 : vector<16xi32>
      %gather3A_1094 = tpu.vector_load_idx %arg10[%add3A_590, %add3A_757, %and3A_1093] : memref<2x400x32xf32, #tpu.memory_space<vmem>>[vector<16xi32>, vector<16xi32>, vector<16xi32>], vector<16xf32>,
      %gather3A_1095 = tpu.vector_load_idx %arg11[%add3A_590, %add3A_757, %and3A_1093] : memref<2x400x32xf32, #tpu.memory_space<vmem>>[vector<16xi32>, vector<16xi32>, vector<16xi32>], vector<16xf32>,
      %sub3A_1096 = arith.subf %gather3A_1094, %gather3A_1095 : vector<16xf32>
      %mul3A_1097 = arith.mulf %sub3A_1096, %sub3A_1096 : vector<16xf32>
      %add3A_1098 = arith.addf %add3A_1087, %mul3A_1097 : vector<16xf32>
      %add3A_1099 = arith.constant 31 : i32
      %add3A_1100 = vector.broadcast %add3A_1099 : i32 to vector<16xi32>
      %add3A_1101 = arith.addi %iota3A, %add3A_1100 : vector<16xi32>
      %and3A_1102 = arith.constant 31 : i32
      %and3A_1103 = vector.broadcast %and3A_1102 : i32 to vector<16xi32>
      %and3A_1104 = arith.andi %add3A_1101, %and3A_1103 : vector<16xi32>
      %gather3A_1105 = tpu.vector_load_idx %arg10[%add3A_590, %add3A_757, %and3A_1104] : memref<2x400x32xf32, #tpu.memory_space<vmem>>[vector<16xi32>, vector<16xi32>, vector<16xi32>], vector<16xf32>,
      %gather3A_1106 = tpu.vector_load_idx %arg11[%add3A_590, %add3A_757, %and3A_1104] : memref<2x400x32xf32, #tpu.memory_space<vmem>>[vector<16xi32>, vector<16xi32>, vector<16xi32>], vector<16xf32>,
      %sub3A_1107 = arith.subf %gather3A_1105, %gather3A_1106 : vector<16xf32>
      %mul3A_1108 = arith.mulf %sub3A_1107, %sub3A_1107 : vector<16xf32>
      %add3A_1109 = arith.addf %add3A_1098, %mul3A_1108 : vector<16xf32>
      %max3A = arith.constant 1.000000e-30 : f32
      %max3A_1110 = vector.broadcast %max3A : f32 to vector<16xf32>
      %max3A_1111 = arith.maximumf %add3A_1109, %max3A_1110 : vector<16xf32>
      %bitcast3A = vector.bitcast %max3A_1111 : vector<16xf32> to vector<16xi32>
      %shift_right_logical3A = arith.constant 1 : i32
      %shift_right_logical3A_1112 = vector.broadcast %shift_right_logical3A : i32 to vector<16xi32>
      %shift_right_logical3A_1113 = arith.shrui %bitcast3A, %shift_right_logical3A_1112 : vector<16xi32>
      %sub3A_1114 = arith.constant 1597463007 : i32
      %sub3A_1115 = vector.broadcast %sub3A_1114 : i32 to vector<16xi32>
      %sub3A_1116 = arith.subi %sub3A_1115, %shift_right_logical3A_1113 : vector<16xi32>
      %bitcast3A_1117 = vector.bitcast %sub3A_1116 : vector<16xi32> to vector<16xf32>
      %mul3A_1118 = arith.constant 5.000000e-01 : f32
      %mul3A_1119 = vector.broadcast %mul3A_1118 : f32 to vector<16xf32>
      %mul3A_1120 = arith.mulf %max3A_1111, %mul3A_1119 : vector<16xf32>
      %mul3A_1121 = arith.mulf %mul3A_1120, %bitcast3A_1117 : vector<16xf32>
      %mul3A_1122 = arith.mulf %mul3A_1121, %bitcast3A_1117 : vector<16xf32>
      %sub3A_1123 = arith.constant 1.500000e+00 : f32
      %sub3A_1124 = vector.broadcast %sub3A_1123 : f32 to vector<16xf32>
      %sub3A_1125 = arith.subf %sub3A_1124, %mul3A_1122 : vector<16xf32>
      %mul3A_1126 = arith.mulf %bitcast3A_1117, %sub3A_1125 : vector<16xf32>
      %mul3A_1127 = arith.mulf %mul3A_1120, %mul3A_1126 : vector<16xf32>
      %mul3A_1128 = arith.mulf %mul3A_1127, %mul3A_1126 : vector<16xf32>
      %sub3A_1129 = arith.constant 1.500000e+00 : f32
      %sub3A_1130 = vector.broadcast %sub3A_1129 : f32 to vector<16xf32>
      %sub3A_1131 = arith.subf %sub3A_1130, %mul3A_1128 : vector<16xf32>
      %mul3A_1132 = arith.mulf %mul3A_1126, %sub3A_1131 : vector<16xf32>
      %mul3A_1133 = arith.mulf %mul3A_1120, %mul3A_1132 : vector<16xf32>
      %mul3A_1134 = arith.mulf %mul3A_1133, %mul3A_1132 : vector<16xf32>
      %sub3A_1135 = arith.constant 1.500000e+00 : f32
      %sub3A_1136 = vector.broadcast %sub3A_1135 : f32 to vector<16xf32>
      %sub3A_1137 = arith.subf %sub3A_1136, %mul3A_1134 : vector<16xf32>
      %mul3A_1138 = arith.mulf %mul3A_1132, %sub3A_1137 : vector<16xf32>
      %gt3A = arith.constant 1.000000e-30 : f32
      %gt3A_1139 = vector.broadcast %gt3A : f32 to vector<16xf32>
      %gt3A_1140 = arith.cmpf ogt, %add3A_1109, %gt3A_1139 : vector<16xf32>
      %mul3A_1141 = arith.mulf %max3A_1111, %mul3A_1138 : vector<16xf32>
      %jit3A = arith.constant 0.000000e+00 : f32
      %broadcast_in_dim3A_1142 = vector.broadcast %jit3A : f32 to vector<16xf32>
      %select_n3A = arith.select %gt3A_1140, %mul3A_1141, %broadcast_in_dim3A_1142 : vector<16xi1>, vector<16xf32>
      %mul3A_1143 = arith.constant 16 : i32
      %mul3A_1144 = arith.muli %scan3A_752, %mul3A_1143 : i32
      %get3A = arith.constant 1 : i32
      %get3A_1145 = arith.index_cast %get3A : i32 to index
      %get3A_1146 = arith.index_cast %mul3A_1144 : i32 to index
      %get3A_1147 = tpu.vector_load %arg9[%get3A_1145, %get3A_1146] {strides = array<i32>} : memref<2x400xf32, #tpu.memory_space<vmem>>, vector<16xf32>,
      %mul3A_1148 = arith.mulf %select_n3A, %get3A_1147 : vector<16xf32>
      %add3A_1149 = arith.addf %scan3A_753, %mul3A_1148 : vector<16xf32>
      scf.yield %add3A_1149 : vector<16xf32>
    }
    %scan3A_596 = arith.constant 25 : i32
    %mul3A_597 = arith.constant 400 : i32
    %mul3A_598 = arith.muli %sub3A_265, %mul3A_597 : i32
    %dma_wait3A_599 = arith.constant 0 : i32
    %dma_wait3A_600 = arith.constant 0 : i32
    %dma_wait3A_601 = arith.constant 0 : i32
    %dma_wait3A_602 = arith.constant 0 : i32
    %dma_wait3A_603 = arith.constant 0 : i32
    %dma_wait3A_604 = arith.constant 0 : i32
    %dma_wait3A_605 = tpu.memref_slice %arg10[%dma_wait3A_601, %dma_wait3A_603, %dma_wait3A_604] : memref<2x400x32xf32, #tpu.memory_space<vmem>> -> memref<1x100x32xf32, #tpu.memory_space<vmem>>
    %dma_wait3A_606 = tpu.memref_squeeze %dma_wait3A_605 : memref<1x100x32xf32, #tpu.memory_space<vmem>> -> memref<100x32xf32, #tpu.memory_space<vmem>>
    %dma_wait3A_607 = arith.constant 0 : i32
    %dma_wait3A_608 = tpu.memref_slice %arg7[%dma_wait3A_599, %dma_wait3A_600, %dma_wait3A_607] : memref<2x4x100xi32, #tpu.memory_space<vmem>> -> memref<1x1x100xi32, #tpu.memory_space<vmem>>
    %dma_wait3A_609 = tpu.memref_squeeze %dma_wait3A_608 : memref<1x1x100xi32, #tpu.memory_space<vmem>> -> memref<100xi32, #tpu.memory_space<vmem>>
    %dma_wait3A_610 = arith.constant 0 : i32
    %dma_wait3A_611 = arith.constant 0 : i32
    %dma_wait3A_612 = tpu.memref_slice %arg2[%dma_wait3A_610, %dma_wait3A_611] : memref<100000x32xf32, #tpu.memory_space<hbm>> -> memref<100000x32xf32, #tpu.memory_space<hbm>>
    %dma_wait3A_613 = tpu.memref_slice %arg14[%dma_wait3A_602] : memref<2x!tpu.dma_semaphore, #tpu.memory_space<semaphore_mem>> -> memref<1x!tpu.dma_semaphore, #tpu.memory_space<semaphore_mem>>
    %dma_wait3A_614 = tpu.memref_squeeze %dma_wait3A_613 : memref<1x!tpu.dma_semaphore, #tpu.memory_space<semaphore_mem>> -> memref<!tpu.dma_semaphore, #tpu.memory_space<semaphore_mem>>
    tpu.wait_indirect_dma semaphore(%dma_wait3A_614 : memref<!tpu.dma_semaphore, #tpu.memory_space<semaphore_mem>>) src(%dma_wait3A_612 : memref<100000x32xf32, #tpu.memory_space<hbm>>) dst(%dma_wait3A_606 : memref<100x32xf32, #tpu.memory_space<vmem>>)
    %dma_wait3A_615 = arith.constant 0 : i32
    %dma_wait3A_616 = arith.constant 0 : i32
    %dma_wait3A_617 = arith.constant 0 : i32
    %dma_wait3A_618 = arith.constant 0 : i32
    %dma_wait3A_619 = arith.constant 0 : i32
    %dma_wait3A_620 = arith.constant 0 : i32
    %dma_wait3A_621 = tpu.memref_slice %arg11[%dma_wait3A_617, %dma_wait3A_619, %dma_wait3A_620] : memref<2x400x32xf32, #tpu.memory_space<vmem>> -> memref<1x100x32xf32, #tpu.memory_space<vmem>>
    %dma_wait3A_622 = tpu.memref_squeeze %dma_wait3A_621 : memref<1x100x32xf32, #tpu.memory_space<vmem>> -> memref<100x32xf32, #tpu.memory_space<vmem>>
    %dma_wait3A_623 = arith.constant 0 : i32
    %dma_wait3A_624 = tpu.memref_slice %arg8[%dma_wait3A_615, %dma_wait3A_616, %dma_wait3A_623] : memref<2x4x100xi32, #tpu.memory_space<vmem>> -> memref<1x1x100xi32, #tpu.memory_space<vmem>>
    %dma_wait3A_625 = tpu.memref_squeeze %dma_wait3A_624 : memref<1x1x100xi32, #tpu.memory_space<vmem>> -> memref<100xi32, #tpu.memory_space<vmem>>
    %dma_wait3A_626 = arith.constant 0 : i32
    %dma_wait3A_627 = arith.constant 0 : i32
    %dma_wait3A_628 = tpu.memref_slice %arg2[%dma_wait3A_626, %dma_wait3A_627] : memref<100000x32xf32, #tpu.memory_space<hbm>> -> memref<100000x32xf32, #tpu.memory_space<hbm>>
    %dma_wait3A_629 = tpu.memref_slice %arg14[%dma_wait3A_618] : memref<2x!tpu.dma_semaphore, #tpu.memory_space<semaphore_mem>> -> memref<1x!tpu.dma_semaphore, #tpu.memory_space<semaphore_mem>>
    %dma_wait3A_630 = tpu.memref_squeeze %dma_wait3A_629 : memref<1x!tpu.dma_semaphore, #tpu.memory_space<semaphore_mem>> -> memref<!tpu.dma_semaphore, #tpu.memory_space<semaphore_mem>>
    tpu.wait_indirect_dma semaphore(%dma_wait3A_630 : memref<!tpu.dma_semaphore, #tpu.memory_space<semaphore_mem>>) src(%dma_wait3A_628 : memref<100000x32xf32, #tpu.memory_space<hbm>>) dst(%dma_wait3A_622 : memref<100x32xf32, #tpu.memory_space<vmem>>)
    %dma_wait3A_631 = arith.constant 0 : i32
    %dma_wait3A_632 = arith.constant 1 : i32
    %dma_wait3A_633 = arith.constant 0 : i32
    %dma_wait3A_634 = arith.constant 0 : i32
    %dma_wait3A_635 = arith.constant 100 : i32
    %dma_wait3A_636 = arith.constant 0 : i32
    %dma_wait3A_637 = tpu.memref_slice %arg10[%dma_wait3A_633, %dma_wait3A_635, %dma_wait3A_636] : memref<2x400x32xf32, #tpu.memory_space<vmem>> -> memref<1x100x32xf32, #tpu.memory_space<vmem>>
    %dma_wait3A_638 = tpu.memref_squeeze %dma_wait3A_637 : memref<1x100x32xf32, #tpu.memory_space<vmem>> -> memref<100x32xf32, #tpu.memory_space<vmem>>
    %dma_wait3A_639 = arith.constant 0 : i32
    %dma_wait3A_640 = tpu.memref_slice %arg7[%dma_wait3A_631, %dma_wait3A_632, %dma_wait3A_639] : memref<2x4x100xi32, #tpu.memory_space<vmem>> -> memref<1x1x100xi32, #tpu.memory_space<vmem>>
    %dma_wait3A_641 = tpu.memref_squeeze %dma_wait3A_640 : memref<1x1x100xi32, #tpu.memory_space<vmem>> -> memref<100xi32, #tpu.memory_space<vmem>>
    %dma_wait3A_642 = arith.constant 0 : i32
    %dma_wait3A_643 = arith.constant 0 : i32
    %dma_wait3A_644 = tpu.memref_slice %arg2[%dma_wait3A_642, %dma_wait3A_643] : memref<100000x32xf32, #tpu.memory_space<hbm>> -> memref<100000x32xf32, #tpu.memory_space<hbm>>
    %dma_wait3A_645 = tpu.memref_slice %arg14[%dma_wait3A_634] : memref<2x!tpu.dma_semaphore, #tpu.memory_space<semaphore_mem>> -> memref<1x!tpu.dma_semaphore, #tpu.memory_space<semaphore_mem>>
    %dma_wait3A_646 = tpu.memref_squeeze %dma_wait3A_645 : memref<1x!tpu.dma_semaphore, #tpu.memory_space<semaphore_mem>> -> memref<!tpu.dma_semaphore, #tpu.memory_space<semaphore_mem>>
    tpu.wait_indirect_dma semaphore(%dma_wait3A_646 : memref<!tpu.dma_semaphore, #tpu.memory_space<semaphore_mem>>) src(%dma_wait3A_644 : memref<100000x32xf32, #tpu.memory_space<hbm>>) dst(%dma_wait3A_638 : memref<100x32xf32, #tpu.memory_space<vmem>>)
    %dma_wait3A_647 = arith.constant 0 : i32
    %dma_wait3A_648 = arith.constant 1 : i32
    %dma_wait3A_649 = arith.constant 0 : i32
    %dma_wait3A_650 = arith.constant 0 : i32
    %dma_wait3A_651 = arith.constant 100 : i32
    %dma_wait3A_652 = arith.constant 0 : i32
    %dma_wait3A_653 = tpu.memref_slice %arg11[%dma_wait3A_649, %dma_wait3A_651, %dma_wait3A_652] : memref<2x400x32xf32, #tpu.memory_space<vmem>> -> memref<1x100x32xf32, #tpu.memory_space<vmem>>
    %dma_wait3A_654 = tpu.memref_squeeze %dma_wait3A_653 : memref<1x100x32xf32, #tpu.memory_space<vmem>> -> memref<100x32xf32, #tpu.memory_space<vmem>>
    %dma_wait3A_655 = arith.constant 0 : i32
    %dma_wait3A_656 = tpu.memref_slice %arg8[%dma_wait3A_647, %dma_wait3A_648, %dma_wait3A_655] : memref<2x4x100xi32, #tpu.memory_space<vmem>> -> memref<1x1x100xi32, #tpu.memory_space<vmem>>
    %dma_wait3A_657 = tpu.memref_squeeze %dma_wait3A_656 : memref<1x1x100xi32, #tpu.memory_space<vmem>> -> memref<100xi32, #tpu.memory_space<vmem>>
    %dma_wait3A_658 = arith.constant 0 : i32
    %dma_wait3A_659 = arith.constant 0 : i32
    %dma_wait3A_660 = tpu.memref_slice %arg2[%dma_wait3A_658, %dma_wait3A_659] : memref<100000x32xf32, #tpu.memory_space<hbm>> -> memref<100000x32xf32, #tpu.memory_space<hbm>>
    %dma_wait3A_661 = tpu.memref_slice %arg14[%dma_wait3A_650] : memref<2x!tpu.dma_semaphore, #tpu.memory_space<semaphore_mem>> -> memref<1x!tpu.dma_semaphore, #tpu.memory_space<semaphore_mem>>
    %dma_wait3A_662 = tpu.memref_squeeze %dma_wait3A_661 : memref<1x!tpu.dma_semaphore, #tpu.memory_space<semaphore_mem>> -> memref<!tpu.dma_semaphore, #tpu.memory_space<semaphore_mem>>
    tpu.wait_indirect_dma semaphore(%dma_wait3A_662 : memref<!tpu.dma_semaphore, #tpu.memory_space<semaphore_mem>>) src(%dma_wait3A_660 : memref<100000x32xf32, #tpu.memory_space<hbm>>) dst(%dma_wait3A_654 : memref<100x32xf32, #tpu.memory_space<vmem>>)
    %dma_wait3A_663 = arith.constant 0 : i32
    %dma_wait3A_664 = arith.constant 2 : i32
    %dma_wait3A_665 = arith.constant 0 : i32
    %dma_wait3A_666 = arith.constant 0 : i32
    %dma_wait3A_667 = arith.constant 200 : i32
    %dma_wait3A_668 = arith.constant 0 : i32
    %dma_wait3A_669 = tpu.memref_slice %arg10[%dma_wait3A_665, %dma_wait3A_667, %dma_wait3A_668] : memref<2x400x32xf32, #tpu.memory_space<vmem>> -> memref<1x100x32xf32, #tpu.memory_space<vmem>>
    %dma_wait3A_670 = tpu.memref_squeeze %dma_wait3A_669 : memref<1x100x32xf32, #tpu.memory_space<vmem>> -> memref<100x32xf32, #tpu.memory_space<vmem>>
    %dma_wait3A_671 = arith.constant 0 : i32
    %dma_wait3A_672 = tpu.memref_slice %arg7[%dma_wait3A_663, %dma_wait3A_664, %dma_wait3A_671] : memref<2x4x100xi32, #tpu.memory_space<vmem>> -> memref<1x1x100xi32, #tpu.memory_space<vmem>>
    %dma_wait3A_673 = tpu.memref_squeeze %dma_wait3A_672 : memref<1x1x100xi32, #tpu.memory_space<vmem>> -> memref<100xi32, #tpu.memory_space<vmem>>
    %dma_wait3A_674 = arith.constant 0 : i32
    %dma_wait3A_675 = arith.constant 0 : i32
    %dma_wait3A_676 = tpu.memref_slice %arg2[%dma_wait3A_674, %dma_wait3A_675] : memref<100000x32xf32, #tpu.memory_space<hbm>> -> memref<100000x32xf32, #tpu.memory_space<hbm>>
    %dma_wait3A_677 = tpu.memref_slice %arg14[%dma_wait3A_666] : memref<2x!tpu.dma_semaphore, #tpu.memory_space<semaphore_mem>> -> memref<1x!tpu.dma_semaphore, #tpu.memory_space<semaphore_mem>>
    %dma_wait3A_678 = tpu.memref_squeeze %dma_wait3A_677 : memref<1x!tpu.dma_semaphore, #tpu.memory_space<semaphore_mem>> -> memref<!tpu.dma_semaphore, #tpu.memory_space<semaphore_mem>>
    tpu.wait_indirect_dma semaphore(%dma_wait3A_678 : memref<!tpu.dma_semaphore, #tpu.memory_space<semaphore_mem>>) src(%dma_wait3A_676 : memref<100000x32xf32, #tpu.memory_space<hbm>>) dst(%dma_wait3A_670 : memref<100x32xf32, #tpu.memory_space<vmem>>)
    %dma_wait3A_679 = arith.constant 0 : i32
    %dma_wait3A_680 = arith.constant 2 : i32
    %dma_wait3A_681 = arith.constant 0 : i32
    %dma_wait3A_682 = arith.constant 0 : i32
    %dma_wait3A_683 = arith.constant 200 : i32
    %dma_wait3A_684 = arith.constant 0 : i32
    %dma_wait3A_685 = tpu.memref_slice %arg11[%dma_wait3A_681, %dma_wait3A_683, %dma_wait3A_684] : memref<2x400x32xf32, #tpu.memory_space<vmem>> -> memref<1x100x32xf32, #tpu.memory_space<vmem>>
    %dma_wait3A_686 = tpu.memref_squeeze %dma_wait3A_685 : memref<1x100x32xf32, #tpu.memory_space<vmem>> -> memref<100x32xf32, #tpu.memory_space<vmem>>
    %dma_wait3A_687 = arith.constant 0 : i32
    %dma_wait3A_688 = tpu.memref_slice %arg8[%dma_wait3A_679, %dma_wait3A_680, %dma_wait3A_687] : memref<2x4x100xi32, #tpu.memory_space<vmem>> -> memref<1x1x100xi32, #tpu.memory_space<vmem>>
    %dma_wait3A_689 = tpu.memref_squeeze %dma_wait3A_688 : memref<1x1x100xi32, #tpu.memory_space<vmem>> -> memref<100xi32, #tpu.memory_space<vmem>>
    %dma_wait3A_690 = arith.constant 0 : i32
    %dma_wait3A_691 = arith.constant 0 : i32
    %dma_wait3A_692 = tpu.memref_slice %arg2[%dma_wait3A_690, %dma_wait3A_691] : memref<100000x32xf32, #tpu.memory_space<hbm>> -> memref<100000x32xf32, #tpu.memory_space<hbm>>
    %dma_wait3A_693 = tpu.memref_slice %arg14[%dma_wait3A_682] : memref<2x!tpu.dma_semaphore, #tpu.memory_space<semaphore_mem>> -> memref<1x!tpu.dma_semaphore, #tpu.memory_space<semaphore_mem>>
    %dma_wait3A_694 = tpu.memref_squeeze %dma_wait3A_693 : memref<1x!tpu.dma_semaphore, #tpu.memory_space<semaphore_mem>> -> memref<!tpu.dma_semaphore, #tpu.memory_space<semaphore_mem>>
    tpu.wait_indirect_dma semaphore(%dma_wait3A_694 : memref<!tpu.dma_semaphore, #tpu.memory_space<semaphore_mem>>) src(%dma_wait3A_692 : memref<100000x32xf32, #tpu.memory_space<hbm>>) dst(%dma_wait3A_686 : memref<100x32xf32, #tpu.memory_space<vmem>>)
    %dma_wait3A_695 = arith.constant 0 : i32
    %dma_wait3A_696 = arith.constant 3 : i32
    %dma_wait3A_697 = arith.constant 0 : i32
    %dma_wait3A_698 = arith.constant 0 : i32
    %dma_wait3A_699 = arith.constant 300 : i32
    %dma_wait3A_700 = arith.constant 0 : i32
    %dma_wait3A_701 = tpu.memref_slice %arg10[%dma_wait3A_697, %dma_wait3A_699, %dma_wait3A_700] : memref<2x400x32xf32, #tpu.memory_space<vmem>> -> memref<1x100x32xf32, #tpu.memory_space<vmem>>
    %dma_wait3A_702 = tpu.memref_squeeze %dma_wait3A_701 : memref<1x100x32xf32, #tpu.memory_space<vmem>> -> memref<100x32xf32, #tpu.memory_space<vmem>>
    %dma_wait3A_703 = arith.constant 0 : i32
    %dma_wait3A_704 = tpu.memref_slice %arg7[%dma_wait3A_695, %dma_wait3A_696, %dma_wait3A_703] : memref<2x4x100xi32, #tpu.memory_space<vmem>> -> memref<1x1x100xi32, #tpu.memory_space<vmem>>
    %dma_wait3A_705 = tpu.memref_squeeze %dma_wait3A_704 : memref<1x1x100xi32, #tpu.memory_space<vmem>> -> memref<100xi32, #tpu.memory_space<vmem>>
    %dma_wait3A_706 = arith.constant 0 : i32
    %dma_wait3A_707 = arith.constant 0 : i32
    %dma_wait3A_708 = tpu.memref_slice %arg2[%dma_wait3A_706, %dma_wait3A_707] : memref<100000x32xf32, #tpu.memory_space<hbm>> -> memref<100000x32xf32, #tpu.memory_space<hbm>>
    %dma_wait3A_709 = tpu.memref_slice %arg14[%dma_wait3A_698] : memref<2x!tpu.dma_semaphore, #tpu.memory_space<semaphore_mem>> -> memref<1x!tpu.dma_semaphore, #tpu.memory_space<semaphore_mem>>
    %dma_wait3A_710 = tpu.memref_squeeze %dma_wait3A_709 : memref<1x!tpu.dma_semaphore, #tpu.memory_space<semaphore_mem>> -> memref<!tpu.dma_semaphore, #tpu.memory_space<semaphore_mem>>
    tpu.wait_indirect_dma semaphore(%dma_wait3A_710 : memref<!tpu.dma_semaphore, #tpu.memory_space<semaphore_mem>>) src(%dma_wait3A_708 : memref<100000x32xf32, #tpu.memory_space<hbm>>) dst(%dma_wait3A_702 : memref<100x32xf32, #tpu.memory_space<vmem>>)
    %dma_wait3A_711 = arith.constant 0 : i32
    %dma_wait3A_712 = arith.constant 3 : i32
    %dma_wait3A_713 = arith.constant 0 : i32
    %dma_wait3A_714 = arith.constant 0 : i32
    %dma_wait3A_715 = arith.constant 300 : i32
    %dma_wait3A_716 = arith.constant 0 : i32
    %dma_wait3A_717 = tpu.memref_slice %arg11[%dma_wait3A_713, %dma_wait3A_715, %dma_wait3A_716] : memref<2x400x32xf32, #tpu.memory_space<vmem>> -> memref<1x100x32xf32, #tpu.memory_space<vmem>>
    %dma_wait3A_718 = tpu.memref_squeeze %dma_wait3A_717 : memref<1x100x32xf32, #tpu.memory_space<vmem>> -> memref<100x32xf32, #tpu.memory_space<vmem>>
    %dma_wait3A_719 = arith.constant 0 : i32
    %dma_wait3A_720 = tpu.memref_slice %arg8[%dma_wait3A_711, %dma_wait3A_712, %dma_wait3A_719] : memref<2x4x100xi32, #tpu.memory_space<vmem>> -> memref<1x1x100xi32, #tpu.memory_space<vmem>>
    %dma_wait3A_721 = tpu.memref_squeeze %dma_wait3A_720 : memref<1x1x100xi32, #tpu.memory_space<vmem>> -> memref<100xi32, #tpu.memory_space<vmem>>
    %dma_wait3A_722 = arith.constant 0 : i32
    %dma_wait3A_723 = arith.constant 0 : i32
    %dma_wait3A_724 = tpu.memref_slice %arg2[%dma_wait3A_722, %dma_wait3A_723] : memref<100000x32xf32, #tpu.memory_space<hbm>> -> memref<100000x32xf32, #tpu.memory_space<hbm>>
    %dma_wait3A_725 = tpu.memref_slice %arg14[%dma_wait3A_714] : memref<2x!tpu.dma_semaphore, #tpu.memory_space<semaphore_mem>> -> memref<1x!tpu.dma_semaphore, #tpu.memory_space<semaphore_mem>>
    %dma_wait3A_726 = tpu.memref_squeeze %dma_wait3A_725 : memref<1x!tpu.dma_semaphore, #tpu.memory_space<semaphore_mem>> -> memref<!tpu.dma_semaphore, #tpu.memory_space<semaphore_mem>>
    tpu.wait_indirect_dma semaphore(%dma_wait3A_726 : memref<!tpu.dma_semaphore, #tpu.memory_space<semaphore_mem>>) src(%dma_wait3A_724 : memref<100000x32xf32, #tpu.memory_space<hbm>>) dst(%dma_wait3A_718 : memref<100x32xf32, #tpu.memory_space<vmem>>)
    %dma_wait3A_727 = arith.constant 0 : i32
    %dma_wait3A_728 = arith.constant 0 : i32
    %dma_wait3A_729 = arith.constant 0 : i32
    %dma_wait3A_730 = tpu.memref_slice %arg9[%dma_wait3A_727, %dma_wait3A_729] : memref<2x400xf32, #tpu.memory_space<vmem>> -> memref<1x400xf32, #tpu.memory_space<vmem>>
    %dma_wait3A_731 = tpu.memref_squeeze %dma_wait3A_730 : memref<1x400xf32, #tpu.memory_space<vmem>> -> memref<400xf32, #tpu.memory_space<vmem>>
    %dma_wait3A_732 = tpu.memref_slice %arg5[%mul3A_598] : memref<1600000xf32, #tpu.memory_space<hbm>> -> memref<400xf32, #tpu.memory_space<hbm>>
    %dma_wait3A_733 = tpu.memref_slice %arg14[%dma_wait3A_728] : memref<2x!tpu.dma_semaphore, #tpu.memory_space<semaphore_mem>> -> memref<1x!tpu.dma_semaphore, #tpu.memory_space<semaphore_mem>>
    %dma_wait3A_734 = tpu.memref_squeeze %dma_wait3A_733 : memref<1x!tpu.dma_semaphore, #tpu.memory_space<semaphore_mem>> -> memref<!tpu.dma_semaphore, #tpu.memory_space<semaphore_mem>>
    %dma_wait3A_735 = arith.constant 0 : i32
    %dma_wait3A_736 = tpu.memref_slice %arg9[%dma_wait3A_727, %dma_wait3A_735] : memref<2x400xf32, #tpu.memory_space<vmem>> -> memref<1x400xf32, #tpu.memory_space<vmem>>
    %dma_wait3A_737 = tpu.memref_squeeze %dma_wait3A_736 : memref<1x400xf32, #tpu.memory_space<vmem>> -> memref<400xf32, #tpu.memory_space<vmem>>
    %dma_wait3A_738 = tpu.memref_slice %arg5[%mul3A_598] : memref<1600000xf32, #tpu.memory_space<hbm>> -> memref<400xf32, #tpu.memory_space<hbm>>
    tpu.wait_dma2 semaphore(%dma_wait3A_734 : memref<!tpu.dma_semaphore, #tpu.memory_space<semaphore_mem>>) src(%dma_wait3A_738 : memref<400xf32, #tpu.memory_space<hbm>>) dst(%dma_wait3A_737 : memref<400xf32, #tpu.memory_space<vmem>>)
    %broadcast_in_dim3A_739 = arith.constant 0 : i32
    %broadcast_in_dim3A_740 = vector.broadcast %broadcast_in_dim3A_739 : i32 to vector<16xi32>
    %add3A_741 = arith.constant 0 : i32
    %add3A_742 = vector.broadcast %add3A_741 : i32 to vector<16xi32>
    %add3A_743 = arith.addi %broadcast_in_dim3A_740, %add3A_742 : vector<16xi32>
    %iota3A_744 = tpu.iota {dimensions = array<i32: 0>} : vector<16xi32>
    %scan3A_745 = arith.constant 0 : i32
    %scan3A_746 = arith.constant 25 : i32
    %scan3A_747 = arith.addi %scan3A_745, %scan3A_746 : i32
    %scan3A_748 = arith.constant 1 : i32
    %scan3A_749 = scf.for %scan3A_752 = %scan3A_745 to %scan3A_747 step %scan3A_748 iter_args(%scan3A_753 = %scan3A_595) -> (vector<16xf32>)  : i32 {
      %mul3A_754 = arith.constant 16 : i32
      %mul3A_755 = arith.muli %scan3A_752, %mul3A_754 : i32
      %add3A_756 = vector.broadcast %mul3A_755 : i32 to vector<16xi32>
      %add3A_757 = arith.addi %add3A_756, %iota3A_744 : vector<16xi32>
      %broadcast_in_dim3A_758 = arith.constant 0.000000e+00 : f32
      %broadcast_in_dim3A_759 = vector.broadcast %broadcast_in_dim3A_758 : f32 to vector<16xf32>
      %add3A_760 = arith.constant 0 : i32
      %add3A_761 = vector.broadcast %add3A_760 : i32 to vector<16xi32>
      %add3A_762 = arith.addi %iota3A_744, %add3A_761 : vector<16xi32>
      %and3A = arith.constant 31 : i32
      %and3A_763 = vector.broadcast %and3A : i32 to vector<16xi32>
      %and3A_764 = arith.andi %add3A_762, %and3A_763 : vector<16xi32>
      %gather3A = tpu.vector_load_idx %arg10[%add3A_743, %add3A_757, %and3A_764] : memref<2x400x32xf32, #tpu.memory_space<vmem>>[vector<16xi32>, vector<16xi32>, vector<16xi32>], vector<16xf32>,
      %gather3A_765 = tpu.vector_load_idx %arg11[%add3A_743, %add3A_757, %and3A_764] : memref<2x400x32xf32, #tpu.memory_space<vmem>>[vector<16xi32>, vector<16xi32>, vector<16xi32>], vector<16xf32>,
      %sub3A_766 = arith.subf %gather3A, %gather3A_765 : vector<16xf32>
      %mul3A_767 = arith.mulf %sub3A_766, %sub3A_766 : vector<16xf32>
      %add3A_768 = arith.addf %broadcast_in_dim3A_759, %mul3A_767 : vector<16xf32>
      %add3A_769 = arith.constant 1 : i32
      %add3A_770 = vector.broadcast %add3A_769 : i32 to vector<16xi32>
      %add3A_771 = arith.addi %iota3A_744, %add3A_770 : vector<16xi32>
      %and3A_772 = arith.constant 31 : i32
      %and3A_773 = vector.broadcast %and3A_772 : i32 to vector<16xi32>
      %and3A_774 = arith.andi %add3A_771, %and3A_773 : vector<16xi32>
      %gather3A_775 = tpu.vector_load_idx %arg10[%add3A_743, %add3A_757, %and3A_774] : memref<2x400x32xf32, #tpu.memory_space<vmem>>[vector<16xi32>, vector<16xi32>, vector<16xi32>], vector<16xf32>,
      %gather3A_776 = tpu.vector_load_idx %arg11[%add3A_743, %add3A_757, %and3A_774] : memref<2x400x32xf32, #tpu.memory_space<vmem>>[vector<16xi32>, vector<16xi32>, vector<16xi32>], vector<16xf32>,
      %sub3A_777 = arith.subf %gather3A_775, %gather3A_776 : vector<16xf32>
      %mul3A_778 = arith.mulf %sub3A_777, %sub3A_777 : vector<16xf32>
      %add3A_779 = arith.addf %add3A_768, %mul3A_778 : vector<16xf32>
      %add3A_780 = arith.constant 2 : i32
      %add3A_781 = vector.broadcast %add3A_780 : i32 to vector<16xi32>
      %add3A_782 = arith.addi %iota3A_744, %add3A_781 : vector<16xi32>
      %and3A_783 = arith.constant 31 : i32
      %and3A_784 = vector.broadcast %and3A_783 : i32 to vector<16xi32>
      %and3A_785 = arith.andi %add3A_782, %and3A_784 : vector<16xi32>
      %gather3A_786 = tpu.vector_load_idx %arg10[%add3A_743, %add3A_757, %and3A_785] : memref<2x400x32xf32, #tpu.memory_space<vmem>>[vector<16xi32>, vector<16xi32>, vector<16xi32>], vector<16xf32>,
      %gather3A_787 = tpu.vector_load_idx %arg11[%add3A_743, %add3A_757, %and3A_785] : memref<2x400x32xf32, #tpu.memory_space<vmem>>[vector<16xi32>, vector<16xi32>, vector<16xi32>], vector<16xf32>,
      %sub3A_788 = arith.subf %gather3A_786, %gather3A_787 : vector<16xf32>
      %mul3A_789 = arith.mulf %sub3A_788, %sub3A_788 : vector<16xf32>
      %add3A_790 = arith.addf %add3A_779, %mul3A_789 : vector<16xf32>
      %add3A_791 = arith.constant 3 : i32
      %add3A_792 = vector.broadcast %add3A_791 : i32 to vector<16xi32>
      %add3A_793 = arith.addi %iota3A_744, %add3A_792 : vector<16xi32>
      %and3A_794 = arith.constant 31 : i32
      %and3A_795 = vector.broadcast %and3A_794 : i32 to vector<16xi32>
      %and3A_796 = arith.andi %add3A_793, %and3A_795 : vector<16xi32>
      %gather3A_797 = tpu.vector_load_idx %arg10[%add3A_743, %add3A_757, %and3A_796] : memref<2x400x32xf32, #tpu.memory_space<vmem>>[vector<16xi32>, vector<16xi32>, vector<16xi32>], vector<16xf32>,
      %gather3A_798 = tpu.vector_load_idx %arg11[%add3A_743, %add3A_757, %and3A_796] : memref<2x400x32xf32, #tpu.memory_space<vmem>>[vector<16xi32>, vector<16xi32>, vector<16xi32>], vector<16xf32>,
      %sub3A_799 = arith.subf %gather3A_797, %gather3A_798 : vector<16xf32>
      %mul3A_800 = arith.mulf %sub3A_799, %sub3A_799 : vector<16xf32>
      %add3A_801 = arith.addf %add3A_790, %mul3A_800 : vector<16xf32>
      %add3A_802 = arith.constant 4 : i32
      %add3A_803 = vector.broadcast %add3A_802 : i32 to vector<16xi32>
      %add3A_804 = arith.addi %iota3A_744, %add3A_803 : vector<16xi32>
      %and3A_805 = arith.constant 31 : i32
      %and3A_806 = vector.broadcast %and3A_805 : i32 to vector<16xi32>
      %and3A_807 = arith.andi %add3A_804, %and3A_806 : vector<16xi32>
      %gather3A_808 = tpu.vector_load_idx %arg10[%add3A_743, %add3A_757, %and3A_807] : memref<2x400x32xf32, #tpu.memory_space<vmem>>[vector<16xi32>, vector<16xi32>, vector<16xi32>], vector<16xf32>,
      %gather3A_809 = tpu.vector_load_idx %arg11[%add3A_743, %add3A_757, %and3A_807] : memref<2x400x32xf32, #tpu.memory_space<vmem>>[vector<16xi32>, vector<16xi32>, vector<16xi32>], vector<16xf32>,
      %sub3A_810 = arith.subf %gather3A_808, %gather3A_809 : vector<16xf32>
      %mul3A_811 = arith.mulf %sub3A_810, %sub3A_810 : vector<16xf32>
      %add3A_812 = arith.addf %add3A_801, %mul3A_811 : vector<16xf32>
      %add3A_813 = arith.constant 5 : i32
      %add3A_814 = vector.broadcast %add3A_813 : i32 to vector<16xi32>
      %add3A_815 = arith.addi %iota3A_744, %add3A_814 : vector<16xi32>
      %and3A_816 = arith.constant 31 : i32
      %and3A_817 = vector.broadcast %and3A_816 : i32 to vector<16xi32>
      %and3A_818 = arith.andi %add3A_815, %and3A_817 : vector<16xi32>
      %gather3A_819 = tpu.vector_load_idx %arg10[%add3A_743, %add3A_757, %and3A_818] : memref<2x400x32xf32, #tpu.memory_space<vmem>>[vector<16xi32>, vector<16xi32>, vector<16xi32>], vector<16xf32>,
      %gather3A_820 = tpu.vector_load_idx %arg11[%add3A_743, %add3A_757, %and3A_818] : memref<2x400x32xf32, #tpu.memory_space<vmem>>[vector<16xi32>, vector<16xi32>, vector<16xi32>], vector<16xf32>,
      %sub3A_821 = arith.subf %gather3A_819, %gather3A_820 : vector<16xf32>
      %mul3A_822 = arith.mulf %sub3A_821, %sub3A_821 : vector<16xf32>
      %add3A_823 = arith.addf %add3A_812, %mul3A_822 : vector<16xf32>
      %add3A_824 = arith.constant 6 : i32
      %add3A_825 = vector.broadcast %add3A_824 : i32 to vector<16xi32>
      %add3A_826 = arith.addi %iota3A_744, %add3A_825 : vector<16xi32>
      %and3A_827 = arith.constant 31 : i32
      %and3A_828 = vector.broadcast %and3A_827 : i32 to vector<16xi32>
      %and3A_829 = arith.andi %add3A_826, %and3A_828 : vector<16xi32>
      %gather3A_830 = tpu.vector_load_idx %arg10[%add3A_743, %add3A_757, %and3A_829] : memref<2x400x32xf32, #tpu.memory_space<vmem>>[vector<16xi32>, vector<16xi32>, vector<16xi32>], vector<16xf32>,
      %gather3A_831 = tpu.vector_load_idx %arg11[%add3A_743, %add3A_757, %and3A_829] : memref<2x400x32xf32, #tpu.memory_space<vmem>>[vector<16xi32>, vector<16xi32>, vector<16xi32>], vector<16xf32>,
      %sub3A_832 = arith.subf %gather3A_830, %gather3A_831 : vector<16xf32>
      %mul3A_833 = arith.mulf %sub3A_832, %sub3A_832 : vector<16xf32>
      %add3A_834 = arith.addf %add3A_823, %mul3A_833 : vector<16xf32>
      %add3A_835 = arith.constant 7 : i32
      %add3A_836 = vector.broadcast %add3A_835 : i32 to vector<16xi32>
      %add3A_837 = arith.addi %iota3A_744, %add3A_836 : vector<16xi32>
      %and3A_838 = arith.constant 31 : i32
      %and3A_839 = vector.broadcast %and3A_838 : i32 to vector<16xi32>
      %and3A_840 = arith.andi %add3A_837, %and3A_839 : vector<16xi32>
      %gather3A_841 = tpu.vector_load_idx %arg10[%add3A_743, %add3A_757, %and3A_840] : memref<2x400x32xf32, #tpu.memory_space<vmem>>[vector<16xi32>, vector<16xi32>, vector<16xi32>], vector<16xf32>,
      %gather3A_842 = tpu.vector_load_idx %arg11[%add3A_743, %add3A_757, %and3A_840] : memref<2x400x32xf32, #tpu.memory_space<vmem>>[vector<16xi32>, vector<16xi32>, vector<16xi32>], vector<16xf32>,
      %sub3A_843 = arith.subf %gather3A_841, %gather3A_842 : vector<16xf32>
      %mul3A_844 = arith.mulf %sub3A_843, %sub3A_843 : vector<16xf32>
      %add3A_845 = arith.addf %add3A_834, %mul3A_844 : vector<16xf32>
      %add3A_846 = arith.constant 8 : i32
      %add3A_847 = vector.broadcast %add3A_846 : i32 to vector<16xi32>
      %add3A_848 = arith.addi %iota3A_744, %add3A_847 : vector<16xi32>
      %and3A_849 = arith.constant 31 : i32
      %and3A_850 = vector.broadcast %and3A_849 : i32 to vector<16xi32>
      %and3A_851 = arith.andi %add3A_848, %and3A_850 : vector<16xi32>
      %gather3A_852 = tpu.vector_load_idx %arg10[%add3A_743, %add3A_757, %and3A_851] : memref<2x400x32xf32, #tpu.memory_space<vmem>>[vector<16xi32>, vector<16xi32>, vector<16xi32>], vector<16xf32>,
      %gather3A_853 = tpu.vector_load_idx %arg11[%add3A_743, %add3A_757, %and3A_851] : memref<2x400x32xf32, #tpu.memory_space<vmem>>[vector<16xi32>, vector<16xi32>, vector<16xi32>], vector<16xf32>,
      %sub3A_854 = arith.subf %gather3A_852, %gather3A_853 : vector<16xf32>
      %mul3A_855 = arith.mulf %sub3A_854, %sub3A_854 : vector<16xf32>
      %add3A_856 = arith.addf %add3A_845, %mul3A_855 : vector<16xf32>
      %add3A_857 = arith.constant 9 : i32
      %add3A_858 = vector.broadcast %add3A_857 : i32 to vector<16xi32>
      %add3A_859 = arith.addi %iota3A_744, %add3A_858 : vector<16xi32>
      %and3A_860 = arith.constant 31 : i32
      %and3A_861 = vector.broadcast %and3A_860 : i32 to vector<16xi32>
      %and3A_862 = arith.andi %add3A_859, %and3A_861 : vector<16xi32>
      %gather3A_863 = tpu.vector_load_idx %arg10[%add3A_743, %add3A_757, %and3A_862] : memref<2x400x32xf32, #tpu.memory_space<vmem>>[vector<16xi32>, vector<16xi32>, vector<16xi32>], vector<16xf32>,
      %gather3A_864 = tpu.vector_load_idx %arg11[%add3A_743, %add3A_757, %and3A_862] : memref<2x400x32xf32, #tpu.memory_space<vmem>>[vector<16xi32>, vector<16xi32>, vector<16xi32>], vector<16xf32>,
      %sub3A_865 = arith.subf %gather3A_863, %gather3A_864 : vector<16xf32>
      %mul3A_866 = arith.mulf %sub3A_865, %sub3A_865 : vector<16xf32>
      %add3A_867 = arith.addf %add3A_856, %mul3A_866 : vector<16xf32>
      %add3A_868 = arith.constant 10 : i32
      %add3A_869 = vector.broadcast %add3A_868 : i32 to vector<16xi32>
      %add3A_870 = arith.addi %iota3A_744, %add3A_869 : vector<16xi32>
      %and3A_871 = arith.constant 31 : i32
      %and3A_872 = vector.broadcast %and3A_871 : i32 to vector<16xi32>
      %and3A_873 = arith.andi %add3A_870, %and3A_872 : vector<16xi32>
      %gather3A_874 = tpu.vector_load_idx %arg10[%add3A_743, %add3A_757, %and3A_873] : memref<2x400x32xf32, #tpu.memory_space<vmem>>[vector<16xi32>, vector<16xi32>, vector<16xi32>], vector<16xf32>,
      %gather3A_875 = tpu.vector_load_idx %arg11[%add3A_743, %add3A_757, %and3A_873] : memref<2x400x32xf32, #tpu.memory_space<vmem>>[vector<16xi32>, vector<16xi32>, vector<16xi32>], vector<16xf32>,
      %sub3A_876 = arith.subf %gather3A_874, %gather3A_875 : vector<16xf32>
      %mul3A_877 = arith.mulf %sub3A_876, %sub3A_876 : vector<16xf32>
      %add3A_878 = arith.addf %add3A_867, %mul3A_877 : vector<16xf32>
      %add3A_879 = arith.constant 11 : i32
      %add3A_880 = vector.broadcast %add3A_879 : i32 to vector<16xi32>
      %add3A_881 = arith.addi %iota3A_744, %add3A_880 : vector<16xi32>
      %and3A_882 = arith.constant 31 : i32
      %and3A_883 = vector.broadcast %and3A_882 : i32 to vector<16xi32>
      %and3A_884 = arith.andi %add3A_881, %and3A_883 : vector<16xi32>
      %gather3A_885 = tpu.vector_load_idx %arg10[%add3A_743, %add3A_757, %and3A_884] : memref<2x400x32xf32, #tpu.memory_space<vmem>>[vector<16xi32>, vector<16xi32>, vector<16xi32>], vector<16xf32>,
      %gather3A_886 = tpu.vector_load_idx %arg11[%add3A_743, %add3A_757, %and3A_884] : memref<2x400x32xf32, #tpu.memory_space<vmem>>[vector<16xi32>, vector<16xi32>, vector<16xi32>], vector<16xf32>,
      %sub3A_887 = arith.subf %gather3A_885, %gather3A_886 : vector<16xf32>
      %mul3A_888 = arith.mulf %sub3A_887, %sub3A_887 : vector<16xf32>
      %add3A_889 = arith.addf %add3A_878, %mul3A_888 : vector<16xf32>
      %add3A_890 = arith.constant 12 : i32
      %add3A_891 = vector.broadcast %add3A_890 : i32 to vector<16xi32>
      %add3A_892 = arith.addi %iota3A_744, %add3A_891 : vector<16xi32>
      %and3A_893 = arith.constant 31 : i32
      %and3A_894 = vector.broadcast %and3A_893 : i32 to vector<16xi32>
      %and3A_895 = arith.andi %add3A_892, %and3A_894 : vector<16xi32>
      %gather3A_896 = tpu.vector_load_idx %arg10[%add3A_743, %add3A_757, %and3A_895] : memref<2x400x32xf32, #tpu.memory_space<vmem>>[vector<16xi32>, vector<16xi32>, vector<16xi32>], vector<16xf32>,
      %gather3A_897 = tpu.vector_load_idx %arg11[%add3A_743, %add3A_757, %and3A_895] : memref<2x400x32xf32, #tpu.memory_space<vmem>>[vector<16xi32>, vector<16xi32>, vector<16xi32>], vector<16xf32>,
      %sub3A_898 = arith.subf %gather3A_896, %gather3A_897 : vector<16xf32>
      %mul3A_899 = arith.mulf %sub3A_898, %sub3A_898 : vector<16xf32>
      %add3A_900 = arith.addf %add3A_889, %mul3A_899 : vector<16xf32>
      %add3A_901 = arith.constant 13 : i32
      %add3A_902 = vector.broadcast %add3A_901 : i32 to vector<16xi32>
      %add3A_903 = arith.addi %iota3A_744, %add3A_902 : vector<16xi32>
      %and3A_904 = arith.constant 31 : i32
      %and3A_905 = vector.broadcast %and3A_904 : i32 to vector<16xi32>
      %and3A_906 = arith.andi %add3A_903, %and3A_905 : vector<16xi32>
      %gather3A_907 = tpu.vector_load_idx %arg10[%add3A_743, %add3A_757, %and3A_906] : memref<2x400x32xf32, #tpu.memory_space<vmem>>[vector<16xi32>, vector<16xi32>, vector<16xi32>], vector<16xf32>,
      %gather3A_908 = tpu.vector_load_idx %arg11[%add3A_743, %add3A_757, %and3A_906] : memref<2x400x32xf32, #tpu.memory_space<vmem>>[vector<16xi32>, vector<16xi32>, vector<16xi32>], vector<16xf32>,
      %sub3A_909 = arith.subf %gather3A_907, %gather3A_908 : vector<16xf32>
      %mul3A_910 = arith.mulf %sub3A_909, %sub3A_909 : vector<16xf32>
      %add3A_911 = arith.addf %add3A_900, %mul3A_910 : vector<16xf32>
      %add3A_912 = arith.constant 14 : i32
      %add3A_913 = vector.broadcast %add3A_912 : i32 to vector<16xi32>
      %add3A_914 = arith.addi %iota3A_744, %add3A_913 : vector<16xi32>
      %and3A_915 = arith.constant 31 : i32
      %and3A_916 = vector.broadcast %and3A_915 : i32 to vector<16xi32>
      %and3A_917 = arith.andi %add3A_914, %and3A_916 : vector<16xi32>
      %gather3A_918 = tpu.vector_load_idx %arg10[%add3A_743, %add3A_757, %and3A_917] : memref<2x400x32xf32, #tpu.memory_space<vmem>>[vector<16xi32>, vector<16xi32>, vector<16xi32>], vector<16xf32>,
      %gather3A_919 = tpu.vector_load_idx %arg11[%add3A_743, %add3A_757, %and3A_917] : memref<2x400x32xf32, #tpu.memory_space<vmem>>[vector<16xi32>, vector<16xi32>, vector<16xi32>], vector<16xf32>,
      %sub3A_920 = arith.subf %gather3A_918, %gather3A_919 : vector<16xf32>
      %mul3A_921 = arith.mulf %sub3A_920, %sub3A_920 : vector<16xf32>
      %add3A_922 = arith.addf %add3A_911, %mul3A_921 : vector<16xf32>
      %add3A_923 = arith.constant 15 : i32
      %add3A_924 = vector.broadcast %add3A_923 : i32 to vector<16xi32>
      %add3A_925 = arith.addi %iota3A_744, %add3A_924 : vector<16xi32>
      %and3A_926 = arith.constant 31 : i32
      %and3A_927 = vector.broadcast %and3A_926 : i32 to vector<16xi32>
      %and3A_928 = arith.andi %add3A_925, %and3A_927 : vector<16xi32>
      %gather3A_929 = tpu.vector_load_idx %arg10[%add3A_743, %add3A_757, %and3A_928] : memref<2x400x32xf32, #tpu.memory_space<vmem>>[vector<16xi32>, vector<16xi32>, vector<16xi32>], vector<16xf32>,
      %gather3A_930 = tpu.vector_load_idx %arg11[%add3A_743, %add3A_757, %and3A_928] : memref<2x400x32xf32, #tpu.memory_space<vmem>>[vector<16xi32>, vector<16xi32>, vector<16xi32>], vector<16xf32>,
      %sub3A_931 = arith.subf %gather3A_929, %gather3A_930 : vector<16xf32>
      %mul3A_932 = arith.mulf %sub3A_931, %sub3A_931 : vector<16xf32>
      %add3A_933 = arith.addf %add3A_922, %mul3A_932 : vector<16xf32>
      %add3A_934 = arith.constant 16 : i32
      %add3A_935 = vector.broadcast %add3A_934 : i32 to vector<16xi32>
      %add3A_936 = arith.addi %iota3A_744, %add3A_935 : vector<16xi32>
      %and3A_937 = arith.constant 31 : i32
      %and3A_938 = vector.broadcast %and3A_937 : i32 to vector<16xi32>
      %and3A_939 = arith.andi %add3A_936, %and3A_938 : vector<16xi32>
      %gather3A_940 = tpu.vector_load_idx %arg10[%add3A_743, %add3A_757, %and3A_939] : memref<2x400x32xf32, #tpu.memory_space<vmem>>[vector<16xi32>, vector<16xi32>, vector<16xi32>], vector<16xf32>,
      %gather3A_941 = tpu.vector_load_idx %arg11[%add3A_743, %add3A_757, %and3A_939] : memref<2x400x32xf32, #tpu.memory_space<vmem>>[vector<16xi32>, vector<16xi32>, vector<16xi32>], vector<16xf32>,
      %sub3A_942 = arith.subf %gather3A_940, %gather3A_941 : vector<16xf32>
      %mul3A_943 = arith.mulf %sub3A_942, %sub3A_942 : vector<16xf32>
      %add3A_944 = arith.addf %add3A_933, %mul3A_943 : vector<16xf32>
      %add3A_945 = arith.constant 17 : i32
      %add3A_946 = vector.broadcast %add3A_945 : i32 to vector<16xi32>
      %add3A_947 = arith.addi %iota3A_744, %add3A_946 : vector<16xi32>
      %and3A_948 = arith.constant 31 : i32
      %and3A_949 = vector.broadcast %and3A_948 : i32 to vector<16xi32>
      %and3A_950 = arith.andi %add3A_947, %and3A_949 : vector<16xi32>
      %gather3A_951 = tpu.vector_load_idx %arg10[%add3A_743, %add3A_757, %and3A_950] : memref<2x400x32xf32, #tpu.memory_space<vmem>>[vector<16xi32>, vector<16xi32>, vector<16xi32>], vector<16xf32>,
      %gather3A_952 = tpu.vector_load_idx %arg11[%add3A_743, %add3A_757, %and3A_950] : memref<2x400x32xf32, #tpu.memory_space<vmem>>[vector<16xi32>, vector<16xi32>, vector<16xi32>], vector<16xf32>,
      %sub3A_953 = arith.subf %gather3A_951, %gather3A_952 : vector<16xf32>
      %mul3A_954 = arith.mulf %sub3A_953, %sub3A_953 : vector<16xf32>
      %add3A_955 = arith.addf %add3A_944, %mul3A_954 : vector<16xf32>
      %add3A_956 = arith.constant 18 : i32
      %add3A_957 = vector.broadcast %add3A_956 : i32 to vector<16xi32>
      %add3A_958 = arith.addi %iota3A_744, %add3A_957 : vector<16xi32>
      %and3A_959 = arith.constant 31 : i32
      %and3A_960 = vector.broadcast %and3A_959 : i32 to vector<16xi32>
      %and3A_961 = arith.andi %add3A_958, %and3A_960 : vector<16xi32>
      %gather3A_962 = tpu.vector_load_idx %arg10[%add3A_743, %add3A_757, %and3A_961] : memref<2x400x32xf32, #tpu.memory_space<vmem>>[vector<16xi32>, vector<16xi32>, vector<16xi32>], vector<16xf32>,
      %gather3A_963 = tpu.vector_load_idx %arg11[%add3A_743, %add3A_757, %and3A_961] : memref<2x400x32xf32, #tpu.memory_space<vmem>>[vector<16xi32>, vector<16xi32>, vector<16xi32>], vector<16xf32>,
      %sub3A_964 = arith.subf %gather3A_962, %gather3A_963 : vector<16xf32>
      %mul3A_965 = arith.mulf %sub3A_964, %sub3A_964 : vector<16xf32>
      %add3A_966 = arith.addf %add3A_955, %mul3A_965 : vector<16xf32>
      %add3A_967 = arith.constant 19 : i32
      %add3A_968 = vector.broadcast %add3A_967 : i32 to vector<16xi32>
      %add3A_969 = arith.addi %iota3A_744, %add3A_968 : vector<16xi32>
      %and3A_970 = arith.constant 31 : i32
      %and3A_971 = vector.broadcast %and3A_970 : i32 to vector<16xi32>
      %and3A_972 = arith.andi %add3A_969, %and3A_971 : vector<16xi32>
      %gather3A_973 = tpu.vector_load_idx %arg10[%add3A_743, %add3A_757, %and3A_972] : memref<2x400x32xf32, #tpu.memory_space<vmem>>[vector<16xi32>, vector<16xi32>, vector<16xi32>], vector<16xf32>,
      %gather3A_974 = tpu.vector_load_idx %arg11[%add3A_743, %add3A_757, %and3A_972] : memref<2x400x32xf32, #tpu.memory_space<vmem>>[vector<16xi32>, vector<16xi32>, vector<16xi32>], vector<16xf32>,
      %sub3A_975 = arith.subf %gather3A_973, %gather3A_974 : vector<16xf32>
      %mul3A_976 = arith.mulf %sub3A_975, %sub3A_975 : vector<16xf32>
      %add3A_977 = arith.addf %add3A_966, %mul3A_976 : vector<16xf32>
      %add3A_978 = arith.constant 20 : i32
      %add3A_979 = vector.broadcast %add3A_978 : i32 to vector<16xi32>
      %add3A_980 = arith.addi %iota3A_744, %add3A_979 : vector<16xi32>
      %and3A_981 = arith.constant 31 : i32
      %and3A_982 = vector.broadcast %and3A_981 : i32 to vector<16xi32>
      %and3A_983 = arith.andi %add3A_980, %and3A_982 : vector<16xi32>
      %gather3A_984 = tpu.vector_load_idx %arg10[%add3A_743, %add3A_757, %and3A_983] : memref<2x400x32xf32, #tpu.memory_space<vmem>>[vector<16xi32>, vector<16xi32>, vector<16xi32>], vector<16xf32>,
      %gather3A_985 = tpu.vector_load_idx %arg11[%add3A_743, %add3A_757, %and3A_983] : memref<2x400x32xf32, #tpu.memory_space<vmem>>[vector<16xi32>, vector<16xi32>, vector<16xi32>], vector<16xf32>,
      %sub3A_986 = arith.subf %gather3A_984, %gather3A_985 : vector<16xf32>
      %mul3A_987 = arith.mulf %sub3A_986, %sub3A_986 : vector<16xf32>
      %add3A_988 = arith.addf %add3A_977, %mul3A_987 : vector<16xf32>
      %add3A_989 = arith.constant 21 : i32
      %add3A_990 = vector.broadcast %add3A_989 : i32 to vector<16xi32>
      %add3A_991 = arith.addi %iota3A_744, %add3A_990 : vector<16xi32>
      %and3A_992 = arith.constant 31 : i32
      %and3A_993 = vector.broadcast %and3A_992 : i32 to vector<16xi32>
      %and3A_994 = arith.andi %add3A_991, %and3A_993 : vector<16xi32>
      %gather3A_995 = tpu.vector_load_idx %arg10[%add3A_743, %add3A_757, %and3A_994] : memref<2x400x32xf32, #tpu.memory_space<vmem>>[vector<16xi32>, vector<16xi32>, vector<16xi32>], vector<16xf32>,
      %gather3A_996 = tpu.vector_load_idx %arg11[%add3A_743, %add3A_757, %and3A_994] : memref<2x400x32xf32, #tpu.memory_space<vmem>>[vector<16xi32>, vector<16xi32>, vector<16xi32>], vector<16xf32>,
      %sub3A_997 = arith.subf %gather3A_995, %gather3A_996 : vector<16xf32>
      %mul3A_998 = arith.mulf %sub3A_997, %sub3A_997 : vector<16xf32>
      %add3A_999 = arith.addf %add3A_988, %mul3A_998 : vector<16xf32>
      %add3A_1000 = arith.constant 22 : i32
      %add3A_1001 = vector.broadcast %add3A_1000 : i32 to vector<16xi32>
      %add3A_1002 = arith.addi %iota3A_744, %add3A_1001 : vector<16xi32>
      %and3A_1003 = arith.constant 31 : i32
      %and3A_1004 = vector.broadcast %and3A_1003 : i32 to vector<16xi32>
      %and3A_1005 = arith.andi %add3A_1002, %and3A_1004 : vector<16xi32>
      %gather3A_1006 = tpu.vector_load_idx %arg10[%add3A_743, %add3A_757, %and3A_1005] : memref<2x400x32xf32, #tpu.memory_space<vmem>>[vector<16xi32>, vector<16xi32>, vector<16xi32>], vector<16xf32>,
      %gather3A_1007 = tpu.vector_load_idx %arg11[%add3A_743, %add3A_757, %and3A_1005] : memref<2x400x32xf32, #tpu.memory_space<vmem>>[vector<16xi32>, vector<16xi32>, vector<16xi32>], vector<16xf32>,
      %sub3A_1008 = arith.subf %gather3A_1006, %gather3A_1007 : vector<16xf32>
      %mul3A_1009 = arith.mulf %sub3A_1008, %sub3A_1008 : vector<16xf32>
      %add3A_1010 = arith.addf %add3A_999, %mul3A_1009 : vector<16xf32>
      %add3A_1011 = arith.constant 23 : i32
      %add3A_1012 = vector.broadcast %add3A_1011 : i32 to vector<16xi32>
      %add3A_1013 = arith.addi %iota3A_744, %add3A_1012 : vector<16xi32>
      %and3A_1014 = arith.constant 31 : i32
      %and3A_1015 = vector.broadcast %and3A_1014 : i32 to vector<16xi32>
      %and3A_1016 = arith.andi %add3A_1013, %and3A_1015 : vector<16xi32>
      %gather3A_1017 = tpu.vector_load_idx %arg10[%add3A_743, %add3A_757, %and3A_1016] : memref<2x400x32xf32, #tpu.memory_space<vmem>>[vector<16xi32>, vector<16xi32>, vector<16xi32>], vector<16xf32>,
      %gather3A_1018 = tpu.vector_load_idx %arg11[%add3A_743, %add3A_757, %and3A_1016] : memref<2x400x32xf32, #tpu.memory_space<vmem>>[vector<16xi32>, vector<16xi32>, vector<16xi32>], vector<16xf32>,
      %sub3A_1019 = arith.subf %gather3A_1017, %gather3A_1018 : vector<16xf32>
      %mul3A_1020 = arith.mulf %sub3A_1019, %sub3A_1019 : vector<16xf32>
      %add3A_1021 = arith.addf %add3A_1010, %mul3A_1020 : vector<16xf32>
      %add3A_1022 = arith.constant 24 : i32
      %add3A_1023 = vector.broadcast %add3A_1022 : i32 to vector<16xi32>
      %add3A_1024 = arith.addi %iota3A_744, %add3A_1023 : vector<16xi32>
      %and3A_1025 = arith.constant 31 : i32
      %and3A_1026 = vector.broadcast %and3A_1025 : i32 to vector<16xi32>
      %and3A_1027 = arith.andi %add3A_1024, %and3A_1026 : vector<16xi32>
      %gather3A_1028 = tpu.vector_load_idx %arg10[%add3A_743, %add3A_757, %and3A_1027] : memref<2x400x32xf32, #tpu.memory_space<vmem>>[vector<16xi32>, vector<16xi32>, vector<16xi32>], vector<16xf32>,
      %gather3A_1029 = tpu.vector_load_idx %arg11[%add3A_743, %add3A_757, %and3A_1027] : memref<2x400x32xf32, #tpu.memory_space<vmem>>[vector<16xi32>, vector<16xi32>, vector<16xi32>], vector<16xf32>,
      %sub3A_1030 = arith.subf %gather3A_1028, %gather3A_1029 : vector<16xf32>
      %mul3A_1031 = arith.mulf %sub3A_1030, %sub3A_1030 : vector<16xf32>
      %add3A_1032 = arith.addf %add3A_1021, %mul3A_1031 : vector<16xf32>
      %add3A_1033 = arith.constant 25 : i32
      %add3A_1034 = vector.broadcast %add3A_1033 : i32 to vector<16xi32>
      %add3A_1035 = arith.addi %iota3A_744, %add3A_1034 : vector<16xi32>
      %and3A_1036 = arith.constant 31 : i32
      %and3A_1037 = vector.broadcast %and3A_1036 : i32 to vector<16xi32>
      %and3A_1038 = arith.andi %add3A_1035, %and3A_1037 : vector<16xi32>
      %gather3A_1039 = tpu.vector_load_idx %arg10[%add3A_743, %add3A_757, %and3A_1038] : memref<2x400x32xf32, #tpu.memory_space<vmem>>[vector<16xi32>, vector<16xi32>, vector<16xi32>], vector<16xf32>,
      %gather3A_1040 = tpu.vector_load_idx %arg11[%add3A_743, %add3A_757, %and3A_1038] : memref<2x400x32xf32, #tpu.memory_space<vmem>>[vector<16xi32>, vector<16xi32>, vector<16xi32>], vector<16xf32>,
      %sub3A_1041 = arith.subf %gather3A_1039, %gather3A_1040 : vector<16xf32>
      %mul3A_1042 = arith.mulf %sub3A_1041, %sub3A_1041 : vector<16xf32>
      %add3A_1043 = arith.addf %add3A_1032, %mul3A_1042 : vector<16xf32>
      %add3A_1044 = arith.constant 26 : i32
      %add3A_1045 = vector.broadcast %add3A_1044 : i32 to vector<16xi32>
      %add3A_1046 = arith.addi %iota3A_744, %add3A_1045 : vector<16xi32>
      %and3A_1047 = arith.constant 31 : i32
      %and3A_1048 = vector.broadcast %and3A_1047 : i32 to vector<16xi32>
      %and3A_1049 = arith.andi %add3A_1046, %and3A_1048 : vector<16xi32>
      %gather3A_1050 = tpu.vector_load_idx %arg10[%add3A_743, %add3A_757, %and3A_1049] : memref<2x400x32xf32, #tpu.memory_space<vmem>>[vector<16xi32>, vector<16xi32>, vector<16xi32>], vector<16xf32>,
      %gather3A_1051 = tpu.vector_load_idx %arg11[%add3A_743, %add3A_757, %and3A_1049] : memref<2x400x32xf32, #tpu.memory_space<vmem>>[vector<16xi32>, vector<16xi32>, vector<16xi32>], vector<16xf32>,
      %sub3A_1052 = arith.subf %gather3A_1050, %gather3A_1051 : vector<16xf32>
      %mul3A_1053 = arith.mulf %sub3A_1052, %sub3A_1052 : vector<16xf32>
      %add3A_1054 = arith.addf %add3A_1043, %mul3A_1053 : vector<16xf32>
      %add3A_1055 = arith.constant 27 : i32
      %add3A_1056 = vector.broadcast %add3A_1055 : i32 to vector<16xi32>
      %add3A_1057 = arith.addi %iota3A_744, %add3A_1056 : vector<16xi32>
      %and3A_1058 = arith.constant 31 : i32
      %and3A_1059 = vector.broadcast %and3A_1058 : i32 to vector<16xi32>
      %and3A_1060 = arith.andi %add3A_1057, %and3A_1059 : vector<16xi32>
      %gather3A_1061 = tpu.vector_load_idx %arg10[%add3A_743, %add3A_757, %and3A_1060] : memref<2x400x32xf32, #tpu.memory_space<vmem>>[vector<16xi32>, vector<16xi32>, vector<16xi32>], vector<16xf32>,
      %gather3A_1062 = tpu.vector_load_idx %arg11[%add3A_743, %add3A_757, %and3A_1060] : memref<2x400x32xf32, #tpu.memory_space<vmem>>[vector<16xi32>, vector<16xi32>, vector<16xi32>], vector<16xf32>,
      %sub3A_1063 = arith.subf %gather3A_1061, %gather3A_1062 : vector<16xf32>
      %mul3A_1064 = arith.mulf %sub3A_1063, %sub3A_1063 : vector<16xf32>
      %add3A_1065 = arith.addf %add3A_1054, %mul3A_1064 : vector<16xf32>
      %add3A_1066 = arith.constant 28 : i32
      %add3A_1067 = vector.broadcast %add3A_1066 : i32 to vector<16xi32>
      %add3A_1068 = arith.addi %iota3A_744, %add3A_1067 : vector<16xi32>
      %and3A_1069 = arith.constant 31 : i32
      %and3A_1070 = vector.broadcast %and3A_1069 : i32 to vector<16xi32>
      %and3A_1071 = arith.andi %add3A_1068, %and3A_1070 : vector<16xi32>
      %gather3A_1072 = tpu.vector_load_idx %arg10[%add3A_743, %add3A_757, %and3A_1071] : memref<2x400x32xf32, #tpu.memory_space<vmem>>[vector<16xi32>, vector<16xi32>, vector<16xi32>], vector<16xf32>,
      %gather3A_1073 = tpu.vector_load_idx %arg11[%add3A_743, %add3A_757, %and3A_1071] : memref<2x400x32xf32, #tpu.memory_space<vmem>>[vector<16xi32>, vector<16xi32>, vector<16xi32>], vector<16xf32>,
      %sub3A_1074 = arith.subf %gather3A_1072, %gather3A_1073 : vector<16xf32>
      %mul3A_1075 = arith.mulf %sub3A_1074, %sub3A_1074 : vector<16xf32>
      %add3A_1076 = arith.addf %add3A_1065, %mul3A_1075 : vector<16xf32>
      %add3A_1077 = arith.constant 29 : i32
      %add3A_1078 = vector.broadcast %add3A_1077 : i32 to vector<16xi32>
      %add3A_1079 = arith.addi %iota3A_744, %add3A_1078 : vector<16xi32>
      %and3A_1080 = arith.constant 31 : i32
      %and3A_1081 = vector.broadcast %and3A_1080 : i32 to vector<16xi32>
      %and3A_1082 = arith.andi %add3A_1079, %and3A_1081 : vector<16xi32>
      %gather3A_1083 = tpu.vector_load_idx %arg10[%add3A_743, %add3A_757, %and3A_1082] : memref<2x400x32xf32, #tpu.memory_space<vmem>>[vector<16xi32>, vector<16xi32>, vector<16xi32>], vector<16xf32>,
      %gather3A_1084 = tpu.vector_load_idx %arg11[%add3A_743, %add3A_757, %and3A_1082] : memref<2x400x32xf32, #tpu.memory_space<vmem>>[vector<16xi32>, vector<16xi32>, vector<16xi32>], vector<16xf32>,
      %sub3A_1085 = arith.subf %gather3A_1083, %gather3A_1084 : vector<16xf32>
      %mul3A_1086 = arith.mulf %sub3A_1085, %sub3A_1085 : vector<16xf32>
      %add3A_1087 = arith.addf %add3A_1076, %mul3A_1086 : vector<16xf32>
      %add3A_1088 = arith.constant 30 : i32
      %add3A_1089 = vector.broadcast %add3A_1088 : i32 to vector<16xi32>
      %add3A_1090 = arith.addi %iota3A_744, %add3A_1089 : vector<16xi32>
      %and3A_1091 = arith.constant 31 : i32
      %and3A_1092 = vector.broadcast %and3A_1091 : i32 to vector<16xi32>
      %and3A_1093 = arith.andi %add3A_1090, %and3A_1092 : vector<16xi32>
      %gather3A_1094 = tpu.vector_load_idx %arg10[%add3A_743, %add3A_757, %and3A_1093] : memref<2x400x32xf32, #tpu.memory_space<vmem>>[vector<16xi32>, vector<16xi32>, vector<16xi32>], vector<16xf32>,
      %gather3A_1095 = tpu.vector_load_idx %arg11[%add3A_743, %add3A_757, %and3A_1093] : memref<2x400x32xf32, #tpu.memory_space<vmem>>[vector<16xi32>, vector<16xi32>, vector<16xi32>], vector<16xf32>,
      %sub3A_1096 = arith.subf %gather3A_1094, %gather3A_1095 : vector<16xf32>
      %mul3A_1097 = arith.mulf %sub3A_1096, %sub3A_1096 : vector<16xf32>
      %add3A_1098 = arith.addf %add3A_1087, %mul3A_1097 : vector<16xf32>
      %add3A_1099 = arith.constant 31 : i32
      %add3A_1100 = vector.broadcast %add3A_1099 : i32 to vector<16xi32>
      %add3A_1101 = arith.addi %iota3A_744, %add3A_1100 : vector<16xi32>
      %and3A_1102 = arith.constant 31 : i32
      %and3A_1103 = vector.broadcast %and3A_1102 : i32 to vector<16xi32>
      %and3A_1104 = arith.andi %add3A_1101, %and3A_1103 : vector<16xi32>
      %gather3A_1105 = tpu.vector_load_idx %arg10[%add3A_743, %add3A_757, %and3A_1104] : memref<2x400x32xf32, #tpu.memory_space<vmem>>[vector<16xi32>, vector<16xi32>, vector<16xi32>], vector<16xf32>,
      %gather3A_1106 = tpu.vector_load_idx %arg11[%add3A_743, %add3A_757, %and3A_1104] : memref<2x400x32xf32, #tpu.memory_space<vmem>>[vector<16xi32>, vector<16xi32>, vector<16xi32>], vector<16xf32>,
      %sub3A_1107 = arith.subf %gather3A_1105, %gather3A_1106 : vector<16xf32>
      %mul3A_1108 = arith.mulf %sub3A_1107, %sub3A_1107 : vector<16xf32>
      %add3A_1109 = arith.addf %add3A_1098, %mul3A_1108 : vector<16xf32>
      %max3A = arith.constant 1.000000e-30 : f32
      %max3A_1110 = vector.broadcast %max3A : f32 to vector<16xf32>
      %max3A_1111 = arith.maximumf %add3A_1109, %max3A_1110 : vector<16xf32>
      %bitcast3A = vector.bitcast %max3A_1111 : vector<16xf32> to vector<16xi32>
      %shift_right_logical3A = arith.constant 1 : i32
      %shift_right_logical3A_1112 = vector.broadcast %shift_right_logical3A : i32 to vector<16xi32>
      %shift_right_logical3A_1113 = arith.shrui %bitcast3A, %shift_right_logical3A_1112 : vector<16xi32>
      %sub3A_1114 = arith.constant 1597463007 : i32
      %sub3A_1115 = vector.broadcast %sub3A_1114 : i32 to vector<16xi32>
      %sub3A_1116 = arith.subi %sub3A_1115, %shift_right_logical3A_1113 : vector<16xi32>
      %bitcast3A_1117 = vector.bitcast %sub3A_1116 : vector<16xi32> to vector<16xf32>
      %mul3A_1118 = arith.constant 5.000000e-01 : f32
      %mul3A_1119 = vector.broadcast %mul3A_1118 : f32 to vector<16xf32>
      %mul3A_1120 = arith.mulf %max3A_1111, %mul3A_1119 : vector<16xf32>
      %mul3A_1121 = arith.mulf %mul3A_1120, %bitcast3A_1117 : vector<16xf32>
      %mul3A_1122 = arith.mulf %mul3A_1121, %bitcast3A_1117 : vector<16xf32>
      %sub3A_1123 = arith.constant 1.500000e+00 : f32
      %sub3A_1124 = vector.broadcast %sub3A_1123 : f32 to vector<16xf32>
      %sub3A_1125 = arith.subf %sub3A_1124, %mul3A_1122 : vector<16xf32>
      %mul3A_1126 = arith.mulf %bitcast3A_1117, %sub3A_1125 : vector<16xf32>
      %mul3A_1127 = arith.mulf %mul3A_1120, %mul3A_1126 : vector<16xf32>
      %mul3A_1128 = arith.mulf %mul3A_1127, %mul3A_1126 : vector<16xf32>
      %sub3A_1129 = arith.constant 1.500000e+00 : f32
      %sub3A_1130 = vector.broadcast %sub3A_1129 : f32 to vector<16xf32>
      %sub3A_1131 = arith.subf %sub3A_1130, %mul3A_1128 : vector<16xf32>
      %mul3A_1132 = arith.mulf %mul3A_1126, %sub3A_1131 : vector<16xf32>
      %mul3A_1133 = arith.mulf %mul3A_1120, %mul3A_1132 : vector<16xf32>
      %mul3A_1134 = arith.mulf %mul3A_1133, %mul3A_1132 : vector<16xf32>
      %sub3A_1135 = arith.constant 1.500000e+00 : f32
      %sub3A_1136 = vector.broadcast %sub3A_1135 : f32 to vector<16xf32>
      %sub3A_1137 = arith.subf %sub3A_1136, %mul3A_1134 : vector<16xf32>
      %mul3A_1138 = arith.mulf %mul3A_1132, %sub3A_1137 : vector<16xf32>
      %gt3A = arith.constant 1.000000e-30 : f32
      %gt3A_1139 = vector.broadcast %gt3A : f32 to vector<16xf32>
      %gt3A_1140 = arith.cmpf ogt, %add3A_1109, %gt3A_1139 : vector<16xf32>
      %mul3A_1141 = arith.mulf %max3A_1111, %mul3A_1138 : vector<16xf32>
      %jit3A = arith.constant 0.000000e+00 : f32
      %broadcast_in_dim3A_1142 = vector.broadcast %jit3A : f32 to vector<16xf32>
      %select_n3A = arith.select %gt3A_1140, %mul3A_1141, %broadcast_in_dim3A_1142 : vector<16xi1>, vector<16xf32>
      %mul3A_1143 = arith.constant 16 : i32
      %mul3A_1144 = arith.muli %scan3A_752, %mul3A_1143 : i32
      %get3A = arith.constant 0 : i32
      %get3A_1145 = arith.index_cast %get3A : i32 to index
      %get3A_1146 = arith.index_cast %mul3A_1144 : i32 to index
      %get3A_1147 = tpu.vector_load %arg9[%get3A_1145, %get3A_1146] {strides = array<i32>} : memref<2x400xf32, #tpu.memory_space<vmem>>, vector<16xf32>,
      %mul3A_1148 = arith.mulf %select_n3A, %get3A_1147 : vector<16xf32>
      %add3A_1149 = arith.addf %scan3A_753, %mul3A_1148 : vector<16xf32>
      scf.yield %add3A_1149 : vector<16xf32>
    }
    %scan3A_750 = arith.constant 25 : i32
    %swap3A = arith.constant 0 : index
    %swap3A_751 = tpu.vector_load %arg12[%swap3A] {strides = array<i32>} : memref<16xf32, #tpu.memory_space<vmem>>, vector<16xf32>,
    tpu.vector_store %arg12[%swap3A], %scan3A_749 {strides = array<i32>} : memref<16xf32, #tpu.memory_space<vmem>>, vector<16xf32>,
    "tpu.region"() ({
      %run_scoped3A = tpu.sem_alloc : memref<!tpu.dma_semaphore, #tpu.memory_space<semaphore_mem>>
      %dma_start3A_752 = arith.constant 0 : i32
      %dma_start3A_753 = tpu.memref_slice %arg6[%add3A, %dma_start3A_752] : memref<32x16xf32, #tpu.memory_space<hbm>> -> memref<1x16xf32, #tpu.memory_space<hbm>>
      %dma_start3A_754 = tpu.memref_squeeze %dma_start3A_753 : memref<1x16xf32, #tpu.memory_space<hbm>> -> memref<16xf32, #tpu.memory_space<hbm>>
      %dma_start3A_755 = arith.constant 0 : i32
      %dma_start3A_756 = tpu.memref_slice %arg6[%add3A, %dma_start3A_755] : memref<32x16xf32, #tpu.memory_space<hbm>> -> memref<1x16xf32, #tpu.memory_space<hbm>>
      %dma_start3A_757 = tpu.memref_squeeze %dma_start3A_756 : memref<1x16xf32, #tpu.memory_space<hbm>> -> memref<16xf32, #tpu.memory_space<hbm>>
      tpu.enqueue_dma source(%arg12 : memref<16xf32, #tpu.memory_space<vmem>>) target(%dma_start3A_757 : memref<16xf32, #tpu.memory_space<hbm>>) target_semaphore(%run_scoped3A : memref<!tpu.dma_semaphore, #tpu.memory_space<semaphore_mem>>)
      %dma_wait3A_758 = arith.constant 0 : i32
      %dma_wait3A_759 = tpu.memref_slice %arg6[%add3A, %dma_wait3A_758] : memref<32x16xf32, #tpu.memory_space<hbm>> -> memref<1x16xf32, #tpu.memory_space<hbm>>
      %dma_wait3A_760 = tpu.memref_squeeze %dma_wait3A_759 : memref<1x16xf32, #tpu.memory_space<hbm>> -> memref<16xf32, #tpu.memory_space<hbm>>
      %dma_wait3A_761 = arith.constant 0 : i32
      %dma_wait3A_762 = tpu.memref_slice %arg6[%add3A, %dma_wait3A_761] : memref<32x16xf32, #tpu.memory_space<hbm>> -> memref<1x16xf32, #tpu.memory_space<hbm>>
      %dma_wait3A_763 = tpu.memref_squeeze %dma_wait3A_762 : memref<1x16xf32, #tpu.memory_space<hbm>> -> memref<16xf32, #tpu.memory_space<hbm>>
      tpu.wait_dma2 semaphore(%run_scoped3A : memref<!tpu.dma_semaphore, #tpu.memory_space<semaphore_mem>>) src(%arg12 : memref<16xf32, #tpu.memory_space<vmem>>) dst(%dma_wait3A_763 : memref<16xf32, #tpu.memory_space<hbm>>)
      tpu.yield
    }) : () -> ()
    return
  }
}

</mosaic_0001>

<sc_bundles>
// kernel: kernel.3.cloned.1.call-start
scs
__scs_entry_jumppad:
0x0: {  	(pc) =	sbr.rel $0x88, $3  }
0x1: {  	(tag) =	ssettag $0x0;
	lr =	simm.s32 $0x1  }
0x2: {  	[smem:$0x3F9E] =	sst lr;
	_ =	strace $0xD0000000  }
0x3: {  	_ = 	snop  }
0x4: {  	_ = 	snop  }
0x5: {  	_ = 	snop  }
0x6: {  	_ = 	snop  }
0x7: {  	_ = 	snop  }
__scs_overlays_trampoline_lowered:
0x8: {  	[smem:$0x3FAD] =	sst s0  }
0x9: {  	[smem:$0x3FAE] =	sst s1  }
0xa: {  	[smem:$0x3FAF] =	sst s2  }
0xb: {  	[smem:$0x3FB0] =	sst s3  }
0xc: {  	[smem:$0x3FB1] =	sst s4  }
0xd: {  	[smem:$0x3FB2] =	sst s5  }
0xe: {  	[smem:$0x3FB3] =	sst s6  }
0xf: {  	[smem:$0x3FB4] =	sst s7  }
0x10: {  	[smem:$0x3FB5] =	sst s8  }
0x11: {  	[smem:$0x3FB6] =	sst s9;
	s0 =	simm.s32 @!p0 $0x0  }
0x12: {  	s1 =	sld [smem:$0x3F9C];
	s0 =	simm.s32 @p0 $0x1  }
0x13: {  	[smem:$0x3FB7] =	sst s0;
	s0 =	simm.s32 @!p1 $0x0  }
0x14: {  	s2 =	sld [smem:$0x3F9B];
	s0 =	simm.s32 @p1 $0x1  }
0x15: {  	[smem:$0x3FB8] =	sst s0;
	s0 =	simm.s32 @!p2 $0x0  }
0x16: {  	s3 =	sld [smem:$0x3FDB];
	s0 =	simm.s32 @p2 $0x1  }
0x17: {  	s4 =	simm.s32 $0x1BF5;
	[smem:$0x3FBA] =	sst s0  }
0x18: {  	s0 =	sld [smem:$0x3F9D];
	_ =	swait.ge [sflag:s4], $0x0  }
0x19: {  	s7 =	sld [smem:$0x3F9E]  }
0x1a: {  	s8 =	sadd.s32 $0xFFFFE003, lr  }
0x1b: {  	s9 =	sadd.s32 $0xFFFFFEF7, lr;
	s5 =	simm.s32 $0xFFFFFFFF;
	p2 =	slt.u32 s8, $0xFFFFF086  }
0x1c: {  	p1 =	slt.u32 s9, $0xF7A;
	s5 =	simm.s32 @!p2 $0x0  }
0x1d: {  	s5 =	simm.s32 @p1 $0x1;
	p0 =	seq.s32 s7, s2  }
0x1e: {  	s7 =	smul.u32 @!p0 $0xF7A, s2;
	p2 =	seq.s32 @!p0 s5, $0x0  }
0x1f: {  	s9 =	smul.u32 $0xF7A, s1;
	s8 =	simm.s32 @!p0 $0x1BF5;
	p2 =	por !p2, p0  }
0x20: {  	[sflag:s8] =	ssyncset.s32 @!p0 $0xFFFFF086;
	s6 =	sadd.s32 @!p0 s3, s7;
	s7 =	simm.s32 @!p0 $0x108  }
0x21: {  	s3 =	sadd.s32 s3, s9;
	s6 =	sadd.s32 @!p0 $0x88, s6;
	s7 =	simm.s32 @p2 $0x1082  }
0x22: {  	[simem:s7], [sflag:s8] =	dma.local @!p0 [hbm:s6], $0xF7A  }
0x23: {  	s9 =	sor.u32 $0xD0000000, s2;
	s6 =	simm.s32 $0x108;
	_ =	swait.ge @!p0 [sflag:s8], $0x0  }
0x24: {  	s3 =	sadd.s32 $0x88, s3;
	s6 =	simm.s32 @!p1 $0x1082;
	[sflag:s4] =	ssyncset.s32 $0xFFFFF086  }
0x25: {  	[simem:s6], [sflag:s4] =	dma.local [hbm:s3], $0xF7A  }
0x26: {  	[smem:$0x3F9E] =	sst s1;
	(tag) =	ssettag s2;
	_ =	strace s9  }
0x27: {  	s1 =	sld [smem:$0x3FAE]  }
0x28: {  	s2 =	sld [smem:$0x3FAF]  }
0x29: {  	s4 =	sld [smem:$0x3FB1]  }
0x2a: {  	p0 =	seq.s32 s5, $0x0;
	s5 =	sld [smem:$0x3FB2]  }
0x2b: {  	s6 =	sld [smem:$0x3FB3]  }
0x2c: {  	s7 =	sld [smem:$0x3FB4]  }
0x2d: {  	s3 =	simm.s32 $0x108;
	s8 =	sld [smem:$0x3FB5]  }
0x2e: {  	s3 =	simm.s32 @!p0 $0x1082;
	s9 =	sld [smem:$0x3FB6]  }
0x2f: {  	lr =	sadd.s32 s0, s3;
	s0 =	sld [smem:$0x3FAD]  }
0x30: {  	s3 =	sld [smem:$0x3FB0]  }
0x31: {  	[smem:$0x3FB9] =	sst s10  }
0x32: {  	s10 =	sld [smem:$0x3FB7];
	_ =	sdelay $0x3  }
0x33: {  	p0 =	seq.s32 s10, $0x1;
	s10 =	sld [smem:$0x3FB9];
	_ =	sdelay $0x3  }
0x34: {  	[smem:$0x3FB9] =	sst s10  }
0x35: {  	s10 =	sld [smem:$0x3FB8];
	_ =	sdelay $0x3  }
0x36: {  	p1 =	seq.s32 s10, $0x1;
	s10 =	sld [smem:$0x3FB9];
	_ =	sdelay $0x3  }
0x37: {  	[smem:$0x3FB9] =	sst s10  }
0x38: {  	s10 =	sld [smem:$0x3FBA]  }
0x39: {  	_ = 	snop;
	(pc) =	sbr.ind lr, $3  }
0x3a: {  	_ = 	snop  }
0x3b: {  	_ = 	snop  }
0x3c: {  	p2 =	seq.s32 s10, $0x1;
	s10 =	sld [smem:$0x3FB9]  }
0x3d: {  	_ =	shalt  }
0x3e: {  	_ =	shalt  }
0x3f: {  	_ =	shalt  }
0x40: {  	_ =	shalt  }
0x41: {  	_ =	shalt  }
0x42: {  	_ =	shalt  }
0x43: {  	_ =	shalt  }
0x44: {  	_ =	shalt  }
0x45: {  	_ =	shalt  }
0x46: {  	_ =	shalt  }
0x47: {  	_ =	shalt  }
0x48: {  	_ =	shalt  }
0x49: {  	_ =	shalt  }
0x4a: {  	_ =	shalt  }
0x4b: {  	_ =	shalt  }
0x4c: {  	_ =	shalt  }
0x4d: {  	_ =	shalt  }
0x4e: {  	_ =	shalt  }
0x4f: {  	_ =	shalt  }
0x50: {  	_ =	shalt  }
0x51: {  	_ =	shalt  }
0x52: {  	_ =	shalt  }
0x53: {  	_ =	shalt  }
0x54: {  	_ =	shalt  }
0x55: {  	_ =	shalt  }
0x56: {  	_ =	shalt  }
0x57: {  	_ =	shalt  }
0x58: {  	_ =	shalt  }
0x59: {  	_ =	shalt  }
0x5a: {  	_ =	shalt  }
0x5b: {  	_ =	shalt  }
0x5c: {  	_ =	shalt  }
0x5d: {  	_ =	shalt  }
0x5e: {  	_ =	shalt  }
0x5f: {  	_ =	shalt  }
0x60: {  	_ =	shalt  }
0x61: {  	_ =	shalt  }
0x62: {  	_ =	shalt  }
0x63: {  	_ =	shalt  }
0x64: {  	_ =	shalt  }
0x65: {  	_ =	shalt  }
0x66: {  	_ =	shalt  }
0x67: {  	_ =	shalt  }
0x68: {  	_ =	shalt  }
0x69: {  	_ =	shalt  }
0x6a: {  	_ =	shalt  }
0x6b: {  	_ =	shalt  }
0x6c: {  	_ =	shalt  }
0x6d: {  	_ =	shalt  }
0x6e: {  	_ =	shalt  }
0x6f: {  	_ =	shalt  }
0x70: {  	_ =	shalt  }
0x71: {  	_ =	shalt  }
0x72: {  	_ =	shalt  }
0x73: {  	_ =	shalt  }
0x74: {  	_ =	shalt  }
0x75: {  	_ =	shalt  }
0x76: {  	_ =	shalt  }
0x77: {  	_ =	shalt  }
0x78: {  	_ =	shalt  }
0x79: {  	_ =	shalt  }
0x7a: {  	_ =	shalt  }
0x7b: {  	_ =	shalt  }
0x7c: {  	_ =	shalt  }
0x7d: {  	_ =	shalt  }
0x7e: {  	_ =	shalt  }
0x7f: {  	_ =	shalt  }
0x80: {  	_ =	shalt  }
0x81: {  	_ =	shalt  }
0x82: {  	_ =	shalt  }
0x83: {  	_ =	shalt  }
0x84: {  	_ =	shalt  }
0x85: {  	_ =	shalt  }
0x86: {  	_ =	shalt  }
0x87: {  	_ =	shalt  }
.Lfunc_end0:
.L_simem_size_0:
called_computation_lowered:
.L_overlay_start_0:
0x88: {  	s2 =	sld [smem:$0x3FD9]  }
0x89: {  	s3 =	sld [smem:$0x3FFE];
	_ =	sdelay $0x1  }
0x8a: {  	s1 =	srdreg.scid  }
0x8b: {  	s0 =	sand.u32 $0x1, s1  }
0x8c: {  	s17 =	sshll.u32 s0, $0xA;
	s2 =	sadd.s32 s3, s2  }
0x8d: {  	s2 =	sadd.s32 s2, s17  }
0x8e: {  	[smem:$0x3FC5] =	sst s2  }
0x8f: {  	_ = 	snop  }
0x90: {  	s2 =	sld [smem:$0x3FC7];
	(tm) =	ssettm $0x1  }
0x91: {  	s18 =	sld [smem:$0x3FFB];
	_ =	sdelay $0x3  }
0x92: {  	_ =	strace s18  }
0x93: {  	s3 =	sld [smem:$0x3FFC];
	_ =	sdelay $0x3  }
0x94: {  	_ =	strace s3  }
0x95: {  	s3 =	sld [smem:$0x3FFD];
	_ =	sdelay $0x3  }
0x96: {  	_ =	strace s3  }
0x97: {  	_ =	strace $0x8FFFFFFF  }
0x98: {  	s19 =	sld [smem:$0x3FDB];
	_ =	sdelay $0x1  }
0x99: {  	s4 =	simm.s32 $_scs_section_size  }
0x9a: {  	s5 =	simm.s32 $_size__tile_overlayer_lowered;
	s6 =	simm.s32 $_tile_overlayer_lowered  }
0x9b: {  	s22 =	simm.s32 $0x1BFF;
	s21 =	sshll.u32 s6, $0x1;
	s3 =	sadd.s32 s4, s19  }
0x9c: {  	s7 =	simm.s32 $0x0;
	s20 =	sshll.u32 s5, $0x1;
	s5 =	sadd.s32 s21, s3  }
0x9d: {  	[timem:s7], [sflag:s22] =	dma.local [hbm:s5], s20  }
0x9e: {  	_ =	swait.ge [sflag:s22], s20  }
0x9f: {  	s4 =	ssub.s32 $0x0, s20;
	[sflag:s22] =	ssyncset.done $0x0  }
0xa0: {  	[sflag:s22] =	ssyncadd.s32 s4;
	_ =	sdelay $0x1  }
0xa1: {  	s23 =	simm.s32 $0x1B8B  }
0xa2: {  	_ =	swait.ge [sflag:s23], $0x1  }
0xa3: {  	[sflag:s23] =	ssyncset.done $0x0  }
0xa4: {  	s25 =	simm.s32 $0x1B8E;
	s24 =	sld [smem:$0x3FFE];
	[sflag:s23] =	ssyncadd.s32 $0xFFFFFFFF  }
0xa5: {  	s26 =	simm.s32 $execute0_lowered;
	[smem:$0x3FD2] =	sst s25  }
0xa6: {  	s5 =	sshll.u32 s26, $0x1;
	_ =	strace $0x80000046;
	[dreg:$0x1] =	wrdreg $0xFFFFFFFF  }
0xa7: {  	s28 =	simm.s32 $_size_execute0_lowered;
	s3 =	sadd.s32 s3, s5;
	[dreg:$0x0] =	wrdreg $0x0  }
0xa8: {  	s5 =	sshll.u32 s28, $0x1;
	[dreg:$0x2] =	wrdreg s3  }
0xa9: {  	[dreg:$0x3] =	wrdreg s5  }
0xaa: {  	[dreg:$0x4] =	wrdreg $0xC0  }
0xab: {  	_ =	task [dreg:s7], $0x5FFFF  }
0xac: {  	[dreg:$0x1] =	wrdreg $0xFFFFFFFF  }
0xad: {  	[dreg:$0x0] =	wrdreg $0x60  }
0xae: {  	[dreg:$0x2] =	wrdreg s24  }
0xaf: {  	[dreg:$0x3] =	wrdreg s2  }
0xb0: {  	[dreg:$0x4] =	wrdreg $0x9  }
0xb1: {  	_ =	task.clear_ibuf [dreg:s7], $0x5FFFF;
	_ =	strace $0x90000046  }
0xb2: {  	s29 =	simm.s32 $0x9;
	_ =	strace $0x80000048  }
0xb3: {  	_ =	swait.ge [sflag:s29], $0x1  }
0xb4: {  	[sflag:s29] =	ssyncadd.s32 $0xFFFFFFFF  }
0xb5: {  	_ =	strace $0x90000048  }
0xb6: {  	_ =	sfence  }
0xb7: {  	s30 =	sld [smem:$0x0];
	_ =	sdelay $0x2  }
0xb8: {  	s31 =	sshll.u32 s1, $0xD;
	s1 =	sshrl.u32 s1, $0x2  }
0xb9: {  	s3 =	sand.u32 $0x4000, s31;
	s1 =	sadd.s32 s1, s30  }
0xba: {  	s0 =	sor.u32 s3, s0;
	s1 =	sshll.u32 s1, $0x11  }
0xbb: {  	s0 =	sor.u32 s1, s0  }
0xbc: {  	s0 =	sadd.s32 $0x8F2B, s0  }
0xbd: {  	[sflag:s0] =	ssyncadd.remote.s32 $0x1  }
0xbe: {  	_ =	sfence.sel $0xFFFF  }
0xbf: {  	[dreg:$0x0] =	wrdreg $0xFFFFFFFF;
	(pc) =	sbr.abs _section_cstart, $3  }
0xc0: {  	[dreg:$0x1] =	wrdreg $0xFFFFFFFF  }
0xc1: {  	_ =	task.clear_ibuf [dreg:s7], $0x2FFFF;
	_ =	strace $0x9FFFFFFF  }
0xc2: {  	(tm) =	ssettm $0x7FFFFFFF  }
0xc3: {  	_ =	shalt  }
tec
execute0_lowered:
.L_overlay_start_1:
0x0: {  	(tag) =	ssettag $0x1  }
0x1: {  	v0 =	vlaneseq.u32;
	v16 =	vimm.s32 $0x14131211;
	v17 =	vimm.s32 $0x18171615  }
0x2: {  	vm0 =	vcmask $0x1F10;
	v18 =	vimm.s32 $0x1F1E1D;
	v19 =	vimm.s32 $0x15141312  }
0x3: {  	v22 =	vimm.s32 $0x1001F1E;
	v25 =	vimm.s32 $0x201001F;
	v35 =	vimm.s32 $0x1B1A1918  }
0x4: {  	v36 =	vimm.s32 $0x4030201;
	v37 =	vimm.s32 $0x5040302;
	v38 =	vimm.s32 $0x6050403  }
0x5: {  	v58 =	vimm.s32 $0x54329876;
	vm7 =	vcmask $0x2F10;
	v59 =	vimm.s32 $0xB0A0908  }
0x6: {  	vm1 =	vcmask $0x3F30;
	v62 =	vimm.s32 $0xC0B0A09;
	v40 =	vimm.s32 $0xD0C0B0A  }
0x7: {  	vm14 =	vcmask $0x300;
	v41 =	vimm.s32 $0x3200;
	vm13 =	vcmask $0x704  }
0x8: {  	vm12 =	vcmask $0xB08;
	vm11 =	vcmask $0xF0C;
	v42 =	vimm.s32 $0xE0D0C0B  }
0x9: {  	vm10 =	vcmask $0x1310;
	vm9 =	vcmask $0x1714;
	vm3 =	vcmask $0x1B18  }
0xa: {  	v44 =	vimm.s32 $0x3201;
	v45 =	vimm.s32 $0x3202;
	vm15 =	vcmask $0x2320  }
0xb: {  	vm2 =	vcmask $0x2724;
	vm4 =	vcmask $0x2B28;
	vm5 =	vcmask $0x2F2C  }
0xc: {  	vm6 =	vcmask $0x3330;
	vm8 =	vcmask $0x3B38;
	v46 =	vimm.s32 $0x3203  }
0xd: {  	v47 =	vimm.s32 $0x3204;
	v48 =	vimm.s32 $0x3205;
	v49 =	vimm.s32 $0x3206  }
0xe: {  	v50 =	vimm.s32 $0x3207;
	v51 =	vimm.s32 $0x3208;
	v52 =	vimm.s32 $0x3209  }
0xf: {  	v1 =	vmul.u32 $0x20, v0;
	v2 =	vadd.s32 $0x1, v0;
	v3 =	vadd.s32 $0x2, v0  }
0x10: {  	v4 =	vadd.s32 $0x3, v0;
	v5 =	vadd.s32 $0x4, v0;
	v6 =	vadd.s32 $0x5, v0  }
0x11: {  	v7 =	vadd.s32 $0x6, v0;
	v8 =	vadd.s32 $0x7, v0;
	v9 =	vadd.s32 $0x8, v0  }
0x12: {  	v10 =	vadd.s32 $0x9, v0;
	v11 =	vadd.s32 $0xA, v0;
	v16 =	vunpack.c.0.s8.s32 v16  }
0x13: {  	v20 =	vunpack.c.0.s8.s32 v17;
	v17 =	vimm.s32 $0x1C1B1A19;
	v30 =	vunpack.c.0.s8.s32 v18  }
0x14: {  	v18 =	vimm.s32 $0x19181716;
	v31 =	vunpack.c.0.s8.s32 v22;
	v32 =	vunpack.c.0.s8.s32 v25  }
0x15: {  	v25 =	vimm.s32 $0x1F1E1D1C;
	v35 =	vunpack.c.0.s8.s32 v35;
	v36 =	vunpack.c.0.s8.s32 v36  }
0x16: {  	v37 =	vunpack.c.0.s8.s32 v37;
	v38 =	vunpack.c.0.s8.s32 v38;
	v60 =	vunpack.c.0.s8.s32 v59  }
0x17: {  	v21 =	vunpack.c.0.s8.s32 v17;
	v17 =	vunpack.c.0.s8.s32 v19;
	v19 =	vimm.s32 $0x1D1C1B1A  }
0x18: {  	v23 =	vunpack.c.0.s8.s32 v18;
	v34 =	vunpack.c.0.s8.s32 v25;
	v25 =	vimm.s32 $0x17161514  }
0x19: {  	v24 =	vunpack.c.0.s8.s32 v19;
	v18 =	vsel vm0, v20, v16;
	v16 =	vimm.s32 $0x16151413  }
0x1a: {  	v25 =	vunpack.c.0.s8.s32 v25;
	v36 =	vsel vm0, v36, v30;
	v26 =	vsel vm0, v30, v21  }
0x1b: {  	v19 =	vsel vm0, v23, v17;
	v22 =	vunpack.c.0.s8.s32 v16;
	v16 =	vimm.s32 $0x1A191817  }
0x1c: {  	v17 =	vimm.s32 $0x1E1D1C1B;
	v21 =	vsel vm0, v21, v20;
	v27 =	vsel vm0, v31, v24  }
0x1d: {  	v28 =	vunpack.c.0.s8.s32 v16;
	v29 =	vunpack.c.0.s8.s32 v17;
	v17 =	vcombine.low v18, v26  }
0x1e: {  	v25 =	vsel vm0, v35, v25;
	v21 =	vcombine.low v21, v36;
	v23 =	vsel vm0, v24, v23  }
0x1f: {  	v18 =	vcombine.low v19, v27;
	v19 =	vsel vm0, v28, v22;
	v22 =	vimm.s32 $0x3020100  }
0x20: {  	v24 =	vsel vm0, v38, v32;
	v38 =	vimm.s32 $0x6543A987;
	v22 =	vunpack.c.0.s8.s32 v22  }
0x21: {  	v35 =	vsel vm0, v34, v35;
	v36 =	vunpack.c.0.s8.s32 v62;
	v39 =	vunpack.c.l.s4.s8 v38  }
0x22: {  	v33 =	vsel vm0, v32, v29;
	v28 =	vsel vm0, v29, v28;
	v22 =	vsel vm0, v22, v34  }
0x23: {  	v29 =	vimm.s32 $0x76543210;
	v20 =	vcombine.low v25, v22;
	v25 =	vimm.s32 $0x87654321  }
0x24: {  	v19 =	vcombine.low v19, v33;
	v22 =	vsel vm0, v37, v31;
	v25 =	vunpack.c.l.s4.s8 v25  }
0x25: {  	v22 =	vcombine.low v23, v22;
	v23 =	vcombine.low v28, v24;
	v28 =	vimm.s32 $0x98765432  }
0x26: {  	v24 =	vunpack.c.l.s4.s8 v29;
	v29 =	vimm.s32 $0xA9876543;
	v28 =	vunpack.c.l.s4.s8 v28  }
0x27: {  	vm0 =	vcmask $0x1F1C;
	v29 =	vunpack.c.l.s4.s8 v29;
	v25 =	vunpack.c.0.s8.s32 v25  }
0x28: {  	v53 =	vunpack.c.0.s8.s32 v24;
	v24 =	vimm.s32 $0x32107654;
	v28 =	vunpack.c.0.s8.s32 v28  }
0x29: {  	v29 =	vunpack.c.0.s8.s32 v29;
	v55 =	vunpack.c.l.s4.s8 v24;
	v54 =	vand.u32 $0xF, v25  }
0x2a: {  	v25 =	vcombine.low v35, v53;
	v35 =	vunpack.c.l.s4.s8 v58;
	v53 =	vimm.s32 $0x320A  }
0x2b: {  	v26 =	vcombine.low v26, v54;
	v28 =	vand.u32 $0xF, v28;
	v29 =	vand.u32 $0xF, v29  }
0x2c: {  	v56 =	vunpack.c.0.s8.s32 v55;
	v54 =	vimm.s32 $0x320B;
	v27 =	vcombine.low v27, v28  }
0x2d: {  	v28 =	vcombine.low v33, v29;
	v29 =	vimm.s32 $0x43218765;
	v35 =	vunpack.c.0.s8.s32 v35  }
0x2e: {  	v55 =	vimm.s32 $0x320C;
	v57 =	vand.u32 $0xF, v56;
	v29 =	vunpack.c.l.s4.s8 v29  }
0x2f: {  	v56 =	vimm.s32 $0x320D;
	v33 =	vsel vm7, v57, v34;
	v37 =	vand.u32 $0xF, v35  }
0x30: {  	v35 =	vsel vm14, $0x3211, v41;
	v34 =	vunpack.c.0.s8.s32 v40;
	v57 =	vimm.s32 $0x320E  }
0x31: {  	v61 =	vunpack.c.0.s8.s32 v29;
	v29 =	vsel vm1, v60, v33;
	v35 =	vsel vm13, $0x3212, v35  }
0x32: {  	v31 =	vsel vm7, v37, v31;
	v33 =	vunpack.c.0.s8.s32 v39;
	v35 =	vsel vm12, $0x3213, v35  }
0x33: {  	v31 =	vsel vm1, v34, v31;
	v34 =	vsel vm14, $0x3212, v44;
	v63 =	vand.u32 $0xF, v61  }
0x34: {  	v33 =	vand.u32 $0xF, v33;
	v35 =	vsel vm11, $0x3214, v35;
	v34 =	vsel vm13, $0x3213, v34  }
0x35: {  	v30 =	vsel vm7, v63, v30;
	v35 =	vsel vm10, $0x3215, v35;
	v32 =	vsel vm7, v33, v32  }
0x36: {  	v34 =	vsel vm12, $0x3214, v34;
	vm7 =	vcmask $0x3734;
	v30 =	vsel vm1, v36, v30  }
0x37: {  	v36 =	vunpack.c.0.s8.s32 v42;
	v43 =	vsel vm9, $0x3216, v35;
	v35 =	vsel vm14, $0x3213, v45  }
0x38: {  	v34 =	vsel vm11, $0x3215, v34;
	v33 =	vsel vm3, $0x3217, v43;
	v35 =	vsel vm13, $0x3214, v35  }
0x39: {  	v34 =	vsel vm10, $0x3216, v34;
	v32 =	vsel vm1, v36, v32;
	v35 =	vsel vm12, $0x3215, v35  }
0x3a: {  	v33 =	vsel vm0, $0x3218, v33;
	v34 =	vsel vm9, $0x3217, v34;
	v35 =	vsel vm11, $0x3216, v35  }
0x3b: {  	v33 =	vsel vm15, $0x3219, v33;
	v34 =	vsel vm3, $0x3218, v34;
	v35 =	vsel vm10, $0x3217, v35  }
0x3c: {  	v33 =	vsel vm2, $0x321A, v33;
	v34 =	vsel vm0, $0x3219, v34;
	v35 =	vsel vm9, $0x3218, v35  }
0x3d: {  	v33 =	vsel vm4, $0x321B, v33;
	v34 =	vsel vm15, $0x321A, v34;
	v35 =	vsel vm3, $0x3219, v35  }
0x3e: {  	v33 =	vsel vm5, $0x321C, v33;
	v34 =	vsel vm2, $0x321B, v34;
	v35 =	vsel vm0, $0x321A, v35  }
0x3f: {  	v33 =	vsel vm6, $0x321D, v33;
	v34 =	vsel vm4, $0x321C, v34;
	v35 =	vsel vm15, $0x321B, v35  }
0x40: {  	v34 =	vsel vm5, $0x321D, v34;
	v33 =	vsel vm7, $0x321E, v33;
	v35 =	vsel vm2, $0x321C, v35  }
0x41: {  	v34 =	vsel vm6, $0x321E, v34;
	v36 =	vsel vm8, $0x321F, v33;
	v33 =	vsel vm14, $0x3214, v46  }
0x42: {  	v35 =	vsel vm4, $0x321D, v35;
	v34 =	vsel vm7, $0x321F, v34;
	v33 =	vsel vm13, $0x3215, v33  }
0x43: {  	v35 =	vsel vm5, $0x321E, v35;
	v37 =	vsel vm8, $0x3200, v34;
	v34 =	vsel vm14, $0x3215, v47  }
0x44: {  	v33 =	vsel vm12, $0x3216, v33;
	v35 =	vsel vm6, $0x321F, v35;
	v34 =	vsel vm13, $0x3216, v34  }
0x45: {  	v33 =	vsel vm11, $0x3217, v33;
	v35 =	vsel vm7, $0x3200, v35;
	v34 =	vsel vm12, $0x3217, v34  }
0x46: {  	v33 =	vsel vm10, $0x3218, v33;
	v38 =	vsel vm8, $0x3201, v35;
	v35 =	vsel vm14, $0x3216, v48  }
0x47: {  	v34 =	vsel vm11, $0x3218, v34;
	v33 =	vsel vm9, $0x3219, v33;
	v35 =	vsel vm13, $0x3217, v35  }
0x48: {  	v34 =	vsel vm10, $0x3219, v34;
	v33 =	vsel vm3, $0x321A, v33;
	v35 =	vsel vm12, $0x3218, v35  }
0x49: {  	v34 =	vsel vm9, $0x321A, v34;
	v33 =	vsel vm0, $0x321B, v33;
	v35 =	vsel vm11, $0x3219, v35  }
0x4a: {  	v34 =	vsel vm3, $0x321B, v34;
	v33 =	vsel vm15, $0x321C, v33;
	v35 =	vsel vm10, $0x321A, v35  }
0x4b: {  	v34 =	vsel vm0, $0x321C, v34;
	v33 =	vsel vm2, $0x321D, v33;
	v35 =	vsel vm9, $0x321B, v35  }
0x4c: {  	v34 =	vsel vm15, $0x321D, v34;
	v33 =	vsel vm4, $0x321E, v33;
	v35 =	vsel vm3, $0x321C, v35  }
0x4d: {  	v34 =	vsel vm2, $0x321E, v34;
	v33 =	vsel vm5, $0x321F, v33;
	v35 =	vsel vm0, $0x321D, v35  }
0x4e: {  	v34 =	vsel vm4, $0x321F, v34;
	v33 =	vsel vm6, $0x3200, v33;
	v35 =	vsel vm15, $0x321E, v35  }
0x4f: {  	v34 =	vsel vm5, $0x3200, v34;
	v33 =	vsel vm7, $0x3201, v33;
	v35 =	vsel vm2, $0x321F, v35  }
0x50: {  	v34 =	vsel vm6, $0x3201, v34;
	v39 =	vsel vm8, $0x3202, v33;
	v33 =	vsel vm14, $0x3217, v49  }
0x51: {  	v35 =	vsel vm4, $0x3200, v35;
	v34 =	vsel vm7, $0x3202, v34;
	v33 =	vsel vm13, $0x3218, v33  }
0x52: {  	v35 =	vsel vm5, $0x3201, v35;
	v40 =	vsel vm8, $0x3203, v34;
	v34 =	vsel vm14, $0x3218, v50  }
0x53: {  	v33 =	vsel vm12, $0x3219, v33;
	v35 =	vsel vm6, $0x3202, v35;
	v34 =	vsel vm13, $0x3219, v34  }
0x54: {  	v33 =	vsel vm11, $0x321A, v33;
	v35 =	vsel vm7, $0x3203, v35;
	v34 =	vsel vm12, $0x321A, v34  }
0x55: {  	v33 =	vsel vm10, $0x321B, v33;
	v41 =	vsel vm8, $0x3204, v35;
	v35 =	vsel vm14, $0x3219, v51  }
0x56: {  	v34 =	vsel vm11, $0x321B, v34;
	v33 =	vsel vm9, $0x321C, v33;
	v35 =	vsel vm13, $0x321A, v35  }
0x57: {  	v34 =	vsel vm10, $0x321C, v34;
	v33 =	vsel vm3, $0x321D, v33;
	v35 =	vsel vm12, $0x321B, v35  }
0x58: {  	v34 =	vsel vm9, $0x321D, v34;
	v33 =	vsel vm0, $0x321E, v33;
	v35 =	vsel vm11, $0x321C, v35  }
0x59: {  	v34 =	vsel vm3, $0x321E, v34;
	v33 =	vsel vm15, $0x321F, v33;
	v35 =	vsel vm10, $0x321D, v35  }
0x5a: {  	v34 =	vsel vm0, $0x321F, v34;
	v33 =	vsel vm2, $0x3200, v33;
	v35 =	vsel vm9, $0x321E, v35  }
0x5b: {  	v34 =	vsel vm15, $0x3200, v34;
	v33 =	vsel vm4, $0x3201, v33;
	v35 =	vsel vm3, $0x321F, v35  }
0x5c: {  	v34 =	vsel vm2, $0x3201, v34;
	v33 =	vsel vm5, $0x3202, v33;
	v35 =	vsel vm0, $0x3200, v35  }
0x5d: {  	v34 =	vsel vm4, $0x3202, v34;
	v33 =	vsel vm6, $0x3203, v33;
	v35 =	vsel vm15, $0x3201, v35  }
0x5e: {  	v34 =	vsel vm5, $0x3203, v34;
	v33 =	vsel vm7, $0x3204, v33;
	v35 =	vsel vm2, $0x3202, v35  }
0x5f: {  	v34 =	vsel vm6, $0x3204, v34;
	v42 =	vsel vm8, $0x3205, v33;
	v33 =	vsel vm14, $0x321A, v52  }
0x60: {  	v35 =	vsel vm4, $0x3203, v35;
	v34 =	vsel vm7, $0x3205, v34;
	v33 =	vsel vm13, $0x321B, v33  }
0x61: {  	v35 =	vsel vm5, $0x3204, v35;
	v43 =	vsel vm8, $0x3206, v34;
	v34 =	vsel vm14, $0x321B, v53  }
0x62: {  	v33 =	vsel vm12, $0x321C, v33;
	v35 =	vsel vm6, $0x3205, v35;
	v34 =	vsel vm13, $0x321C, v34  }
0x63: {  	v33 =	vsel vm11, $0x321D, v33;
	v35 =	vsel vm7, $0x3206, v35;
	v34 =	vsel vm12, $0x321D, v34  }
0x64: {  	v33 =	vsel vm10, $0x321E, v33;
	v44 =	vsel vm8, $0x3207, v35;
	v35 =	vsel vm14, $0x321C, v54  }
0x65: {  	v34 =	vsel vm11, $0x321E, v34;
	v33 =	vsel vm9, $0x321F, v33;
	v35 =	vsel vm13, $0x321D, v35  }
0x66: {  	v34 =	vsel vm10, $0x321F, v34;
	v33 =	vsel vm3, $0x3200, v33;
	v35 =	vsel vm12, $0x321E, v35  }
0x67: {  	v34 =	vsel vm9, $0x3200, v34;
	v33 =	vsel vm0, $0x3201, v33;
	v35 =	vsel vm11, $0x321F, v35  }
0x68: {  	v34 =	vsel vm3, $0x3201, v34;
	v33 =	vsel vm15, $0x3202, v33;
	v35 =	vsel vm10, $0x3200, v35  }
0x69: {  	v34 =	vsel vm0, $0x3202, v34;
	v33 =	vsel vm2, $0x3203, v33;
	v35 =	vsel vm9, $0x3201, v35  }
0x6a: {  	v34 =	vsel vm15, $0x3203, v34;
	v33 =	vsel vm4, $0x3204, v33;
	v35 =	vsel vm3, $0x3202, v35  }
0x6b: {  	v34 =	vsel vm2, $0x3204, v34;
	v33 =	vsel vm5, $0x3205, v33;
	v35 =	vsel vm0, $0x3203, v35  }
0x6c: {  	v34 =	vsel vm4, $0x3205, v34;
	v33 =	vsel vm6, $0x3206, v33;
	v35 =	vsel vm15, $0x3204, v35  }
0x6d: {  	v34 =	vsel vm5, $0x3206, v34;
	v33 =	vsel vm7, $0x3207, v33;
	v35 =	vsel vm2, $0x3205, v35  }
0x6e: {  	v34 =	vsel vm6, $0x3207, v34;
	v60 =	vsel vm8, $0x3208, v33;
	v35 =	vsel vm4, $0x3206, v35  }
0x6f: {  	s0 =	rddreg [dreg:$0x0];
	v33 =	vsel vm14, $0x321D, v55;
	v34 =	vsel vm7, $0x3208, v34;
	v35 =	vsel vm5, $0x3207, v35  }
0x70: {  	s1 =	rddreg [dreg:$0x1];
	v33 =	vsel vm13, $0x321E, v33;
	v61 =	vsel vm8, $0x3209, v34;
	v35 =	vsel vm6, $0x3208, v35  }
0x71: {  	s3 =	simm.s32 $0x0;
	s2 =	srdreg.scid;
	s4 =	stileid.u32;
	v34 =	vsel vm14, $0x321E, v56;
	v33 =	vsel vm12, $0x321F, v33;
	v35 =	vsel vm7, $0x3209, v35  }
0x72: {  	s16 =	simm.s32 $0x340;
	s17 =	simm.s32 $0x1;
	[smem:$0x7FF] =	sst s3;
	v34 =	vsel vm13, $0x321F, v34;
	v62 =	vsel vm8, $0x320A, v35;
	v35 =	vsel vm14, $0x321F, v57  }
0x73: {  	s18 =	simm.s32 $0x64;
	s19 =	simm.s32 $0x9A0;
	_ =	strace $0x80000047;
	[tilespmem:$0x1FF30] =	vst v36;
	v33 =	vsel vm11, $0x3200, v33;
	v34 =	vsel vm12, $0x3200, v34;
	v35 =	vsel vm13, $0x3200, v35  }
0x74: {  	s20 =	simm.s32 $0x6DA0;
	s28 =	simm.s32 $0x1620;
	s29 =	simm.s32 $0x3A8;
	[tilespmem:$0x1FF40] =	vst v37;
	v33 =	vsel vm10, $0x3201, v33;
	v34 =	vsel vm11, $0x3201, v34;
	v35 =	vsel vm12, $0x3201, v35  }
0x75: {  	s30 =	simm.s32 $0x7A20;
	s2 =	sand.u32 $0x1, s2;
	s4 =	sshll.u32 s4, $0x1;
	[tilespmem:$0x1FF50] =	vst v38;
	v33 =	vsel vm9, $0x3202, v33;
	v34 =	vsel vm10, $0x3202, v34;
	v35 =	vsel vm11, $0x3202, v35  }
0x76: {  	s31 =	simm.s32 $0xD0;
	s21 =	simm.s32 $0x680;
	s8 =	sor.u32 s2, s4;
	[tilespmem:$0x1FF60] =	vst v39;
	v33 =	vsel vm3, $0x3203, v33;
	v34 =	vsel vm9, $0x3203, v34;
	v35 =	vsel vm10, $0x3203, v35  }
0x77: {  	s22 =	simm.s32 $0x4;
	s23 =	simm.s32 $0x3;
	s5 =	smul.u32 $0x7D, s8;
	[tilespmem:$0x1FF70] =	vst v40;
	v33 =	vsel vm0, $0x3204, v33;
	v34 =	vsel vm3, $0x3204, v34;
	v35 =	vsel vm9, $0x3204, v35  }
0x78: {  	s6 =	sadd.s32 $0x600, s0;
	s7 =	sadd.s32 $0x33400, s0;
	s9 =	smul.u32 $0x1964, s8;
	[tilespmem:$0x1FF80] =	vst v41;
	v33 =	vsel vm15, $0x3205, v33;
	v34 =	vsel vm0, $0x3205, v34;
	v35 =	vsel vm3, $0x3205, v35  }
0x79: {  	s4 =	sadd.s32 $0x187000, s0;
	s2 =	ssub.s32 $0x2, s2;
	s11 =	smul.u32 $0xCB20, s8;
	[tilespmem:$0x1FF90] =	vst v42;
	v33 =	vsel vm2, $0x3206, v33;
	v34 =	vsel vm15, $0x3206, v34;
	v35 =	vsel vm0, $0x3206, v35  }
0x7a: {  	s10 =	sshll.u32 s8, $0x1;
	s24 =	sshrl.u32 s2, $0x1;
	s12 =	smul.u32 $0xC350, s8;
	[tilespmem:$0x1FFA0] =	vst v43;
	v33 =	vsel vm4, $0x3207, v33;
	v34 =	vsel vm2, $0x3207, v34;
	v35 =	vsel vm15, $0x3207, v35  }
0x7b: {  	s8 =	smul.u32 $0x186A, s8;
	s0 =	sadd.s32 s10, s0;
	s2 =	ssub.s32 s2, s24;
	[tilespmem:$0x1FFB0] =	vst v44;
	v33 =	vsel vm5, $0x3208, v33;
	v34 =	vsel vm4, $0x3208, v34;
	v35 =	vsel vm2, $0x3208, v35  }
0x7c: {  	s24 =	simm.s32 $0x5;
	s25 =	sadd.s32 s6, s9;
	s9 =	sadd.s32 s7, s9;
	[tilespmem:$0x1FFC0] =	vst v60;
	v33 =	vsel vm6, $0x3209, v33;
	v34 =	vsel vm5, $0x3209, v34;
	v35 =	vsel vm4, $0x3209, v35  }
0x7d: {  	s11 =	sshrl.u32 s11, $0x3;
	s12 =	sshrl.u32 s12, $0x3;
	s10 =	sadd.s32 s1, s8;
	[tilespmem:$0x1FFD0] =	vst v61;
	v33 =	vsel vm7, $0x320A, v33;
	v34 =	vsel vm6, $0x320A, v34;
	v35 =	vsel vm5, $0x320A, v35  }
0x7e: {  	s14 =	sadd.s32 $0x66200, s0;
	s15 =	smax.u32 s2, $0x1;
	[dreg:$0x3] =	wrdreg s25;
	[tilespmem:$0x1FFE0] =	vst v62;
	v63 =	vsel vm8, $0x320B, v33;
	v34 =	vsel vm7, $0x320B, v34;
	v35 =	vsel vm6, $0x320B, v35  }
0x7f: {  	v12 =	vadd.s32 $0xB, v0;
	s2 =	simm.s32 $0x9320;
	[dreg:$0x4] =	wrdreg s9;
	s26 =	sadd.s32 $0x34, s11;
	[tilespmem:$0x1FFF0] =	vst v63;
	v58 =	vsel vm8, $0x320C, v34;
	v35 =	vsel vm7, $0x320C, v35  }
0x80: {  	v13 =	vadd.s32 $0xC, v0;
	v14 =	vadd.s32 $0xD, v0;
	s13 =	sadd.s32 s1, s12;
	s9 =	simm.s32 $0x68;
	s25 =	simm.s32 $0x0;
	[tilespmem:$0x1FF10] =	vst v58;
	v59 =	vsel vm8, $0x320D, v35  }
0x81: {  	v15 =	vadd.s32 $0xE, v0;
	v16 =	vadd.s32 $0xF, v0;
	s11 =	sadd.s32 s6, s26;
	s12 =	sadd.s32 s7, s26;
	s13 =	sadd.s32 $0x1838, s13;
	v24 =	vor.u32 $0x10, v0;
	[tilespmem:$0x1FF20] =	vst v59  }
.LBB2_1:
0x82: {  	s0 =	rddreg [dreg:$0x3]  }
0x83: {  	[tilespmem:s3], [sflag:$0x1] =	stream.linear.gather [hbm4b:s0+s3], $0x1A0, $0x38;
	[tilespmem:$0xD1B0] =	vst v63  }
0x84: {  	s26 =	rddreg [dreg:$0x4]  }
0x85: {  	[tilespmem:s16], [sflag:$0x1] =	stream.linear.gather [hbm4b:s26+s3], $0x1A0, $0x38;
	[tilespmem:$0xD1B0] =	vst v63  }
0x86: {  	_ =	swait.ge [sflag:s17], $0x1A0  }
0x87: {  	[sflag:s17] =	ssyncset.done $0x0  }
0x88: {  	[sflag:s17] =	ssyncadd.s32 $0xFFFFFE60  }
0x89: {  	_ =	swait.ge [sflag:s17], $0x1A0  }
0x8a: {  	[sflag:s17] =	ssyncset.done $0x0  }
0x8b: {  	[sflag:s17] =	ssyncadd.s32 $0xFFFFFE60  }
0x8c: {  	[tilespmem:s19], [sflag:$0x3] =	stream.indirect.gather [hbm4b:s4+s18], $0x20, s3, s18, $0xb8;
	[tilespmem:$0xD1B0] =	vst v63  }
0x8d: {  	_ = 	snop  }
0x8e: {  	[tilespmem:s20], [sflag:$0x3] =	stream.indirect.gather [hbm4b:s4+s18], $0x20, s16, s18, $0xb8;
	[tilespmem:$0xD1B0] =	vst v63  }
0x8f: {  	_ = 	snop  }
0x90: {  	[tilespmem:s28], [sflag:$0x3] =	stream.indirect.gather [hbm4b:s4+s18], $0x20, s9, s18, $0xb8;
	[tilespmem:$0xD1B0] =	vst v63  }
0x91: {  	_ = 	snop  }
0x92: {  	[tilespmem:s30], [sflag:$0x3] =	stream.indirect.gather [hbm4b:s4+s18], $0x20, s29, s18, $0xb8;
	[tilespmem:$0xD1B0] =	vst v63  }
0x93: {  	s8 =	simm.s32 $0x22A0  }
0x94: {  	[tilespmem:s8], [sflag:$0x3] =	stream.indirect.gather [hbm4b:s4+s18], $0x20, s31, s18, $0xb8;
	[tilespmem:$0xD1B0] =	vst v63  }
0x95: {  	s9 =	simm.s32 $0x410;
	s8 =	simm.s32 $0x86A0  }
0x96: {  	[tilespmem:s8], [sflag:$0x3] =	stream.indirect.gather [hbm4b:s4+s18], $0x20, s9, s18, $0xb8;
	[tilespmem:$0xD1B0] =	vst v63  }
0x97: {  	s26 =	simm.s32 $0x138;
	s28 =	simm.s32 $0x2F20  }
0x98: {  	[tilespmem:s28], [sflag:$0x3] =	stream.indirect.gather [hbm4b:s4+s18], $0x20, s26, s18, $0xb8;
	[tilespmem:$0xD1B0] =	vst v63  }
0x99: {  	s29 =	simm.s32 $0x478  }
0x9a: {  	[tilespmem:s2], [sflag:$0x3] =	stream.indirect.gather [hbm4b:s4+s18], $0x20, s29, s18, $0xb8;
	[tilespmem:$0xD1B0] =	vst v63  }
0x9b: {  	_ = 	snop  }
0x9c: {  	[tilespmem:s21], [sflag:$0x3] =	stream.linear.gather [hbm4b:s10+s3], $0x190, $0x38;
	[tilespmem:$0xD1B0] =	vst v63  }
0x9d: {  	s30 =	simm.s32 $0x1A0  }
0x9e: {  	[tilespmem:s30], [sflag:$0x2] =	stream.linear.gather [hbm4b:s11+s3], $0x1A0, $0x38;
	[tilespmem:$0xD1B0] =	vst v63  }
0x9f: {  	p0 =	por $0x0, $0x0;
	s31 =	simm.s32 $0x4E0;
	s8 =	simm.s32 $0x0  }
0xa0: {  	v48 =	vimm.f32 $0.0e+00;
	[tilespmem:s31], [sflag:$0x2] =	stream.linear.gather [hbm4b:s12+s3], $0x1A0, $0x38;
	[tilespmem:$0xD1B0] =	vst v63  }
.LBB2_2:
0xa1: {  	s26 =	sand.u32 $0x1, s8  }
0xa2: {  	s28 =	sadd.s32 $0x3, s26  }
0xa3: {  	_ =	swait.ge [sflag:s28], $0xC80  }
0xa4: {  	[sflag:s28] =	ssyncset.done $0x0  }
0xa5: {  	[sflag:s28] =	ssyncadd.s32 $0xFFFFF380  }
0xa6: {  	_ =	swait.ge [sflag:s28], $0xC80  }
0xa7: {  	[sflag:s28] =	ssyncset.done $0x0  }
0xa8: {  	[sflag:s28] =	ssyncadd.s32 $0xFFFFF380  }
0xa9: {  	_ =	swait.ge [sflag:s28], $0xC80  }
0xaa: {  	[sflag:s28] =	ssyncset.done $0x0  }
0xab: {  	[sflag:s28] =	ssyncadd.s32 $0xFFFFF380  }
0xac: {  	_ =	swait.ge [sflag:s28], $0xC80  }
0xad: {  	[sflag:s28] =	ssyncset.done $0x0  }
0xae: {  	[sflag:s28] =	ssyncadd.s32 $0xFFFFF380  }
0xaf: {  	_ =	swait.ge [sflag:s28], $0xC80  }
0xb0: {  	[sflag:s28] =	ssyncset.done $0x0  }
0xb1: {  	[sflag:s28] =	ssyncadd.s32 $0xFFFFF380  }
0xb2: {  	_ =	swait.ge [sflag:s28], $0xC80  }
0xb3: {  	[sflag:s28] =	ssyncset.done $0x0  }
0xb4: {  	[sflag:s28] =	ssyncadd.s32 $0xFFFFF380  }
0xb5: {  	_ =	swait.ge [sflag:s28], $0xC80  }
0xb6: {  	[sflag:s28] =	ssyncset.done $0x0  }
0xb7: {  	[sflag:s28] =	ssyncadd.s32 $0xFFFFF380  }
0xb8: {  	_ =	swait.ge [sflag:s28], $0xC80  }
0xb9: {  	[sflag:s28] =	ssyncset.done $0x0  }
0xba: {  	[sflag:s28] =	ssyncadd.s32 $0xFFFFF380  }
0xbb: {  	_ =	swait.ge [sflag:s28], $0x190  }
0xbc: {  	s29 =	sxor.u32 $0x1, s26;
	[sflag:s28] =	ssyncset.done $0x0  }
0xbd: {  	[sflag:s28] =	ssyncadd.s32 $0xFFFFFE70;
	s28 =	sadd.s32 $0x1, s29  }
0xbe: {  	_ =	swait.ge [sflag:s28], $0x1A0  }
0xbf: {  	[sflag:s28] =	ssyncset.done $0x0  }
0xc0: {  	[sflag:s28] =	ssyncadd.s32 $0xFFFFFE60  }
0xc1: {  	s9 =	smul.u32 $0x3200, s29;
	_ =	swait.ge [sflag:s28], $0x1A0  }
0xc2: {  	s30 =	smul.u32 $0x1A0, s29;
	[sflag:s28] =	ssyncset.done $0x0  }
0xc3: {  	s31 =	sadd.s32 $0x3, s29;
	[sflag:s28] =	ssyncadd.s32 $0xFFFFFE60;
	s28 =	sadd.s32 $0x9A0, s9  }
0xc4: {  	[tilespmem:s28], [sflag:s31] =	stream.indirect.gather [hbm4b:s4+s18], $0x20, s30, s18, $0xb8;
	[tilespmem:$0xD1B0] =	vst v63  }
0xc5: {  	s0 =	sadd.s32 $0x340, s30;
	s28 =	sadd.s32 $0x6DA0, s9  }
0xc6: {  	[tilespmem:s28], [sflag:s31] =	stream.indirect.gather [hbm4b:s4+s18], $0x20, s0, s18, $0xb8;
	[tilespmem:$0xD1B0] =	vst v63  }
0xc7: {  	s0 =	sadd.s32 $0x1620, s9;
	s28 =	sadd.s32 $0x68, s30  }
0xc8: {  	[tilespmem:s0], [sflag:s31] =	stream.indirect.gather [hbm4b:s4+s18], $0x20, s28, s18, $0xb8;
	[tilespmem:$0xD1B0] =	vst v63  }
0xc9: {  	s0 =	sadd.s32 $0x7A20, s9;
	s28 =	sadd.s32 $0x3A8, s30  }
0xca: {  	[tilespmem:s0], [sflag:s31] =	stream.indirect.gather [hbm4b:s4+s18], $0x20, s28, s18, $0xb8;
	[tilespmem:$0xD1B0] =	vst v63  }
0xcb: {  	s0 =	sadd.s32 $0x22A0, s9;
	s28 =	sadd.s32 $0xD0, s30  }
0xcc: {  	[tilespmem:s0], [sflag:s31] =	stream.indirect.gather [hbm4b:s4+s18], $0x20, s28, s18, $0xb8;
	[tilespmem:$0xD1B0] =	vst v63  }
0xcd: {  	s0 =	sadd.s32 $0x86A0, s9;
	s28 =	sor.u32 $0x410, s30  }
0xce: {  	[tilespmem:s0], [sflag:s31] =	stream.indirect.gather [hbm4b:s4+s18], $0x20, s28, s18, $0xb8;
	[tilespmem:$0xD1B0] =	vst v63  }
0xcf: {  	s0 =	sadd.s32 $0x2F20, s9;
	s28 =	sadd.s32 $0x138, s30  }
0xd0: {  	[tilespmem:s0], [sflag:s31] =	stream.indirect.gather [hbm4b:s4+s18], $0x20, s28, s18, $0xb8;
	[tilespmem:$0xD1B0] =	vst v63  }
0xd1: {  	s9 =	sadd.s32 $0x9320, s9;
	s30 =	sadd.s32 $0x478, s30;
	s0 =	sadd.s32 s5, s8  }
0xd2: {  	[tilespmem:s9], [sflag:s31] =	stream.indirect.gather [hbm4b:s4+s18], $0x20, s30, s18, $0xb8;
	[tilespmem:$0xD1B0] =	vst v63  }
0xd3: {  	s30 =	smul.u32 $0x190, s0  }
0xd4: {  	v33 =	vmov s26  }
0xd5: {  	v33 =	vmul.u32 $0x3200, v33;
	s28 =	smul.u32 $0x640, s29;
	s9 =	sshrl.u32 s30, $0x3;
	s30 =	simm.s32 $0x0  }
0xd6: {  	s0 =	smul.u32 $0x1A0, s0;
	v34 =	vmov s30  }
0xd7: {  	v49 =	vbroadcast v33, $0x0;
	s28 =	sshrl.u32 s28, $0x2;
	s9 =	sadd.s32 s1, s9;
	v55 =	vshll.u32 v34, $0x5  }
0xd8: {  	s28 =	sadd.s32 $0x680, s28;
	s0 =	sshrl.u32 s0, $0x3;
	s9 =	sadd.s32 $0x32, s9;
	v33 =	vor.u32 v1, v55  }
0xd9: {  	[tilespmem:s28], [sflag:s31] =	stream.linear.gather [hbm4b:s9+s30], $0x190, $0x38;
	v33 =	vadd.s32 v49, v33;
	[tilespmem:$0xD1B0] =	vst v63  }
0xda: {  	s0 =	sadd.s32 $0x68, s0;
	s31 =	smul.u32 $0x1A0, s26;
	v56 =	vor.u32 v3, v33  }
0xdb: {  	s26 =	sadd.s32 $0x1, s26;
	s28 =	sadd.s32 s6, s0;
	v35 =	vor.u32 v0, v33  }
0xdc: {  	[tilespmem:s31], [sflag:s26] =	stream.linear.gather [hbm4b:s28+s30], $0x1A0, $0x38;
	[tilespmem:$0xD1B0] =	vst v63  }
0xdd: {  	s0 =	sadd.s32 s7, s0;
	s9 =	sadd.s32 $0x340, s31;
	v36 =	vor.u32 v2, v33  }
0xde: {  	[tilespmem:s9], [sflag:s26] =	stream.linear.gather [hbm4b:s0+s30], $0x1A0, $0x38;
	[tilespmem:$0xD1B0] =	vst v63  }
0xdf: {  	v37 =	vld.idx.msk [tilespmem:v56+s19+$0x0], $0xffff  }
0xe0: {  	v38 =	vor.u32 v4, v33;
	v39 =	vld.idx.msk [tilespmem:v35+s19+$0x0], $0xffff  }
0xe1: {  	v35 =	vld.idx.msk [tilespmem:v35+s20+$0x0], $0xffff  }
0xe2: {  	v40 =	vor.u32 v5, v33;
	v41 =	vld.idx.msk [tilespmem:v36+s19+$0x0], $0xffff  }
0xe3: {  	v36 =	vld.idx.msk [tilespmem:v36+s20+$0x0], $0xffff  }
0xe4: {  	v42 =	vor.u32 v6, v33;
	v34 =	vld.idx.msk [tilespmem:v56+s20+$0x0], $0xffff  }
0xe5: {  	v43 =	vld.idx.msk [tilespmem:v38+s19+$0x0], $0xffff  }
0xe6: {  	v44 =	vor.u32 v7, v33;
	v38 =	vld.idx.msk [tilespmem:v38+s20+$0x0], $0xffff  }
0xe7: {  	v45 =	vld.idx.msk [tilespmem:v40+s19+$0x0], $0xffff  }
0xe8: {  	v46 =	vor.u32 v8, v33;
	v40 =	vld.idx.msk [tilespmem:v40+s20+$0x0], $0xffff  }
0xe9: {  	v47 =	vld.idx.msk [tilespmem:v42+s19+$0x0], $0xffff  }
0xea: {  	v59 =	vor.u32 v10, v33;
	v42 =	vld.idx.msk [tilespmem:v42+s20+$0x0], $0xffff  }
0xeb: {  	v50 =	vor.u32 v9, v33;
	v57 =	vld.idx.msk [tilespmem:v44+s19+$0x0], $0xffff  }
0xec: {  	v51 =	vor.u32 v11, v33;
	v58 =	vld.idx.msk [tilespmem:v44+s20+$0x0], $0xffff  }
0xed: {  	v61 =	vor.u32 v12, v33;
	v60 =	vld.idx.msk [tilespmem:v46+s19+$0x0], $0xffff  }
0xee: {  	v46 =	vld.idx.msk [tilespmem:v46+s20+$0x0], $0xffff  }
0xef: {  	v63 =	vor.u32 v13, v33;
	v44 =	vld.idx.msk [tilespmem:v59+s20+$0x0], $0xffff;
	v35 =	vsub.f32 v39, v35  }
0xf0: {  	v36 =	vsub.f32 v41, v36;
	v38 =	vsub.f32 v43, v38;
	v43 =	vld.idx.msk [tilespmem:v50+s20+$0x0], $0xffff  }
0xf1: {  	v42 =	vsub.f32 v47, v42;
	v47 =	vld.idx.msk [tilespmem:v51+s20+$0x0], $0xffff  }
0xf2: {  	v34 =	vsub.f32 v37, v34;
	v41 =	vld.idx.msk [tilespmem:v61+s19+$0x0], $0xffff;
	v35 =	vmul.f32 v35, v35;
	v36 =	vmul.f32 v36, v36  }
0xf3: {  	v55 =	vor.u32 v14, v33;
	v39 =	vsub.f32 v57, v58;
	v57 =	vld.idx.msk [tilespmem:v61+s20+$0x0], $0xffff  }
0xf4: {  	v40 =	vsub.f32 v45, v40;
	v45 =	vld.idx.msk [tilespmem:v63+s20+$0x0], $0xffff;
	v34 =	vmul.f32 v34, v34;
	v35 =	vadd.f32 v36, v35  }
0xf5: {  	v37 =	vsub.f32 v60, v46;
	v60 =	vor.u32 v16, v33;
	v62 =	vmul.f32 v38, v38;
	v38 =	vld.idx.msk [tilespmem:v59+s19+$0x0], $0xffff  }
0xf6: {  	v58 =	vor.u32 v15, v33;
	v54 =	vmul.f32 v40, v40;
	v40 =	vld.idx.msk [tilespmem:v51+s19+$0x0], $0xffff;
	v34 =	vadd.f32 v34, v35  }
0xf7: {  	v59 =	vmul.f32 v39, v39;
	v39 =	vld.idx.msk [tilespmem:v63+s19+$0x0], $0xffff  }
0xf8: {  	v36 =	vld.idx.msk [tilespmem:v50+s19+$0x0], $0xffff;
	v34 =	vadd.f32 v62, v34  }
0xf9: {  	v61 =	vmul.f32 v37, v37;
	v37 =	vld.idx.msk [tilespmem:v55+s19+$0x0], $0xffff;
	v63 =	vor.u32 v24, v33  }
0xfa: {  	v56 =	vmul.f32 v42, v42;
	v46 =	vld.idx.msk [tilespmem:v60+s20+$0x0], $0xffff;
	v34 =	vadd.f32 v54, v34  }
0xfb: {  	v38 =	vsub.f32 v38, v44;
	v44 =	vld.idx.msk [tilespmem:v58+s20+$0x0], $0xffff  }
0xfc: {  	v40 =	vsub.f32 v40, v47;
	v62 =	vld.idx.msk [tilespmem:v55+s20+$0x0], $0xffff;
	v34 =	vadd.f32 v56, v34  }
0xfd: {  	v41 =	vsub.f32 v41, v57;
	v36 =	vsub.f32 v36, v43;
	v55 =	vmul.f32 v38, v38;
	v38 =	vld.idx.msk [tilespmem:v60+s19+$0x0], $0xffff  }
0xfe: {  	v57 =	vmul.f32 v40, v40;
	v40 =	vld.idx.msk [tilespmem:v63+s19+$0x0], $0xffff;
	v54 =	vor.u32 v17, v33;
	v34 =	vadd.f32 v59, v34  }
0xff: {  	v53 =	vmul.f32 v36, v36;
	v36 =	vld.idx.msk [tilespmem:v58+s19+$0x0], $0xffff  }
0x100: {  	v58 =	vld.idx.msk [tilespmem:v63+s20+$0x0], $0xffff;
	v63 =	vor.u32 v21, v33;
	v34 =	vadd.f32 v61, v34;
	_ =	sdelay $0x1  }
0x101: {  	v56 =	vor.u32 v18, v33;
	v34 =	vadd.f32 v53, v34  }
0x102: {  	v60 =	vmul.f32 v41, v41;
	v59 =	vor.u32 v19, v33;
	v38 =	vsub.f32 v38, v46;
	v41 =	vld.idx.msk [tilespmem:v54+s19+$0x0], $0xffff  }
0x103: {  	v50 =	vld.idx.msk [tilespmem:v54+s20+$0x0], $0xffff;
	v34 =	vadd.f32 v55, v34  }
0x104: {  	v39 =	vsub.f32 v39, v45;
	v40 =	vsub.f32 v40, v58;
	v58 =	vmul.f32 v38, v38;
	v38 =	vld.idx.msk [tilespmem:v63+s19+$0x0], $0xffff  }
0x105: {  	v37 =	vsub.f32 v37, v62;
	v61 =	vor.u32 v20, v33;
	v43 =	vld.idx.msk [tilespmem:v63+s20+$0x0], $0xffff;
	v34 =	vadd.f32 v57, v34  }
0x106: {  	v62 =	vmul.f32 v39, v39;
	v39 =	vld.idx.msk [tilespmem:v56+s19+$0x0], $0xffff  }
0x107: {  	v54 =	vmul.f32 v37, v37;
	v63 =	vor.u32 v26, v33;
	v37 =	vld.idx.msk [tilespmem:v59+s19+$0x0], $0xffff;
	v34 =	vadd.f32 v60, v34  }
0x108: {  	v36 =	vsub.f32 v36, v44;
	v51 =	vld.idx.msk [tilespmem:v59+s20+$0x0], $0xffff;
	v59 =	vor.u32 v25, v33  }
0x109: {  	v47 =	vld.idx.msk [tilespmem:v56+s20+$0x0], $0xffff;
	v55 =	vor.u32 v22, v33;
	v34 =	vadd.f32 v62, v34  }
0x10a: {  	v56 =	vmul.f32 v36, v36;
	v36 =	vld.idx.msk [tilespmem:v61+s19+$0x0], $0xffff  }
0x10b: {  	v45 =	vld.idx.msk [tilespmem:v61+s20+$0x0], $0xffff;
	v57 =	vor.u32 v23, v33;
	v34 =	vadd.f32 v54, v34  }
0x10c: {  	v61 =	vsub.f32 v41, v50;
	v50 =	vld.idx.msk [tilespmem:v63+s20+$0x0], $0xffff  }
0x10d: {  	v42 =	vld.idx.msk [tilespmem:v59+s20+$0x0], $0xffff;
	v34 =	vadd.f32 v56, v34  }
0x10e: {  	v37 =	vsub.f32 v37, v51;
	v51 =	vor.u32 v28, v33;
	v44 =	vld.idx.msk [tilespmem:v55+s20+$0x0], $0xffff  }
0x10f: {  	v60 =	vmul.f32 v40, v40;
	v62 =	vld.idx.msk [tilespmem:v55+s19+$0x0], $0xffff;
	v34 =	vadd.f32 v58, v34  }
0x110: {  	v39 =	vsub.f32 v39, v47;
	v40 =	vld.idx.msk [tilespmem:v57+s19+$0x0], $0xffff  }
0x111: {  	v52 =	vor.u32 v31, v33;
	v53 =	vmul.f32 v61, v61;
	v46 =	vld.idx.msk [tilespmem:v57+s20+$0x0], $0xffff;
	v34 =	vadd.f32 v60, v34  }
0x112: {  	v55 =	vmul.f32 v39, v39;
	v39 =	vld.idx.msk [tilespmem:v59+s19+$0x0], $0xffff;
	v54 =	vor.u32 v27, v33  }
0x113: {  	v41 =	vld.idx.msk [tilespmem:v51+s19+$0x0], $0xffff;
	v34 =	vadd.f32 v53, v34  }
0x114: {  	v57 =	vor.u32 v29, v33;
	v51 =	vld.idx.msk [tilespmem:v51+s20+$0x0], $0xffff  }
0x115: {  	v36 =	vsub.f32 v36, v45;
	v56 =	vmul.f32 v37, v37;
	v37 =	vld.idx.msk [tilespmem:v63+s19+$0x0], $0xffff;
	v34 =	vadd.f32 v55, v34  }
0x116: {  	s30 =	simm.s32 $0x10;
	v59 =	vsub.f32 v38, v43;
	v40 =	vsub.f32 v40, v46;
	v46 =	vld.idx.msk [tilespmem:v52+s19+$0x0], $0xffff;
	v60 =	vor.u32 v30, v33  }
0x117: {  	v63 =	vmov s30;
	v58 =	vmul.f32 v36, v36;
	v38 =	vld.idx.msk [tilespmem:v54+s19+$0x0], $0xffff;
	v34 =	vadd.f32 v56, v34  }
0x118: {  	v61 =	vmul.f32 v59, v59;
	v62 =	vsub.f32 v62, v44;
	v44 =	vshll.u32 v63, $0x5;
	v47 =	vld.idx.msk [tilespmem:v54+s20+$0x0], $0xffff  }
0x119: {  	v33 =	vor.u32 v32, v33;
	v53 =	vld.idx.msk [tilespmem:v57+s19+$0x0], $0xffff;
	v56 =	vor.u32 v1, v44;
	v34 =	vadd.f32 v58, v34  }
0x11a: {  	v57 =	vld.idx.msk [tilespmem:v57+s20+$0x0], $0xffff;
	v35 =	vadd.s32 v49, v56  }
0x11b: {  	v36 =	vmul.f32 v62, v62;
	v45 =	vld.idx.msk [tilespmem:v60+s19+$0x0], $0xffff;
	v59 =	vor.u32 v0, v35;
	v34 =	vadd.f32 v61, v34  }
0x11c: {  	v43 =	vld.idx.msk [tilespmem:v60+s20+$0x0], $0xffff  }
0x11d: {  	v60 =	vor.u32 v2, v35;
	v34 =	vadd.f32 v36, v34;
	v36 =	vld.idx.msk [tilespmem:v52+s20+$0x0], $0xffff  }
0x11e: {  	v52 =	vld.idx.msk [tilespmem:v33+s19+$0x0], $0xffff  }
0x11f: {  	v61 =	vor.u32 v4, v35;
	v33 =	vld.idx.msk [tilespmem:v33+s20+$0x0], $0xffff  }
0x120: {  	v54 =	vld.idx.msk [tilespmem:v59+s19+$0x0], $0xffff  }
0x121: {  	v63 =	vsub.f32 v41, v51;
	v58 =	vmul.f32 v40, v40;
	v55 =	vor.u32 v5, v35;
	v41 =	vld.idx.msk [tilespmem:v59+s20+$0x0], $0xffff  }
0x122: {  	v39 =	vsub.f32 v39, v42;
	v51 =	vld.idx.msk [tilespmem:v60+s19+$0x0], $0xffff  }
0x123: {  	v37 =	vsub.f32 v37, v50;
	v40 =	vor.u32 v3, v35;
	v34 =	vadd.f32 v58, v34;
	v58 =	vld.idx.msk [tilespmem:v60+s20+$0x0], $0xffff  }
0x124: {  	v39 =	vmul.f32 v39, v39;
	v60 =	vsub.f32 v45, v43;
	v43 =	vld.idx.msk [tilespmem:v61+s19+$0x0], $0xffff  }
0x125: {  	v37 =	vmul.f32 v37, v37;
	v45 =	vld.idx.msk [tilespmem:v61+s20+$0x0], $0xffff;
	v61 =	vor.u32 v7, v35  }
0x126: {  	v38 =	vsub.f32 v38, v47;
	v56 =	vmul.f32 v63, v63;
	v63 =	vld.idx.msk [tilespmem:v55+s19+$0x0], $0xffff;
	v34 =	vadd.f32 v39, v34  }
0x127: {  	v42 =	vld.idx.msk [tilespmem:v55+s20+$0x0], $0xffff  }
0x128: {  	v62 =	vmul.f32 v38, v38;
	v50 =	vor.u32 v6, v35;
	v39 =	vld.idx.msk [tilespmem:v40+s19+$0x0], $0xffff;
	v34 =	vadd.f32 v37, v34  }
0x129: {  	v57 =	vsub.f32 v53, v57;
	v40 =	vld.idx.msk [tilespmem:v40+s20+$0x0], $0xffff;
	v44 =	vsub.f32 v51, v58  }
0x12a: {  	v58 =	vor.u32 v9, v35;
	v34 =	vadd.f32 v62, v34;
	v62 =	vmul.f32 v60, v60;
	v60 =	vld.idx.msk [tilespmem:v61+s19+$0x0], $0xffff  }
0x12b: {  	v41 =	vsub.f32 v54, v41;
	v51 =	vld.idx.msk [tilespmem:v61+s20+$0x0], $0xffff;
	v61 =	vor.u32 v11, v35  }
0x12c: {  	v59 =	vmul.f32 v57, v57;
	v36 =	vsub.f32 v46, v36;
	v34 =	vadd.f32 v56, v34  }
0x12d: {  	v57 =	vld.idx.msk [tilespmem:v50+s19+$0x0], $0xffff;
	v33 =	vsub.f32 v52, v33;
	v41 =	vmul.f32 v41, v41;
	v56 =	vor.u32 v8, v35  }
0x12e: {  	v39 =	vsub.f32 v39, v40;
	v44 =	vmul.f32 v44, v44;
	v34 =	vadd.f32 v59, v34;
	v59 =	vld.idx.msk [tilespmem:v50+s20+$0x0], $0xffff  }
0x12f: {  	v52 =	vor.u32 v10, v35;
	v38 =	vsub.f32 v63, v42;
	v43 =	vsub.f32 v43, v45;
	v63 =	vld.idx.msk [tilespmem:v58+s19+$0x0], $0xffff  }
0x130: {  	v41 =	vadd.f32 v44, v41;
	v39 =	vmul.f32 v39, v39;
	v45 =	vsub.f32 v60, v51;
	v51 =	vld.idx.msk [tilespmem:v61+s19+$0x0], $0xffff  }
0x131: {  	v36 =	vmul.f32 v36, v36;
	v42 =	vld.idx.msk [tilespmem:v61+s20+$0x0], $0xffff;
	v34 =	vadd.f32 v62, v34  }
0x132: {  	v39 =	vadd.f32 v39, v41;
	v62 =	vmul.f32 v43, v43;
	v54 =	vld.idx.msk [tilespmem:v56+s19+$0x0], $0xffff  }
0x133: {  	v33 =	vmul.f32 v33, v33;
	v38 =	vmul.f32 v38, v38;
	v55 =	vld.idx.msk [tilespmem:v56+s20+$0x0], $0xffff;
	v34 =	vadd.f32 v36, v34  }
0x134: {  	v61 =	vor.u32 v14, v35;
	v56 =	vld.idx.msk [tilespmem:v58+s20+$0x0], $0xffff;
	v39 =	vadd.f32 v62, v39;
	v37 =	vsub.f32 v57, v59  }
0x135: {  	v47 =	vld.idx.msk [tilespmem:v52+s20+$0x0], $0xffff;
	v57 =	vor.u32 v12, v35  }
0x136: {  	v58 =	vld.idx.msk [tilespmem:v52+s19+$0x0], $0xffff;
	v33 =	vadd.f32 v33, v34;
	v38 =	vadd.f32 v38, v39;
	v37 =	vmul.f32 v37, v37  }
0x137: {  	v43 =	vor.u32 v15, v35;
	v62 =	vmul.f32 v45, v45;
	v59 =	vor.u32 v13, v35  }
0x138: {  	v41 =	vmax.f32 v33, $1.000000000e-30;
	v36 =	vsub.f32 v54, v55;
	v37 =	vadd.f32 v37, v38  }
0x139: {  	v44 =	vld.idx.msk [tilespmem:v61+s20+$0x0], $0xffff;
	v34 =	vsub.f32 v63, v56;
	v60 =	vshrl.u32 v41, $0x1;
	v45 =	vmul.f32 $5.000000000e-01, v41  }
0x13a: {  	v39 =	vsub.s32 $0x5F3759DF, v60;
	v52 =	vld.idx.msk [tilespmem:v57+s19+$0x0], $0xffff;
	v36 =	vmul.f32 v36, v36;
	v37 =	vadd.f32 v62, v37  }
0x13b: {  	v46 =	vsub.f32 v58, v47;
	v40 =	vld.idx.msk [tilespmem:v57+s20+$0x0], $0xffff;
	v63 =	vmul.f32 v39, v45  }
0x13c: {  	v58 =	vor.u32 v16, v35;
	v56 =	vld.idx.msk [tilespmem:v59+s19+$0x0], $0xffff;
	v34 =	vmul.f32 v34, v34;
	v36 =	vadd.f32 v36, v37  }
0x13d: {  	v42 =	vsub.f32 v51, v42;
	v57 =	vld.idx.msk [tilespmem:v59+s20+$0x0], $0xffff;
	v59 =	vmul.f32 v39, v63  }
0x13e: {  	v60 =	vld.idx.msk [tilespmem:v61+s19+$0x0], $0xffff;
	v61 =	vor.u32 v24, v35;
	v62 =	vmul.f32 v46, v46;
	v34 =	vadd.f32 v34, v36  }
0x13f: {  	v63 =	vld.idx.msk [tilespmem:v43+s19+$0x0], $0xffff;
	v37 =	vsub.f32 $1.500000000e+00, v59  }
0x140: {  	v55 =	vmul.f32 v42, v42;
	v43 =	vld.idx.msk [tilespmem:v43+s20+$0x0], $0xffff;
	v40 =	vsub.f32 v52, v40;
	v34 =	vadd.f32 v62, v34  }
0x141: {  	v42 =	vld.idx.msk [tilespmem:v58+s19+$0x0], $0xffff;
	v37 =	vmul.f32 v39, v37;
	v39 =	vor.u32 v17, v35  }
0x142: {  	v50 =	vld.idx.msk [tilespmem:v58+s20+$0x0], $0xffff;
	v47 =	vsub.f32 v56, v57;
	v56 =	vmul.f32 v40, v40;
	v34 =	vadd.f32 v55, v34  }
0x143: {  	v58 =	vor.u32 v18, v35;
	v59 =	vld.idx.msk [tilespmem:v61+s19+$0x0], $0xffff;
	v38 =	vsub.f32 v60, v44  }
0x144: {  	v60 =	vld.idx.msk [tilespmem:v61+s20+$0x0], $0xffff;
	v61 =	vmul.f32 v47, v47;
	v34 =	vadd.f32 v56, v34  }
0x145: {  	v62 =	vor.u32 v19, v35;
	v54 =	vmul.f32 v38, v38  }
0x146: {  	v43 =	vsub.f32 v63, v43;
	v57 =	vmul.f32 v37, v45;
	v63 =	vld.idx.msk [tilespmem:v39+s19+$0x0], $0xffff;
	v34 =	vadd.f32 v61, v34  }
0x147: {  	v42 =	vsub.f32 v42, v50;
	v56 =	vor.u32 v20, v35;
	v39 =	vld.idx.msk [tilespmem:v39+s20+$0x0], $0xffff  }
0x148: {  	v50 =	vld.idx.msk [tilespmem:v58+s19+$0x0], $0xffff;
	v40 =	vmul.f32 v57, v37;
	v57 =	vmul.f32 v43, v43;
	v34 =	vadd.f32 v54, v34  }
0x149: {  	v38 =	vor.u32 v21, v35;
	v43 =	vld.idx.msk [tilespmem:v58+s20+$0x0], $0xffff  }
0x14a: {  	v44 =	vsub.f32 v59, v60;
	v58 =	vmul.f32 v42, v42;
	v52 =	vld.idx.msk [tilespmem:v62+s19+$0x0], $0xffff;
	v34 =	vadd.f32 v57, v34  }
0x14b: {  	v60 =	vor.u32 v22, v35;
	v47 =	vld.idx.msk [tilespmem:v62+s20+$0x0], $0xffff;
	v55 =	vsub.f32 $1.500000000e+00, v40  }
0x14c: {  	v61 =	vmul.f32 v44, v44;
	v53 =	vld.idx.msk [tilespmem:v56+s19+$0x0], $0xffff;
	v39 =	vsub.f32 v63, v39;
	v34 =	vadd.f32 v58, v34  }
0x14d: {  	v62 =	vor.u32 v23, v35;
	v37 =	vmul.f32 v55, v37;
	v40 =	vld.idx.msk [tilespmem:v56+s20+$0x0], $0xffff  }
0x14e: {  	s0 =	simm.s32 $0x1;
	v43 =	vsub.f32 v50, v43;
	v63 =	vld.idx.msk [tilespmem:v38+s19+$0x0], $0xffff;
	v56 =	vmul.f32 v39, v39;
	v34 =	vadd.f32 v61, v34  }
0x14f: {  	s0 =	simm.s32 @!p0 $0x0;
	v59 =	vmul.f32 v37, v45;
	v57 =	vor.u32 v25, v35;
	v38 =	vld.idx.msk [tilespmem:v38+s20+$0x0], $0xffff  }
0x150: {  	s0 =	smul.u32 $0x640, s0;
	v47 =	vsub.f32 v52, v47;
	v45 =	vld.idx.msk [tilespmem:v60+s20+$0x0], $0xffff;
	v43 =	vmul.f32 v43, v43;
	v34 =	vadd.f32 v56, v34  }
0x151: {  	v42 =	vmul.f32 v59, v37;
	v58 =	vld.idx.msk [tilespmem:v60+s19+$0x0], $0xffff;
	v59 =	vor.u32 v26, v35  }
0x152: {  	s0 =	sshrl.u32 s0, $0x2;
	v44 =	vld.idx.msk [tilespmem:v62+s20+$0x0], $0xffff;
	v61 =	vmul.f32 v47, v47;
	v40 =	vsub.f32 v53, v40;
	v34 =	vadd.f32 v43, v34  }
0x153: {  	s26 =	sadd.s32 $0x680, s0;
	v52 =	vor.u32 v27, v35;
	v60 =	vld.idx.msk [tilespmem:v62+s19+$0x0], $0xffff;
	v42 =	vsub.f32 $1.500000000e+00, v42  }
0x154: {  	v51 =	vld [tilespmem:s26+$0x0];
	v38 =	vsub.f32 v63, v38;
	v40 =	vmul.f32 v40, v40;
	v34 =	vadd.f32 v61, v34  }
0x155: {  	v47 =	vor.u32 v28, v35;
	v39 =	vld.idx.msk [tilespmem:v57+s20+$0x0], $0xffff;
	v37 =	vmul.f32 v42, v37  }
0x156: {  	v63 =	vld.idx.msk [tilespmem:v59+s19+$0x0], $0xffff;
	v38 =	vmul.f32 v38, v38;
	v58 =	vsub.f32 v58, v45;
	v34 =	vadd.f32 v40, v34  }
0x157: {  	v54 =	vor.u32 v30, v35;
	v37 =	vmul.f32 v37, v41;
	v41 =	vld.idx.msk [tilespmem:v57+s19+$0x0], $0xffff  }
0x158: {  	s31 =	simm.s32 $0x20;
	v36 =	vld.idx.msk [tilespmem:v59+s20+$0x0], $0xffff;
	v60 =	vsub.f32 v60, v44;
	v59 =	vmul.f32 v58, v58;
	v34 =	vadd.f32 v38, v34  }
0x159: {  	vm0 =	vgt.f32 v33, $1.000000000e-30;
	v62 =	vmov s31;
	v45 =	vld.idx.msk [tilespmem:v52+s19+$0x0], $0xffff;
	v57 =	vor.u32 v29, v35  }
0x15a: {  	v37 =	vnsel vm0, $0x0, v37;
	v61 =	vld.idx.msk [tilespmem:v52+s20+$0x0], $0xffff;
	v40 =	vmul.f32 v60, v60;
	v38 =	vadd.f32 v59, v34  }
0x15b: {  	v33 =	vshll.u32 v62, $0x5;
	v50 =	vld.idx.msk [tilespmem:v47+s19+$0x0], $0xffff;
	v37 =	vmul.f32 v37, v51  }
0x15c: {  	v53 =	vld.idx.msk [tilespmem:v47+s20+$0x0], $0xffff;
	v39 =	vsub.f32 v41, v39;
	v40 =	vadd.f32 v40, v38;
	v38 =	vor.u32 v31, v35  }
0x15d: {  	v62 =	vor.u32 v1, v33;
	v52 =	vld.idx.msk [tilespmem:v54+s20+$0x0], $0xffff;
	v63 =	vsub.f32 v63, v36  }
0x15e: {  	v33 =	vadd.f32 v37, v48;
	v48 =	vld.idx.msk [tilespmem:v57+s19+$0x0], $0xffff;
	v37 =	vor.u32 v32, v35;
	v39 =	vmul.f32 v39, v39  }
0x15f: {  	v51 =	vld.idx.msk [tilespmem:v57+s20+$0x0], $0xffff;
	v57 =	vsub.f32 v45, v61;
	v34 =	vadd.s32 v49, v62  }
0x160: {  	s28 =	simm.s32 $0x30;
	v59 =	vmul.f32 v63, v63;
	v36 =	vor.u32 v3, v34;
	v35 =	vld.idx.msk [tilespmem:v54+s19+$0x0], $0xffff;
	v58 =	vadd.f32 v39, v40  }
.LBB2_3:
0x161: {  	p1 =	sne.s32 s28, $0x180;
	v39 =	vor.u32 v0, v34;
	v40 =	vld.idx.msk [tilespmem:v38+s19+$0x0], $0xffff  }
0x162: {  	v43 =	vsub.f32 v50, v53;
	v41 =	vadd.f32 v59, v58;
	v42 =	vmul.f32 v57, v57;
	v38 =	vld.idx.msk [tilespmem:v38+s20+$0x0], $0xffff  }
0x163: {  	v44 =	vor.u32 v2, v34;
	v45 =	vld.idx.msk [tilespmem:v37+s19+$0x0], $0xffff  }
0x164: {  	v41 =	vadd.f32 v42, v41;
	v42 =	vmul.f32 v43, v43;
	v43 =	vsub.f32 v48, v51;
	v37 =	vld.idx.msk [tilespmem:v37+s20+$0x0], $0xffff  }
0x165: {  	v47 =	vor.u32 v4, v34;
	v46 =	vld.idx.msk [tilespmem:v36+s19+$0x0], $0xffff  }
0x166: {  	v35 =	vsub.f32 v35, v52;
	v48 =	vld.idx.msk [tilespmem:v39+s19+$0x0], $0xffff;
	v41 =	vadd.f32 v42, v41;
	v42 =	vmul.f32 v43, v43  }
0x167: {  	v43 =	vor.u32 v5, v34;
	v39 =	vld.idx.msk [tilespmem:v39+s20+$0x0], $0xffff  }
0x168: {  	v35 =	vmul.f32 v35, v35;
	v38 =	vsub.f32 v40, v38;
	v50 =	vld.idx.msk [tilespmem:v44+s19+$0x0], $0xffff;
	v41 =	vadd.f32 v42, v41  }
0x169: {  	v42 =	vor.u32 v6, v34;
	v40 =	vld.idx.msk [tilespmem:v44+s20+$0x0], $0xffff  }
0x16a: {  	v38 =	vmul.f32 v38, v38;
	v37 =	vsub.f32 v45, v37;
	v36 =	vld.idx.msk [tilespmem:v36+s20+$0x0], $0xffff;
	v35 =	vadd.f32 v35, v41  }
0x16b: {  	v41 =	vld.idx.msk [tilespmem:v47+s19+$0x0], $0xffff  }
0x16c: {  	v45 =	vor.u32 v7, v34;
	v37 =	vmul.f32 v37, v37;
	v44 =	vld.idx.msk [tilespmem:v47+s20+$0x0], $0xffff;
	v35 =	vadd.f32 v38, v35  }
0x16d: {  	v38 =	vld.idx.msk [tilespmem:v43+s19+$0x0], $0xffff  }
0x16e: {  	v39 =	vsub.f32 v48, v39;
	v47 =	vor.u32 v8, v34;
	v43 =	vld.idx.msk [tilespmem:v43+s20+$0x0], $0xffff;
	v35 =	vadd.f32 v37, v35  }
0x16f: {  	v48 =	vor.u32 v9, v34;
	v37 =	vsub.f32 v50, v40;
	v40 =	vld.idx.msk [tilespmem:v42+s19+$0x0], $0xffff  }
0x170: {  	v39 =	vmul.f32 v39, v39;
	v36 =	vsub.f32 v46, v36;
	v42 =	vld.idx.msk [tilespmem:v42+s20+$0x0], $0xffff;
	v46 =	vmax.f32 v35, $1.000000000e-30  }
0x171: {  	v37 =	vmul.f32 v37, v37;
	v50 =	vld.idx.msk [tilespmem:v45+s19+$0x0], $0xffff;
	v51 =	vshrl.u32 v46, $0x1;
	v52 =	vmul.f32 $5.000000000e-01, v46  }
0x172: {  	v41 =	vsub.f32 v41, v44;
	v44 =	vld.idx.msk [tilespmem:v45+s20+$0x0], $0xffff;
	v45 =	vor.u32 v10, v34;
	v51 =	vsub.s32 $0x5F3759DF, v51  }
0x173: {  	v36 =	vmul.f32 v36, v36;
	v37 =	vadd.f32 v37, v39;
	v39 =	vld.idx.msk [tilespmem:v47+s19+$0x0], $0xffff;
	v53 =	vmul.f32 v51, v52  }
0x174: {  	v38 =	vsub.f32 v38, v43;
	v43 =	vld.idx.msk [tilespmem:v47+s20+$0x0], $0xffff;
	v47 =	vor.u32 v11, v34  }
0x175: {  	v36 =	vadd.f32 v36, v37;
	v37 =	vmul.f32 v41, v41;
	v41 =	vld.idx.msk [tilespmem:v48+s19+$0x0], $0xffff;
	v53 =	vmul.f32 v51, v53  }
0x176: {  	v40 =	vsub.f32 v40, v42;
	v42 =	vld.idx.msk [tilespmem:v48+s20+$0x0], $0xffff;
	v48 =	vor.u32 v12, v34  }
0x177: {  	v36 =	vadd.f32 v37, v36;
	v37 =	vmul.f32 v38, v38;
	v38 =	vld.idx.msk [tilespmem:v45+s19+$0x0], $0xffff;
	v53 =	vsub.f32 $1.500000000e+00, v53  }
0x178: {  	v44 =	vsub.f32 v50, v44;
	v50 =	vor.u32 v13, v34;
	v45 =	vld.idx.msk [tilespmem:v45+s20+$0x0], $0xffff  }
0x179: {  	v36 =	vadd.f32 v37, v36;
	v37 =	vmul.f32 v40, v40;
	v40 =	vld.idx.msk [tilespmem:v47+s19+$0x0], $0xffff;
	v51 =	vmul.f32 v51, v53  }
0x17a: {  	v39 =	vsub.f32 v39, v43;
	v43 =	vld.idx.msk [tilespmem:v47+s20+$0x0], $0xffff;
	v47 =	vor.u32 v14, v34  }
0x17b: {  	v36 =	vadd.f32 v37, v36;
	v37 =	vmul.f32 v44, v44;
	v44 =	vld.idx.msk [tilespmem:v48+s19+$0x0], $0xffff;
	v53 =	vmul.f32 v51, v52  }
0x17c: {  	v41 =	vsub.f32 v41, v42;
	v42 =	vld.idx.msk [tilespmem:v48+s20+$0x0], $0xffff;
	v48 =	vor.u32 v15, v34  }
0x17d: {  	v36 =	vadd.f32 v37, v36;
	v37 =	vmul.f32 v39, v39;
	v39 =	vld.idx.msk [tilespmem:v50+s19+$0x0], $0xffff;
	v53 =	vmul.f32 v53, v51  }
0x17e: {  	v38 =	vsub.f32 v38, v45;
	v45 =	vld.idx.msk [tilespmem:v50+s20+$0x0], $0xffff;
	v50 =	vor.u32 v16, v34  }
0x17f: {  	v36 =	vadd.f32 v37, v36;
	v37 =	vmul.f32 v41, v41;
	v41 =	vld.idx.msk [tilespmem:v47+s19+$0x0], $0xffff;
	v53 =	vsub.f32 $1.500000000e+00, v53  }
0x180: {  	v40 =	vsub.f32 v40, v43;
	v43 =	vld.idx.msk [tilespmem:v47+s20+$0x0], $0xffff;
	v47 =	vor.u32 v24, v34  }
0x181: {  	v36 =	vadd.f32 v37, v36;
	v37 =	vmul.f32 v38, v38;
	v38 =	vld.idx.msk [tilespmem:v48+s19+$0x0], $0xffff;
	v51 =	vmul.f32 v53, v51  }
0x182: {  	v42 =	vsub.f32 v44, v42;
	v44 =	vld.idx.msk [tilespmem:v48+s20+$0x0], $0xffff;
	v48 =	vor.u32 v17, v34  }
0x183: {  	v36 =	vadd.f32 v37, v36;
	v37 =	vmul.f32 v40, v40;
	v40 =	vld.idx.msk [tilespmem:v50+s19+$0x0], $0xffff;
	v52 =	vmul.f32 v51, v52  }
0x184: {  	v39 =	vsub.f32 v39, v45;
	v45 =	vld.idx.msk [tilespmem:v50+s20+$0x0], $0xffff;
	v50 =	vor.u32 v18, v34  }
0x185: {  	v36 =	vadd.f32 v37, v36;
	v37 =	vmul.f32 v42, v42;
	v42 =	vld.idx.msk [tilespmem:v47+s19+$0x0], $0xffff;
	v52 =	vmul.f32 v52, v51  }
0x186: {  	s26 =	sadd.s32 $0x10, s26;
	v41 =	vsub.f32 v41, v43;
	v43 =	vld.idx.msk [tilespmem:v47+s20+$0x0], $0xffff;
	v47 =	vor.u32 v19, v34  }
0x187: {  	v36 =	vadd.f32 v37, v36;
	v37 =	vmul.f32 v39, v39;
	v39 =	vsub.f32 $1.500000000e+00, v52;
	v52 =	vld [tilespmem:s26+$0x0]  }
0x188: {  	v53 =	vor.u32 v20, v34;
	v38 =	vsub.f32 v38, v44;
	v44 =	vld.idx.msk [tilespmem:v48+s19+$0x0], $0xffff  }
0x189: {  	v36 =	vadd.f32 v37, v36;
	v37 =	vmul.f32 v41, v41;
	v41 =	vld.idx.msk [tilespmem:v48+s20+$0x0], $0xffff;
	v39 =	vmul.f32 v39, v51  }
0x18a: {  	v40 =	vsub.f32 v40, v45;
	v48 =	vor.u32 v21, v34;
	v45 =	vld.idx.msk [tilespmem:v50+s19+$0x0], $0xffff  }
0x18b: {  	v36 =	vadd.f32 v37, v36;
	v37 =	vmul.f32 v38, v38;
	v38 =	vld.idx.msk [tilespmem:v50+s20+$0x0], $0xffff;
	v39 =	vmul.f32 v39, v46  }
0x18c: {  	vm0 =	vgt.f32 v35, $1.000000000e-30;
	v42 =	vsub.f32 v42, v43;
	v46 =	vor.u32 v22, v34;
	v43 =	vld.idx.msk [tilespmem:v47+s19+$0x0], $0xffff  }
0x18d: {  	v35 =	vadd.f32 v37, v36;
	v36 =	vmul.f32 v40, v40;
	v37 =	vld.idx.msk [tilespmem:v47+s20+$0x0], $0xffff;
	v39 =	vnsel vm0, $0x0, v39  }
0x18e: {  	v47 =	vor.u32 v23, v34;
	v40 =	vld.idx.msk [tilespmem:v53+s19+$0x0], $0xffff;
	v39 =	vmul.f32 v39, v52  }
0x18f: {  	v35 =	vadd.f32 v36, v35;
	v36 =	vmul.f32 v42, v42;
	v41 =	vsub.f32 v44, v41;
	v42 =	vld.idx.msk [tilespmem:v53+s20+$0x0], $0xffff  }
0x190: {  	v50 =	vor.u32 v25, v34;
	v44 =	vld.idx.msk [tilespmem:v48+s19+$0x0], $0xffff;
	v33 =	vadd.f32 v39, v33  }
0x191: {  	v35 =	vadd.f32 v36, v35;
	v36 =	vmul.f32 v41, v41;
	v38 =	vsub.f32 v45, v38;
	v39 =	vld.idx.msk [tilespmem:v48+s20+$0x0], $0xffff  }
0x192: {  	v45 =	vor.u32 v26, v34;
	v41 =	vld.idx.msk [tilespmem:v46+s19+$0x0], $0xffff  }
0x193: {  	v35 =	vadd.f32 v36, v35;
	v36 =	vmul.f32 v38, v38;
	v37 =	vsub.f32 v43, v37;
	v38 =	vld.idx.msk [tilespmem:v46+s20+$0x0], $0xffff  }
0x194: {  	v46 =	vor.u32 v27, v34;
	v43 =	vld.idx.msk [tilespmem:v47+s19+$0x0], $0xffff  }
0x195: {  	v35 =	vadd.f32 v36, v35;
	v36 =	vmul.f32 v37, v37;
	v37 =	vsub.f32 v40, v42;
	v40 =	vld.idx.msk [tilespmem:v47+s20+$0x0], $0xffff  }
0x196: {  	v47 =	vor.u32 v28, v34;
	v42 =	vld.idx.msk [tilespmem:v50+s19+$0x0], $0xffff  }
0x197: {  	v35 =	vadd.f32 v36, v35;
	v36 =	vmul.f32 v37, v37;
	v37 =	vsub.f32 v44, v39;
	v39 =	vld.idx.msk [tilespmem:v50+s20+$0x0], $0xffff  }
0x198: {  	v52 =	vor.u32 v29, v34;
	v44 =	vmov s28;
	v51 =	vld.idx.msk [tilespmem:v45+s19+$0x0], $0xffff  }
0x199: {  	v35 =	vadd.f32 v36, v35;
	v36 =	vmul.f32 v37, v37;
	v37 =	vsub.f32 v41, v38;
	v41 =	vld.idx.msk [tilespmem:v45+s20+$0x0], $0xffff  }
0x19a: {  	v38 =	vshll.u32 v44, $0x5;
	v45 =	vor.u32 v30, v34;
	v44 =	vld.idx.msk [tilespmem:v46+s19+$0x0], $0xffff  }
0x19b: {  	v35 =	vadd.f32 v36, v35;
	v36 =	vmul.f32 v37, v37;
	v37 =	vsub.f32 v43, v40;
	v40 =	vld.idx.msk [tilespmem:v46+s20+$0x0], $0xffff  }
0x19c: {  	v43 =	vor.u32 v1, v38;
	v38 =	vor.u32 v31, v34;
	v50 =	vld.idx.msk [tilespmem:v47+s19+$0x0], $0xffff  }
.Ltmp0:
0x19d: {  	v35 =	vadd.f32 v36, v35;
	v36 =	vmul.f32 v37, v37;
	v39 =	vsub.f32 v42, v39;
	v53 =	vld.idx.msk [tilespmem:v47+s20+$0x0], $0xffff;
	(pc) =	sbr.rel @p1 .LBB2_3-.Ltmp0, $4  }
0x19e: {  	v37 =	vor.u32 v32, v34;
	v34 =	vadd.s32 v49, v43;
	v48 =	vld.idx.msk [tilespmem:v52+s19+$0x0], $0xffff  }
0x19f: {  	v42 =	vadd.f32 v36, v35;
	v39 =	vmul.f32 v39, v39;
	v41 =	vsub.f32 v51, v41;
	v51 =	vld.idx.msk [tilespmem:v52+s20+$0x0], $0xffff  }
0x1a0: {  	v36 =	vor.u32 v3, v34;
	v35 =	vld.idx.msk [tilespmem:v45+s19+$0x0], $0xffff  }
0x1a1: {  	s28 =	sadd.s32 $0x10, s28;
	v58 =	vadd.f32 v39, v42;
	v59 =	vmul.f32 v41, v41;
	v57 =	vsub.f32 v44, v40;
	v52 =	vld.idx.msk [tilespmem:v45+s20+$0x0], $0xffff  }
0x1a2: {  	_ =	sdelay $0x3  }
0x1a3: {  	v39 =	vor.u32 v0, v34;
	v55 =	vld.idx.msk [tilespmem:v38+s19+$0x0], $0xffff  }
0x1a4: {  	v56 =	vld.idx.msk [tilespmem:v38+s20+$0x0], $0xffff  }
0x1a5: {  	v47 =	vor.u32 v2, v34;
	v49 =	vld.idx.msk [tilespmem:v37+s19+$0x0], $0xffff  }
0x1a6: {  	v54 =	vld.idx.msk [tilespmem:v37+s20+$0x0], $0xffff  }
0x1a7: {  	v43 =	vld.idx.msk [tilespmem:v36+s19+$0x0], $0xffff  }
0x1a8: {  	v40 =	vor.u32 v4, v34;
	v60 =	vld.idx.msk [tilespmem:v39+s19+$0x0], $0xffff  }
0x1a9: {  	v39 =	vld.idx.msk [tilespmem:v39+s20+$0x0], $0xffff  }
0x1aa: {  	v42 =	vor.u32 v5, v34;
	v41 =	vld.idx.msk [tilespmem:v47+s19+$0x0], $0xffff  }
0x1ab: {  	v38 =	vld.idx.msk [tilespmem:v47+s20+$0x0], $0xffff  }
0x1ac: {  	v44 =	vor.u32 v6, v34;
	v61 =	vld.idx.msk [tilespmem:v36+s20+$0x0], $0xffff  }
0x1ad: {  	v45 =	vld.idx.msk [tilespmem:v40+s19+$0x0], $0xffff  }
0x1ae: {  	v46 =	vor.u32 v7, v34;
	v40 =	vld.idx.msk [tilespmem:v40+s20+$0x0], $0xffff  }
0x1af: {  	v47 =	vld.idx.msk [tilespmem:v42+s19+$0x0], $0xffff  }
0x1b0: {  	v63 =	vor.u32 v8, v34;
	v62 =	vld.idx.msk [tilespmem:v42+s20+$0x0], $0xffff;
	v37 =	vsub.f32 v60, v39;
	v38 =	vsub.f32 v41, v38  }
0x1b1: {  	v36 =	vsub.f32 v43, v61;
	v60 =	vld.idx.msk [tilespmem:v44+s19+$0x0], $0xffff  }
0x1b2: {  	v43 =	vor.u32 v9, v34;
	v44 =	vld.idx.msk [tilespmem:v44+s20+$0x0], $0xffff;
	v37 =	vmul.f32 v37, v37;
	v38 =	vmul.f32 v38, v38  }
0x1b3: {  	v61 =	vld.idx.msk [tilespmem:v46+s20+$0x0], $0xffff;
	v36 =	vmul.f32 v36, v36  }
0x1b4: {  	v40 =	vsub.f32 v45, v40;
	v45 =	vld.idx.msk [tilespmem:v46+s19+$0x0], $0xffff;
	v46 =	vor.u32 v10, v34;
	v37 =	vadd.f32 v38, v37  }
0x1b5: {  	v39 =	vsub.f32 v47, v62;
	v47 =	vld.idx.msk [tilespmem:v63+s19+$0x0], $0xffff  }
0x1b6: {  	v63 =	vld.idx.msk [tilespmem:v63+s20+$0x0], $0xffff;
	v41 =	vor.u32 v11, v34;
	v62 =	vmul.f32 v40, v40;
	v36 =	vadd.f32 v36, v37  }
0x1b7: {  	v42 =	vsub.f32 v60, v44;
	v44 =	vld.idx.msk [tilespmem:v43+s19+$0x0], $0xffff  }
0x1b8: {  	v60 =	vmul.f32 v39, v39;
	v39 =	vld.idx.msk [tilespmem:v43+s20+$0x0], $0xffff;
	v43 =	vor.u32 v12, v34;
	v36 =	vadd.f32 v62, v36  }
0x1b9: {  	v38 =	vsub.f32 v45, v61;
	v45 =	vld.idx.msk [tilespmem:v46+s19+$0x0], $0xffff  }
0x1ba: {  	v61 =	vmul.f32 v42, v42;
	v62 =	vld.idx.msk [tilespmem:v46+s20+$0x0], $0xffff;
	v46 =	vor.u32 v13, v34;
	v36 =	vadd.f32 v60, v36  }
0x1bb: {  	v40 =	vsub.f32 v47, v63;
	v47 =	vld.idx.msk [tilespmem:v41+s19+$0x0], $0xffff  }
0x1bc: {  	v63 =	vmul.f32 v38, v38;
	v60 =	vld.idx.msk [tilespmem:v41+s20+$0x0], $0xffff;
	v41 =	vor.u32 v14, v34;
	v36 =	vadd.f32 v61, v36  }
0x1bd: {  	v39 =	vsub.f32 v44, v39;
	v44 =	vld.idx.msk [tilespmem:v43+s19+$0x0], $0xffff  }
0x1be: {  	v61 =	vmul.f32 v40, v40;
	v40 =	vld.idx.msk [tilespmem:v43+s20+$0x0], $0xffff;
	v43 =	vor.u32 v15, v34;
	v36 =	vadd.f32 v63, v36  }
0x1bf: {  	v42 =	vsub.f32 v45, v62;
	v45 =	vld.idx.msk [tilespmem:v46+s19+$0x0], $0xffff  }
0x1c0: {  	v62 =	vmul.f32 v39, v39;
	v63 =	vld.idx.msk [tilespmem:v46+s20+$0x0], $0xffff;
	v46 =	vor.u32 v16, v34;
	v36 =	vadd.f32 v61, v36  }
0x1c1: {  	v38 =	vsub.f32 v47, v60;
	v47 =	vld.idx.msk [tilespmem:v41+s19+$0x0], $0xffff  }
0x1c2: {  	v60 =	vmul.f32 v42, v42;
	v41 =	vld.idx.msk [tilespmem:v41+s20+$0x0], $0xffff;
	v61 =	vor.u32 v24, v34;
	v36 =	vadd.f32 v62, v36  }
0x1c3: {  	v40 =	vsub.f32 v44, v40;
	v44 =	vld.idx.msk [tilespmem:v43+s19+$0x0], $0xffff  }
0x1c4: {  	v62 =	vmul.f32 v38, v38;
	v38 =	vld.idx.msk [tilespmem:v43+s20+$0x0], $0xffff;
	v43 =	vor.u32 v17, v34;
	v36 =	vadd.f32 v60, v36  }
0x1c5: {  	v39 =	vsub.f32 v45, v63;
	v45 =	vld.idx.msk [tilespmem:v46+s19+$0x0], $0xffff  }
0x1c6: {  	v63 =	vmul.f32 v40, v40;
	v40 =	vld.idx.msk [tilespmem:v46+s20+$0x0], $0xffff;
	v46 =	vor.u32 v18, v34;
	v36 =	vadd.f32 v62, v36  }
0x1c7: {  	v41 =	vsub.f32 v47, v41;
	v47 =	vld.idx.msk [tilespmem:v61+s19+$0x0], $0xffff  }
0x1c8: {  	v60 =	vmul.f32 v39, v39;
	v61 =	vld.idx.msk [tilespmem:v61+s20+$0x0], $0xffff;
	v36 =	vadd.f32 v63, v36  }
0x1c9: {  	v62 =	vor.u32 v19, v34;
	v38 =	vsub.f32 v44, v38;
	v44 =	vld.idx.msk [tilespmem:v43+s19+$0x0], $0xffff  }
0x1ca: {  	v43 =	vld.idx.msk [tilespmem:v43+s20+$0x0], $0xffff;
	v63 =	vmul.f32 v41, v41;
	v36 =	vadd.f32 v60, v36  }
0x1cb: {  	v41 =	vor.u32 v20, v34;
	v40 =	vsub.f32 v45, v40;
	v45 =	vld.idx.msk [tilespmem:v46+s19+$0x0], $0xffff  }
0x1cc: {  	v46 =	vld.idx.msk [tilespmem:v46+s20+$0x0], $0xffff;
	v60 =	vmul.f32 v38, v38;
	v36 =	vadd.f32 v63, v36  }
0x1cd: {  	v38 =	vor.u32 v21, v34  }
0x1ce: {  	v39 =	vsub.f32 v47, v61;
	v61 =	vmul.f32 v40, v40;
	v47 =	vld.idx.msk [tilespmem:v62+s19+$0x0], $0xffff;
	v36 =	vadd.f32 v60, v36  }
0x1cf: {  	v40 =	vor.u32 v22, v34;
	v42 =	vld.idx.msk [tilespmem:v62+s20+$0x0], $0xffff  }
0x1d0: {  	v39 =	vmul.f32 v39, v39;
	v43 =	vsub.f32 v44, v43;
	v62 =	vld.idx.msk [tilespmem:v41+s19+$0x0], $0xffff;
	v36 =	vadd.f32 v61, v36  }
0x1d1: {  	v63 =	vor.u32 v23, v34;
	v41 =	vld.idx.msk [tilespmem:v41+s20+$0x0], $0xffff;
	v45 =	vsub.f32 v45, v46  }
0x1d2: {  	v43 =	vmul.f32 v43, v43;
	v36 =	vadd.f32 v39, v36;
	v39 =	vld.idx.msk [tilespmem:v38+s19+$0x0], $0xffff  }
0x1d3: {  	v60 =	vor.u32 v25, v34;
	v45 =	vmul.f32 v45, v45;
	v38 =	vld.idx.msk [tilespmem:v38+s20+$0x0], $0xffff  }
0x1d4: {  	v42 =	vsub.f32 v47, v42;
	v61 =	vor.u32 v26, v34;
	v36 =	vadd.f32 v43, v36;
	v43 =	vld.idx.msk [tilespmem:v40+s19+$0x0], $0xffff  }
0x1d5: {  	v40 =	vld.idx.msk [tilespmem:v40+s20+$0x0], $0xffff  }
0x1d6: {  	v44 =	vld.idx.msk [tilespmem:v63+s20+$0x0], $0xffff;
	v42 =	vmul.f32 v42, v42;
	v37 =	vsub.f32 v62, v41;
	v36 =	vadd.f32 v45, v36  }
0x1d7: {  	v62 =	vor.u32 v27, v34;
	v45 =	vld.idx.msk [tilespmem:v63+s19+$0x0], $0xffff  }
0x1d8: {  	v46 =	vld.idx.msk [tilespmem:v60+s20+$0x0], $0xffff;
	v37 =	vmul.f32 v37, v37;
	v38 =	vsub.f32 v39, v38;
	v36 =	vadd.f32 v42, v36  }
0x1d9: {  	v47 =	vld.idx.msk [tilespmem:v61+s20+$0x0], $0xffff;
	v39 =	vor.u32 v28, v34  }
0x1da: {  	v63 =	vld.idx.msk [tilespmem:v60+s19+$0x0], $0xffff;
	v38 =	vmul.f32 v38, v38;
	v40 =	vsub.f32 v43, v40;
	v36 =	vadd.f32 v37, v36  }
0x1db: {  	v60 =	vld.idx.msk [tilespmem:v61+s19+$0x0], $0xffff;
	v43 =	vor.u32 v29, v34  }
0x1dc: {  	v61 =	vld.idx.msk [tilespmem:v62+s19+$0x0], $0xffff;
	v40 =	vmul.f32 v40, v40;
	v44 =	vsub.f32 v45, v44;
	v36 =	vadd.f32 v38, v36  }
0x1dd: {  	v41 =	vld.idx.msk [tilespmem:v62+s20+$0x0], $0xffff;
	v45 =	vor.u32 v30, v34  }
0x1de: {  	v42 =	vld.idx.msk [tilespmem:v39+s19+$0x0], $0xffff;
	v44 =	vmul.f32 v44, v44;
	v36 =	vadd.f32 v40, v36  }
0x1df: {  	v62 =	vsub.f32 v63, v46;
	v63 =	vadd.f32 v59, v58;
	v58 =	vor.u32 v31, v34;
	v39 =	vld.idx.msk [tilespmem:v39+s20+$0x0], $0xffff  }
0x1e0: {  	v36 =	vadd.f32 v44, v36;
	v44 =	vld.idx.msk [tilespmem:v43+s19+$0x0], $0xffff  }
0x1e1: {  	v37 =	vsub.f32 v60, v47;
	v60 =	vor.u32 v32, v34;
	v40 =	vmul.f32 v62, v62;
	v43 =	vld.idx.msk [tilespmem:v43+s20+$0x0], $0xffff  }
0x1e2: {  	v53 =	vsub.f32 v50, v53;
	v59 =	vmul.f32 v57, v57;
	v38 =	vsub.f32 v61, v41;
	v61 =	vld.idx.msk [tilespmem:v45+s19+$0x0], $0xffff  }
0x1e3: {  	v37 =	vmul.f32 v37, v37;
	v45 =	vld.idx.msk [tilespmem:v45+s20+$0x0], $0xffff;
	v36 =	vadd.f32 v40, v36  }
0x1e4: {  	v47 =	vmul.f32 v53, v53;
	v62 =	vadd.f32 v59, v63;
	v63 =	vsub.f32 v48, v51;
	v50 =	vld.idx.msk [tilespmem:v58+s19+$0x0], $0xffff  }
0x1e5: {  	v38 =	vmul.f32 v38, v38;
	v53 =	vld.idx.msk [tilespmem:v58+s20+$0x0], $0xffff;
	v48 =	vsub.f32 v42, v39;
	v36 =	vadd.f32 v37, v36  }
0x1e6: {  	v35 =	vsub.f32 v35, v52;
	v41 =	vadd.f32 v47, v62;
	v51 =	vmul.f32 v63, v63;
	v57 =	vld.idx.msk [tilespmem:v60+s19+$0x0], $0xffff  }
0x1e7: {  	v34 =	vld.idx.msk [tilespmem:v60+s20+$0x0], $0xffff;
	v37 =	vmul.f32 v48, v48;
	v58 =	vsub.f32 v44, v43;
	v36 =	vadd.f32 v38, v36  }
0x1e8: {  	v35 =	vmul.f32 v35, v35;
	v59 =	vsub.f32 v55, v56;
	v41 =	vadd.f32 v51, v41  }
0x1e9: {  	v61 =	vsub.f32 v61, v45;
	v60 =	vmul.f32 v58, v58;
	v36 =	vadd.f32 v37, v36  }
0x1ea: {  	v62 =	vmul.f32 v59, v59;
	v63 =	vsub.f32 v49, v54;
	v35 =	vadd.f32 v35, v41  }
0x1eb: {  	v44 =	vsub.f32 v50, v53;
	v43 =	vmul.f32 v61, v61;
	v36 =	vadd.f32 v60, v36  }
0x1ec: {  	v45 =	vmul.f32 v63, v63;
	v34 =	vsub.f32 v57, v34  }
0x1ed: {  	v35 =	vadd.f32 v62, v35;
	v46 =	vmul.f32 v44, v44;
	v36 =	vadd.f32 v43, v36;
	_ =	sdelay $0x1  }
0x1ee: {  	v34 =	vmul.f32 v34, v34;
	v35 =	vadd.f32 v45, v35;
	v36 =	vadd.f32 v46, v36;
	_ =	sdelay $0x1  }
0x1ef: {  	v47 =	vmax.f32 v35, $1.000000000e-30;
	v34 =	vadd.f32 v34, v36  }
0x1f0: {  	v48 =	vshrl.u32 v47, $0x1;
	v49 =	vmul.f32 $5.000000000e-01, v47  }
0x1f1: {  	v36 =	vsub.s32 $0x5F3759DF, v48;
	v50 =	vmax.f32 v34, $1.000000000e-30  }
0x1f2: {  	v51 =	vmul.f32 v36, v49;
	v52 =	vshrl.u32 v50, $0x1;
	v53 =	vmul.f32 $5.000000000e-01, v50  }
0x1f3: {  	v41 =	vsub.s32 $0x5F3759DF, v52  }
0x1f4: {  	v40 =	vmul.f32 v36, v51;
	v54 =	vmul.f32 v41, v53;
	_ =	sdelay $0x1  }
0x1f5: {  	v40 =	vsub.f32 $1.500000000e+00, v40;
	v43 =	vmul.f32 v41, v54;
	_ =	sdelay $0x1  }
0x1f6: {  	v36 =	vmul.f32 v36, v40;
	v55 =	vsub.f32 $1.500000000e+00, v43;
	_ =	sdelay $0x1  }
0x1f7: {  	v56 =	vmul.f32 v36, v49;
	v40 =	vmul.f32 v41, v55;
	_ =	sdelay $0x1  }
0x1f8: {  	v57 =	vmul.f32 v56, v36;
	v58 =	vmul.f32 v40, v53;
	_ =	sdelay $0x1  }
0x1f9: {  	v41 =	vsub.f32 $1.500000000e+00, v57;
	v43 =	vmul.f32 v58, v40;
	_ =	sdelay $0x1  }
0x1fa: {  	v36 =	vmul.f32 v41, v36;
	v59 =	vsub.f32 $1.500000000e+00, v43;
	_ =	sdelay $0x1  }
0x1fb: {  	v38 =	vmul.f32 v36, v49;
	v40 =	vmul.f32 v59, v40;
	_ =	sdelay $0x1  }
0x1fc: {  	v38 =	vmul.f32 v38, v36;
	v41 =	vmul.f32 v40, v53;
	_ =	sdelay $0x1  }
0x1fd: {  	v38 =	vsub.f32 $1.500000000e+00, v38;
	v41 =	vmul.f32 v41, v40  }
0x1fe: {  	s0 =	sadd.s32 $0x10, s26  }
0x1ff: {  	v60 =	vld [tilespmem:s0+$0x0];
	v36 =	vmul.f32 v38, v36;
	v61 =	vsub.f32 $1.500000000e+00, v41  }
0x200: {  	s0 =	sadd.s32 $0x10, s0  }
0x201: {  	v62 =	vld [tilespmem:s0+$0x0];
	v36 =	vmul.f32 v36, v47;
	v38 =	vmul.f32 v61, v40  }
0x202: {  	s8 =	sadd.s32 $0x1, s8;
	vm0 =	vgt.f32 v35, $1.000000000e-30  }
0x203: {  	p1 =	sne.s32 s8, $0x7B;
	v35 =	vnsel vm0, $0x0, v36;
	v63 =	vmul.f32 v38, v50  }
.Ltmp1:
0x204: {  	vm15 =	vgt.f32 v34, $1.000000000e-30;
	v35 =	vmul.f32 v35, v60;
	(pc) =	sbr.rel @p1 .LBB2_2-.Ltmp1, $3  }
0x205: {  	v34 =	vnsel vm15, $0x0, v63  }
0x206: {  	v33 =	vadd.f32 v35, v33;
	v34 =	vmul.f32 v34, v62;
	_ =	sdelay $0x1  }
0x207: {  	p0 =	por !p0, !p0;
	v48 =	vadd.f32 v34, v33  }
0x208: {  	_ =	swait.ge [sflag:s22], $0xC80  }
0x209: {  	[sflag:s22] =	ssyncset.done $0x0  }
0x20a: {  	[sflag:s22] =	ssyncadd.s32 $0xFFFFF380  }
0x20b: {  	_ =	swait.ge [sflag:s22], $0xC80  }
0x20c: {  	[sflag:s22] =	ssyncset.done $0x0  }
0x20d: {  	[sflag:s22] =	ssyncadd.s32 $0xFFFFF380  }
0x20e: {  	_ =	swait.ge [sflag:s22], $0xC80  }
0x20f: {  	[sflag:s22] =	ssyncset.done $0x0  }
0x210: {  	[sflag:s22] =	ssyncadd.s32 $0xFFFFF380  }
0x211: {  	_ =	swait.ge [sflag:s22], $0xC80  }
0x212: {  	[sflag:s22] =	ssyncset.done $0x0  }
0x213: {  	[sflag:s22] =	ssyncadd.s32 $0xFFFFF380  }
0x214: {  	_ =	swait.ge [sflag:s22], $0xC80  }
0x215: {  	[sflag:s22] =	ssyncset.done $0x0  }
0x216: {  	[sflag:s22] =	ssyncadd.s32 $0xFFFFF380  }
0x217: {  	_ =	swait.ge [sflag:s22], $0xC80  }
0x218: {  	[sflag:s22] =	ssyncset.done $0x0  }
0x219: {  	[sflag:s22] =	ssyncadd.s32 $0xFFFFF380  }
0x21a: {  	_ =	swait.ge [sflag:s22], $0xC80  }
0x21b: {  	[sflag:s22] =	ssyncset.done $0x0  }
0x21c: {  	[sflag:s22] =	ssyncadd.s32 $0xFFFFF380  }
0x21d: {  	_ =	swait.ge [sflag:s22], $0xC80  }
0x21e: {  	[sflag:s22] =	ssyncset.done $0x0  }
0x21f: {  	[sflag:s22] =	ssyncadd.s32 $0xFFFFF380  }
0x220: {  	_ =	swait.ge [sflag:s22], $0x190  }
0x221: {  	[sflag:s22] =	ssyncset.done $0x0  }
0x222: {  	[sflag:s22] =	ssyncadd.s32 $0xFFFFFE70  }
0x223: {  	_ =	swait.ge [sflag:s17], $0x1A0  }
0x224: {  	[sflag:s17] =	ssyncset.done $0x0  }
0x225: {  	[sflag:s17] =	ssyncadd.s32 $0xFFFFFE60  }
0x226: {  	_ =	swait.ge [sflag:s17], $0x1A0  }
0x227: {  	[sflag:s17] =	ssyncset.done $0x0  }
0x228: {  	s0 =	simm.s32 $0x0;
	[sflag:s17] =	ssyncadd.s32 $0xFFFFFE60  }
0x229: {  	[tilespmem:s19], [sflag:$0x3] =	stream.indirect.gather [hbm4b:s4+s18], $0x20, s0, s18, $0xb8;
	[tilespmem:$0xD1B0] =	vst v63  }
0x22a: {  	_ = 	snop  }
0x22b: {  	[tilespmem:s20], [sflag:$0x3] =	stream.indirect.gather [hbm4b:s4+s18], $0x20, s16, s18, $0xb8;
	[tilespmem:$0xD1B0] =	vst v63  }
0x22c: {  	s9 =	simm.s32 $0x68;
	s28 =	simm.s32 $0x1620  }
0x22d: {  	[tilespmem:s28], [sflag:$0x3] =	stream.indirect.gather [hbm4b:s4+s18], $0x20, s9, s18, $0xb8;
	[tilespmem:$0xD1B0] =	vst v63  }
0x22e: {  	s29 =	simm.s32 $0x3A8;
	s30 =	simm.s32 $0x7A20  }
0x22f: {  	[tilespmem:s30], [sflag:$0x3] =	stream.indirect.gather [hbm4b:s4+s18], $0x20, s29, s18, $0xb8;
	[tilespmem:$0xD1B0] =	vst v63  }
0x230: {  	s31 =	simm.s32 $0xD0;
	s8 =	simm.s32 $0x22A0  }
0x231: {  	[tilespmem:s8], [sflag:$0x3] =	stream.indirect.gather [hbm4b:s4+s18], $0x20, s31, s18, $0xb8;
	[tilespmem:$0xD1B0] =	vst v63  }
0x232: {  	s26 =	simm.s32 $0x86A0;
	v33 =	vmov s0;
	s8 =	simm.s32 $0x410  }
0x233: {  	v33 =	vshll.u32 v33, $0x5;
	[tilespmem:s26], [sflag:$0x3] =	stream.indirect.gather [hbm4b:s4+s18], $0x20, s8, s18, $0xb8;
	[tilespmem:$0xD1B0] =	vst v63  }
0x234: {  	v55 =	vor.u32 $0x3200, v0;
	v35 =	vor.u32 v1, v33;
	s8 =	simm.s32 $0x138;
	s26 =	simm.s32 $0x2F20  }
0x235: {  	v34 =	vadd.s32 v55, v35;
	[tilespmem:s26], [sflag:$0x3] =	stream.indirect.gather [hbm4b:s4+s18], $0x20, s8, s18, $0xb8;
	[tilespmem:$0xD1B0] =	vst v63  }
0x236: {  	s26 =	simm.s32 $0x478  }
0x237: {  	v56 =	vadd.s32 $0x3203, v0;
	[tilespmem:s2], [sflag:$0x3] =	stream.indirect.gather [hbm4b:s4+s18], $0x20, s26, s18, $0xb8;
	[tilespmem:$0xD1B0] =	vst v63  }
0x238: {  	v38 =	vadd.s32 v56, v35  }
0x239: {  	v60 =	vadd.s32 $0x3206, v0;
	[tilespmem:s21], [sflag:$0x3] =	stream.linear.gather [hbm4b:s13+s0], $0x190, $0x38;
	[tilespmem:$0xD1B0] =	vst v63  }
0x23a: {  	v44 =	vadd.s32 v60, v35;
	v39 =	vld.idx.msk [tilespmem:v34+s19+$0x0], $0xffff  }
0x23b: {  	v61 =	vadd.s32 $0x3202, v0;
	v34 =	vld.idx.msk [tilespmem:v34+s20+$0x0], $0xffff  }
0x23c: {  	v58 =	vadd.s32 $0x3201, v0;
	v33 =	vadd.s32 v61, v35  }
0x23d: {  	v36 =	vadd.s32 v58, v35;
	v43 =	vld.idx.msk [tilespmem:v38+s19+$0x0], $0xffff  }
0x23e: {  	v38 =	vld.idx.msk [tilespmem:v38+s20+$0x0], $0xffff  }
0x23f: {  	v53 =	vadd.s32 $0x3209, v0;
	v50 =	vld.idx.msk [tilespmem:v44+s19+$0x0], $0xffff  }
0x240: {  	v34 =	vsub.f32 v39, v34;
	v39 =	vld.idx.msk [tilespmem:v44+s20+$0x0], $0xffff;
	v44 =	vadd.s32 v53, v35  }
0x241: {  	v57 =	vadd.s32 $0x3204, v0;
	v37 =	vld.idx.msk [tilespmem:v33+s19+$0x0], $0xffff  }
0x242: {  	v40 =	vadd.s32 v57, v35;
	v41 =	vld.idx.msk [tilespmem:v36+s19+$0x0], $0xffff  }
0x243: {  	v52 =	vadd.s32 $0x3208, v0;
	v36 =	vld.idx.msk [tilespmem:v36+s20+$0x0], $0xffff  }
0x244: {  	v49 =	vadd.s32 v52, v35;
	v33 =	vld.idx.msk [tilespmem:v33+s20+$0x0], $0xffff  }
0x245: {  	v54 =	vadd.s32 $0x320A, v0;
	v38 =	vsub.f32 v43, v38;
	v43 =	vld.idx.msk [tilespmem:v44+s19+$0x0], $0xffff  }
0x246: {  	v59 =	vadd.s32 $0x3205, v0;
	v63 =	vadd.s32 v54, v35;
	v44 =	vld.idx.msk [tilespmem:v44+s20+$0x0], $0xffff  }
0x247: {  	v42 =	vadd.s32 v59, v35;
	v45 =	vld.idx.msk [tilespmem:v40+s19+$0x0], $0xffff  }
0x248: {  	v40 =	vld.idx.msk [tilespmem:v40+s20+$0x0], $0xffff  }
0x249: {  	v33 =	vsub.f32 v37, v33;
	v37 =	vld.idx.msk [tilespmem:v49+s19+$0x0], $0xffff  }
0x24a: {  	v36 =	vsub.f32 v41, v36;
	v49 =	vld.idx.msk [tilespmem:v49+s20+$0x0], $0xffff  }
0x24b: {  	[tilespmem:$0x1FCB0] =	vst v44;
	v44 =	vld.idx.msk [tilespmem:v63+s19+$0x0], $0xffff  }
0x24c: {  	v51 =	vadd.s32 $0x3207, v0;
	v47 =	vld.idx.msk [tilespmem:v42+s19+$0x0], $0xffff;
	v34 =	vmul.f32 v34, v34;
	v36 =	vmul.f32 v36, v36  }
0x24d: {  	v62 =	vadd.s32 $0x320B, v0;
	v46 =	vadd.s32 v51, v35;
	v42 =	vld.idx.msk [tilespmem:v42+s20+$0x0], $0xffff  }
0x24e: {  	v33 =	vmul.f32 v33, v33;
	v34 =	vadd.f32 v36, v34;
	v36 =	vadd.s32 $0x320C, v0  }
0x24f: {  	v40 =	vsub.f32 v45, v40;
	[tilespmem:$0x1FCA0] =	vst v49;
	v49 =	vadd.s32 v62, v35;
	v45 =	vadd.s32 v36, v35  }
0x250: {  	v33 =	vadd.f32 v33, v34;
	v34 =	vmul.f32 v38, v38;
	[tilespmem:$0x1FCC0] =	vst v44;
	v44 =	vld.idx.msk [tilespmem:v63+s20+$0x0], $0xffff;
	_ =	sdelay $0x1  }
0x251: {  	v42 =	vsub.f32 v47, v42;
	v47 =	vmul.f32 v40, v40;
	v33 =	vadd.f32 v34, v33  }
0x252: {  	v41 =	vld.idx.msk [tilespmem:v46+s19+$0x0], $0xffff;
	[tilespmem:$0x1FEA0] =	vst v36;
	v36 =	vadd.s32 $0x320D, v0  }
0x253: {  	[tilespmem:$0x1FEB0] =	vst v36;
	v36 =	vadd.s32 v36, v35;
	v34 =	vadd.f32 v47, v33;
	v47 =	vld.idx.msk [tilespmem:v45+s19+$0x0], $0xffff  }
0x254: {  	[tilespmem:$0x1FCD0] =	vst v44;
	v44 =	vld.idx.msk [tilespmem:v49+s19+$0x0], $0xffff  }
0x255: {  	v46 =	vld.idx.msk [tilespmem:v46+s20+$0x0], $0xffff;
	_ =	sdelay $0x1  }
0x256: {  	v38 =	vld [tilespmem:$0x1FCA0]  }
0x257: {  	v42 =	vmul.f32 v42, v42;
	[tilespmem:$0x1FCF0] =	vst v47;
	v47 =	vld.idx.msk [tilespmem:v36+s19+$0x0], $0xffff  }
0x258: {  	v40 =	vor.u32 $0x3210, v0;
	v39 =	vsub.f32 v50, v39;
	v33 =	vadd.s32 $0x320F, v0;
	[tilespmem:$0x1FCE0] =	vst v44;
	v44 =	vld.idx.msk [tilespmem:v36+s20+$0x0], $0xffff  }
0x259: {  	[tilespmem:$0x1FEE0] =	vst v40;
	v41 =	vsub.f32 v41, v46;
	v46 =	vadd.s32 v33, v35;
	v36 =	vadd.s32 v40, v35;
	v40 =	vld [tilespmem:$0x1FF30]  }
0x25a: {  	v39 =	vmul.f32 v39, v39;
	v42 =	vadd.f32 v42, v34;
	_ =	sdelay $0x1  }
0x25b: {  	v41 =	vmul.f32 v41, v41;
	v38 =	vsub.f32 v37, v38;
	v39 =	vadd.f32 v39, v42  }
0x25c: {  	v42 =	vld [tilespmem:$0x1FCB0]  }
0x25d: {  	v37 =	vadd.s32 v40, v35;
	v40 =	vadd.f32 v41, v39;
	v39 =	vmul.f32 v38, v38;
	v38 =	vld.idx.msk [tilespmem:v46+s19+$0x0], $0xffff  }
0x25e: {  	v41 =	vld [tilespmem:$0x1FF40];
	_ =	sdelay $0x3  }
0x25f: {  	v42 =	vsub.f32 v43, v42;
	v43 =	vld [tilespmem:$0x1FCC0]  }
0x260: {  	[tilespmem:$0x1FD10] =	vst v38;
	v38 =	vadd.s32 v41, v35;
	v41 =	vld [tilespmem:$0x1FCD0];
	_ =	sdelay $0x3  }
0x261: {  	v49 =	vld.idx.msk [tilespmem:v49+s20+$0x0], $0xffff  }
0x262: {  	v43 =	vsub.f32 v43, v41;
	v41 =	vld [tilespmem:$0x1FCE0]  }
0x263: {  	v39 =	vadd.f32 v39, v40;
	v40 =	vmul.f32 v42, v42;
	v42 =	vld.idx.msk [tilespmem:v36+s19+$0x0], $0xffff;
	_ =	sdelay $0x2  }
0x264: {  	v45 =	vld.idx.msk [tilespmem:v45+s20+$0x0], $0xffff  }
0x265: {  	v49 =	vsub.f32 v41, v49;
	v41 =	vadd.f32 v40, v39;
	v40 =	vmul.f32 v43, v43;
	v43 =	vld [tilespmem:$0x1FF60]  }
0x266: {  	[tilespmem:$0x1FD20] =	vst v42;
	v42 =	vld.idx.msk [tilespmem:v36+s20+$0x0], $0xffff  }
0x267: {  	v40 =	vadd.f32 v40, v41;
	v41 =	vmul.f32 v49, v49;
	v49 =	vld.idx.msk [tilespmem:v38+s19+$0x0], $0xffff  }
0x268: {  	v36 =	vld [tilespmem:$0x1FF50]  }
0x269: {  	v63 =	vadd.s32 $0x320E, v0;
	v34 =	vld.idx.msk [tilespmem:v37+s19+$0x0], $0xffff  }
0x26a: {  	v50 =	vadd.s32 v63, v35;
	v39 =	vadd.s32 v43, v35;
	v43 =	vld.idx.msk [tilespmem:v37+s20+$0x0], $0xffff  }
0x26b: {  	[tilespmem:$0x1FD00] =	vst v47;
	v37 =	vld [tilespmem:$0x1FCF0]  }
0x26c: {  	[tilespmem:$0x1FD30] =	vst v49;
	v49 =	vld.idx.msk [tilespmem:v38+s20+$0x0], $0xffff  }
0x26d: {  	v36 =	vadd.s32 v36, v35;
	v38 =	vld [tilespmem:$0x1FD00];
	_ =	sdelay $0x1  }
0x26e: {  	v47 =	vld.idx.msk [tilespmem:v50+s19+$0x0], $0xffff  }
0x26f: {  	v50 =	vld.idx.msk [tilespmem:v50+s20+$0x0], $0xffff  }
0x270: {  	v46 =	vld.idx.msk [tilespmem:v46+s20+$0x0], $0xffff;
	v45 =	vsub.f32 v37, v45  }
0x271: {  	v44 =	vsub.f32 v38, v44;
	v38 =	vld.idx.msk [tilespmem:v36+s19+$0x0], $0xffff  }
0x272: {  	v40 =	vadd.f32 v41, v40;
	v41 =	vmul.f32 v45, v45;
	v45 =	vld [tilespmem:$0x1FF80]  }
0x273: {  	v37 =	vld [tilespmem:$0x1FF70]  }
0x274: {  	v47 =	vsub.f32 v47, v50;
	v50 =	vld.idx.msk [tilespmem:v39+s19+$0x0], $0xffff  }
0x275: {  	v39 =	vld.idx.msk [tilespmem:v39+s20+$0x0], $0xffff  }
0x276: {  	v40 =	vadd.f32 v41, v40;
	v41 =	vmul.f32 v44, v44;
	v44 =	vld [tilespmem:$0x1FD10]  }
0x277: {  	[tilespmem:$0x1FD40] =	vst v38;
	v38 =	vadd.s32 v45, v35;
	v45 =	vld.idx.msk [tilespmem:v36+s20+$0x0], $0xffff  }
0x278: {  	v36 =	vld [tilespmem:$0x1FF90];
	_ =	sdelay $0x1  }
0x279: {  	v37 =	vadd.s32 v37, v35  }
0x27a: {  	[tilespmem:$0x1FD60] =	vst v39;
	v39 =	vld [tilespmem:$0x1FD20]  }
0x27b: {  	v40 =	vadd.f32 v41, v40  }
0x27c: {  	[tilespmem:$0x1FD50] =	vst v50;
	v41 =	vmul.f32 v47, v47;
	v46 =	vsub.f32 v44, v46;
	v50 =	vadd.s32 v36, v35;
	v36 =	vld [tilespmem:$0x1FFA0];
	_ =	sdelay $0x1  }
0x27d: {  	v40 =	vadd.f32 v41, v40;
	v47 =	vld.idx.msk [tilespmem:v37+s19+$0x0], $0xffff;
	v41 =	vmul.f32 v46, v46  }
0x27e: {  	v44 =	vld.idx.msk [tilespmem:v37+s20+$0x0], $0xffff;
	v42 =	vsub.f32 v39, v42  }
0x27f: {  	v37 =	vld [tilespmem:$0x1FFB0];
	v40 =	vadd.f32 v41, v40  }
0x280: {  	v41 =	vmul.f32 v42, v42;
	v42 =	vsub.f32 v34, v43;
	v43 =	vld [tilespmem:$0x1FD30];
	v36 =	vadd.s32 v36, v35  }
0x281: {  	v46 =	vld.idx.msk [tilespmem:v38+s19+$0x0], $0xffff;
	_ =	sdelay $0x2  }
0x282: {  	v39 =	vld [tilespmem:$0x1FFC0];
	v37 =	vadd.s32 v37, v35  }
0x283: {  	v40 =	vadd.f32 v41, v40;
	v41 =	vmul.f32 v42, v42;
	v42 =	vsub.f32 v43, v49;
	v49 =	vld.idx.msk [tilespmem:v36+s19+$0x0], $0xffff  }
0x284: {  	[tilespmem:$0x1FD70] =	vst v46;
	v46 =	vld.idx.msk [tilespmem:v38+s20+$0x0], $0xffff  }
0x285: {  	v40 =	vadd.f32 v41, v40;
	v41 =	vmul.f32 v42, v42;
	v42 =	vld [tilespmem:$0x1FD40]  }
0x286: {  	v38 =	vld.idx.msk [tilespmem:v50+s19+$0x0], $0xffff;
	_ =	sdelay $0x1  }
0x287: {  	[tilespmem:$0x1FD90] =	vst v49;
	v49 =	vld.idx.msk [tilespmem:v37+s19+$0x0], $0xffff;
	_ =	sdelay $0x1  }
0x288: {  	v42 =	vsub.f32 v42, v45  }
0x289: {  	[tilespmem:$0x1FD80] =	vst v38;
	v38 =	vadd.s32 v39, v35;
	v39 =	vld [tilespmem:$0x1FFD0]  }
0x28a: {  	v40 =	vadd.f32 v41, v40;
	v41 =	vmul.f32 v42, v42;
	v42 =	vld [tilespmem:$0x1FD50]  }
0x28b: {  	[tilespmem:$0x1FDB0] =	vst v49;
	v49 =	vld [tilespmem:$0x1FD60]  }
0x28c: {  	v34 =	vld [tilespmem:$0x1FFF0]  }
0x28d: {  	v45 =	vld.idx.msk [tilespmem:v37+s20+$0x0], $0xffff  }
0x28e: {  	v37 =	vld.idx.msk [tilespmem:v38+s19+$0x0], $0xffff  }
0x28f: {  	v43 =	vld.idx.msk [tilespmem:v36+s20+$0x0], $0xffff;
	v39 =	vadd.s32 v39, v35  }
0x290: {  	v36 =	vld [tilespmem:$0x1FFE0];
	v42 =	vsub.f32 v42, v49  }
0x291: {  	v49 =	vld.idx.msk [tilespmem:v38+s20+$0x0], $0xffff  }
0x292: {  	v40 =	vadd.f32 v41, v40;
	v41 =	vmul.f32 v42, v42;
	v42 =	vsub.f32 v47, v44;
	v44 =	vld [tilespmem:$0x1FD70]  }
0x293: {  	[tilespmem:$0x1FDD0] =	vst v37;
	v37 =	vadd.s32 v34, v35;
	v38 =	vld [tilespmem:$0x1FF10]  }
0x294: {  	v47 =	vld.idx.msk [tilespmem:v39+s19+$0x0], $0xffff  }
0x295: {  	s8 =	simm.s32 $0x10;
	v36 =	vadd.s32 v36, v35;
	v39 =	vld.idx.msk [tilespmem:v39+s20+$0x0], $0xffff  }
0x296: {  	v40 =	vadd.f32 v41, v40;
	v41 =	vmul.f32 v42, v42;
	v42 =	vmov s8  }
0x297: {  	[tilespmem:$0x1FEF0] =	vst v61;
	v50 =	vld.idx.msk [tilespmem:v50+s20+$0x0], $0xffff;
	v42 =	vshll.u32 v42, $0x5;
	v46 =	vsub.f32 v44, v46  }
0x298: {  	[tilespmem:$0x1FED0] =	vst v33;
	v33 =	vor.u32 v1, v42;
	v42 =	vld.idx.msk [tilespmem:v37+s19+$0x0], $0xffff;
	v40 =	vadd.f32 v41, v40  }
0x299: {  	[tilespmem:$0x1FDF0] =	vst v47;
	v47 =	vadd.s32 v38, v35;
	v41 =	vmul.f32 v46, v46;
	v46 =	vadd.s32 v61, v33;
	v61 =	vld [tilespmem:$0x1FD80]  }
0x29a: {  	[tilespmem:$0x1FE00] =	vst v39;
	v39 =	vld.idx.msk [tilespmem:v36+s19+$0x0], $0xffff  }
0x29b: {  	v38 =	vld [tilespmem:$0x1FF20]  }
0x29c: {  	v44 =	vld.idx.msk [tilespmem:v36+s20+$0x0], $0xffff  }
0x29d: {  	[tilespmem:$0x1FF00] =	vst v55;
	v36 =	vadd.s32 v55, v33;
	v55 =	vld [tilespmem:$0x1FD90]  }
0x29e: {  	v50 =	vsub.f32 v61, v50;
	v61 =	vld.idx.msk [tilespmem:v47+s19+$0x0], $0xffff  }
0x29f: {  	v47 =	vld.idx.msk [tilespmem:v47+s20+$0x0], $0xffff;
	_ =	sdelay $0x1  }
0x2a0: {  	v40 =	vadd.f32 v41, v40;
	v41 =	vld [tilespmem:$0x1FDB0]  }
0x2a1: {  	v35 =	vadd.s32 v38, v35  }
0x2a2: {  	[tilespmem:$0x1FE30] =	vst v42  }
0x2a3: {  	v42 =	vld.idx.msk [tilespmem:v37+s20+$0x0], $0xffff;
	v43 =	vsub.f32 v55, v43;
	[tilespmem:$0x1FE60] =	vst v47;
	v47 =	vmul.f32 v50, v50  }
0x2a4: {  	v38 =	vld.idx.msk [tilespmem:v36+s20+$0x0], $0xffff  }
0x2a5: {  	v43 =	vmul.f32 v43, v43;
	v45 =	vsub.f32 v41, v45;
	v41 =	vld.idx.msk [tilespmem:v36+s19+$0x0], $0xffff;
	v40 =	vadd.f32 v47, v40  }
0x2a6: {  	v55 =	vld.idx.msk [tilespmem:v35+s19+$0x0], $0xffff;
	v50 =	vadd.s32 v58, v33  }
0x2a7: {  	v40 =	vadd.f32 v43, v40;
	v43 =	vmul.f32 v45, v45;
	v45 =	vld [tilespmem:$0x1FDD0]  }
0x2a8: {  	[tilespmem:$0x1FDA0] =	vst v58;
	v58 =	vld.idx.msk [tilespmem:v35+s20+$0x0], $0xffff  }
0x2a9: {  	v47 =	vld.idx.msk [tilespmem:v46+s19+$0x0], $0xffff  }
0x2aa: {  	v46 =	vld.idx.msk [tilespmem:v46+s20+$0x0], $0xffff  }
0x2ab: {  	v35 =	vadd.s32 v56, v33;
	v37 =	vld.idx.msk [tilespmem:v50+s19+$0x0], $0xffff  }
0x2ac: {  	[tilespmem:$0x1FDC0] =	vst v56;
	v50 =	vld.idx.msk [tilespmem:v50+s20+$0x0], $0xffff;
	v56 =	vsub.f32 v45, v49  }
0x2ad: {  	[tilespmem:$0x1FDE0] =	vst v57;
	v36 =	vadd.s32 v59, v33;
	v49 =	vadd.s32 v57, v33;
	v57 =	vld [tilespmem:$0x1FE00]  }
0x2ae: {  	v40 =	vadd.f32 v43, v40;
	v43 =	vmul.f32 v56, v56;
	v56 =	vld [tilespmem:$0x1FDF0];
	_ =	sdelay $0x1  }
0x2af: {  	v44 =	vsub.f32 v39, v44;
	v39 =	vld.idx.msk [tilespmem:v35+s20+$0x0], $0xffff  }
0x2b0: {  	v37 =	vsub.f32 v37, v50;
	v50 =	vld [tilespmem:$0x1FE60]  }
0x2b1: {  	v38 =	vsub.f32 v41, v38;
	v40 =	vadd.f32 v43, v40;
	v43 =	vld.idx.msk [tilespmem:v36+s19+$0x0], $0xffff  }
0x2b2: {  	[tilespmem:$0x1FE10] =	vst v59;
	v46 =	vsub.f32 v47, v46;
	v47 =	vadd.s32 v52, v33;
	v45 =	vsub.f32 v56, v57;
	v57 =	vld [tilespmem:$0x1FE30]  }
0x2b3: {  	[tilespmem:$0x1FE50] =	vst v52;
	v36 =	vld.idx.msk [tilespmem:v36+s20+$0x0], $0xffff  }
0x2b4: {  	v38 =	vmul.f32 v38, v38;
	v59 =	vmul.f32 v45, v45;
	v45 =	vld.idx.msk [tilespmem:v35+s19+$0x0], $0xffff;
	v35 =	vadd.s32 v60, v33  }
0x2b5: {  	v37 =	vmul.f32 v37, v37;
	v41 =	vld.idx.msk [tilespmem:v49+s20+$0x0], $0xffff;
	v52 =	vsub.f32 v61, v50;
	v56 =	vmul.f32 v44, v44  }
0x2b6: {  	[tilespmem:$0x1FE40] =	vst v51;
	v44 =	vld.idx.msk [tilespmem:v49+s19+$0x0], $0xffff;
	v40 =	vadd.f32 v59, v40;
	v59 =	vadd.s32 v51, v33;
	v51 =	vmov v33  }
0x2b7: {  	v50 =	vld.idx.msk [tilespmem:v47+s19+$0x0], $0xffff;
	v42 =	vsub.f32 v57, v42;
	v57 =	vmul.f32 v46, v46;
	v46 =	vadd.s32 v54, v51  }
0x2b8: {  	v36 =	vsub.f32 v43, v36;
	v43 =	vld.idx.msk [tilespmem:v47+s20+$0x0], $0xffff;
	v40 =	vadd.f32 v56, v40;
	v56 =	vadd.s32 v53, v51  }
0x2b9: {  	[tilespmem:$0x1FE20] =	vst v60;
	v42 =	vmul.f32 v42, v42;
	v60 =	vld.idx.msk [tilespmem:v35+s19+$0x0], $0xffff  }
0x2ba: {  	v37 =	vadd.f32 v37, v38;
	v35 =	vld.idx.msk [tilespmem:v35+s20+$0x0], $0xffff  }
0x2bb: {  	v41 =	vsub.f32 v44, v41;
	v40 =	vadd.f32 v42, v40;
	v42 =	vld.idx.msk [tilespmem:v59+s19+$0x0], $0xffff  }
0x2bc: {  	[tilespmem:$0x1FE70] =	vst v53;
	v53 =	vsub.f32 v55, v58;
	v39 =	vsub.f32 v45, v39;
	v58 =	vld.idx.msk [tilespmem:v46+s19+$0x0], $0xffff  }
0x2bd: {  	[tilespmem:$0x1FE80] =	vst v54;
	v47 =	vadd.s32 v62, v51;
	v54 =	vmul.f32 v41, v41;
	v41 =	vld.idx.msk [tilespmem:v56+s19+$0x0], $0xffff  }
0x2be: {  	v37 =	vadd.f32 v57, v37;
	v61 =	vmul.f32 v39, v39;
	v45 =	vld.idx.msk [tilespmem:v56+s20+$0x0], $0xffff  }
0x2bf: {  	v56 =	vld [tilespmem:$0x1FEA0]  }
0x2c0: {  	v43 =	vsub.f32 v50, v43;
	v50 =	vadd.s32 v63, v51;
	v37 =	vadd.f32 v61, v37;
	v61 =	vld [tilespmem:$0x1FEB0]  }
0x2c1: {  	v35 =	vsub.f32 v60, v35;
	v60 =	vld.idx.msk [tilespmem:v46+s20+$0x0], $0xffff  }
0x2c2: {  	v46 =	vld.idx.msk [tilespmem:v47+s19+$0x0], $0xffff  }
0x2c3: {  	v52 =	vmul.f32 v52, v52;
	v47 =	vld.idx.msk [tilespmem:v47+s20+$0x0], $0xffff  }
0x2c4: {  	v59 =	vld.idx.msk [tilespmem:v59+s20+$0x0], $0xffff;
	v57 =	vadd.s32 v56, v51  }
0x2c5: {  	v55 =	vmul.f32 v53, v53;
	v39 =	vadd.f32 v52, v40;
	v33 =	vld.idx.msk [tilespmem:v50+s19+$0x0], $0xffff  }
0x2c6: {  	[tilespmem:$0x1FE90] =	vst v62;
	v37 =	vadd.f32 v54, v37;
	v62 =	vadd.s32 v61, v51;
	v56 =	vld [tilespmem:$0x1FED0]  }
0x2c7: {  	v36 =	vmul.f32 v36, v36;
	v52 =	vadd.f32 v55, v39;
	v39 =	vsub.f32 v58, v60;
	v58 =	vld [tilespmem:$0x1FEE0]  }
0x2c8: {  	v46 =	vsub.f32 v46, v47;
	v47 =	vld.idx.msk [tilespmem:v50+s20+$0x0], $0xffff  }
0x2c9: {  	v59 =	vsub.f32 v42, v59;
	v35 =	vmul.f32 v35, v35;
	v36 =	vadd.f32 v36, v37;
	v37 =	vld.idx.msk [tilespmem:v57+s19+$0x0], $0xffff  }
0x2ca: {  	v53 =	vmax.f32 v52, $1.000000000e-30;
	v41 =	vsub.f32 v41, v45;
	v45 =	vld.idx.msk [tilespmem:v57+s20+$0x0], $0xffff  }
0x2cb: {  	v54 =	vmul.f32 v59, v59;
	v55 =	vshrl.u32 v53, $0x1;
	v35 =	vadd.f32 v35, v36;
	v38 =	vld.idx.msk [tilespmem:v62+s19+$0x0], $0xffff  }
0x2cc: {  	v49 =	vadd.s32 v56, v51;
	v57 =	vmul.f32 v43, v43;
	v43 =	vmul.f32 $5.000000000e-01, v53;
	v42 =	vld.idx.msk [tilespmem:v62+s20+$0x0], $0xffff  }
0x2cd: {  	v40 =	vsub.s32 $0x5F3759DF, v55;
	v56 =	vld [tilespmem:$0x1FF30];
	v44 =	vsub.f32 v33, v47  }
0x2ce: {  	[tilespmem:$0x1FEC0] =	vst v63;
	v35 =	vadd.f32 v54, v35;
	v59 =	vadd.s32 v58, v51;
	v58 =	vld [tilespmem:$0x1FF40];
	v63 =	vmul.f32 v40, v43  }
0x2cf: {  	v33 =	vmul.f32 v44, v44;
	v44 =	vld [tilespmem:$0x1FF70]  }
0x2d0: {  	v62 =	vmul.f32 v41, v41;
	v35 =	vadd.f32 v57, v35;
	v55 =	vmul.f32 v40, v63;
	v63 =	vld [tilespmem:$0x1FFB0]  }
0x2d1: {  	v54 =	vmul.f32 v39, v39;
	v50 =	vld.idx.msk [tilespmem:v49+s19+$0x0], $0xffff  }
0x2d2: {  	v35 =	vadd.f32 v62, v35;
	v41 =	vadd.s32 v56, v51;
	v37 =	vsub.f32 v37, v45;
	v45 =	vld.idx.msk [tilespmem:v49+s20+$0x0], $0xffff  }
0x2d3: {  	v49 =	vld.idx.msk [tilespmem:v59+s19+$0x0], $0xffff  }
0x2d4: {  	v57 =	vmul.f32 v46, v46;
	v35 =	vadd.f32 v54, v35;
	v54 =	vld [tilespmem:$0x1FF50]  }
0x2d5: {  	v38 =	vsub.f32 v38, v42;
	v46 =	vadd.s32 v58, v51;
	v42 =	vld.idx.msk [tilespmem:v59+s20+$0x0], $0xffff  }
0x2d6: {  	v39 =	vsub.f32 $1.500000000e+00, v55;
	v35 =	vadd.f32 v57, v35;
	v57 =	vld [tilespmem:$0x1FF60]  }
0x2d7: {  	v47 =	vld.idx.msk [tilespmem:v41+s19+$0x0], $0xffff  }
0x2d8: {  	s8 =	simm.s32 $0x810;
	v59 =	vmul.f32 v37, v37;
	v37 =	vmul.f32 v40, v39;
	v41 =	vld.idx.msk [tilespmem:v41+s20+$0x0], $0xffff  }
0x2d9: {  	v39 =	vadd.s32 v54, v51;
	v54 =	vld [tilespmem:s8+$0x0]  }
0x2da: {  	v40 =	vadd.f32 v59, v35;
	v56 =	vmul.f32 v37, v43;
	v59 =	vld.idx.msk [tilespmem:v46+s19+$0x0], $0xffff  }
0x2db: {  	v55 =	vmul.f32 v38, v38;
	v46 =	vld.idx.msk [tilespmem:v46+s20+$0x0], $0xffff  }
0x2dc: {  	v44 =	vadd.s32 v44, v51;
	v38 =	vmul.f32 v56, v37;
	v56 =	vld [tilespmem:$0x1FF80]  }
0x2dd: {  	v45 =	vsub.f32 v50, v45;
	v36 =	vadd.f32 v55, v40;
	v58 =	vadd.s32 v57, v51;
	v57 =	vld [tilespmem:$0x1FF90]  }
0x2de: {  	v41 =	vsub.f32 v47, v41;
	v47 =	vld [tilespmem:$0x1FFC0]  }
0x2df: {  	v42 =	vsub.f32 v49, v42;
	v55 =	vmul.f32 v45, v45;
	v36 =	vadd.f32 v33, v36;
	v49 =	vld.idx.msk [tilespmem:v39+s19+$0x0], $0xffff  }
0x2e0: {  	v39 =	vld.idx.msk [tilespmem:v39+s20+$0x0], $0xffff  }
0x2e1: {  	v36 =	vadd.f32 v55, v36;
	v55 =	vld.idx.msk [tilespmem:v44+s19+$0x0], $0xffff  }
0x2e2: {  	v38 =	vsub.f32 $1.500000000e+00, v38;
	v44 =	vld.idx.msk [tilespmem:v44+s20+$0x0], $0xffff;
	v45 =	vadd.s32 v56, v51  }
0x2e3: {  	v40 =	vld.idx.msk [tilespmem:v58+s19+$0x0], $0xffff  }
0x2e4: {  	v42 =	vmul.f32 v42, v42;
	v37 =	vmul.f32 v38, v37;
	v38 =	vadd.s32 v57, v51;
	v35 =	vld.idx.msk [tilespmem:v58+s20+$0x0], $0xffff  }
0x2e5: {  	v58 =	vsub.f32 v59, v46;
	v59 =	vld [tilespmem:$0x1FFA0]  }
0x2e6: {  	v33 =	vmov v63;
	v36 =	vadd.f32 v42, v36;
	v42 =	vadd.s32 v63, v51;
	v63 =	vld [tilespmem:$0x1FFD0]  }
0x2e7: {  	v41 =	vmul.f32 v41, v41;
	v50 =	vld.idx.msk [tilespmem:v45+s19+$0x0], $0xffff  }
0x2e8: {  	v43 =	vmul.f32 v37, v43;
	v45 =	vld.idx.msk [tilespmem:v45+s20+$0x0], $0xffff  }
0x2e9: {  	v36 =	vadd.f32 v41, v36;
	v41 =	vadd.s32 v47, v51;
	v39 =	vsub.f32 v49, v39;
	v49 =	vld.idx.msk [tilespmem:v38+s19+$0x0], $0xffff  }
0x2ea: {  	v60 =	vmul.f32 v58, v58;
	v56 =	vmov v47;
	v47 =	vld.idx.msk [tilespmem:v38+s20+$0x0], $0xffff  }
0x2eb: {  	v43 =	vmul.f32 v43, v37;
	v44 =	vsub.f32 v55, v44;
	v46 =	vadd.s32 v59, v51;
	v55 =	vld.idx.msk [tilespmem:v42+s19+$0x0], $0xffff  }
0x2ec: {  	v36 =	vadd.f32 v60, v36;
	v39 =	vmul.f32 v39, v39;
	v35 =	vsub.f32 v40, v35;
	v40 =	vld [tilespmem:$0x1FFE0]  }
0x2ed: {  	v60 =	vsub.f32 $1.500000000e+00, v43;
	v42 =	vld.idx.msk [tilespmem:v42+s20+$0x0], $0xffff  }
0x2ee: {  	vm0 =	vgt.f32 v52, $1.000000000e-30;
	v62 =	vmovc v59;
	v36 =	vadd.f32 v39, v36;
	v39 =	vadd.s32 v63, v51;
	v52 =	vld.idx.msk [tilespmem:v41+s19+$0x0], $0xffff  }
0x2ef: {  	v37 =	vmul.f32 v60, v37;
	v35 =	vmul.f32 v35, v35;
	v59 =	vsub.f32 v50, v45;
	v50 =	vld.idx.msk [tilespmem:v41+s20+$0x0], $0xffff  }
0x2f0: {  	v43 =	vld.idx.msk [tilespmem:v46+s19+$0x0], $0xffff  }
0x2f1: {  	v37 =	vmul.f32 v37, v53;
	v35 =	vadd.f32 v35, v36;
	v36 =	vmul.f32 v44, v44;
	v46 =	vld.idx.msk [tilespmem:v46+s20+$0x0], $0xffff  }
0x2f2: {  	v45 =	vadd.s32 v34, v51;
	v49 =	vsub.f32 v49, v47;
	v47 =	vld [tilespmem:$0x1FF10]  }
0x2f3: {  	v37 =	vnsel vm0, $0x0, v37;
	v35 =	vadd.f32 v36, v35;
	v36 =	vld.idx.msk [tilespmem:v39+s19+$0x0], $0xffff  }
0x2f4: {  	v38 =	vadd.s32 v40, v51;
	v44 =	vmul.f32 v59, v59;
	v54 =	vmul.f32 v37, v54;
	v39 =	vld.idx.msk [tilespmem:v39+s20+$0x0], $0xffff  }
0x2f5: {  	v53 =	vmul.f32 v49, v49;
	v49 =	vld [tilespmem:$0x1FF20]  }
0x2f6: {  	v35 =	vadd.f32 v44, v35;
	v48 =	vadd.f32 v54, v48;
	v54 =	vld [tilespmem:$0x1FF00]  }
0x2f7: {  	v61 =	vmov v57;
	v57 =	vmov v63;
	v60 =	vsub.f32 v55, v42;
	v42 =	vld.idx.msk [tilespmem:v45+s20+$0x0], $0xffff  }
0x2f8: {  	s26 =	simm.s32 $0x20;
	v63 =	vmovc v34;
	v58 =	vmovc v40;
	v34 =	vmov v47;
	v47 =	vadd.s32 v47, v51;
	v40 =	vadd.f32 v53, v35;
	v53 =	vld [tilespmem:$0x1FEF0]  }
0x2f9: {  	v59 =	vmov s26;
	v43 =	vsub.f32 v43, v46;
	v37 =	vld.idx.msk [tilespmem:v38+s19+$0x0], $0xffff  }
0x2fa: {  	v46 =	vshll.u32 v59, $0x5;
	v41 =	vld.idx.msk [tilespmem:v38+s20+$0x0], $0xffff  }
0x2fb: {  	v44 =	vsub.f32 v52, v50;
	v38 =	vld.idx.msk [tilespmem:v45+s19+$0x0], $0xffff;
	v35 =	vor.u32 v1, v46;
	v43 =	vmul.f32 v43, v43  }
0x2fc: {  	v45 =	vmul.f32 v60, v60;
	v55 =	vmovc v49;
	v49 =	vadd.s32 v49, v51;
	v50 =	vadd.s32 v54, v35  }
0x2fd: {  	s26 =	simm.s32 $0x30;
	v60 =	vmovc v54;
	v43 =	vadd.f32 v43, v40;
	v59 =	vmov v53;
	v46 =	vadd.s32 v53, v35;
	v40 =	vld.idx.msk [tilespmem:v47+s19+$0x0], $0xffff  }
.LBB2_6:
0x2fe: {  	_ =	sdelay $0x1  }
0x2ff: {  	v53 =	vld [tilespmem:$0x1FDA0]  }
0x300: {  	v54 =	vld [tilespmem:$0x1FDC0]  }
0x301: {  	v51 =	vld.idx.msk [tilespmem:v50+s19+$0x0], $0xffff  }
0x302: {  	v52 =	vld [tilespmem:$0x1FDE0]  }
0x303: {  	v43 =	vadd.f32 v45, v43;
	v44 =	vmul.f32 v44, v44;
	v36 =	vsub.f32 v36, v39;
	v39 =	vld.idx.msk [tilespmem:v47+s20+$0x0], $0xffff  }
0x304: {  	v47 =	vld.idx.msk [tilespmem:v49+s19+$0x0], $0xffff;
	v45 =	vadd.s32 v53, v35  }
0x305: {  	v43 =	vadd.f32 v44, v43;
	v44 =	vld.idx.msk [tilespmem:v46+s19+$0x0], $0xffff;
	v37 =	vsub.f32 v37, v41;
	v36 =	vmul.f32 v36, v36  }
0x306: {  	v41 =	vld.idx.msk [tilespmem:v49+s20+$0x0], $0xffff;
	v38 =	vsub.f32 v38, v42  }
0x307: {  	v37 =	vmul.f32 v37, v37;
	v36 =	vadd.f32 v36, v43;
	v43 =	vadd.s32 v52, v35;
	v52 =	vld [tilespmem:$0x1FE10]  }
0x308: {  	v42 =	vld.idx.msk [tilespmem:v50+s20+$0x0], $0xffff;
	v49 =	vadd.s32 v54, v35  }
0x309: {  	v53 =	vmul.f32 v38, v38;
	v36 =	vadd.f32 v37, v36;
	v50 =	vld.idx.msk [tilespmem:v45+s19+$0x0], $0xffff  }
0x30a: {  	v54 =	vsub.f32 v40, v39;
	v39 =	vld.idx.msk [tilespmem:v45+s20+$0x0], $0xffff  }
0x30b: {  	v45 =	vld.idx.msk [tilespmem:v46+s20+$0x0], $0xffff;
	v36 =	vadd.f32 v53, v36  }
0x30c: {  	v53 =	vmul.f32 v54, v54;
	v54 =	vsub.f32 v47, v41;
	v40 =	vadd.s32 v52, v35;
	v52 =	vld [tilespmem:$0x1FE20]  }
0x30d: {  	v46 =	vld.idx.msk [tilespmem:v49+s20+$0x0], $0xffff  }
0x30e: {  	v36 =	vadd.f32 v53, v36;
	v53 =	vmul.f32 v54, v54;
	v54 =	vld [tilespmem:$0x1FE40]  }
0x30f: {  	v41 =	vld.idx.msk [tilespmem:v49+s19+$0x0], $0xffff  }
0x310: {  	v38 =	vld.idx.msk [tilespmem:v43+s19+$0x0], $0xffff  }
0x311: {  	v36 =	vadd.f32 v53, v36;
	v53 =	vld [tilespmem:$0x1FE50];
	v47 =	vadd.s32 v52, v35  }
0x312: {  	v43 =	vld.idx.msk [tilespmem:v43+s20+$0x0], $0xffff  }
0x313: {  	v42 =	vsub.f32 v51, v42;
	v52 =	vsub.f32 v50, v39;
	v39 =	vld.idx.msk [tilespmem:v40+s19+$0x0], $0xffff;
	v49 =	vadd.s32 v54, v35  }
0x314: {  	v40 =	vld.idx.msk [tilespmem:v40+s20+$0x0], $0xffff  }
0x315: {  	v42 =	vmul.f32 v42, v42;
	v54 =	vld [tilespmem:$0x1FE70]  }
0x316: {  	v44 =	vsub.f32 v44, v45;
	v37 =	vmul.f32 v52, v52;
	v50 =	vadd.s32 v53, v35;
	v51 =	vld.idx.msk [tilespmem:v47+s19+$0x0], $0xffff  }
0x317: {  	v41 =	vsub.f32 v41, v46;
	v46 =	vld.idx.msk [tilespmem:v47+s20+$0x0], $0xffff  }
0x318: {  	v37 =	vadd.f32 v37, v42;
	v42 =	vmul.f32 v44, v44;
	v44 =	vld.idx.msk [tilespmem:v49+s19+$0x0], $0xffff  }
0x319: {  	v38 =	vsub.f32 v38, v43;
	v43 =	vld.idx.msk [tilespmem:v49+s20+$0x0], $0xffff  }
0x31a: {  	v49 =	vld [tilespmem:$0x1FE80]  }
0x31b: {  	v45 =	vmax.f32 v36, $1.000000000e-30;
	v37 =	vadd.f32 v42, v37;
	v42 =	vld.idx.msk [tilespmem:v50+s19+$0x0], $0xffff  }
0x31c: {  	v52 =	vshrl.u32 v45, $0x1;
	v53 =	vmul.f32 $5.000000000e-01, v45;
	v39 =	vsub.f32 v39, v40;
	v40 =	vld.idx.msk [tilespmem:v50+s20+$0x0], $0xffff  }
0x31d: {  	v52 =	vsub.s32 $0x5F3759DF, v52;
	v47 =	vadd.s32 v54, v35;
	v50 =	vld [tilespmem:$0x1FE90]  }
0x31e: {  	v54 =	vmul.f32 v52, v53;
	_ =	sdelay $0x1  }
0x31f: {  	v41 =	vmul.f32 v41, v41;
	v54 =	vmul.f32 v52, v54;
	v49 =	vadd.s32 v49, v35  }
0x320: {  	v46 =	vsub.f32 v51, v46;
	v51 =	vld [tilespmem:$0x1FEA0]  }
0x321: {  	v37 =	vadd.f32 v41, v37;
	v54 =	vsub.f32 $1.500000000e+00, v54;
	v41 =	vld.idx.msk [tilespmem:v47+s19+$0x0], $0xffff;
	v50 =	vadd.s32 v50, v35  }
0x322: {  	v38 =	vmul.f32 v38, v38;
	v47 =	vld.idx.msk [tilespmem:v47+s20+$0x0], $0xffff  }
0x323: {  	v52 =	vmul.f32 v52, v54;
	v54 =	vld [tilespmem:$0x1FEB0]  }
0x324: {  	v37 =	vadd.f32 v38, v37;
	v38 =	vmul.f32 v39, v39;
	v39 =	vld.idx.msk [tilespmem:v49+s19+$0x0], $0xffff  }
0x325: {  	v43 =	vsub.f32 v44, v43;
	v51 =	vadd.s32 v51, v35;
	v44 =	vld.idx.msk [tilespmem:v49+s20+$0x0], $0xffff  }
0x326: {  	v37 =	vadd.f32 v38, v37;
	v38 =	vmul.f32 v46, v46;
	v46 =	vld.idx.msk [tilespmem:v50+s19+$0x0], $0xffff  }
0x327: {  	v40 =	vsub.f32 v42, v40;
	v42 =	vld.idx.msk [tilespmem:v50+s20+$0x0], $0xffff  }
0x328: {  	v49 =	vadd.s32 v54, v35;
	v50 =	vld [tilespmem:$0x1FEC0]  }
0x329: {  	v54 =	vmul.f32 v52, v53  }
0x32a: {  	v37 =	vadd.f32 v38, v37;
	v38 =	vmul.f32 v43, v43;
	v43 =	vld.idx.msk [tilespmem:v51+s19+$0x0], $0xffff  }
0x32b: {  	v41 =	vsub.f32 v41, v47;
	v54 =	vmul.f32 v54, v52;
	v47 =	vld.idx.msk [tilespmem:v51+s20+$0x0], $0xffff  }
0x32c: {  	v37 =	vadd.f32 v38, v37;
	v51 =	vld [tilespmem:$0x1FED0]  }
0x32d: {  	v38 =	vmul.f32 v40, v40;
	v54 =	vsub.f32 $1.500000000e+00, v54;
	v40 =	vld.idx.msk [tilespmem:v49+s19+$0x0], $0xffff;
	v50 =	vadd.s32 v50, v35  }
0x32e: {  	v39 =	vsub.f32 v39, v44;
	v44 =	vld.idx.msk [tilespmem:v49+s20+$0x0], $0xffff  }
0x32f: {  	v37 =	vadd.f32 v38, v37;
	v38 =	vmul.f32 v41, v41;
	v52 =	vmul.f32 v54, v52;
	v54 =	vld [tilespmem:$0x1FF30]  }
0x330: {  	v49 =	vld [tilespmem:$0x1FEE0]  }
0x331: {  	v37 =	vadd.f32 v38, v37;
	v38 =	vmul.f32 v39, v39;
	v51 =	vadd.s32 v51, v35  }
0x332: {  	v42 =	vsub.f32 v46, v42;
	v53 =	vmul.f32 v52, v53;
	v41 =	vld.idx.msk [tilespmem:v50+s19+$0x0], $0xffff  }
0x333: {  	v43 =	vsub.f32 v43, v47;
	v37 =	vadd.f32 v38, v37;
	v46 =	vld.idx.msk [tilespmem:v50+s20+$0x0], $0xffff  }
0x334: {  	v38 =	vmul.f32 v42, v42;
	v53 =	vmul.f32 v53, v52;
	v50 =	vadd.s32 v54, v35;
	v54 =	vld [tilespmem:$0x1FF40]  }
0x335: {  	v49 =	vadd.s32 v49, v35  }
0x336: {  	v37 =	vadd.f32 v38, v37;
	v38 =	vmul.f32 v43, v43;
	v43 =	vsub.f32 $1.500000000e+00, v53;
	v39 =	vld.idx.msk [tilespmem:v51+s19+$0x0], $0xffff  }
0x337: {  	v47 =	vld.idx.msk [tilespmem:v51+s20+$0x0], $0xffff  }
0x338: {  	v43 =	vmul.f32 v43, v52;
	v52 =	vld [tilespmem:$0x1FF70]  }
0x339: {  	v51 =	vadd.s32 v54, v35;
	v54 =	vld [tilespmem:$0x1FF50]  }
0x33a: {  	v42 =	vld.idx.msk [tilespmem:v49+s19+$0x0], $0xffff  }
0x33b: {  	v40 =	vsub.f32 v40, v44;
	v44 =	vld.idx.msk [tilespmem:v49+s20+$0x0], $0xffff  }
0x33c: {  	v41 =	vsub.f32 v41, v46;
	v46 =	vld.idx.msk [tilespmem:v50+s19+$0x0], $0xffff  }
0x33d: {  	v37 =	vadd.f32 v38, v37;
	v38 =	vmul.f32 v40, v40;
	v40 =	vld.idx.msk [tilespmem:v50+s20+$0x0], $0xffff  }
0x33e: {  	v49 =	vadd.s32 v54, v35;
	v54 =	vld [tilespmem:$0x1FF60]  }
0x33f: {  	v39 =	vsub.f32 v39, v47;
	v47 =	vld.idx.msk [tilespmem:v51+s19+$0x0], $0xffff  }
0x340: {  	v50 =	vadd.s32 v52, v35;
	v52 =	vmul.f32 v41, v41;
	v41 =	vld.idx.msk [tilespmem:v51+s20+$0x0], $0xffff  }
0x341: {  	v51 =	vld [tilespmem:$0x1FF80];
	_ =	sdelay $0x1  }
0x342: {  	s8 =	sadd.s32 $0x10, s8  }
0x343: {  	v53 =	vld [tilespmem:s8+$0x0];
	v54 =	vadd.s32 v54, v35  }
0x344: {  	v37 =	vadd.f32 v38, v37  }
0x345: {  	v43 =	vmul.f32 v43, v45;
	v40 =	vsub.f32 v46, v40;
	v46 =	vld.idx.msk [tilespmem:v50+s19+$0x0], $0xffff;
	v45 =	vadd.s32 v51, v35  }
0x346: {  	vm0 =	vgt.f32 v36, $1.000000000e-30;
	v42 =	vsub.f32 v42, v44;
	v44 =	vld.idx.msk [tilespmem:v49+s19+$0x0], $0xffff  }
0x347: {  	v36 =	vadd.f32 v52, v37;
	v37 =	vmul.f32 v39, v39;
	v52 =	vnsel vm0, $0x0, v43;
	v38 =	vld.idx.msk [tilespmem:v49+s20+$0x0], $0xffff  }
0x348: {  	v39 =	vmul.f32 v52, v53;
	v43 =	vld.idx.msk [tilespmem:v54+s19+$0x0], $0xffff  }
0x349: {  	v36 =	vadd.f32 v37, v36;
	v37 =	vmul.f32 v42, v42;
	v49 =	vadd.s32 v61, v35;
	v42 =	vld.idx.msk [tilespmem:v54+s20+$0x0], $0xffff  }
0x34a: {  	v53 =	vmul.f32 v40, v40;
	v54 =	vsub.f32 v47, v41;
	v41 =	vld.idx.msk [tilespmem:v45+s19+$0x0], $0xffff  }
0x34b: {  	v48 =	vadd.f32 v39, v48;
	v36 =	vadd.f32 v37, v36;
	v51 =	vadd.s32 v62, v35;
	v39 =	vld.idx.msk [tilespmem:v45+s20+$0x0], $0xffff  }
0x34c: {  	v40 =	vld.idx.msk [tilespmem:v50+s20+$0x0], $0xffff;
	v47 =	vadd.s32 v33, v35  }
0x34d: {  	v36 =	vadd.f32 v53, v36;
	v38 =	vsub.f32 v44, v38;
	v50 =	vmul.f32 v54, v54  }
0x34e: {  	v44 =	vld.idx.msk [tilespmem:v49+s19+$0x0], $0xffff;
	v45 =	vadd.s32 v56, v35  }
0x34f: {  	v52 =	vmul.f32 v38, v38;
	v36 =	vadd.f32 v50, v36;
	v53 =	vsub.f32 v43, v42;
	v42 =	vld.idx.msk [tilespmem:v49+s20+$0x0], $0xffff  }
0x350: {  	v43 =	vld.idx.msk [tilespmem:v51+s19+$0x0], $0xffff;
	v49 =	vadd.s32 v57, v35;
	v38 =	vsub.f32 v41, v39  }
0x351: {  	v41 =	vld.idx.msk [tilespmem:v47+s20+$0x0], $0xffff;
	v36 =	vadd.f32 v52, v36;
	v52 =	vsub.f32 v46, v40;
	v54 =	vmul.f32 v53, v53  }
0x352: {  	v40 =	vld.idx.msk [tilespmem:v51+s20+$0x0], $0xffff  }
0x353: {  	v50 =	vadd.s32 v58, v35;
	v46 =	vld.idx.msk [tilespmem:v47+s19+$0x0], $0xffff;
	v37 =	vmul.f32 v52, v52;
	v36 =	vadd.f32 v54, v36  }
0x354: {  	v39 =	vmov s26;
	v51 =	vld.idx.msk [tilespmem:v45+s19+$0x0], $0xffff;
	v38 =	vmul.f32 v38, v38  }
0x355: {  	v52 =	vadd.s32 v63, v35;
	v42 =	vsub.f32 v44, v42;
	v44 =	vld.idx.msk [tilespmem:v45+s20+$0x0], $0xffff;
	v37 =	vadd.f32 v37, v36  }
0x356: {  	v47 =	vadd.s32 v34, v35;
	v53 =	vshll.u32 v39, $0x5;
	v39 =	vld.idx.msk [tilespmem:v49+s20+$0x0], $0xffff  }
0x357: {  	p0 =	sne.s32 s26, $0x180;
	v36 =	vld.idx.msk [tilespmem:v49+s19+$0x0], $0xffff;
	v40 =	vsub.f32 v43, v40;
	v42 =	vmul.f32 v42, v42;
	v38 =	vadd.f32 v38, v37  }
.Ltmp2:
0x358: {  	v54 =	vsub.f32 v46, v41;
	v41 =	vld.idx.msk [tilespmem:v50+s20+$0x0], $0xffff;
	(pc) =	sbr.rel @p0 .LBB2_6-.Ltmp2, $4  }
0x359: {  	v37 =	vld.idx.msk [tilespmem:v50+s19+$0x0], $0xffff;
	v40 =	vmul.f32 v40, v40;
	v42 =	vadd.f32 v42, v38  }
0x35a: {  	v49 =	vadd.s32 v55, v35;
	v35 =	vor.u32 v1, v53;
	v38 =	vld.idx.msk [tilespmem:v52+s19+$0x0], $0xffff  }
0x35b: {  	v46 =	vadd.s32 v59, v35;
	v43 =	vadd.f32 v40, v42;
	v42 =	vld.idx.msk [tilespmem:v52+s20+$0x0], $0xffff  }
0x35c: {  	s26 =	sadd.s32 $0x10, s26;
	v45 =	vmul.f32 v54, v54;
	v50 =	vadd.s32 v60, v35;
	v44 =	vsub.f32 v51, v44;
	v40 =	vld.idx.msk [tilespmem:v47+s19+$0x0], $0xffff  }
0x35d: {  	v53 =	vld [tilespmem:$0x1FDA0];
	_ =	sdelay $0x3  }
0x35e: {  	v59 =	vld.idx.msk [tilespmem:v46+s19+$0x0], $0xffff  }
0x35f: {  	v60 =	vld [tilespmem:$0x1FDC0];
	v51 =	vadd.s32 v53, v35  }
0x360: {  	v54 =	vld.idx.msk [tilespmem:v49+s19+$0x0], $0xffff;
	_ =	sdelay $0x1  }
0x361: {  	v52 =	vld.idx.msk [tilespmem:v47+s20+$0x0], $0xffff  }
0x362: {  	[tilespmem:$0x1F900] =	vst v59;
	v59 =	vld [tilespmem:$0x1FDE0]  }
0x363: {  	v53 =	vadd.s32 v60, v35;
	v60 =	vld.idx.msk [tilespmem:v51+s19+$0x0], $0xffff  }
0x364: {  	[tilespmem:$0x1F8C0] =	vst v54;
	v54 =	vld.idx.msk [tilespmem:v49+s20+$0x0], $0xffff  }
0x365: {  	v49 =	vld.idx.msk [tilespmem:v50+s19+$0x0], $0xffff  }
0x366: {  	v50 =	vld.idx.msk [tilespmem:v50+s20+$0x0], $0xffff  }
0x367: {  	v47 =	vadd.s32 v59, v35;
	v59 =	vld [tilespmem:$0x1FE10]  }
0x368: {  	[tilespmem:$0x1F8F0] =	vst v60;
	v60 =	vld.idx.msk [tilespmem:v46+s20+$0x0], $0xffff;
	_ =	sdelay $0x3  }
0x369: {  	[tilespmem:$0x1F8E0] =	vst v50;
	v50 =	vadd.s32 v59, v35;
	v59 =	vld [tilespmem:$0x1FE20]  }
0x36a: {  	[tilespmem:$0x1F910] =	vst v60;
	v60 =	vld.idx.msk [tilespmem:v47+s19+$0x0], $0xffff;
	_ =	sdelay $0x2  }
0x36b: {  	v47 =	vld.idx.msk [tilespmem:v47+s20+$0x0], $0xffff  }
0x36c: {  	v46 =	vadd.s32 v59, v35;
	v59 =	vld [tilespmem:$0x1FE40]  }
0x36d: {  	[tilespmem:$0x1F930] =	vst v60;
	v60 =	vld.idx.msk [tilespmem:v50+s19+$0x0], $0xffff;
	_ =	sdelay $0x1  }
0x36e: {  	[tilespmem:$0x1F8D0] =	vst v49;
	v49 =	vld.idx.msk [tilespmem:v53+s19+$0x0], $0xffff  }
0x36f: {  	v50 =	vld.idx.msk [tilespmem:v50+s20+$0x0], $0xffff  }
0x370: {  	[tilespmem:$0x1F940] =	vst v47;
	v47 =	vadd.s32 v59, v35;
	v59 =	vld [tilespmem:$0x1FE50]  }
0x371: {  	[tilespmem:$0x1F950] =	vst v60;
	v60 =	vld.idx.msk [tilespmem:v46+s19+$0x0], $0xffff;
	_ =	sdelay $0x2  }
0x372: {  	[tilespmem:$0x1F960] =	vst v50;
	v50 =	vld [tilespmem:$0x1FE70]  }
0x373: {  	[tilespmem:$0x1F920] =	vst v49;
	v49 =	vadd.s32 v59, v35;
	v59 =	vld.idx.msk [tilespmem:v47+s19+$0x0], $0xffff  }
0x374: {  	[tilespmem:$0x1F970] =	vst v60;
	v60 =	vld.idx.msk [tilespmem:v47+s20+$0x0], $0xffff;
	_ =	sdelay $0x2  }
0x375: {  	v46 =	vld.idx.msk [tilespmem:v46+s20+$0x0], $0xffff  }
0x376: {  	[tilespmem:$0x1F990] =	vst v59;
	v59 =	vld [tilespmem:$0x1FE80]  }
0x377: {  	v50 =	vadd.s32 v50, v35;
	[tilespmem:$0x1F9A0] =	vst v60;
	v60 =	vld.idx.msk [tilespmem:v49+s19+$0x0], $0xffff;
	_ =	sdelay $0x2  }
0x378: {  	v49 =	vld.idx.msk [tilespmem:v49+s20+$0x0], $0xffff  }
0x379: {  	[tilespmem:$0x1F980] =	vst v46;
	v46 =	vadd.s32 v59, v35;
	v59 =	vld [tilespmem:$0x1FE90]  }
0x37a: {  	[tilespmem:$0x1F9B0] =	vst v60;
	v60 =	vld.idx.msk [tilespmem:v50+s19+$0x0], $0xffff;
	_ =	sdelay $0x3  }
0x37b: {  	[tilespmem:$0x1F9C0] =	vst v49;
	v49 =	vadd.s32 v59, v35;
	v59 =	vld [tilespmem:$0x1FEA0]  }
0x37c: {  	[tilespmem:$0x1F9D0] =	vst v60;
	v60 =	vld.idx.msk [tilespmem:v46+s19+$0x0], $0xffff;
	_ =	sdelay $0x2  }
0x37d: {  	v50 =	vld.idx.msk [tilespmem:v50+s20+$0x0], $0xffff  }
0x37e: {  	v47 =	vadd.s32 v59, v35;
	v59 =	vld [tilespmem:$0x1FEB0]  }
0x37f: {  	[tilespmem:$0x1F9F0] =	vst v60;
	v60 =	vld.idx.msk [tilespmem:v49+s19+$0x0], $0xffff;
	_ =	sdelay $0x2  }
0x380: {  	v46 =	vld.idx.msk [tilespmem:v46+s20+$0x0], $0xffff  }
0x381: {  	[tilespmem:$0x1F9E0] =	vst v50;
	v50 =	vadd.s32 v59, v35;
	v59 =	vld [tilespmem:$0x1FEC0]  }
0x382: {  	[tilespmem:$0x1FA10] =	vst v60;
	v60 =	vld.idx.msk [tilespmem:v47+s19+$0x0], $0xffff;
	_ =	sdelay $0x2  }
0x383: {  	v49 =	vld.idx.msk [tilespmem:v49+s20+$0x0], $0xffff  }
0x384: {  	[tilespmem:$0x1FA00] =	vst v46;
	v46 =	vadd.s32 v59, v35;
	v59 =	vld [tilespmem:$0x1FED0]  }
0x385: {  	[tilespmem:$0x1FA30] =	vst v60;
	v60 =	vld.idx.msk [tilespmem:v50+s19+$0x0], $0xffff;
	_ =	sdelay $0x2  }
0x386: {  	v47 =	vld.idx.msk [tilespmem:v47+s20+$0x0], $0xffff  }
0x387: {  	[tilespmem:$0x1FA20] =	vst v49;
	v49 =	vadd.s32 v59, v35;
	v59 =	vld [tilespmem:$0x1FEE0]  }
0x388: {  	[tilespmem:$0x1FA50] =	vst v60;
	v60 =	vld.idx.msk [tilespmem:v46+s19+$0x0], $0xffff;
	_ =	sdelay $0x2  }
0x389: {  	v46 =	vld.idx.msk [tilespmem:v46+s20+$0x0], $0xffff  }
0x38a: {  	[tilespmem:$0x1FA40] =	vst v47;
	v47 =	vadd.s32 v59, v35;
	v59 =	vld [tilespmem:$0x1FF30]  }
0x38b: {  	[tilespmem:$0x1FA70] =	vst v60;
	v60 =	vld.idx.msk [tilespmem:v49+s19+$0x0], $0xffff;
	_ =	sdelay $0x2  }
0x38c: {  	v50 =	vld.idx.msk [tilespmem:v50+s20+$0x0], $0xffff  }
0x38d: {  	[tilespmem:$0x1FA80] =	vst v46;
	v46 =	vadd.s32 v59, v35;
	v59 =	vld [tilespmem:$0x1FF40]  }
0x38e: {  	[tilespmem:$0x1FA90] =	vst v60;
	v60 =	vld.idx.msk [tilespmem:v47+s19+$0x0], $0xffff;
	_ =	sdelay $0x2  }
0x38f: {  	v47 =	vld.idx.msk [tilespmem:v47+s20+$0x0], $0xffff  }
0x390: {  	[tilespmem:$0x1FA60] =	vst v50;
	v50 =	vadd.s32 v59, v35;
	v59 =	vld [tilespmem:$0x1FF50]  }
0x391: {  	[tilespmem:$0x1FAB0] =	vst v60;
	v60 =	vld.idx.msk [tilespmem:v46+s19+$0x0], $0xffff;
	_ =	sdelay $0x2  }
0x392: {  	v49 =	vld.idx.msk [tilespmem:v49+s20+$0x0], $0xffff  }
0x393: {  	[tilespmem:$0x1FAC0] =	vst v47;
	v47 =	vadd.s32 v59, v35;
	v59 =	vld [tilespmem:$0x1FF60]  }
0x394: {  	[tilespmem:$0x1FAD0] =	vst v60;
	v60 =	vld.idx.msk [tilespmem:v50+s19+$0x0], $0xffff;
	_ =	sdelay $0x2  }
0x395: {  	v46 =	vld.idx.msk [tilespmem:v46+s20+$0x0], $0xffff  }
0x396: {  	[tilespmem:$0x1FAA0] =	vst v49;
	v49 =	vadd.s32 v59, v35;
	v59 =	vld [tilespmem:$0x1FF70]  }
0x397: {  	[tilespmem:$0x1FAF0] =	vst v60;
	v60 =	vld.idx.msk [tilespmem:v47+s19+$0x0], $0xffff;
	_ =	sdelay $0x2  }
0x398: {  	v50 =	vld.idx.msk [tilespmem:v50+s20+$0x0], $0xffff  }
0x399: {  	[tilespmem:$0x1FAE0] =	vst v46;
	v46 =	vadd.s32 v59, v35;
	v59 =	vld [tilespmem:$0x1FF80]  }
0x39a: {  	[tilespmem:$0x1FB10] =	vst v60;
	v60 =	vld.idx.msk [tilespmem:v49+s19+$0x0], $0xffff;
	_ =	sdelay $0x3  }
0x39b: {  	[tilespmem:$0x1FB00] =	vst v50;
	v47 =	vld.idx.msk [tilespmem:v47+s20+$0x0], $0xffff;
	v50 =	vadd.s32 v59, v35  }
0x39c: {  	[tilespmem:$0x1FB30] =	vst v60;
	v60 =	vld.idx.msk [tilespmem:v46+s19+$0x0], $0xffff  }
0x39d: {  	v61 =	vadd.s32 v61, v35;
	v46 =	vld.idx.msk [tilespmem:v46+s20+$0x0], $0xffff  }
0x39e: {  	v59 =	vld.idx.msk [tilespmem:v49+s20+$0x0], $0xffff;
	_ =	sdelay $0x1  }
0x39f: {  	v62 =	vadd.s32 v62, v35;
	v49 =	vld.idx.msk [tilespmem:v50+s19+$0x0], $0xffff  }
0x3a0: {  	[tilespmem:$0x1FB20] =	vst v47;
	v50 =	vld.idx.msk [tilespmem:v50+s20+$0x0], $0xffff  }
0x3a1: {  	[tilespmem:$0x1FB60] =	vst v46;
	v46 =	vld.idx.msk [tilespmem:v61+s20+$0x0], $0xffff  }
0x3a2: {  	[tilespmem:$0x1FB40] =	vst v59  }
0x3a3: {  	[tilespmem:$0x1FB50] =	vst v60;
	v60 =	vadd.s32 v33, v35  }
0x3a4: {  	v47 =	vld.idx.msk [tilespmem:v62+s19+$0x0], $0xffff;
	[tilespmem:$0x1FB70] =	vst v49  }
0x3a5: {  	v59 =	vld.idx.msk [tilespmem:v61+s19+$0x0], $0xffff;
	[tilespmem:$0x1FB80] =	vst v50;
	v50 =	vadd.s32 v57, v35  }
0x3a6: {  	v49 =	vld.idx.msk [tilespmem:v62+s20+$0x0], $0xffff;
	[tilespmem:$0x1FBA0] =	vst v46;
	v46 =	vadd.s32 v56, v35;
	_ =	sdelay $0x1  }
0x3a7: {  	v56 =	vld.idx.msk [tilespmem:v60+s19+$0x0], $0xffff  }
0x3a8: {  	v58 =	vadd.s32 v58, v35;
	[tilespmem:$0x1FBB0] =	vst v47;
	v57 =	vld.idx.msk [tilespmem:v60+s20+$0x0], $0xffff  }
0x3a9: {  	[tilespmem:$0x1FB90] =	vst v59;
	v47 =	vld.idx.msk [tilespmem:v50+s20+$0x0], $0xffff  }
0x3aa: {  	[tilespmem:$0x1FBC0] =	vst v49;
	v49 =	vadd.s32 v34, v35;
	v59 =	vld.idx.msk [tilespmem:v46+s19+$0x0], $0xffff  }
0x3ab: {  	v62 =	vld.idx.msk [tilespmem:v46+s20+$0x0], $0xffff  }
0x3ac: {  	[tilespmem:$0x1FBD0] =	vst v56;
	v46 =	vadd.s32 v63, v35;
	v63 =	vld.idx.msk [tilespmem:v50+s19+$0x0], $0xffff  }
0x3ad: {  	v55 =	vadd.s32 v55, v35;
	[tilespmem:$0x1FBE0] =	vst v57;
	v50 =	vld.idx.msk [tilespmem:v58+s19+$0x0], $0xffff  }
0x3ae: {  	[tilespmem:$0x1FC20] =	vst v47;
	v57 =	vld.idx.msk [tilespmem:v58+s20+$0x0], $0xffff  }
0x3af: {  	v60 =	vld.idx.msk [tilespmem:v49+s19+$0x0], $0xffff;
	[tilespmem:$0x1FBF0] =	vst v59  }
0x3b0: {  	v61 =	vld.idx.msk [tilespmem:v49+s20+$0x0], $0xffff;
	[tilespmem:$0x1FC00] =	vst v62  }
0x3b1: {  	[tilespmem:$0x1FC10] =	vst v63;
	v58 =	vld.idx.msk [tilespmem:v46+s20+$0x0], $0xffff  }
0x3b2: {  	[tilespmem:$0x1FC30] =	vst v50;
	v62 =	vld.idx.msk [tilespmem:v55+s19+$0x0], $0xffff  }
0x3b3: {  	[tilespmem:$0x1FC40] =	vst v57;
	v63 =	vld.idx.msk [tilespmem:v55+s20+$0x0], $0xffff  }
0x3b4: {  	[tilespmem:$0x1FC60] =	vst v60  }
0x3b5: {  	v51 =	vld.idx.msk [tilespmem:v51+s20+$0x0], $0xffff;
	[tilespmem:$0x1FC70] =	vst v61  }
0x3b6: {  	v53 =	vld.idx.msk [tilespmem:v53+s20+$0x0], $0xffff;
	[tilespmem:$0x1FC50] =	vst v58  }
0x3b7: {  	s0 =	sadd.s32 $0x10, s8;
	v59 =	vld.idx.msk [tilespmem:v46+s19+$0x0], $0xffff;
	[tilespmem:$0x1FC80] =	vst v62  }
0x3b8: {  	s8 =	sadd.s32 $0x10, s0;
	v61 =	vld [tilespmem:s0+$0x0];
	[tilespmem:$0x1FC90] =	vst v63  }
0x3b9: {  	v60 =	vld [tilespmem:s8+$0x0];
	_ =	swait.ge [sflag:s23], $0xC80  }
0x3ba: {  	[sflag:s23] =	ssyncset.done $0x0  }
0x3bb: {  	[sflag:s23] =	ssyncadd.s32 $0xFFFFF380  }
0x3bc: {  	_ =	swait.ge [sflag:s23], $0xC80  }
0x3bd: {  	[sflag:s23] =	ssyncset.done $0x0  }
0x3be: {  	v47 =	vsub.f32 v36, v39;
	v49 =	vmul.f32 v44, v44;
	v46 =	vadd.f32 v45, v43;
	[sflag:s23] =	ssyncadd.s32 $0xFFFFF380  }
0x3bf: {  	_ =	swait.ge [sflag:s23], $0xC80  }
0x3c0: {  	v35 =	vmul.f32 v47, v47;
	v50 =	vsub.f32 v37, v41;
	v33 =	vadd.f32 v49, v46;
	[sflag:s23] =	ssyncset.done $0x0  }
0x3c1: {  	v57 =	vld [tilespmem:$0x1F8C0];
	[sflag:s23] =	ssyncadd.s32 $0xFFFFF380  }
0x3c2: {  	v55 =	vsub.f32 v38, v42;
	v36 =	vmul.f32 v50, v50;
	v33 =	vadd.f32 v35, v33;
	_ =	swait.ge [sflag:s23], $0xC80  }
0x3c3: {  	[sflag:s23] =	ssyncset.done $0x0  }
0x3c4: {  	v56 =	vsub.f32 v40, v52;
	v35 =	vmul.f32 v55, v55;
	v33 =	vadd.f32 v36, v33;
	v62 =	vld [tilespmem:$0x1F8D0];
	[sflag:s23] =	ssyncadd.s32 $0xFFFFF380  }
0x3c5: {  	v63 =	vld [tilespmem:$0x1F8E0];
	_ =	swait.ge [sflag:s23], $0xC80  }
0x3c6: {  	v36 =	vmul.f32 v56, v56;
	v33 =	vadd.f32 v35, v33;
	v58 =	vsub.f32 v57, v54;
	v40 =	vld [tilespmem:$0x1F8F0]  }
0x3c7: {  	[sflag:s23] =	ssyncset.done $0x0;
	v41 =	vld [tilespmem:$0x1F900]  }
0x3c8: {  	v33 =	vadd.f32 v36, v33;
	v42 =	vld [tilespmem:$0x1F910];
	v35 =	vmul.f32 v58, v58;
	[sflag:s23] =	ssyncadd.s32 $0xFFFFF380  }
0x3c9: {  	_ =	swait.ge [sflag:s23], $0xC80  }
0x3ca: {  	v36 =	vsub.f32 v62, v63;
	v35 =	vadd.f32 v35, v33;
	v43 =	vld [tilespmem:$0x1F920];
	[sflag:s23] =	ssyncset.done $0x0  }
0x3cb: {  	v47 =	vld [tilespmem:$0x1F930];
	[sflag:s23] =	ssyncadd.s32 $0xFFFFF380;
	v33 =	vsub.f32 v40, v51  }
0x3cc: {  	v49 =	vld [tilespmem:$0x1F940];
	v36 =	vmul.f32 v36, v36;
	v62 =	vmax.f32 v35, $1.000000000e-30;
	_ =	swait.ge [sflag:s23], $0xC80  }
0x3cd: {  	v37 =	vsub.f32 v41, v42;
	v45 =	vshrl.u32 v62, $0x1;
	[sflag:s23] =	ssyncset.done $0x0;
	v33 =	vmul.f32 v33, v33  }
0x3ce: {  	v40 =	vmul.f32 $5.000000000e-01, v62;
	v54 =	vld [tilespmem:$0x1F960];
	v46 =	vsub.s32 $0x5F3759DF, v45;
	[sflag:s23] =	ssyncadd.s32 $0xFFFFF380  }
0x3cf: {  	s26 =	simm.s32 $0x0;
	v37 =	vmul.f32 v37, v37;
	v44 =	vsub.f32 v43, v53;
	v53 =	vld [tilespmem:$0x1F950];
	_ =	swait.ge [sflag:s23], $0xC80;
	v33 =	vadd.f32 v33, v36  }
0x3d0: {  	v52 =	vmov s26;
	v50 =	vmul.f32 v46, v40;
	v56 =	vld [tilespmem:$0x1F970]  }
0x3d1: {  	v39 =	vsub.f32 v47, v49;
	v57 =	vld [tilespmem:$0x1F980];
	[sflag:s23] =	ssyncset.done $0x0;
	v51 =	vmul.f32 v44, v44;
	v33 =	vadd.f32 v37, v33  }
0x3d2: {  	v38 =	vshll.u32 v52, $0x5;
	v49 =	vld [tilespmem:$0x1F990];
	v41 =	vmul.f32 v46, v50;
	[sflag:s23] =	ssyncadd.s32 $0xFFFFF380  }
0x3d3: {  	v39 =	vmul.f32 v39, v39;
	v50 =	vld [tilespmem:$0x1F9A0];
	_ =	swait.ge [sflag:s23], $0x190;
	v37 =	vadd.f32 v51, v33;
	v33 =	vor.u32 v1, v38  }
0x3d4: {  	v55 =	vsub.f32 $1.500000000e+00, v41;
	v42 =	vsub.f32 v53, v54;
	v53 =	vld [tilespmem:$0x1F9B0];
	v63 =	vor.u32 v0, v33  }
0x3d5: {  	v54 =	vld [tilespmem:$0x1F9C0]  }
0x3d6: {  	v36 =	vmul.f32 v46, v55;
	v55 =	vld [tilespmem:$0x1F9D0];
	v37 =	vadd.f32 v39, v37;
	v58 =	vmul.f32 v42, v42  }
0x3d7: {  	[sflag:s23] =	ssyncset.done $0x0;
	v41 =	vsub.f32 v56, v57;
	v56 =	vld [tilespmem:$0x1F9E0]  }
0x3d8: {  	[sflag:s23] =	ssyncadd.s32 $0xFFFFFE70;
	v37 =	vadd.f32 v58, v37;
	v58 =	vld [tilespmem:$0x1F9F0]  }
0x3d9: {  	v47 =	vld.idx.msk [tilespmem:v63+s19+$0x0], $0xffff  }
0x3da: {  	v42 =	vld.idx.msk [tilespmem:v63+s20+$0x0], $0xffff  }
0x3db: {  	v38 =	vsub.f32 v49, v50;
	v51 =	vmul.f32 v41, v41;
	v63 =	vld [tilespmem:$0x1FA00];
	_ =	sdelay $0x1  }
0x3dc: {  	v38 =	vmul.f32 v38, v38;
	v45 =	vsub.f32 v53, v54;
	v37 =	vadd.f32 v51, v37  }
0x3dd: {  	v49 =	vsub.f32 v55, v56;
	v55 =	vld [tilespmem:$0x1FA10]  }
0x3de: {  	v56 =	vld [tilespmem:$0x1FA20];
	v57 =	vmul.f32 v45, v45;
	v37 =	vadd.f32 v38, v37  }
0x3df: {  	v51 =	vsub.f32 v58, v63;
	v58 =	vld [tilespmem:$0x1FA30]  }
0x3e0: {  	v54 =	vmul.f32 v49, v49;
	v37 =	vadd.f32 v57, v37;
	v63 =	vld [tilespmem:$0x1FA40]  }
0x3e1: {  	v52 =	vmul.f32 v36, v40  }
0x3e2: {  	v37 =	vadd.f32 v54, v37;
	v57 =	vmul.f32 v51, v51  }
0x3e3: {  	v44 =	vmul.f32 v52, v36;
	v49 =	vsub.f32 v55, v56  }
0x3e4: {  	v43 =	vor.u32 v3, v33;
	v37 =	vadd.f32 v57, v37;
	v57 =	vld [tilespmem:$0x1FA50]  }
0x3e5: {  	v44 =	vsub.f32 $1.500000000e+00, v44;
	v34 =	vmul.f32 v49, v49;
	v53 =	vsub.f32 v58, v63;
	v58 =	vld [tilespmem:$0x1FA60]  }
0x3e6: {  	v46 =	vor.u32 v4, v33;
	v63 =	vld [tilespmem:$0x1FA80]  }
0x3e7: {  	v36 =	vmul.f32 v44, v36;
	v37 =	vadd.f32 v34, v37;
	v34 =	vld [tilespmem:$0x1FA70];
	_ =	sdelay $0x1  }
0x3e8: {  	v40 =	vmul.f32 v36, v40  }
0x3e9: {  	v41 =	vor.u32 v2, v33;
	v39 =	vld.idx.msk [tilespmem:v43+s19+$0x0], $0xffff  }
0x3ea: {  	v51 =	vld.idx.msk [tilespmem:v46+s19+$0x0], $0xffff;
	v40 =	vmul.f32 v40, v36;
	v55 =	vsub.f32 v57, v58  }
0x3eb: {  	v56 =	vsub.f32 v34, v63;
	v63 =	vld [tilespmem:$0x1FAA0]  }
0x3ec: {  	v45 =	vor.u32 v5, v33;
	v34 =	vsub.f32 $1.500000000e+00, v40;
	v40 =	vmul.f32 v55, v55;
	v55 =	vld [tilespmem:$0x1FA90]  }
0x3ed: {  	v46 =	vld.idx.msk [tilespmem:v46+s20+$0x0], $0xffff  }
0x3ee: {  	v50 =	vld.idx.msk [tilespmem:v41+s19+$0x0], $0xffff  }
0x3ef: {  	v41 =	vld.idx.msk [tilespmem:v41+s20+$0x0], $0xffff  }
0x3f0: {  	v43 =	vld.idx.msk [tilespmem:v43+s20+$0x0], $0xffff  }
0x3f1: {  	v44 =	vor.u32 v6, v33;
	v49 =	vld.idx.msk [tilespmem:v45+s19+$0x0], $0xffff;
	v55 =	vsub.f32 v55, v63;
	v63 =	vsub.f32 v47, v42  }
0x3f2: {  	v38 =	vmul.f32 v53, v53;
	v46 =	vsub.f32 v51, v46;
	v51 =	vld [tilespmem:$0x1FAB0]  }
0x3f3: {  	v52 =	vor.u32 v7, v33;
	v34 =	vmul.f32 v34, v36;
	v36 =	vmul.f32 v63, v63;
	v63 =	vld [tilespmem:$0x1FAC0]  }
0x3f4: {  	v45 =	vld.idx.msk [tilespmem:v45+s20+$0x0], $0xffff;
	v41 =	vsub.f32 v50, v41  }
0x3f5: {  	v37 =	vadd.f32 v38, v37  }
0x3f6: {  	v39 =	vsub.f32 v39, v43;
	v41 =	vmul.f32 v41, v41;
	v53 =	vld.idx.msk [tilespmem:v44+s19+$0x0], $0xffff;
	v58 =	vor.u32 v10, v33  }
0x3f7: {  	v44 =	vld.idx.msk [tilespmem:v44+s20+$0x0], $0xffff;
	v56 =	vmul.f32 v56, v56;
	v37 =	vadd.f32 v40, v37  }
0x3f8: {  	v39 =	vmul.f32 v39, v39;
	v38 =	vld.idx.msk [tilespmem:v52+s19+$0x0], $0xffff;
	v36 =	vadd.f32 v41, v36;
	v51 =	vsub.f32 v51, v63  }
0x3f9: {  	v45 =	vsub.f32 v49, v45;
	v37 =	vadd.f32 v56, v37;
	v40 =	vmul.f32 v55, v55;
	v63 =	vld [tilespmem:$0x1FAE0]  }
0x3fa: {  	v36 =	vadd.f32 v39, v36;
	v39 =	vmul.f32 v46, v46;
	v49 =	vmul.f32 v51, v51;
	v51 =	vld [tilespmem:$0x1FAD0]  }
0x3fb: {  	v54 =	vor.u32 v8, v33;
	v41 =	vld.idx.msk [tilespmem:v58+s19+$0x0], $0xffff  }
0x3fc: {  	v37 =	vadd.f32 v40, v37;
	v40 =	vld.idx.msk [tilespmem:v58+s20+$0x0], $0xffff;
	v58 =	vmul.f32 v45, v45;
	v36 =	vadd.f32 v39, v36  }
0x3fd: {  	v52 =	vld.idx.msk [tilespmem:v52+s20+$0x0], $0xffff  }
0x3fe: {  	v36 =	vadd.f32 v58, v36;
	v58 =	vld [tilespmem:$0x1FB00]  }
0x3ff: {  	v57 =	vor.u32 v9, v33;
	v51 =	vsub.f32 v51, v63;
	v63 =	vld [tilespmem:$0x1FAF0]  }
0x400: {  	v42 =	vld.idx.msk [tilespmem:v54+s19+$0x0], $0xffff  }
0x401: {  	v47 =	vld.idx.msk [tilespmem:v54+s20+$0x0], $0xffff;
	_ =	sdelay $0x1  }
0x402: {  	v50 =	vor.u32 v11, v33  }
0x403: {  	v38 =	vsub.f32 v38, v52;
	v43 =	vld.idx.msk [tilespmem:v57+s19+$0x0], $0xffff;
	v52 =	vsub.f32 v63, v58  }
0x404: {  	v44 =	vsub.f32 v53, v44;
	v55 =	vor.u32 v12, v33;
	v63 =	vld [tilespmem:$0x1FB20]  }
0x405: {  	v56 =	vor.u32 v13, v33;
	v42 =	vsub.f32 v42, v47;
	v47 =	vmul.f32 v52, v52;
	v52 =	vld [tilespmem:$0x1FB10]  }
0x406: {  	v54 =	vld.idx.msk [tilespmem:v57+s20+$0x0], $0xffff;
	v39 =	vmul.f32 v44, v44  }
0x407: {  	v46 =	vld.idx.msk [tilespmem:v50+s19+$0x0], $0xffff  }
0x408: {  	v38 =	vmul.f32 v38, v38;
	v57 =	vor.u32 v14, v33;
	v50 =	vld.idx.msk [tilespmem:v50+s20+$0x0], $0xffff;
	v36 =	vadd.f32 v39, v36  }
0x409: {  	v45 =	vld.idx.msk [tilespmem:v55+s19+$0x0], $0xffff  }
0x40a: {  	v44 =	vld.idx.msk [tilespmem:v56+s19+$0x0], $0xffff;
	v36 =	vadd.f32 v38, v36;
	v52 =	vsub.f32 v52, v63;
	v63 =	vmul.f32 v42, v42  }
0x40b: {  	v58 =	vld [tilespmem:$0x1FB30]  }
0x40c: {  	v36 =	vadd.f32 v63, v36;
	v63 =	vld [tilespmem:$0x1FB40]  }
0x40d: {  	v37 =	vadd.f32 v49, v37;
	v39 =	vld.idx.msk [tilespmem:v57+s19+$0x0], $0xffff;
	v49 =	vmul.f32 v51, v51  }
0x40e: {  	v51 =	vld.idx.msk [tilespmem:v55+s20+$0x0], $0xffff;
	v55 =	vor.u32 v16, v33  }
0x40f: {  	v53 =	vor.u32 v15, v33;
	v43 =	vsub.f32 v43, v54;
	v37 =	vadd.f32 v49, v37;
	v49 =	vld.idx.msk [tilespmem:v56+s20+$0x0], $0xffff  }
0x410: {  	v56 =	vld.idx.msk [tilespmem:v57+s20+$0x0], $0xffff  }
0x411: {  	v38 =	vmul.f32 v43, v43;
	v43 =	vsub.f32 v58, v63;
	v58 =	vld [tilespmem:$0x1FB50]  }
0x412: {  	v54 =	vor.u32 v18, v33;
	v40 =	vsub.f32 v41, v40;
	v63 =	vld [tilespmem:$0x1FB60]  }
0x413: {  	v41 =	vld.idx.msk [tilespmem:v55+s19+$0x0], $0xffff;
	v37 =	vadd.f32 v47, v37  }
0x414: {  	v42 =	vld.idx.msk [tilespmem:v53+s19+$0x0], $0xffff;
	v47 =	vmul.f32 v52, v52;
	v36 =	vadd.f32 v38, v36;
	v38 =	vmul.f32 v40, v40  }
0x415: {  	v46 =	vsub.f32 v46, v50;
	v45 =	vsub.f32 v45, v51;
	v52 =	vld.idx.msk [tilespmem:v53+s20+$0x0], $0xffff;
	v53 =	vor.u32 v17, v33  }
0x416: {  	v37 =	vadd.f32 v47, v37;
	v47 =	vld.idx.msk [tilespmem:v55+s20+$0x0], $0xffff;
	v36 =	vadd.f32 v38, v36  }
0x417: {  	v38 =	vmul.f32 v45, v45;
	v45 =	vld.idx.msk [tilespmem:v54+s19+$0x0], $0xffff;
	v50 =	vsub.f32 v58, v63;
	v58 =	vmul.f32 v46, v46  }
0x418: {  	v63 =	vld [tilespmem:$0x1FB70]  }
0x419: {  	v36 =	vadd.f32 v58, v36;
	v58 =	vld [tilespmem:$0x1FB80]  }
0x41a: {  	v57 =	vor.u32 v24, v33;
	v51 =	vld.idx.msk [tilespmem:v53+s20+$0x0], $0xffff  }
0x41b: {  	v46 =	vld.idx.msk [tilespmem:v53+s19+$0x0], $0xffff  }
0x41c: {  	v44 =	vsub.f32 v44, v49;
	v53 =	vld.idx.msk [tilespmem:v54+s20+$0x0], $0xffff  }
0x41d: {  	v39 =	vsub.f32 v39, v56;
	v54 =	vld [tilespmem:$0x1FB90]  }
0x41e: {  	v36 =	vadd.f32 v38, v36;
	v38 =	vmul.f32 v44, v44;
	v49 =	vsub.f32 v63, v58;
	v63 =	vld [tilespmem:$0x1FBA0]  }
0x41f: {  	v40 =	vld.idx.msk [tilespmem:v57+s19+$0x0], $0xffff;
	v43 =	vmul.f32 v43, v43  }
0x420: {  	v55 =	vld.idx.msk [tilespmem:v57+s20+$0x0], $0xffff;
	v57 =	vor.u32 v19, v33;
	v36 =	vadd.f32 v38, v36;
	v58 =	vmul.f32 v39, v39  }
0x421: {  	v37 =	vadd.f32 v43, v37  }
0x422: {  	v43 =	vmul.f32 v50, v50;
	v50 =	vor.u32 v20, v33;
	v36 =	vadd.f32 v58, v36;
	v58 =	vld [tilespmem:$0x1FBC0]  }
0x423: {  	v54 =	vsub.f32 v54, v63;
	v63 =	vld [tilespmem:$0x1FBB0]  }
0x424: {  	v34 =	vmul.f32 v34, v62;
	v62 =	vld [tilespmem:$0x1FC70]  }
0x425: {  	v44 =	vld.idx.msk [tilespmem:v57+s19+$0x0], $0xffff  }
0x426: {  	v37 =	vadd.f32 v43, v37;
	v43 =	vor.u32 v21, v33;
	v57 =	vld.idx.msk [tilespmem:v57+s20+$0x0], $0xffff  }
0x427: {  	v42 =	vsub.f32 v42, v52;
	v39 =	vld.idx.msk [tilespmem:v50+s19+$0x0], $0xffff  }
0x428: {  	v56 =	vor.u32 v22, v33;
	v41 =	vsub.f32 v41, v47;
	v47 =	vsub.f32 v63, v58;
	v63 =	vld [tilespmem:$0x1FBD0]  }
0x429: {  	v49 =	vmul.f32 v49, v49;
	v58 =	vld [tilespmem:$0x1FBE0]  }
0x42a: {  	v52 =	vor.u32 v23, v33;
	v38 =	vmul.f32 v42, v42;
	v50 =	vld.idx.msk [tilespmem:v50+s20+$0x0], $0xffff  }
0x42b: {  	v42 =	vld.idx.msk [tilespmem:v43+s19+$0x0], $0xffff;
	v37 =	vadd.f32 v49, v37;
	v49 =	vmul.f32 v54, v54  }
0x42c: {  	v40 =	vsub.f32 v40, v55;
	v43 =	vld.idx.msk [tilespmem:v43+s20+$0x0], $0xffff;
	v36 =	vadd.f32 v38, v36;
	v38 =	vmul.f32 v41, v41  }
0x42d: {  	v41 =	vld.idx.msk [tilespmem:v56+s19+$0x0], $0xffff;
	v37 =	vadd.f32 v49, v37;
	v49 =	vor.u32 v25, v33  }
0x42e: {  	v56 =	vld.idx.msk [tilespmem:v56+s20+$0x0], $0xffff;
	v36 =	vadd.f32 v38, v36;
	v54 =	vsub.f32 v63, v58;
	v63 =	vmul.f32 v40, v40  }
0x42f: {  	v58 =	vsub.f32 v46, v51;
	v46 =	vld.idx.msk [tilespmem:v52+s19+$0x0], $0xffff  }
0x430: {  	v36 =	vadd.f32 v63, v36;
	v63 =	vld [tilespmem:$0x1FBF0]  }
0x431: {  	v38 =	vmul.f32 v58, v58;
	v58 =	vld [tilespmem:$0x1FC00]  }
0x432: {  	v55 =	vor.u32 v26, v33;
	v40 =	vsub.f32 v45, v53;
	v45 =	vld.idx.msk [tilespmem:v49+s19+$0x0], $0xffff  }
0x433: {  	v47 =	vmul.f32 v47, v47;
	v49 =	vld.idx.msk [tilespmem:v49+s20+$0x0], $0xffff  }
0x434: {  	v51 =	vor.u32 v27, v33;
	v53 =	vld [tilespmem:$0x1FC10]  }
0x435: {  	v37 =	vadd.f32 v47, v37;
	v47 =	vmul.f32 v54, v54;
	v54 =	vld.idx.msk [tilespmem:v52+s20+$0x0], $0xffff  }
0x436: {  	v52 =	vsub.f32 v63, v58;
	v63 =	vld [tilespmem:$0x1FC20]  }
0x437: {  	v36 =	vadd.f32 v38, v36;
	v38 =	vmul.f32 v40, v40;
	v40 =	vsub.f32 v44, v57;
	v44 =	vld.idx.msk [tilespmem:v55+s19+$0x0], $0xffff  }
0x438: {  	v37 =	vadd.f32 v47, v37;
	v55 =	vld.idx.msk [tilespmem:v55+s20+$0x0], $0xffff;
	v52 =	vmul.f32 v52, v52  }
0x439: {  	v57 =	vor.u32 v29, v33;
	v36 =	vadd.f32 v38, v36;
	v38 =	vmul.f32 v40, v40;
	v40 =	vld.idx.msk [tilespmem:v51+s19+$0x0], $0xffff  }
0x43a: {  	v37 =	vadd.f32 v52, v37;
	v52 =	vld [tilespmem:$0x1FC30]  }
0x43b: {  	v47 =	vor.u32 v28, v33;
	v53 =	vsub.f32 v53, v63;
	v63 =	vld [tilespmem:$0x1FC40]  }
0x43c: {  	s8 =	simm.s32 $0x10;
	v39 =	vsub.f32 v39, v50;
	v51 =	vld.idx.msk [tilespmem:v51+s20+$0x0], $0xffff;
	v36 =	vadd.f32 v38, v36  }
0x43d: {  	v58 =	vld [tilespmem:$0x1FC50];
	v38 =	vsub.f32 v41, v56;
	v56 =	vmov s8;
	v50 =	vmul.f32 v53, v53  }
0x43e: {  	v41 =	vshll.u32 v56, $0x5;
	v56 =	vld.idx.msk [tilespmem:v57+s20+$0x0], $0xffff;
	v53 =	vor.u32 v30, v33  }
0x43f: {  	v42 =	vsub.f32 v42, v43;
	v37 =	vadd.f32 v50, v37;
	v50 =	vld.idx.msk [tilespmem:v57+s19+$0x0], $0xffff  }
0x440: {  	v43 =	vor.u32 v31, v33;
	v52 =	vsub.f32 v52, v63;
	v63 =	vmul.f32 v39, v39;
	v39 =	vld.idx.msk [tilespmem:v47+s19+$0x0], $0xffff  }
0x441: {  	v47 =	vld.idx.msk [tilespmem:v47+s20+$0x0], $0xffff  }
0x442: {  	v36 =	vadd.f32 v63, v36;
	v63 =	vsub.f32 v59, v58;
	v58 =	vld [tilespmem:$0x1FC60]  }
0x443: {  	v57 =	vmul.f32 v52, v52;
	v52 =	vor.u32 v1, v41;
	v41 =	vld.idx.msk [tilespmem:v53+s19+$0x0], $0xffff  }
0x444: {  	v42 =	vmul.f32 v42, v42;
	v33 =	vor.u32 v32, v33;
	v53 =	vld.idx.msk [tilespmem:v53+s20+$0x0], $0xffff  }
0x445: {  	v46 =	vsub.f32 v46, v54;
	v38 =	vmul.f32 v38, v38;
	v59 =	vld.idx.msk [tilespmem:v43+s19+$0x0], $0xffff;
	v54 =	vor.u32 v0, v52  }
0x446: {  	v36 =	vadd.f32 v42, v36;
	v37 =	vadd.f32 v57, v37;
	v57 =	vmul.f32 v63, v63;
	v63 =	vld [tilespmem:$0x1FC90]  }
0x447: {  	v45 =	vsub.f32 v45, v49;
	v58 =	vsub.f32 v58, v62;
	v62 =	vld [tilespmem:$0x1FC80]  }
0x448: {  	v36 =	vadd.f32 v38, v36;
	v38 =	vld.idx.msk [tilespmem:v43+s20+$0x0], $0xffff;
	v43 =	vmul.f32 v46, v46;
	v46 =	vor.u32 v2, v52  }
0x449: {  	vm0 =	vgt.f32 v35, $1.000000000e-30;
	v40 =	vsub.f32 v40, v51;
	v49 =	vld.idx.msk [tilespmem:v33+s19+$0x0], $0xffff;
	v35 =	vadd.f32 v57, v37  }
0x44a: {  	v51 =	vor.u32 v5, v52;
	v37 =	vld.idx.msk [tilespmem:v33+s20+$0x0], $0xffff;
	v33 =	vadd.f32 v43, v36;
	v43 =	vsub.f32 v44, v55  }
0x44b: {  	v36 =	vmul.f32 v45, v45;
	v45 =	vmul.f32 v58, v58;
	v58 =	vld.idx.msk [tilespmem:v54+s19+$0x0], $0xffff  }
0x44c: {  	v42 =	vor.u32 v3, v52;
	v55 =	vsub.f32 v62, v63;
	v62 =	vmul.f32 v43, v43;
	v43 =	vld.idx.msk [tilespmem:v54+s20+$0x0], $0xffff  }
0x44d: {  	v54 =	vld.idx.msk [tilespmem:v46+s19+$0x0], $0xffff  }
0x44e: {  	v34 =	vnsel vm0, $0x0, v34;
	v57 =	vor.u32 v4, v52;
	v46 =	vld.idx.msk [tilespmem:v46+s20+$0x0], $0xffff  }
0x44f: {  	v39 =	vsub.f32 v39, v47;
	v47 =	vmul.f32 v34, v61;
	v61 =	vld.idx.msk [tilespmem:v51+s19+$0x0], $0xffff;
	v33 =	vadd.f32 v36, v33  }
0x450: {  	v51 =	vld.idx.msk [tilespmem:v51+s20+$0x0], $0xffff;
	v35 =	vadd.f32 v45, v35;
	v63 =	vmul.f32 v55, v55;
	v55 =	vor.u32 v7, v52  }
0x451: {  	v40 =	vmul.f32 v40, v40;
	v44 =	vld.idx.msk [tilespmem:v42+s19+$0x0], $0xffff;
	v36 =	vadd.f32 v62, v33  }
0x452: {  	v42 =	vld.idx.msk [tilespmem:v42+s20+$0x0], $0xffff;
	v62 =	vsub.f32 v50, v56;
	v33 =	vadd.f32 v63, v35;
	v35 =	vor.u32 v6, v52  }
0x453: {  	v39 =	vmul.f32 v39, v39;
	v45 =	vld.idx.msk [tilespmem:v57+s19+$0x0], $0xffff;
	v36 =	vadd.f32 v40, v36;
	v46 =	vsub.f32 v54, v46  }
0x454: {  	v50 =	vld.idx.msk [tilespmem:v57+s20+$0x0], $0xffff;
	v63 =	vmul.f32 v62, v62;
	v62 =	vor.u32 v8, v52  }
0x455: {  	v41 =	vsub.f32 v41, v53;
	v36 =	vadd.f32 v39, v36;
	v57 =	vmul.f32 v46, v46;
	v46 =	vld.idx.msk [tilespmem:v55+s19+$0x0], $0xffff  }
0x456: {  	v38 =	vsub.f32 v59, v38;
	v59 =	vor.u32 v10, v52;
	v43 =	vsub.f32 v58, v43;
	v58 =	vld.idx.msk [tilespmem:v55+s20+$0x0], $0xffff  }
0x457: {  	v41 =	vmul.f32 v41, v41;
	v42 =	vsub.f32 v44, v42;
	v36 =	vadd.f32 v63, v36;
	v39 =	vld.idx.msk [tilespmem:v35+s19+$0x0], $0xffff  }
0x458: {  	v38 =	vmul.f32 v38, v38;
	v43 =	vmul.f32 v43, v43;
	v63 =	vor.u32 v9, v52;
	v35 =	vld.idx.msk [tilespmem:v35+s20+$0x0], $0xffff  }
0x459: {  	v42 =	vmul.f32 v42, v42;
	v40 =	vsub.f32 v61, v51;
	v61 =	vld.idx.msk [tilespmem:v62+s20+$0x0], $0xffff;
	v36 =	vadd.f32 v41, v36  }
0x45a: {  	v45 =	vsub.f32 v45, v50;
	v50 =	vor.u32 v13, v52;
	v43 =	vadd.f32 v57, v43;
	v41 =	vld.idx.msk [tilespmem:v62+s19+$0x0], $0xffff  }
0x45b: {  	v37 =	vsub.f32 v49, v37;
	v55 =	vor.u32 v11, v52;
	v36 =	vadd.f32 v38, v36;
	v38 =	vld.idx.msk [tilespmem:v59+s19+$0x0], $0xffff  }
0x45c: {  	v62 =	vmul.f32 v45, v45;
	v42 =	vadd.f32 v42, v43;
	v58 =	vsub.f32 v46, v58;
	v46 =	vld.idx.msk [tilespmem:v59+s20+$0x0], $0xffff  }
0x45d: {  	v37 =	vmul.f32 v37, v37;
	v34 =	vmax.f32 v33, $1.000000000e-30;
	v57 =	vor.u32 v12, v52;
	v45 =	vld.idx.msk [tilespmem:v63+s19+$0x0], $0xffff  }
0x45e: {  	v40 =	vmul.f32 v40, v40;
	v63 =	vld.idx.msk [tilespmem:v63+s20+$0x0], $0xffff;
	v42 =	vadd.f32 v62, v42;
	v35 =	vsub.f32 v39, v35  }
0x45f: {  	v51 =	vor.u32 v14, v52;
	v44 =	vshrl.u32 v34, $0x1;
	v53 =	vmul.f32 $5.000000000e-01, v34;
	v56 =	vld.idx.msk [tilespmem:v50+s19+$0x0], $0xffff  }
0x460: {  	v40 =	vadd.f32 v40, v42;
	v61 =	vsub.f32 v41, v61;
	v41 =	vld.idx.msk [tilespmem:v55+s20+$0x0], $0xffff;
	v59 =	vmul.f32 v35, v35  }
0x461: {  	v43 =	vsub.s32 $0x5F3759DF, v44;
	v62 =	vmul.f32 v58, v58;
	v35 =	vadd.f32 v37, v36;
	v36 =	vld.idx.msk [tilespmem:v55+s19+$0x0], $0xffff  }
0x462: {  	v54 =	vld.idx.msk [tilespmem:v57+s19+$0x0], $0xffff;
	v37 =	vmul.f32 v61, v61;
	v61 =	vor.u32 v16, v52;
	v40 =	vadd.f32 v59, v40  }
0x463: {  	v42 =	vmul.f32 v43, v53;
	v39 =	vsub.f32 v45, v63;
	v45 =	vld.idx.msk [tilespmem:v57+s20+$0x0], $0xffff  }
0x464: {  	v49 =	vor.u32 v15, v52;
	v38 =	vsub.f32 v38, v46;
	v46 =	vld.idx.msk [tilespmem:v50+s20+$0x0], $0xffff;
	v40 =	vadd.f32 v62, v40  }
0x465: {  	v42 =	vmul.f32 v43, v42;
	v44 =	vmax.f32 v35, $1.000000000e-30;
	v57 =	vld.idx.msk [tilespmem:v51+s19+$0x0], $0xffff;
	v39 =	vmul.f32 v39, v39  }
0x466: {  	v62 =	vor.u32 v24, v52;
	v36 =	vsub.f32 v36, v41;
	v41 =	vld.idx.msk [tilespmem:v51+s20+$0x0], $0xffff;
	v37 =	vadd.f32 v37, v40  }
0x467: {  	v63 =	vshrl.u32 v44, $0x1;
	v38 =	vmul.f32 v38, v38;
	v40 =	vmul.f32 $5.000000000e-01, v44;
	v50 =	vld.idx.msk [tilespmem:v61+s20+$0x0], $0xffff  }
0x468: {  	v55 =	vsub.s32 $0x5F3759DF, v63;
	v45 =	vsub.f32 v54, v45;
	v54 =	vld.idx.msk [tilespmem:v61+s19+$0x0], $0xffff;
	v37 =	vadd.f32 v39, v37  }
0x469: {  	v58 =	vsub.f32 $1.500000000e+00, v42;
	v39 =	vadd.f32 v47, v48;
	v63 =	vmul.f32 v55, v40;
	v48 =	vld.idx.msk [tilespmem:v49+s19+$0x0], $0xffff  }
0x46a: {  	v46 =	vsub.f32 v56, v46;
	v36 =	vmul.f32 v36, v36;
	v49 =	vld.idx.msk [tilespmem:v49+s20+$0x0], $0xffff;
	v37 =	vadd.f32 v38, v37  }
0x46b: {  	v47 =	vor.u32 v17, v52;
	v61 =	vmul.f32 v45, v45;
	v45 =	vld.idx.msk [tilespmem:v62+s19+$0x0], $0xffff;
	v59 =	vmul.f32 v55, v63  }
0x46c: {  	v51 =	vld.idx.msk [tilespmem:v62+s20+$0x0], $0xffff;
	v62 =	vmul.f32 v46, v46;
	v36 =	vadd.f32 v36, v37  }
0x46d: {  	v38 =	vmul.f32 v43, v58;
	v43 =	vor.u32 v18, v52;
	v42 =	vsub.f32 $1.500000000e+00, v59  }
0x46e: {  	v41 =	vsub.f32 v57, v41;
	v57 =	vor.u32 v20, v52;
	v36 =	vadd.f32 v61, v36  }
0x46f: {  	v63 =	vmul.f32 v38, v53;
	v48 =	vsub.f32 v48, v49;
	v42 =	vmul.f32 v55, v42  }
0x470: {  	v49 =	vld.idx.msk [tilespmem:v47+s19+$0x0], $0xffff;
	v55 =	vor.u32 v19, v52;
	v61 =	vmul.f32 v41, v41;
	v36 =	vadd.f32 v62, v36  }
0x471: {  	v47 =	vld.idx.msk [tilespmem:v47+s20+$0x0], $0xffff;
	v62 =	vmul.f32 v63, v38;
	v63 =	vmul.f32 v42, v40  }
0x472: {  	v50 =	vsub.f32 v54, v50;
	v54 =	vld.idx.msk [tilespmem:v43+s19+$0x0], $0xffff;
	v36 =	vadd.f32 v61, v36  }
0x473: {  	v43 =	vld.idx.msk [tilespmem:v43+s20+$0x0], $0xffff;
	v61 =	vmul.f32 v48, v48;
	v46 =	vmul.f32 v63, v42;
	v48 =	vor.u32 v21, v52  }
0x474: {  	vm15 =	vgt.f32 v33, $1.000000000e-30;
	vm1 =	vgt.f32 v35, $1.000000000e-30;
	v59 =	vld.idx.msk [tilespmem:v57+s20+$0x0], $0xffff;
	v41 =	vsub.f32 $1.500000000e+00, v62  }
0x475: {  	v45 =	vsub.f32 v45, v51;
	v37 =	vld.idx.msk [tilespmem:v55+s19+$0x0], $0xffff;
	v62 =	vsub.f32 $1.500000000e+00, v46;
	v46 =	vor.u32 v22, v52  }
0x476: {  	v50 =	vmul.f32 v50, v50;
	v51 =	vld.idx.msk [tilespmem:v55+s20+$0x0], $0xffff;
	v36 =	vadd.f32 v61, v36;
	v38 =	vmul.f32 v41, v38  }
0x477: {  	v47 =	vsub.f32 v49, v47;
	v63 =	vld.idx.msk [tilespmem:v57+s19+$0x0], $0xffff;
	v41 =	vmul.f32 v62, v42;
	v42 =	vor.u32 v23, v52  }
0x478: {  	v45 =	vmul.f32 v45, v45;
	v36 =	vadd.f32 v50, v36;
	v58 =	vmul.f32 v38, v53;
	v61 =	vld.idx.msk [tilespmem:v48+s19+$0x0], $0xffff  }
0x479: {  	v47 =	vmul.f32 v47, v47;
	v43 =	vsub.f32 v54, v43;
	v62 =	vor.u32 v25, v52;
	v48 =	vld.idx.msk [tilespmem:v48+s20+$0x0], $0xffff  }
0x47a: {  	v36 =	vadd.f32 v45, v36;
	v50 =	vmul.f32 v58, v38;
	v40 =	vmul.f32 v41, v40;
	v57 =	vld.idx.msk [tilespmem:v46+s19+$0x0], $0xffff  }
0x47b: {  	v43 =	vmul.f32 v43, v43;
	v37 =	vsub.f32 v37, v51;
	v58 =	vor.u32 v26, v52;
	v46 =	vld.idx.msk [tilespmem:v46+s20+$0x0], $0xffff  }
0x47c: {  	v36 =	vadd.f32 v47, v36;
	v50 =	vsub.f32 $1.500000000e+00, v50;
	v40 =	vmul.f32 v40, v41;
	v49 =	vld.idx.msk [tilespmem:v42+s19+$0x0], $0xffff  }
0x47d: {  	v55 =	vor.u32 v28, v52;
	v63 =	vsub.f32 v63, v59;
	v37 =	vmul.f32 v37, v37;
	v42 =	vld.idx.msk [tilespmem:v42+s20+$0x0], $0xffff  }
0x47e: {  	v45 =	vld.idx.msk [tilespmem:v62+s19+$0x0], $0xffff;
	v36 =	vadd.f32 v43, v36;
	v38 =	vmul.f32 v50, v38;
	v40 =	vsub.f32 $1.500000000e+00, v40  }
0x47f: {  	s8 =	simm.s32 $0x680;
	v59 =	vld.idx.msk [tilespmem:v62+s20+$0x0], $0xffff;
	v50 =	vor.u32 v27, v52;
	v48 =	vsub.f32 v61, v48;
	v43 =	vmul.f32 v63, v63  }
0x480: {  	v56 =	vld [tilespmem:s8+$0x0];
	v36 =	vadd.f32 v37, v36;
	v53 =	vmul.f32 v40, v41;
	v61 =	vsub.f32 v57, v46  }
0x481: {  	v63 =	vld.idx.msk [tilespmem:v58+s20+$0x0], $0xffff;
	v34 =	vmul.f32 v38, v34;
	v37 =	vmul.f32 v48, v48;
	v38 =	vor.u32 v29, v52  }
0x482: {  	v46 =	vld.idx.msk [tilespmem:v58+s19+$0x0], $0xffff;
	v36 =	vadd.f32 v43, v36;
	v62 =	vmul.f32 v53, v44;
	v58 =	vmul.f32 v61, v61  }
0x483: {  	s26 =	simm.s32 $0x20;
	v35 =	vld.idx.msk [tilespmem:v55+s19+$0x0], $0xffff;
	v34 =	vnsel vm15, $0x0, v34;
	v42 =	vsub.f32 v49, v42;
	v43 =	vor.u32 v30, v52  }
0x484: {  	v41 =	vsub.f32 v45, v59;
	v59 =	vmov s26;
	v47 =	vld.idx.msk [tilespmem:v50+s19+$0x0], $0xffff;
	v57 =	vadd.f32 v37, v36  }
0x485: {  	v50 =	vld.idx.msk [tilespmem:v50+s20+$0x0], $0xffff;
	v34 =	vmul.f32 v34, v60;
	v61 =	vshll.u32 v59, $0x5;
	v33 =	vnsel vm1, $0x0, v62  }
0x486: {  	v53 =	vld.idx.msk [tilespmem:v55+s20+$0x0], $0xffff;
	v37 =	vor.u32 v31, v52;
	v42 =	vmul.f32 v42, v42;
	v36 =	vadd.f32 v58, v57  }
0x487: {  	v34 =	vadd.f32 v34, v39;
	v33 =	vmul.f32 v33, v56;
	v48 =	vld.idx.msk [tilespmem:v38+s19+$0x0], $0xffff;
	v63 =	vsub.f32 v46, v63  }
0x488: {  	v62 =	vmul.f32 v41, v41;
	v54 =	vld.idx.msk [tilespmem:v38+s20+$0x0], $0xffff;
	v38 =	vor.u32 v32, v52;
	v60 =	vadd.f32 v42, v36  }
0x489: {  	v33 =	vadd.f32 v33, v34;
	v34 =	vor.u32 v1, v61;
	v49 =	vld.idx.msk [tilespmem:v43+s19+$0x0], $0xffff;
	v59 =	vmul.f32 v63, v63  }
0x48a: {  	v51 =	vld.idx.msk [tilespmem:v43+s20+$0x0], $0xffff;
	v36 =	vor.u32 v3, v34;
	v57 =	vsub.f32 v47, v50;
	v58 =	vadd.f32 v62, v60  }
0x48b: {  	s26 =	simm.s32 $0x30;
	v39 =	vor.u32 v0, v34;
	v50 =	vld.idx.msk [tilespmem:v37+s19+$0x0], $0xffff  }
.LBB2_8:
0x48c: {  	p0 =	sne.s32 s26, $0x180;
	v40 =	vadd.f32 v59, v58;
	v41 =	vmul.f32 v57, v57;
	v35 =	vsub.f32 v35, v53;
	v37 =	vld.idx.msk [tilespmem:v37+s20+$0x0], $0xffff  }
0x48d: {  	v42 =	vor.u32 v2, v34;
	v43 =	vld.idx.msk [tilespmem:v38+s19+$0x0], $0xffff  }
0x48e: {  	v40 =	vadd.f32 v41, v40;
	v35 =	vmul.f32 v35, v35;
	v41 =	vsub.f32 v48, v54;
	v38 =	vld.idx.msk [tilespmem:v38+s20+$0x0], $0xffff  }
0x48f: {  	v45 =	vor.u32 v4, v34;
	v44 =	vld.idx.msk [tilespmem:v36+s19+$0x0], $0xffff  }
0x490: {  	v46 =	vld.idx.msk [tilespmem:v39+s19+$0x0], $0xffff;
	v35 =	vadd.f32 v35, v40;
	v40 =	vmul.f32 v41, v41;
	v41 =	vsub.f32 v49, v51  }
0x491: {  	v47 =	vor.u32 v5, v34;
	v39 =	vld.idx.msk [tilespmem:v39+s20+$0x0], $0xffff  }
0x492: {  	v37 =	vsub.f32 v50, v37;
	v48 =	vld.idx.msk [tilespmem:v42+s19+$0x0], $0xffff;
	v35 =	vadd.f32 v40, v35;
	v40 =	vmul.f32 v41, v41  }
0x493: {  	v41 =	vld.idx.msk [tilespmem:v42+s20+$0x0], $0xffff;
	v42 =	vor.u32 v6, v34  }
0x494: {  	v37 =	vmul.f32 v37, v37;
	v38 =	vsub.f32 v43, v38;
	v36 =	vld.idx.msk [tilespmem:v36+s20+$0x0], $0xffff;
	v35 =	vadd.f32 v40, v35  }
0x495: {  	v40 =	vld.idx.msk [tilespmem:v45+s19+$0x0], $0xffff  }
0x496: {  	v43 =	vld.idx.msk [tilespmem:v45+s20+$0x0], $0xffff;
	v45 =	vor.u32 v7, v34;
	v35 =	vadd.f32 v37, v35;
	v37 =	vmul.f32 v38, v38  }
0x497: {  	v38 =	vld.idx.msk [tilespmem:v47+s19+$0x0], $0xffff  }
0x498: {  	v39 =	vsub.f32 v46, v39;
	v46 =	vld.idx.msk [tilespmem:v47+s20+$0x0], $0xffff;
	v47 =	vor.u32 v8, v34;
	v35 =	vadd.f32 v37, v35  }
0x499: {  	v37 =	vsub.f32 v48, v41;
	v48 =	vor.u32 v9, v34;
	v41 =	vld.idx.msk [tilespmem:v42+s19+$0x0], $0xffff  }
0x49a: {  	v39 =	vmul.f32 v39, v39;
	v36 =	vsub.f32 v44, v36;
	v42 =	vld.idx.msk [tilespmem:v42+s20+$0x0], $0xffff;
	v44 =	vmax.f32 v35, $1.000000000e-30  }
0x49b: {  	v37 =	vmul.f32 v37, v37;
	v49 =	vld.idx.msk [tilespmem:v45+s19+$0x0], $0xffff;
	v50 =	vshrl.u32 v44, $0x1;
	v51 =	vmul.f32 $5.000000000e-01, v44  }
0x49c: {  	v40 =	vsub.f32 v40, v43;
	v43 =	vld.idx.msk [tilespmem:v45+s20+$0x0], $0xffff;
	v45 =	vor.u32 v10, v34;
	v50 =	vsub.s32 $0x5F3759DF, v50  }
0x49d: {  	v36 =	vmul.f32 v36, v36;
	v37 =	vadd.f32 v37, v39;
	v39 =	vld.idx.msk [tilespmem:v47+s19+$0x0], $0xffff;
	v52 =	vmul.f32 v50, v51  }
0x49e: {  	v38 =	vsub.f32 v38, v46;
	v46 =	vld.idx.msk [tilespmem:v47+s20+$0x0], $0xffff;
	v47 =	vor.u32 v11, v34  }
0x49f: {  	v36 =	vadd.f32 v36, v37;
	v37 =	vmul.f32 v40, v40;
	v40 =	vld.idx.msk [tilespmem:v48+s19+$0x0], $0xffff;
	v52 =	vmul.f32 v50, v52  }
0x4a0: {  	v41 =	vsub.f32 v41, v42;
	v42 =	vld.idx.msk [tilespmem:v48+s20+$0x0], $0xffff;
	v48 =	vor.u32 v12, v34  }
0x4a1: {  	v36 =	vadd.f32 v37, v36;
	v37 =	vmul.f32 v38, v38;
	v38 =	vld.idx.msk [tilespmem:v45+s19+$0x0], $0xffff;
	v52 =	vsub.f32 $1.500000000e+00, v52  }
0x4a2: {  	v43 =	vsub.f32 v49, v43;
	v49 =	vor.u32 v13, v34;
	v45 =	vld.idx.msk [tilespmem:v45+s20+$0x0], $0xffff  }
0x4a3: {  	v36 =	vadd.f32 v37, v36;
	v37 =	vmul.f32 v41, v41;
	v41 =	vld.idx.msk [tilespmem:v47+s19+$0x0], $0xffff;
	v50 =	vmul.f32 v50, v52  }
0x4a4: {  	v39 =	vsub.f32 v39, v46;
	v46 =	vld.idx.msk [tilespmem:v47+s20+$0x0], $0xffff;
	v47 =	vor.u32 v14, v34  }
0x4a5: {  	v36 =	vadd.f32 v37, v36;
	v37 =	vmul.f32 v43, v43;
	v43 =	vld.idx.msk [tilespmem:v48+s19+$0x0], $0xffff;
	v52 =	vmul.f32 v50, v51  }
0x4a6: {  	v40 =	vsub.f32 v40, v42;
	v42 =	vld.idx.msk [tilespmem:v48+s20+$0x0], $0xffff;
	v48 =	vor.u32 v15, v34  }
0x4a7: {  	v36 =	vadd.f32 v37, v36;
	v37 =	vmul.f32 v39, v39;
	v39 =	vld.idx.msk [tilespmem:v49+s19+$0x0], $0xffff;
	v52 =	vmul.f32 v52, v50  }
0x4a8: {  	v38 =	vsub.f32 v38, v45;
	v45 =	vld.idx.msk [tilespmem:v49+s20+$0x0], $0xffff;
	v49 =	vor.u32 v16, v34  }
0x4a9: {  	v36 =	vadd.f32 v37, v36;
	v37 =	vmul.f32 v40, v40;
	v40 =	vld.idx.msk [tilespmem:v47+s19+$0x0], $0xffff;
	v52 =	vsub.f32 $1.500000000e+00, v52  }
0x4aa: {  	v41 =	vsub.f32 v41, v46;
	v46 =	vld.idx.msk [tilespmem:v47+s20+$0x0], $0xffff;
	v47 =	vor.u32 v24, v34  }
0x4ab: {  	v36 =	vadd.f32 v37, v36;
	v37 =	vmul.f32 v38, v38;
	v38 =	vld.idx.msk [tilespmem:v48+s19+$0x0], $0xffff;
	v50 =	vmul.f32 v52, v50  }
0x4ac: {  	v42 =	vsub.f32 v43, v42;
	v43 =	vld.idx.msk [tilespmem:v48+s20+$0x0], $0xffff;
	v48 =	vor.u32 v17, v34  }
0x4ad: {  	v36 =	vadd.f32 v37, v36;
	v37 =	vmul.f32 v41, v41;
	v41 =	vld.idx.msk [tilespmem:v49+s19+$0x0], $0xffff;
	v51 =	vmul.f32 v50, v51  }
0x4ae: {  	v39 =	vsub.f32 v39, v45;
	v45 =	vld.idx.msk [tilespmem:v49+s20+$0x0], $0xffff;
	v49 =	vor.u32 v18, v34  }
0x4af: {  	v36 =	vadd.f32 v37, v36;
	v37 =	vmul.f32 v42, v42;
	v42 =	vld.idx.msk [tilespmem:v47+s19+$0x0], $0xffff;
	v51 =	vmul.f32 v51, v50  }
0x4b0: {  	s8 =	sadd.s32 $0x10, s8;
	v40 =	vsub.f32 v40, v46;
	v46 =	vld.idx.msk [tilespmem:v47+s20+$0x0], $0xffff;
	v47 =	vor.u32 v19, v34  }
0x4b1: {  	v36 =	vadd.f32 v37, v36;
	v37 =	vmul.f32 v39, v39;
	v39 =	vsub.f32 $1.500000000e+00, v51;
	v51 =	vld [tilespmem:s8+$0x0]  }
0x4b2: {  	v52 =	vor.u32 v20, v34;
	v38 =	vsub.f32 v38, v43;
	v43 =	vld.idx.msk [tilespmem:v48+s19+$0x0], $0xffff  }
0x4b3: {  	v36 =	vadd.f32 v37, v36;
	v37 =	vmul.f32 v40, v40;
	v40 =	vld.idx.msk [tilespmem:v48+s20+$0x0], $0xffff;
	v39 =	vmul.f32 v39, v50  }
0x4b4: {  	v41 =	vsub.f32 v41, v45;
	v48 =	vor.u32 v21, v34;
	v45 =	vld.idx.msk [tilespmem:v49+s19+$0x0], $0xffff  }
0x4b5: {  	v36 =	vadd.f32 v37, v36;
	v37 =	vmul.f32 v38, v38;
	v38 =	vld.idx.msk [tilespmem:v49+s20+$0x0], $0xffff;
	v39 =	vmul.f32 v39, v44  }
0x4b6: {  	vm0 =	vgt.f32 v35, $1.000000000e-30;
	v42 =	vsub.f32 v42, v46;
	v46 =	vor.u32 v22, v34;
	v44 =	vld.idx.msk [tilespmem:v47+s19+$0x0], $0xffff  }
0x4b7: {  	v35 =	vadd.f32 v37, v36;
	v36 =	vmul.f32 v41, v41;
	v37 =	vld.idx.msk [tilespmem:v47+s20+$0x0], $0xffff;
	v39 =	vnsel vm0, $0x0, v39  }
0x4b8: {  	v47 =	vor.u32 v23, v34;
	v41 =	vld.idx.msk [tilespmem:v52+s19+$0x0], $0xffff;
	v39 =	vmul.f32 v39, v51  }
0x4b9: {  	v35 =	vadd.f32 v36, v35;
	v36 =	vmul.f32 v42, v42;
	v40 =	vsub.f32 v43, v40;
	v42 =	vld.idx.msk [tilespmem:v52+s20+$0x0], $0xffff  }
0x4ba: {  	v49 =	vor.u32 v25, v34;
	v43 =	vld.idx.msk [tilespmem:v48+s19+$0x0], $0xffff;
	v33 =	vadd.f32 v39, v33  }
0x4bb: {  	v35 =	vadd.f32 v36, v35;
	v36 =	vmul.f32 v40, v40;
	v38 =	vsub.f32 v45, v38;
	v39 =	vld.idx.msk [tilespmem:v48+s20+$0x0], $0xffff  }
0x4bc: {  	v45 =	vor.u32 v26, v34;
	v40 =	vld.idx.msk [tilespmem:v46+s19+$0x0], $0xffff  }
0x4bd: {  	v35 =	vadd.f32 v36, v35;
	v36 =	vmul.f32 v38, v38;
	v37 =	vsub.f32 v44, v37;
	v38 =	vld.idx.msk [tilespmem:v46+s20+$0x0], $0xffff  }
0x4be: {  	v46 =	vor.u32 v27, v34;
	v44 =	vld.idx.msk [tilespmem:v47+s19+$0x0], $0xffff  }
0x4bf: {  	v35 =	vadd.f32 v36, v35;
	v36 =	vmul.f32 v37, v37;
	v37 =	vsub.f32 v41, v42;
	v41 =	vld.idx.msk [tilespmem:v47+s20+$0x0], $0xffff  }
0x4c0: {  	v47 =	vor.u32 v28, v34;
	v42 =	vld.idx.msk [tilespmem:v49+s19+$0x0], $0xffff  }
0x4c1: {  	v35 =	vadd.f32 v36, v35;
	v36 =	vmul.f32 v37, v37;
	v37 =	vsub.f32 v43, v39;
	v39 =	vld.idx.msk [tilespmem:v49+s20+$0x0], $0xffff  }
0x4c2: {  	v49 =	vor.u32 v29, v34;
	v43 =	vld.idx.msk [tilespmem:v45+s19+$0x0], $0xffff  }
0x4c3: {  	v35 =	vadd.f32 v36, v35;
	v36 =	vmul.f32 v37, v37;
	v37 =	vsub.f32 v40, v38;
	v40 =	vld.idx.msk [tilespmem:v45+s20+$0x0], $0xffff  }
0x4c4: {  	v50 =	vor.u32 v30, v34;
	v38 =	vmov s26;
	v45 =	vld.idx.msk [tilespmem:v46+s19+$0x0], $0xffff  }
0x4c5: {  	v36 =	vadd.f32 v36, v35;
	v48 =	vmul.f32 v37, v37;
	v41 =	vsub.f32 v44, v41;
	v44 =	vld.idx.msk [tilespmem:v46+s20+$0x0], $0xffff  }
0x4c6: {  	v37 =	vor.u32 v31, v34;
	v46 =	vshll.u32 v38, $0x5;
	v35 =	vld.idx.msk [tilespmem:v47+s19+$0x0], $0xffff  }
0x4c7: {  	v36 =	vadd.f32 v48, v36;
	v41 =	vmul.f32 v41, v41;
	v39 =	vsub.f32 v42, v39;
	v53 =	vld.idx.msk [tilespmem:v47+s20+$0x0], $0xffff  }
.Ltmp3:
0x4c8: {  	v38 =	vor.u32 v32, v34;
	v34 =	vor.u32 v1, v46;
	v48 =	vld.idx.msk [tilespmem:v49+s19+$0x0], $0xffff;
	(pc) =	sbr.rel @p0 .LBB2_8-.Ltmp3, $4  }
0x4c9: {  	v41 =	vadd.f32 v41, v36;
	v39 =	vmul.f32 v39, v39;
	v40 =	vsub.f32 v43, v40;
	v54 =	vld.idx.msk [tilespmem:v49+s20+$0x0], $0xffff  }
0x4ca: {  	v36 =	vor.u32 v3, v34;
	v49 =	vld.idx.msk [tilespmem:v50+s19+$0x0], $0xffff  }
0x4cb: {  	v58 =	vadd.f32 v39, v41;
	v59 =	vmul.f32 v40, v40;
	v57 =	vsub.f32 v45, v44;
	v51 =	vld.idx.msk [tilespmem:v50+s20+$0x0], $0xffff  }
0x4cc: {  	s26 =	sadd.s32 $0x10, s26;
	v39 =	vor.u32 v0, v34;
	v50 =	vld.idx.msk [tilespmem:v37+s19+$0x0], $0xffff  }
0x4cd: {  	_ =	sdelay $0x3  }
0x4ce: {  	v56 =	vld.idx.msk [tilespmem:v37+s20+$0x0], $0xffff  }
0x4cf: {  	v62 =	vor.u32 v2, v34;
	v52 =	vld.idx.msk [tilespmem:v38+s19+$0x0], $0xffff  }
0x4d0: {  	v55 =	vld.idx.msk [tilespmem:v38+s20+$0x0], $0xffff  }
0x4d1: {  	v63 =	vld.idx.msk [tilespmem:v39+s19+$0x0], $0xffff  }
0x4d2: {  	v40 =	vor.u32 v4, v34;
	v60 =	vld.idx.msk [tilespmem:v39+s20+$0x0], $0xffff  }
0x4d3: {  	v43 =	vld.idx.msk [tilespmem:v36+s19+$0x0], $0xffff  }
0x4d4: {  	v42 =	vor.u32 v5, v34;
	v41 =	vld.idx.msk [tilespmem:v62+s19+$0x0], $0xffff  }
0x4d5: {  	v37 =	vld.idx.msk [tilespmem:v62+s20+$0x0], $0xffff  }
0x4d6: {  	v44 =	vor.u32 v6, v34;
	v61 =	vld.idx.msk [tilespmem:v36+s20+$0x0], $0xffff  }
0x4d7: {  	v45 =	vld.idx.msk [tilespmem:v40+s19+$0x0], $0xffff  }
0x4d8: {  	v46 =	vor.u32 v7, v34;
	v40 =	vld.idx.msk [tilespmem:v40+s20+$0x0], $0xffff  }
0x4d9: {  	v47 =	vld.idx.msk [tilespmem:v42+s19+$0x0], $0xffff  }
0x4da: {  	v38 =	vsub.f32 v63, v60;
	v62 =	vld.idx.msk [tilespmem:v42+s20+$0x0], $0xffff;
	v63 =	vor.u32 v8, v34;
	v37 =	vsub.f32 v41, v37  }
0x4db: {  	v60 =	vld.idx.msk [tilespmem:v44+s19+$0x0], $0xffff;
	v36 =	vsub.f32 v43, v61  }
0x4dc: {  	v43 =	vor.u32 v9, v34;
	v44 =	vld.idx.msk [tilespmem:v44+s20+$0x0], $0xffff;
	v38 =	vmul.f32 v38, v38;
	v37 =	vmul.f32 v37, v37  }
0x4dd: {  	v61 =	vld.idx.msk [tilespmem:v46+s20+$0x0], $0xffff;
	v36 =	vmul.f32 v36, v36  }
0x4de: {  	v40 =	vsub.f32 v45, v40;
	v45 =	vld.idx.msk [tilespmem:v46+s19+$0x0], $0xffff;
	v46 =	vor.u32 v10, v34;
	v37 =	vadd.f32 v37, v38  }
0x4df: {  	v39 =	vsub.f32 v47, v62;
	v47 =	vld.idx.msk [tilespmem:v63+s19+$0x0], $0xffff  }
0x4e0: {  	v63 =	vld.idx.msk [tilespmem:v63+s20+$0x0], $0xffff;
	v41 =	vor.u32 v11, v34;
	v62 =	vmul.f32 v40, v40;
	v36 =	vadd.f32 v36, v37  }
0x4e1: {  	v42 =	vsub.f32 v60, v44;
	v44 =	vld.idx.msk [tilespmem:v43+s19+$0x0], $0xffff  }
0x4e2: {  	v60 =	vmul.f32 v39, v39;
	v39 =	vld.idx.msk [tilespmem:v43+s20+$0x0], $0xffff;
	v43 =	vor.u32 v12, v34;
	v36 =	vadd.f32 v62, v36  }
0x4e3: {  	v38 =	vsub.f32 v45, v61;
	v45 =	vld.idx.msk [tilespmem:v46+s19+$0x0], $0xffff  }
0x4e4: {  	v61 =	vmul.f32 v42, v42;
	v62 =	vld.idx.msk [tilespmem:v46+s20+$0x0], $0xffff;
	v46 =	vor.u32 v13, v34;
	v36 =	vadd.f32 v60, v36  }
0x4e5: {  	v40 =	vsub.f32 v47, v63;
	v47 =	vld.idx.msk [tilespmem:v41+s19+$0x0], $0xffff  }
0x4e6: {  	v63 =	vmul.f32 v38, v38;
	v60 =	vld.idx.msk [tilespmem:v41+s20+$0x0], $0xffff;
	v41 =	vor.u32 v14, v34;
	v36 =	vadd.f32 v61, v36  }
0x4e7: {  	v39 =	vsub.f32 v44, v39;
	v44 =	vld.idx.msk [tilespmem:v43+s19+$0x0], $0xffff  }
0x4e8: {  	v61 =	vmul.f32 v40, v40;
	v40 =	vld.idx.msk [tilespmem:v43+s20+$0x0], $0xffff;
	v43 =	vor.u32 v15, v34;
	v36 =	vadd.f32 v63, v36  }
0x4e9: {  	v42 =	vsub.f32 v45, v62;
	v45 =	vld.idx.msk [tilespmem:v46+s19+$0x0], $0xffff  }
0x4ea: {  	v62 =	vmul.f32 v39, v39;
	v63 =	vld.idx.msk [tilespmem:v46+s20+$0x0], $0xffff;
	v46 =	vor.u32 v16, v34;
	v36 =	vadd.f32 v61, v36  }
0x4eb: {  	v38 =	vsub.f32 v47, v60;
	v47 =	vld.idx.msk [tilespmem:v41+s19+$0x0], $0xffff  }
0x4ec: {  	v60 =	vmul.f32 v42, v42;
	v41 =	vld.idx.msk [tilespmem:v41+s20+$0x0], $0xffff;
	v61 =	vor.u32 v24, v34;
	v36 =	vadd.f32 v62, v36  }
0x4ed: {  	v40 =	vsub.f32 v44, v40;
	v44 =	vld.idx.msk [tilespmem:v43+s19+$0x0], $0xffff  }
0x4ee: {  	v62 =	vmul.f32 v38, v38;
	v38 =	vld.idx.msk [tilespmem:v43+s20+$0x0], $0xffff;
	v43 =	vor.u32 v17, v34;
	v36 =	vadd.f32 v60, v36  }
0x4ef: {  	v39 =	vsub.f32 v45, v63;
	v45 =	vld.idx.msk [tilespmem:v46+s19+$0x0], $0xffff  }
0x4f0: {  	v63 =	vmul.f32 v40, v40;
	v40 =	vld.idx.msk [tilespmem:v46+s20+$0x0], $0xffff;
	v46 =	vor.u32 v18, v34;
	v36 =	vadd.f32 v62, v36  }
0x4f1: {  	v41 =	vsub.f32 v47, v41;
	v47 =	vld.idx.msk [tilespmem:v61+s19+$0x0], $0xffff  }
0x4f2: {  	v60 =	vmul.f32 v39, v39;
	v61 =	vld.idx.msk [tilespmem:v61+s20+$0x0], $0xffff;
	v62 =	vor.u32 v19, v34;
	v36 =	vadd.f32 v63, v36  }
0x4f3: {  	v38 =	vsub.f32 v44, v38;
	v44 =	vld.idx.msk [tilespmem:v43+s19+$0x0], $0xffff  }
0x4f4: {  	v43 =	vld.idx.msk [tilespmem:v43+s20+$0x0], $0xffff;
	v63 =	vmul.f32 v41, v41;
	v41 =	vor.u32 v20, v34;
	v36 =	vadd.f32 v60, v36  }
0x4f5: {  	v40 =	vsub.f32 v45, v40;
	v45 =	vld.idx.msk [tilespmem:v46+s19+$0x0], $0xffff  }
0x4f6: {  	v46 =	vld.idx.msk [tilespmem:v46+s20+$0x0], $0xffff;
	v60 =	vmul.f32 v38, v38;
	v36 =	vadd.f32 v63, v36;
	v63 =	vor.u32 v23, v34  }
0x4f7: {  	v38 =	vor.u32 v21, v34;
	v39 =	vsub.f32 v47, v61;
	v47 =	vld.idx.msk [tilespmem:v62+s19+$0x0], $0xffff  }
0x4f8: {  	v61 =	vmul.f32 v40, v40;
	v42 =	vld.idx.msk [tilespmem:v62+s20+$0x0], $0xffff;
	v36 =	vadd.f32 v60, v36  }
0x4f9: {  	v40 =	vor.u32 v22, v34;
	v62 =	vld.idx.msk [tilespmem:v41+s19+$0x0], $0xffff  }
0x4fa: {  	v39 =	vmul.f32 v39, v39;
	v43 =	vsub.f32 v44, v43;
	v41 =	vld.idx.msk [tilespmem:v41+s20+$0x0], $0xffff;
	v36 =	vadd.f32 v61, v36  }
0x4fb: {  	v60 =	vor.u32 v25, v34;
	v44 =	vld.idx.msk [tilespmem:v63+s20+$0x0], $0xffff  }
0x4fc: {  	v45 =	vsub.f32 v45, v46;
	v43 =	vmul.f32 v43, v43;
	v36 =	vadd.f32 v39, v36;
	v39 =	vld.idx.msk [tilespmem:v38+s19+$0x0], $0xffff  }
0x4fd: {  	v38 =	vld.idx.msk [tilespmem:v38+s20+$0x0], $0xffff  }
0x4fe: {  	v45 =	vmul.f32 v45, v45;
	v42 =	vsub.f32 v47, v42;
	v36 =	vadd.f32 v43, v36;
	v43 =	vld.idx.msk [tilespmem:v40+s19+$0x0], $0xffff  }
0x4ff: {  	v61 =	vor.u32 v26, v34;
	v40 =	vld.idx.msk [tilespmem:v40+s20+$0x0], $0xffff  }
0x500: {  	v42 =	vmul.f32 v42, v42;
	v37 =	vsub.f32 v62, v41;
	v46 =	vld.idx.msk [tilespmem:v60+s20+$0x0], $0xffff;
	v36 =	vadd.f32 v45, v36  }
0x501: {  	v62 =	vor.u32 v27, v34;
	v45 =	vld.idx.msk [tilespmem:v63+s19+$0x0], $0xffff  }
0x502: {  	v37 =	vmul.f32 v37, v37;
	v63 =	vld.idx.msk [tilespmem:v60+s19+$0x0], $0xffff;
	v38 =	vsub.f32 v39, v38;
	v36 =	vadd.f32 v42, v36  }
0x503: {  	v39 =	vor.u32 v28, v34  }
0x504: {  	v47 =	vld.idx.msk [tilespmem:v61+s20+$0x0], $0xffff;
	v38 =	vmul.f32 v38, v38;
	v40 =	vsub.f32 v43, v40;
	v36 =	vadd.f32 v37, v36  }
0x505: {  	v60 =	vld.idx.msk [tilespmem:v61+s19+$0x0], $0xffff;
	v43 =	vor.u32 v29, v34  }
0x506: {  	v61 =	vld.idx.msk [tilespmem:v62+s19+$0x0], $0xffff;
	v40 =	vmul.f32 v40, v40;
	v44 =	vsub.f32 v45, v44;
	v36 =	vadd.f32 v38, v36  }
0x507: {  	v41 =	vld.idx.msk [tilespmem:v62+s20+$0x0], $0xffff;
	v62 =	vsub.f32 v63, v46;
	v63 =	vadd.f32 v59, v58;
	v58 =	vor.u32 v31, v34  }
0x508: {  	v45 =	vor.u32 v30, v34;
	v42 =	vld.idx.msk [tilespmem:v39+s19+$0x0], $0xffff;
	v44 =	vmul.f32 v44, v44;
	v36 =	vadd.f32 v40, v36  }
0x509: {  	v39 =	vld.idx.msk [tilespmem:v39+s20+$0x0], $0xffff  }
0x50a: {  	v37 =	vsub.f32 v60, v47;
	v60 =	vor.u32 v32, v34;
	v36 =	vadd.f32 v44, v36;
	v44 =	vld.idx.msk [tilespmem:v43+s19+$0x0], $0xffff  }
0x50b: {  	v40 =	vmul.f32 v62, v62;
	v43 =	vld.idx.msk [tilespmem:v43+s20+$0x0], $0xffff  }
0x50c: {  	v35 =	vsub.f32 v35, v53;
	v59 =	vmul.f32 v57, v57;
	v53 =	vld.idx.msk [tilespmem:v58+s20+$0x0], $0xffff  }
0x50d: {  	v38 =	vsub.f32 v61, v41;
	v37 =	vmul.f32 v37, v37;
	v36 =	vadd.f32 v40, v36;
	v40 =	vld.idx.msk [tilespmem:v45+s19+$0x0], $0xffff  }
0x50e: {  	v35 =	vmul.f32 v35, v35;
	v61 =	vadd.f32 v59, v63;
	v62 =	vsub.f32 v48, v54;
	v45 =	vld.idx.msk [tilespmem:v45+s20+$0x0], $0xffff  }
0x50f: {  	v38 =	vmul.f32 v38, v38;
	v54 =	vld.idx.msk [tilespmem:v60+s19+$0x0], $0xffff;
	v63 =	vsub.f32 v42, v39;
	v36 =	vadd.f32 v37, v36  }
0x510: {  	v51 =	vsub.f32 v49, v51;
	v35 =	vadd.f32 v35, v61;
	v48 =	vmul.f32 v62, v62;
	v39 =	vld.idx.msk [tilespmem:v58+s19+$0x0], $0xffff  }
0x511: {  	v34 =	vld.idx.msk [tilespmem:v60+s20+$0x0], $0xffff;
	v37 =	vmul.f32 v63, v63;
	v57 =	vsub.f32 v44, v43;
	v36 =	vadd.f32 v38, v36  }
0x512: {  	v59 =	vsub.f32 v50, v56;
	v58 =	vmul.f32 v51, v51;
	v35 =	vadd.f32 v48, v35  }
0x513: {  	v60 =	vmul.f32 v57, v57;
	v61 =	vsub.f32 v40, v45;
	v36 =	vadd.f32 v37, v36  }
0x514: {  	v62 =	vmul.f32 v59, v59;
	v35 =	vadd.f32 v58, v35;
	v63 =	vsub.f32 v52, v55  }
0x515: {  	v44 =	vsub.f32 v39, v53;
	v43 =	vmul.f32 v61, v61;
	v36 =	vadd.f32 v60, v36  }
0x516: {  	v34 =	vsub.f32 v54, v34;
	v35 =	vadd.f32 v62, v35  }
0x517: {  	v45 =	vmul.f32 v63, v63;
	v46 =	vmul.f32 v44, v44;
	v36 =	vadd.f32 v43, v36;
	_ =	sdelay $0x1  }
0x518: {  	v34 =	vmul.f32 v34, v34;
	v35 =	vadd.f32 v45, v35;
	v36 =	vadd.f32 v46, v36;
	_ =	sdelay $0x1  }
0x519: {  	v47 =	vmax.f32 v35, $1.000000000e-30;
	v34 =	vadd.f32 v34, v36  }
0x51a: {  	v48 =	vshrl.u32 v47, $0x1;
	v49 =	vmul.f32 $5.000000000e-01, v47  }
0x51b: {  	v36 =	vsub.s32 $0x5F3759DF, v48;
	v50 =	vmax.f32 v34, $1.000000000e-30  }
0x51c: {  	v51 =	vmul.f32 v36, v49;
	v52 =	vshrl.u32 v50, $0x1;
	v53 =	vmul.f32 $5.000000000e-01, v50  }
0x51d: {  	v41 =	vsub.s32 $0x5F3759DF, v52  }
0x51e: {  	v40 =	vmul.f32 v36, v51;
	v54 =	vmul.f32 v41, v53;
	_ =	sdelay $0x1  }
0x51f: {  	v40 =	vsub.f32 $1.500000000e+00, v40;
	v43 =	vmul.f32 v41, v54;
	_ =	sdelay $0x1  }
0x520: {  	v36 =	vmul.f32 v36, v40;
	v55 =	vsub.f32 $1.500000000e+00, v43;
	_ =	sdelay $0x1  }
0x521: {  	v56 =	vmul.f32 v36, v49;
	v40 =	vmul.f32 v41, v55;
	_ =	sdelay $0x1  }
0x522: {  	v57 =	vmul.f32 v56, v36;
	v58 =	vmul.f32 v40, v53;
	_ =	sdelay $0x1  }
0x523: {  	v41 =	vsub.f32 $1.500000000e+00, v57;
	v43 =	vmul.f32 v58, v40;
	_ =	sdelay $0x1  }
0x524: {  	v36 =	vmul.f32 v41, v36;
	v59 =	vsub.f32 $1.500000000e+00, v43;
	_ =	sdelay $0x1  }
0x525: {  	v38 =	vmul.f32 v36, v49;
	v40 =	vmul.f32 v59, v40;
	_ =	sdelay $0x1  }
0x526: {  	v38 =	vmul.f32 v38, v36;
	v41 =	vmul.f32 v40, v53;
	_ =	sdelay $0x1  }
0x527: {  	v38 =	vsub.f32 $1.500000000e+00, v38;
	v41 =	vmul.f32 v41, v40  }
0x528: {  	s0 =	sadd.s32 $0x10, s8  }
0x529: {  	v60 =	vld [tilespmem:s0+$0x0];
	v36 =	vmul.f32 v38, v36;
	v61 =	vsub.f32 $1.500000000e+00, v41  }
0x52a: {  	s0 =	sadd.s32 $0x10, s0  }
0x52b: {  	v62 =	vld [tilespmem:s0+$0x0];
	v36 =	vmul.f32 v36, v47;
	v38 =	vmul.f32 v61, v40  }
0x52c: {  	vm0 =	vgt.f32 v35, $1.000000000e-30  }
0x52d: {  	v35 =	vnsel vm0, $0x0, v36;
	v63 =	vmul.f32 v38, v50  }
0x52e: {  	vm15 =	vgt.f32 v34, $1.000000000e-30;
	v35 =	vmul.f32 v35, v60  }
0x52f: {  	v34 =	vnsel vm15, $0x0, v63  }
0x530: {  	v33 =	vadd.f32 v35, v33;
	v34 =	vmul.f32 v34, v62;
	_ =	sdelay $0x1  }
0x531: {  	s25 =	sadd.s32 $0x1, s25;
	v33 =	vadd.f32 v34, v33  }
0x532: {  	p0 =	sne.s32 s25, s15  }
.Ltmp4:
0x533: {  	s26 =	simm.s32 $0xD1A0;
	[tilespmem:$0xD1A0] =	vst v33;
	(pc) =	sbr.rel @p0 .LBB2_1-.Ltmp4, $4  }
0x534: {  	[hbm4b:s14+s3] =	stream.linear.scatter [tilespmem:s26], [sflag:$0x5], $0x10, $0x38;
	[tilespmem:$0xD1B0] =	vst v63  }
0x535: {  	_ =	swait.ge [sflag:s24], $0x10  }
0x536: {  	[sflag:s24] =	ssyncset.done $0x0  }
0x537: {  	[sflag:s24] =	ssyncadd.s32 $0xFFFFFFF0  }
0x538: {  	_ =	sfence.sel $0x180000  }
0x539: {  	[bflag:$0x0] =	sbarrier.arrive $0xFFFF  }
0x53a: {  	_ =	strace $0x90000047  }
0x53b: {  	s0 =	stileid.u32;
	[bflag:$0x2] =	sbarrier.arrive $0xFFFF  }
0x53c: {  	p0 =	sne.s32 s0, $0x0;
	s0 =	rddreg [dreg:$0x2]  }
0x53d: {  	s0 =	sadd.s32 @!p0 $0x100000, s0  }
0x53e: {  	[sflag:s0] =	ssyncadd.tile.s32 @!p0 $0x1;
	_ =	shalt  }
.Lfunc_end2:
_tile_overlayer_lowered:
.L_overlay_start_2:
0x53f: {  	(tag) =	ssettag $0x2  }
0x540: {  	s0 =	rddreg [dreg:$0x0];
	s2 =	stileid.u32  }
0x541: {  	s1 =	rddreg [dreg:$0x1];
	p0 =	sne.s32 s2, $0x0  }
0x542: {  	s3 =	rddreg [dreg:$0x2];
	[bflag:$0x3] =	sbarrier.arrive $0xFFFF;
	s2 =	simm.s32 @!p0 $0x1C05  }
0x543: {  	[timem:s3], [sflag:s2] =	dma.local @!p0 [hbm:s0], s1  }
0x544: {  	s0 =	simm.s32 @!p0 $0x5  }
0x545: {  	_ =	swait.ge @!p0 [sflag:s0], s1  }
0x546: {  	s1 =	ssub.s32 @!p0 $0x0, s1;
	[sflag:s0] =	ssyncset.done @!p0 $0x0  }
0x547: {  	[sflag:s0] =	ssyncadd.s32 @!p0 s1  }
0x548: {  	[bflag:$0x3] =	sbarrier.arrive $0xFFFF  }
0x549: {  	_ =	shalt  }

</sc_bundles>
